<compile_context>
chip_gen: v7x
topology: tpu7x:2x2x1
jax: 0.10.2.dev20260603
libtpu: 0.0.44.dev20260713+nightly
codegen_flags: <defaults>
</compile_context>

<pallas_src>
import functools

import jax
import jax.numpy as jnp
from jax import lax
from jax.experimental import pallas as pl
from jax.experimental.pallas import tpu as pltpu
from jax.experimental.pallas import tpu_sc as plsc

N = 10000
E = 320000
D = 128
DE = 16

NC = 2
NS = 16
NW = NC * NS
EB = 200
NBLK = E // EB
BPW = (NBLK + NW - 1) // NW
EBA = 80
NBLKA = E // EBA
BPWA = NBLKA // NW
NPAD = 10240
NPT = NPAD // NS

@functools.cache
def _mesh():
    return plsc.VectorSubcoreMesh(core_axis_name="c", subcore_axis_name="s")


def _msg_agg(h, e, src, dst, zeros):

    @functools.partial(
        pl.kernel,
        out_type=jax.ShapeDtypeStruct((NC, NPAD, D), jnp.float32),
        mesh=_mesh(),
        scratch_types=[
            pltpu.VMEM((EBA,), jnp.int32),
            pltpu.VMEM((EBA,), jnp.int32),
            pltpu.VMEM((EBA, D), jnp.float32),
            pltpu.VMEM((EBA, D), jnp.float32),
            pltpu.VMEM((EBA,), jnp.int32),
            pltpu.VMEM((EBA,), jnp.int32),
            pltpu.VMEM((EBA, D), jnp.float32),
            pltpu.VMEM((EBA, D), jnp.float32),
            pltpu.VMEM((EBA,), jnp.int32),
            pltpu.VMEM((EBA,), jnp.int32),
            pltpu.VMEM_SHARED((NPAD, D), jnp.float32),
            pltpu.SemaphoreType.DMA,
            pltpu.SemaphoreType.DMA,
            pltpu.SemaphoreType.DMA,
            pltpu.SemaphoreType.DMA,
            pltpu.SemaphoreType.DMA,
            pltpu.SemaphoreType.DMA,
            pltpu.SemaphoreType.DMA,
            pltpu.SemaphoreType.DMA,
        ],
    )
    def k(h_hbm, e_hbm, src_hbm, dst_hbm, z_hbm, agg_hbm,
          src0, dst0, hs0, ev0, src1, dst1, hs1, ev1, dsc0, dsc1, acc_sh,
          gs0, es0, gs1, es1, ss0, ss1, is0, is1):
        src_v = (src0, src1)
        dst_v = (dst0, dst1)
        dst_s = (dsc0, dsc1)
        hs_v = (hs0, hs1)
        e_v = (ev0, ev1)
        gsem = (gs0, gs1)
        esem = (es0, es1)
        ssem = (ss0, ss1)
        isem = (is0, is1)
        cid = lax.axis_index("c")
        sid = lax.axis_index("s")
        wid = sid * NC + cid
        pltpu.sync_copy(z_hbm.at[pl.ds(sid * NPT, NPT)],
                        acc_sh.at[pl.ds(sid * NPT, NPT)])
        plsc.subcore_barrier()

        def base_of(i):
            return (wid + i * NW) * EBA

        def idx_load(i, t):
            pltpu.async_copy(src_hbm.at[pl.ds(base_of(i), EBA)], src_v[t],
                             isem[t])
            pltpu.async_copy(dst_hbm.at[pl.ds(base_of(i), EBA)], dst_v[t],
                             isem[t])

        def idx_wait(i, t):
            pltpu.make_async_copy(src_hbm.at[pl.ds(base_of(i), EBA)],
                                  src_v[t], isem[t]).wait()
            pltpu.make_async_copy(dst_hbm.at[pl.ds(base_of(i), EBA)],
                                  dst_v[t], isem[t]).wait()

        def data_issue(i, t):
            pltpu.async_copy(h_hbm.at[src_v[t]], hs_v[t], gsem[t])
            pltpu.async_copy(e_hbm.at[pl.ds(base_of(i), EBA)], e_v[t],
                             esem[t])

        def data_wait(i, t):
            pltpu.make_async_copy(h_hbm.at[src_v[t]], hs_v[t],
                                  gsem[t]).wait()
            pltpu.make_async_copy(e_hbm.at[pl.ds(base_of(i), EBA)], e_v[t],
                                  esem[t]).wait()

        def scat_wait(t):
            pltpu.make_async_copy(e_v[t], acc_sh.at[dst_s[t]],
                                  ssem[t]).wait()

        idx_load(0, 0)
        idx_load(1, 1)
        idx_wait(0, 0)
        data_issue(0, 0)

        @pl.loop(0, (BPWA + 1) // 2)
        def _(it):
            for b in range(2):
                i = it * 2 + b

                @pl.when(i < BPWA)
                def _():
                    data_wait(i, b)

                @pl.when(i + 1 < BPWA)
                def _():
                    @pl.when(i >= 1)
                    def _():
                        scat_wait(1 - b)

                    idx_wait(i + 1, 1 - b)
                    data_issue(i + 1, 1 - b)

                @pl.when(i < BPWA)
                def _():
                    for j in range(EBA // 16):
                        sj = pl.ds(j * 16, 16)
                        dst_s[b].at[sj][...] = dst_v[b].at[sj][...]

                @pl.when(i + 2 < BPWA)
                def _():
                    idx_load(i + 2, b)

                @pl.when(i < BPWA)
                def _():
                    @pl.loop(0, EBA)
                    def _(r):
                        for j in range(D // 16):
                            sl = (pl.ds(r, 1), pl.ds(j * 16, 16))
                            e_v[b].at[*sl][...] = jnp.maximum(
                                e_v[b].at[*sl][...] + hs_v[b].at[*sl][...],
                                0.0)

                    pltpu.async_copy(e_v[b], acc_sh.at[dst_s[b]], ssem[b],
                                     add=True)

        scat_wait(0)
        scat_wait(1)
        plsc.subcore_barrier()
        pltpu.sync_copy(acc_sh.at[pl.ds(sid * NPT, NPT)],
                        agg_hbm.at[cid, pl.ds(sid * NPT, NPT)])

    return k(h, e, src, dst, zeros)


def _gather_pair_sum(a, b, src, dst):

    @functools.partial(
        pl.kernel,
        out_type=jax.ShapeDtypeStruct((E, D), jnp.float32),
        mesh=_mesh(),
        scratch_types=[
            pltpu.VMEM((EB,), jnp.int32),
            pltpu.VMEM((EB,), jnp.int32),
            pltpu.VMEM((EB, D), jnp.float32),
            pltpu.VMEM((EB, D), jnp.float32),
            pltpu.VMEM((EB,), jnp.int32),
            pltpu.VMEM((EB,), jnp.int32),
            pltpu.VMEM((EB, D), jnp.float32),
            pltpu.VMEM((EB, D), jnp.float32),
            pltpu.SemaphoreType.DMA,
            pltpu.SemaphoreType.DMA,
            pltpu.SemaphoreType.DMA,
            pltpu.SemaphoreType.DMA,
            pltpu.SemaphoreType.DMA,
            pltpu.SemaphoreType.DMA,
            pltpu.SemaphoreType.DMA,
            pltpu.SemaphoreType.DMA,
        ],
    )
    def k(a_hbm, b_hbm, src_hbm, dst_hbm, o_hbm,
          src0, dst0, av0, bv0, src1, dst1, av1, bv1,
          sa0, sb0, sa1, sb1, so0, so1, si0, si1):
        src_v = (src0, src1)
        dst_v = (dst0, dst1)
        av = (av0, av1)
        bv = (bv0, bv1)
        sa = (sa0, sa1)
        sb = (sb0, sb1)
        so = (so0, so1)
        si = (si0, si1)
        cid = lax.axis_index("c")
        sid = lax.axis_index("s")
        wid = sid * NC + cid
        nvalid = (NBLK + NW - 1 - wid) // NW

        def base_of(i):
            return (wid + i * NW) * EB

        def idx_load(i, t):
            pltpu.async_copy(src_hbm.at[pl.ds(base_of(i), EB)], src_v[t],
                             si[t])
            pltpu.async_copy(dst_hbm.at[pl.ds(base_of(i), EB)], dst_v[t],
                             si[t])

        def idx_wait(i, t):
            pltpu.make_async_copy(src_hbm.at[pl.ds(base_of(i), EB)],
                                  src_v[t], si[t]).wait()
            pltpu.make_async_copy(dst_hbm.at[pl.ds(base_of(i), EB)],
                                  dst_v[t], si[t]).wait()

        def data_issue(i, t):
            pltpu.async_copy(a_hbm.at[src_v[t]], av[t], sa[t])
            pltpu.async_copy(b_hbm.at[dst_v[t]], bv[t], sb[t])

        def data_wait(i, t):
            pltpu.make_async_copy(a_hbm.at[src_v[t]], av[t], sa[t]).wait()
            pltpu.make_async_copy(b_hbm.at[dst_v[t]], bv[t], sb[t]).wait()

        def out_wait(t):
            pltpu.make_async_copy(av[t], o_hbm.at[pl.ds(0, EB)],
                                  so[t]).wait()

        idx_load(0, 0)

        @pl.when(nvalid > 1)
        def _():
            idx_load(1, 1)

        idx_wait(0, 0)
        data_issue(0, 0)

        @pl.loop(0, (BPW + 1) // 2)
        def _(it):
            for b in range(2):
                i = it * 2 + b

                @pl.when(i < nvalid)
                def _():
                    data_wait(i, b)

                @pl.when(i + 1 < nvalid)
                def _():
                    @pl.when(i >= 1)
                    def _():
                        out_wait(1 - b)

                    idx_wait(i + 1, 1 - b)
                    data_issue(i + 1, 1 - b)

                @pl.when(i + 2 < nvalid)
                def _():
                    idx_load(i + 2, b)

                @pl.when(i < nvalid)
                def _():
                    @pl.loop(0, EB)
                    def _(r):
                        for j in range(D // 16):
                            sl = (pl.ds(r, 1), pl.ds(j * 16, 16))
                            av[b].at[*sl][...] = (av[b].at[*sl][...]
                                                  + bv[b].at[*sl][...])

                    pltpu.async_copy(av[b], o_hbm.at[pl.ds(base_of(i), EB)],
                                     so[b])

        out_wait(0)
        out_wait(1)

    return k(a, b, src, dst)


def _encode(v, w, bias, rows, block):
    din = v.shape[1]

    def body(v_ref, w_ref, b_ref, o_ref):
        o_ref[...] = jnp.dot(v_ref[...], w_ref[...],
                             preferred_element_type=jnp.float32) + b_ref[...]

    return pl.pallas_call(
        body,
        grid=(rows // block,),
        in_specs=[pl.BlockSpec((block, din), lambda i: (i, 0)),
                  pl.BlockSpec((din, D), lambda i: (0, 0)),
                  pl.BlockSpec((1, D), lambda i: (0, 0))],
        out_specs=pl.BlockSpec((block, D), lambda i: (i, 0)),
        out_shape=jax.ShapeDtypeStruct((rows, D), jnp.float32),
    )(v, w, bias.reshape(1, D))


_BN = 2000


def _node_mlp(z, W1, b1, W2, b2, g, be):
    z = jnp.maximum(jnp.dot(z, W1, preferred_element_type=jnp.float32) + b1,
                    0.0)
    z = jnp.dot(z, W2, preferred_element_type=jnp.float32) + b2
    mu = jnp.mean(z, axis=-1, keepdims=True)
    var = jnp.mean((z - mu) * (z - mu), axis=-1, keepdims=True)
    zn = g * (z - mu) / jnp.sqrt(var + 1e-5) + be
    return jnp.maximum(zn, 0.0)


def _node_update0(h, agg, one_eps, W1, b1, W2, b2, g, be, We1a, We1b):

    def body(h_ref, a0_ref, a1_ref, s_ref, W1r, b1r, W2r, b2r, gr, ber,
             war, wbr, hn_ref, a_ref, b_ref):
        z = s_ref[0, 0] * h_ref[...] + a0_ref[0] + a1_ref[0]
        hn = _node_mlp(z, W1r[...], b1r[...], W2r[...], b2r[...],
                       gr[...], ber[...])
        hn_ref[...] = hn
        a_ref[...] = jnp.dot(hn, war[...], preferred_element_type=jnp.float32)
        b_ref[...] = jnp.dot(hn, wbr[...], preferred_element_type=jnp.float32)

    full = lambda i: (0, 0)
    return pl.pallas_call(
        body,
        grid=(N // _BN,),
        in_specs=[pl.BlockSpec((_BN, D), lambda i: (i, 0)),
                  pl.BlockSpec((1, _BN, D), lambda i: (0, i, 0)),
                  pl.BlockSpec((1, _BN, D), lambda i: (1, i, 0)),
                  pl.BlockSpec((1, 1), full),
                  pl.BlockSpec((D, D), full),
                  pl.BlockSpec((1, D), full),
                  pl.BlockSpec((D, D), full),
                  pl.BlockSpec((1, D), full),
                  pl.BlockSpec((1, D), full),
                  pl.BlockSpec((1, D), full),
                  pl.BlockSpec((D, D), full),
                  pl.BlockSpec((D, D), full)],
        out_specs=[pl.BlockSpec((_BN, D), lambda i: (i, 0)),
                   pl.BlockSpec((_BN, D), lambda i: (i, 0)),
                   pl.BlockSpec((_BN, D), lambda i: (i, 0))],
        out_shape=[jax.ShapeDtypeStruct((N, D), jnp.float32),
                   jax.ShapeDtypeStruct((N, D), jnp.float32),
                   jax.ShapeDtypeStruct((N, D), jnp.float32)],
    )(h, agg, agg, one_eps.reshape(1, 1), W1, b1.reshape(1, D), W2,
      b2.reshape(1, D), g.reshape(1, D), be.reshape(1, D), We1a, We1b)


def _node_update1(h, agg, one_eps, W1, b1, W2, b2, g, be, Wh, bh):

    def body(h_ref, a0_ref, a1_ref, s_ref, W1r, b1r, W2r, b2r, gr, ber,
             whr, bhr, o_ref):
        z = s_ref[0, 0] * h_ref[...] + a0_ref[0] + a1_ref[0]
        hn = _node_mlp(z, W1r[...], b1r[...], W2r[...], b2r[...],
                       gr[...], ber[...])
        o_ref[...] = jnp.dot(hn, whr[...],
                             preferred_element_type=jnp.float32) + bhr[...]

    full = lambda i: (0, 0)
    return pl.pallas_call(
        body,
        grid=(N // _BN,),
        in_specs=[pl.BlockSpec((_BN, D), lambda i: (i, 0)),
                  pl.BlockSpec((1, _BN, D), lambda i: (0, i, 0)),
                  pl.BlockSpec((1, _BN, D), lambda i: (1, i, 0)),
                  pl.BlockSpec((1, 1), full),
                  pl.BlockSpec((D, D), full),
                  pl.BlockSpec((1, D), full),
                  pl.BlockSpec((D, D), full),
                  pl.BlockSpec((1, D), full),
                  pl.BlockSpec((1, D), full),
                  pl.BlockSpec((1, D), full),
                  pl.BlockSpec((D, 1), full),
                  pl.BlockSpec((1, 1), full)],
        out_specs=pl.BlockSpec((_BN, 1), lambda i: (i, 0)),
        out_shape=jax.ShapeDtypeStruct((N, 1), jnp.float32),
    )(h, agg, agg, one_eps.reshape(1, 1), W1, b1.reshape(1, D), W2,
      b2.reshape(1, D), g.reshape(1, D), be.reshape(1, D), Wh,
      bh.reshape(1, 1))


_BE = 2560


def _edge_update(e, gab, We1e, bE1, We2, bE2):

    def body(e_ref, g_ref, w1r, b1r, w2r, b2r, o_ref):
        t = jnp.dot(e_ref[...], w1r[...], preferred_element_type=jnp.float32)
        t = jnp.maximum(t + g_ref[...] + b1r[...], 0.0)
        o_ref[...] = e_ref[...] + (
            jnp.dot(t, w2r[...], preferred_element_type=jnp.float32)
            + b2r[...]) * 0.5

    full = lambda i: (0, 0)
    return pl.pallas_call(
        body,
        grid=(E // _BE,),
        in_specs=[pl.BlockSpec((_BE, D), lambda i: (i, 0)),
                  pl.BlockSpec((_BE, D), lambda i: (i, 0)),
                  pl.BlockSpec((D, D), full),
                  pl.BlockSpec((1, D), full),
                  pl.BlockSpec((D, D), full),
                  pl.BlockSpec((1, D), full)],
        out_specs=pl.BlockSpec((_BE, D), lambda i: (i, 0)),
        out_shape=jax.ShapeDtypeStruct((E, D), jnp.float32),
    )(e, gab, We1e, bE1.reshape(1, D), We2, bE2.reshape(1, D))


def kernel(x, edge_index, edge_attr, Wne, bne, Wee, bee,
           eps0, W1_0, b1_0, W2_0, b2_0, g_0, be_0, We1_0, be1_0, We2_0,
           be2_0, eps1, W1_1, b1_1, W2_1, b2_1, g_1, be_1, We1_1, be1_1,
           We2_1, be2_1, Wh, bh):
    src = edge_index[0]
    dst = edge_index[1]
    zeros = jnp.zeros((NPAD, D), jnp.float32)

    h = _encode(x, Wne, bne, N, _BN)
    e = _encode(edge_attr, Wee, bee, E, _BE)

    agg = _msg_agg(h, e, src, dst, zeros)
    h, A, B = _node_update0(h, agg, 1.0 + eps0, W1_0, b1_0, W2_0, b2_0,
                            g_0, be_0, We1_0[:D], We1_0[D:2 * D])
    gab = _gather_pair_sum(A, B, src, dst)
    e = _edge_update(e, gab, We1_0[2 * D:], be1_0, We2_0, be2_0)

    agg = _msg_agg(h, e, src, dst, zeros)
    return _node_update1(h, agg, 1.0 + eps1, W1_1, b1_1, W2_1, b2_1,
                         g_1, be_1, Wh, bh)

# --- scband reference (transcript-rebuilt; emitter-appended) ---
"""Pipeline reference for scband-homo-gnnedge-model-90263032693117 (READ-ONLY COPY).

The authoritative reference and input builder live on the scoring server;
editing this copy changes nothing except your own understanding.
"""

import jax, jax.numpy as jnp
import numpy as np

N = 10000
E = 320000
D = 128
DE = 16

def _ln(z, g, b):
    mu = jnp.mean(z, axis=-1, keepdims=True)
    v = jnp.var(z, axis=-1, keepdims=True)
    return g * (z - mu) / jnp.sqrt(v + 1e-5) + b

def setup_inputs(seed: int = 0):
    key = jax.random.key(seed)
    ks = jax.random.split(key, 64)
    s = 1.0 / np.sqrt(D)
    inp = {}
    inp["x"] = jax.random.normal(ks[0], (N, D), dtype=jnp.float32)
    inp["edge_index"] = jax.random.randint(ks[1], (2, E), 0, N, dtype=jnp.int32)
    inp["edge_attr"] = jax.random.normal(ks[2], (E, DE), dtype=jnp.float32)
    inp["Wne"] = jax.random.normal(ks[3], (D, D), dtype=jnp.float32) * s
    inp["bne"] = jnp.zeros((D,), dtype=jnp.float32)
    inp["Wee"] = jax.random.normal(ks[4], (DE, D), dtype=jnp.float32) * (1.0 / np.sqrt(DE))
    inp["bee"] = jnp.zeros((D,), dtype=jnp.float32)
    k = 5
    for i in range(2):
        inp[f"eps{i}"] = jnp.zeros((), dtype=jnp.float32)
        inp[f"W1_{i}"] = jax.random.normal(ks[k], (D, D), dtype=jnp.float32) * s; k += 1
        inp[f"b1_{i}"] = jnp.zeros((D,), dtype=jnp.float32)
        inp[f"W2_{i}"] = jax.random.normal(ks[k], (D, D), dtype=jnp.float32) * s; k += 1
        inp[f"b2_{i}"] = jnp.zeros((D,), dtype=jnp.float32)
        inp[f"g_{i}"] = jnp.ones((D,), dtype=jnp.float32)
        inp[f"be_{i}"] = jnp.zeros((D,), dtype=jnp.float32)
        inp[f"We1_{i}"] = jax.random.normal(ks[k], (3 * D, D), dtype=jnp.float32) * (1.0 / np.sqrt(3 * D)); k += 1
        inp[f"be1_{i}"] = jnp.zeros((D,), dtype=jnp.float32)
        inp[f"We2_{i}"] = jax.random.normal(ks[k], (D, D), dtype=jnp.float32) * s; k += 1
        inp[f"be2_{i}"] = jnp.zeros((D,), dtype=jnp.float32)
    inp["Wh"] = jax.random.normal(ks[k], (D, 1), dtype=jnp.float32) * s
    inp["bh"] = jnp.zeros((1,), dtype=jnp.float32)
    return inp

def reference(x, edge_index, edge_attr, Wne, bne, Wee, bee,
              eps0, W1_0, b1_0, W2_0, b2_0, g_0, be_0, We1_0, be1_0, We2_0, be2_0,
              eps1, W1_1, b1_1, W2_1, b2_1, g_1, be_1, We1_1, be1_1, We2_1, be2_1,
              Wh, bh):
    src = edge_index[0]
    dst = edge_index[1]
    # FeatureEncoder: node encoder + edge encoder project to dim_inner
    h = x @ Wne + bne
    e = edge_attr @ Wee + bee
    layers = [
        (eps0, W1_0, b1_0, W2_0, b2_0, g_0, be_0, We1_0, be1_0, We2_0, be2_0),
        (eps1, W1_1, b1_1, W2_1, b2_1, g_1, be_1, We1_1, be1_1, We2_1, be2_1),
    ]
    for (eps, W1, b1, W2, b2, g, be, We1, bE1, We2, bE2) in layers:
        # GINEConv: mlp((1+eps)*x_i + sum_j relu(x_j + e_ji))
        m = jax.nn.relu(h[src] + e)
        agg = jax.ops.segment_sum(m, dst, num_segments=h.shape[0])
        z = (1.0 + eps) * h + agg
        z = jax.nn.relu(z @ W1 + b1) @ W2 + b2
        # LayerNorm + activation (dropout is identity at inference)
        z = _ln(z, g, be)
        h = jax.nn.relu(z)
        # edge update: e = e + emlp([x_src, x_dst, e]) / 2
        cat = jnp.concatenate([h[src], h[dst], e], axis=-1)
        e = e + (jax.nn.relu(cat @ We1 + bE1) @ We2 + bE2) / 2.0
    # post_mp node head
    return h @ Wh + bh

if __name__ == "__main__":
    import jax
    _d = setup_inputs()
    print(jax.jit(kernel)(*tuple(_d.values())))

</pallas_src>

<mosaic_0001>
#map = affine_map<(d0, d1) -> (0, 0)>
#map1 = affine_map<(d0, d1) -> (0)>
module attributes {stable_mosaic.version = 14 : i64} {
  func.func @k(%arg0: i32, %arg1: i32, %arg2: memref<10000x128xf32, #tpu.memory_space<hbm>>, %arg3: memref<10000x128xf32, #tpu.memory_space<hbm>>, %arg4: memref<320000xi32, #tpu.memory_space<hbm>>, %arg5: memref<320000xi32, #tpu.memory_space<hbm>>, %arg6: memref<320000x128xf32, #tpu.memory_space<hbm>>, %arg7: memref<200xi32, #tpu.memory_space<vmem>>, %arg8: memref<200xi32, #tpu.memory_space<vmem>>, %arg9: memref<200x128xf32, #tpu.memory_space<vmem>>, %arg10: memref<200x128xf32, #tpu.memory_space<vmem>>, %arg11: memref<200xi32, #tpu.memory_space<vmem>>, %arg12: memref<200xi32, #tpu.memory_space<vmem>>, %arg13: memref<200x128xf32, #tpu.memory_space<vmem>>, %arg14: memref<200x128xf32, #tpu.memory_space<vmem>>, %arg15: memref<!tpu.dma_semaphore, #tpu.memory_space<semaphore_mem>>, %arg16: memref<!tpu.dma_semaphore, #tpu.memory_space<semaphore_mem>>, %arg17: memref<!tpu.dma_semaphore, #tpu.memory_space<semaphore_mem>>, %arg18: memref<!tpu.dma_semaphore, #tpu.memory_space<semaphore_mem>>, %arg19: memref<!tpu.dma_semaphore, #tpu.memory_space<semaphore_mem>>, %arg20: memref<!tpu.dma_semaphore, #tpu.memory_space<semaphore_mem>>, %arg21: memref<!tpu.dma_semaphore, #tpu.memory_space<semaphore_mem>>, %arg22: memref<!tpu.dma_semaphore, #tpu.memory_space<semaphore_mem>>) attributes {dimension_semantics = [#tpu.dimension_semantics<core_parallel>, #tpu.dimension_semantics<subcore_parallel>], iteration_bounds = array<i64: 2, 16>, scalar_prefetch = 0 : i64, scratch_operands = 16 : i64, tpu.core_type = #tpu.core_type<sc_vector_subcore>, window_params = [{transform_indices = #map}, {transform_indices = #map}, {transform_indices = #map1}, {transform_indices = #map1}, {transform_indices = #map}]} {
    %mul3A = arith.constant 2 : i32
    %mul3A_0 = arith.muli %arg1, %mul3A : i32
    %add3A = arith.addi %mul3A_0, %arg0 : i32
    %sub3A = arith.constant 1631 : i32
    %sub3A_1 = arith.subi %sub3A, %add3A : i32
    %jit3A = arith.constant 32 : i32
    %div3A = arith.divsi %sub3A_1, %jit3A : i32
    %sign3A = arith.constant 0 : i32
    %sign3A_2 = arith.cmpi sgt, %sub3A_1, %sign3A : i32
    %sign3A_3 = arith.extui %sign3A_2 : i1 to i32
    %sign3A_4 = arith.constant 0 : i32
    %sign3A_5 = arith.cmpi slt, %sub3A_1, %sign3A_4 : i32
    %sign3A_6 = arith.extui %sign3A_5 : i1 to i32
    %sign3A_7 = arith.subi %sign3A_3, %sign3A_6 : i32
    %sign3A_8 = arith.constant 0 : i32
    %sign3A_9 = arith.cmpi sgt, %jit3A, %sign3A_8 : i32
    %sign3A_10 = arith.extui %sign3A_9 : i1 to i32
    %sign3A_11 = arith.constant 0 : i32
    %sign3A_12 = arith.cmpi slt, %jit3A, %sign3A_11 : i32
    %sign3A_13 = arith.extui %sign3A_12 : i1 to i32
    %sign3A_14 = arith.subi %sign3A_10, %sign3A_13 : i32
    %ne3A = arith.cmpi ne, %sign3A_7, %sign3A_14 : i32
    %rem3A = arith.remsi %sub3A_1, %jit3A : i32
    %ne3A_15 = arith.constant 0 : i32
    %ne3A_16 = arith.cmpi ne, %rem3A, %ne3A_15 : i32
    %and3A = arith.andi %ne3A, %ne3A_16 : i1
    %sub3A_17 = arith.constant 1 : i32
    %sub3A_18 = arith.subi %div3A, %sub3A_17 : i32
    %select_n3A = arith.select %and3A, %sub3A_18, %div3A : i32
    %add3A_19 = arith.constant 0 : i32
    %add3A_20 = arith.addi %add3A, %add3A_19 : i32
    %mul3A_21 = arith.constant 200 : i32
    %mul3A_22 = arith.muli %add3A_20, %mul3A_21 : i32
    %dma_start3A = tpu.memref_slice %arg4[%mul3A_22] : memref<320000xi32, #tpu.memory_space<hbm>> -> memref<200xi32, #tpu.memory_space<hbm>>
    %dma_start3A_23 = tpu.memref_slice %arg4[%mul3A_22] : memref<320000xi32, #tpu.memory_space<hbm>> -> memref<200xi32, #tpu.memory_space<hbm>>
    tpu.enqueue_dma source(%dma_start3A_23 : memref<200xi32, #tpu.memory_space<hbm>>) target(%arg7 : memref<200xi32, #tpu.memory_space<vmem>>) target_semaphore(%arg21 : memref<!tpu.dma_semaphore, #tpu.memory_space<semaphore_mem>>)
    %add3A_24 = arith.constant 0 : i32
    %add3A_25 = arith.addi %add3A, %add3A_24 : i32
    %mul3A_26 = arith.constant 200 : i32
    %mul3A_27 = arith.muli %add3A_25, %mul3A_26 : i32
    %dma_start3A_28 = tpu.memref_slice %arg5[%mul3A_27] : memref<320000xi32, #tpu.memory_space<hbm>> -> memref<200xi32, #tpu.memory_space<hbm>>
    %dma_start3A_29 = tpu.memref_slice %arg5[%mul3A_27] : memref<320000xi32, #tpu.memory_space<hbm>> -> memref<200xi32, #tpu.memory_space<hbm>>
    tpu.enqueue_dma source(%dma_start3A_29 : memref<200xi32, #tpu.memory_space<hbm>>) target(%arg8 : memref<200xi32, #tpu.memory_space<vmem>>) target_semaphore(%arg21 : memref<!tpu.dma_semaphore, #tpu.memory_space<semaphore_mem>>)
    %gt3A = arith.constant 1 : i32
    %gt3A_30 = arith.cmpi sgt, %select_n3A, %gt3A : i32
    %convert_element_type3A = arith.extui %gt3A_30 : i1 to i32
    %cond3A = arith.constant 0 : i32
    %cond3A_31 = arith.cmpi ne, %convert_element_type3A, %cond3A : i32
    scf.if %cond3A_31 {
      %add3A_65 = arith.constant 32 : i32
      %add3A_66 = arith.addi %add3A, %add3A_65 : i32
      %mul3A_67 = arith.constant 200 : i32
      %mul3A_68 = arith.muli %add3A_66, %mul3A_67 : i32
      %dma_start3A_69 = tpu.memref_slice %arg4[%mul3A_68] : memref<320000xi32, #tpu.memory_space<hbm>> -> memref<200xi32, #tpu.memory_space<hbm>>
      %dma_start3A_70 = tpu.memref_slice %arg4[%mul3A_68] : memref<320000xi32, #tpu.memory_space<hbm>> -> memref<200xi32, #tpu.memory_space<hbm>>
      tpu.enqueue_dma source(%dma_start3A_70 : memref<200xi32, #tpu.memory_space<hbm>>) target(%arg11 : memref<200xi32, #tpu.memory_space<vmem>>) target_semaphore(%arg22 : memref<!tpu.dma_semaphore, #tpu.memory_space<semaphore_mem>>)
      %add3A_71 = arith.constant 32 : i32
      %add3A_72 = arith.addi %add3A, %add3A_71 : i32
      %mul3A_73 = arith.constant 200 : i32
      %mul3A_74 = arith.muli %add3A_72, %mul3A_73 : i32
      %dma_start3A_75 = tpu.memref_slice %arg5[%mul3A_74] : memref<320000xi32, #tpu.memory_space<hbm>> -> memref<200xi32, #tpu.memory_space<hbm>>
      %dma_start3A_76 = tpu.memref_slice %arg5[%mul3A_74] : memref<320000xi32, #tpu.memory_space<hbm>> -> memref<200xi32, #tpu.memory_space<hbm>>
      tpu.enqueue_dma source(%dma_start3A_76 : memref<200xi32, #tpu.memory_space<hbm>>) target(%arg12 : memref<200xi32, #tpu.memory_space<vmem>>) target_semaphore(%arg22 : memref<!tpu.dma_semaphore, #tpu.memory_space<semaphore_mem>>)
    } else {
    }
    %add3A_32 = arith.constant 0 : i32
    %add3A_33 = arith.addi %add3A, %add3A_32 : i32
    %mul3A_34 = arith.constant 200 : i32
    %mul3A_35 = arith.muli %add3A_33, %mul3A_34 : i32
    %dma_wait3A = tpu.memref_slice %arg4[%mul3A_35] : memref<320000xi32, #tpu.memory_space<hbm>> -> memref<200xi32, #tpu.memory_space<hbm>>
    %dma_wait3A_36 = tpu.memref_slice %arg4[%mul3A_35] : memref<320000xi32, #tpu.memory_space<hbm>> -> memref<200xi32, #tpu.memory_space<hbm>>
    tpu.wait_dma2 semaphore(%arg21 : memref<!tpu.dma_semaphore, #tpu.memory_space<semaphore_mem>>) src(%dma_wait3A_36 : memref<200xi32, #tpu.memory_space<hbm>>) dst(%arg7 : memref<200xi32, #tpu.memory_space<vmem>>)
    %add3A_37 = arith.constant 0 : i32
    %add3A_38 = arith.addi %add3A, %add3A_37 : i32
    %mul3A_39 = arith.constant 200 : i32
    %mul3A_40 = arith.muli %add3A_38, %mul3A_39 : i32
    %dma_wait3A_41 = tpu.memref_slice %arg5[%mul3A_40] : memref<320000xi32, #tpu.memory_space<hbm>> -> memref<200xi32, #tpu.memory_space<hbm>>
    %dma_wait3A_42 = tpu.memref_slice %arg5[%mul3A_40] : memref<320000xi32, #tpu.memory_space<hbm>> -> memref<200xi32, #tpu.memory_space<hbm>>
    tpu.wait_dma2 semaphore(%arg21 : memref<!tpu.dma_semaphore, #tpu.memory_space<semaphore_mem>>) src(%dma_wait3A_42 : memref<200xi32, #tpu.memory_space<hbm>>) dst(%arg8 : memref<200xi32, #tpu.memory_space<vmem>>)
    %dma_start3A_43 = arith.constant 0 : i32
    %dma_start3A_44 = arith.constant 0 : i32
    %dma_start3A_45 = tpu.memref_slice %arg2[%dma_start3A_43, %dma_start3A_44] : memref<10000x128xf32, #tpu.memory_space<hbm>> -> memref<10000x128xf32, #tpu.memory_space<hbm>>
    tpu.enqueue_indirect_dma source(%dma_start3A_45 : memref<10000x128xf32, #tpu.memory_space<hbm>>) target(%arg9 : memref<200x128xf32, #tpu.memory_space<vmem>>) offsets(%arg7 : memref<200xi32, #tpu.memory_space<vmem>>) semaphore(%arg15 : memref<!tpu.dma_semaphore, #tpu.memory_space<semaphore_mem>>)
    %dma_start3A_46 = arith.constant 0 : i32
    %dma_start3A_47 = arith.constant 0 : i32
    %dma_start3A_48 = tpu.memref_slice %arg3[%dma_start3A_46, %dma_start3A_47] : memref<10000x128xf32, #tpu.memory_space<hbm>> -> memref<10000x128xf32, #tpu.memory_space<hbm>>
    tpu.enqueue_indirect_dma source(%dma_start3A_48 : memref<10000x128xf32, #tpu.memory_space<hbm>>) target(%arg10 : memref<200x128xf32, #tpu.memory_space<vmem>>) offsets(%arg8 : memref<200xi32, #tpu.memory_space<vmem>>) semaphore(%arg16 : memref<!tpu.dma_semaphore, #tpu.memory_space<semaphore_mem>>)
    %scan3A = arith.constant 0 : i32
    %scan3A_49 = arith.constant 25 : i32
    %scan3A_50 = arith.addi %scan3A, %scan3A_49 : i32
    %scan3A_51 = arith.constant 1 : i32
    scf.for %scan3A_65 = %scan3A to %scan3A_50 step %scan3A_51  : i32 {
      %mul3A_66 = arith.constant 1 : i32
      %mul3A_67 = arith.muli %scan3A_65, %mul3A_66 : i32
      %add3A_68 = arith.constant 0 : i32
      %add3A_69 = arith.addi %add3A_68, %mul3A_67 : i32
      %mul3A_70 = arith.constant 2 : i32
      %mul3A_71 = arith.muli %add3A_69, %mul3A_70 : i32
      %add3A_72 = arith.constant 0 : i32
      %add3A_73 = arith.addi %mul3A_71, %add3A_72 : i32
      %lt3A = arith.cmpi slt, %add3A_73, %select_n3A : i32
      %convert_element_type3A_74 = arith.extui %lt3A : i1 to i32
      %cond3A_75 = arith.constant 0 : i32
      %cond3A_76 = arith.cmpi ne, %convert_element_type3A_74, %cond3A_75 : i32
      scf.if %cond3A_76 {
        %dma_wait3A_117 = arith.constant 0 : i32
        %dma_wait3A_118 = arith.constant 0 : i32
        %dma_wait3A_119 = tpu.memref_slice %arg2[%dma_wait3A_117, %dma_wait3A_118] : memref<10000x128xf32, #tpu.memory_space<hbm>> -> memref<10000x128xf32, #tpu.memory_space<hbm>>
        tpu.wait_indirect_dma semaphore(%arg15 : memref<!tpu.dma_semaphore, #tpu.memory_space<semaphore_mem>>) src(%dma_wait3A_119 : memref<10000x128xf32, #tpu.memory_space<hbm>>) dst(%arg9 : memref<200x128xf32, #tpu.memory_space<vmem>>)
        %dma_wait3A_120 = arith.constant 0 : i32
        %dma_wait3A_121 = arith.constant 0 : i32
        %dma_wait3A_122 = tpu.memref_slice %arg3[%dma_wait3A_120, %dma_wait3A_121] : memref<10000x128xf32, #tpu.memory_space<hbm>> -> memref<10000x128xf32, #tpu.memory_space<hbm>>
        tpu.wait_indirect_dma semaphore(%arg16 : memref<!tpu.dma_semaphore, #tpu.memory_space<semaphore_mem>>) src(%dma_wait3A_122 : memref<10000x128xf32, #tpu.memory_space<hbm>>) dst(%arg10 : memref<200x128xf32, #tpu.memory_space<vmem>>)
      } else {
      }
      %add3A_77 = arith.constant 1 : i32
      %add3A_78 = arith.addi %add3A_73, %add3A_77 : i32
      %lt3A_79 = arith.cmpi slt, %add3A_78, %select_n3A : i32
      %convert_element_type3A_80 = arith.extui %lt3A_79 : i1 to i32
      %cond3A_81 = arith.constant 0 : i32
      %cond3A_82 = arith.cmpi ne, %convert_element_type3A_80, %cond3A_81 : i32
      scf.if %cond3A_82 {
        %ge3A = arith.constant 1 : i32
        %ge3A_117 = arith.cmpi sge, %add3A_73, %ge3A : i32
        %convert_element_type3A_118 = arith.extui %ge3A_117 : i1 to i32
        %cond3A_119 = arith.constant 0 : i32
        %cond3A_120 = arith.cmpi ne, %convert_element_type3A_118, %cond3A_119 : i32
        scf.if %cond3A_120 {
          %dma_wait3A_145 = arith.constant 0 : i32
          %dma_wait3A_146 = arith.constant 0 : i32
          %dma_wait3A_147 = tpu.memref_slice %arg6[%dma_wait3A_145, %dma_wait3A_146] : memref<320000x128xf32, #tpu.memory_space<hbm>> -> memref<200x128xf32, #tpu.memory_space<hbm>>
          %dma_wait3A_148 = arith.constant 0 : i32
          %dma_wait3A_149 = arith.constant 0 : i32
          %dma_wait3A_150 = tpu.memref_slice %arg6[%dma_wait3A_148, %dma_wait3A_149] : memref<320000x128xf32, #tpu.memory_space<hbm>> -> memref<200x128xf32, #tpu.memory_space<hbm>>
          tpu.wait_dma2 semaphore(%arg20 : memref<!tpu.dma_semaphore, #tpu.memory_space<semaphore_mem>>) src(%arg13 : memref<200x128xf32, #tpu.memory_space<vmem>>) dst(%dma_wait3A_150 : memref<200x128xf32, #tpu.memory_space<hbm>>)
        } else {
        }
        %add3A_121 = arith.constant 1 : i32
        %add3A_122 = arith.addi %add3A_73, %add3A_121 : i32
        %mul3A_123 = arith.constant 32 : i32
        %mul3A_124 = arith.muli %add3A_122, %mul3A_123 : i32
        %add3A_125 = arith.addi %add3A, %mul3A_124 : i32
        %mul3A_126 = arith.constant 200 : i32
        %mul3A_127 = arith.muli %add3A_125, %mul3A_126 : i32
        %dma_wait3A_128 = tpu.memref_slice %arg4[%mul3A_127] : memref<320000xi32, #tpu.memory_space<hbm>> -> memref<200xi32, #tpu.memory_space<hbm>>
        %dma_wait3A_129 = tpu.memref_slice %arg4[%mul3A_127] : memref<320000xi32, #tpu.memory_space<hbm>> -> memref<200xi32, #tpu.memory_space<hbm>>
        tpu.wait_dma2 semaphore(%arg22 : memref<!tpu.dma_semaphore, #tpu.memory_space<semaphore_mem>>) src(%dma_wait3A_129 : memref<200xi32, #tpu.memory_space<hbm>>) dst(%arg11 : memref<200xi32, #tpu.memory_space<vmem>>)
        %mul3A_130 = arith.constant 32 : i32
        %mul3A_131 = arith.muli %add3A_122, %mul3A_130 : i32
        %add3A_132 = arith.addi %add3A, %mul3A_131 : i32
        %mul3A_133 = arith.constant 200 : i32
        %mul3A_134 = arith.muli %add3A_132, %mul3A_133 : i32
        %dma_wait3A_135 = tpu.memref_slice %arg5[%mul3A_134] : memref<320000xi32, #tpu.memory_space<hbm>> -> memref<200xi32, #tpu.memory_space<hbm>>
        %dma_wait3A_136 = tpu.memref_slice %arg5[%mul3A_134] : memref<320000xi32, #tpu.memory_space<hbm>> -> memref<200xi32, #tpu.memory_space<hbm>>
        tpu.wait_dma2 semaphore(%arg22 : memref<!tpu.dma_semaphore, #tpu.memory_space<semaphore_mem>>) src(%dma_wait3A_136 : memref<200xi32, #tpu.memory_space<hbm>>) dst(%arg12 : memref<200xi32, #tpu.memory_space<vmem>>)
        %add3A_137 = arith.constant 1 : i32
        %add3A_138 = arith.addi %add3A_73, %add3A_137 : i32
        %dma_start3A_139 = arith.constant 0 : i32
        %dma_start3A_140 = arith.constant 0 : i32
        %dma_start3A_141 = tpu.memref_slice %arg2[%dma_start3A_139, %dma_start3A_140] : memref<10000x128xf32, #tpu.memory_space<hbm>> -> memref<10000x128xf32, #tpu.memory_space<hbm>>
        tpu.enqueue_indirect_dma source(%dma_start3A_141 : memref<10000x128xf32, #tpu.memory_space<hbm>>) target(%arg13 : memref<200x128xf32, #tpu.memory_space<vmem>>) offsets(%arg11 : memref<200xi32, #tpu.memory_space<vmem>>) semaphore(%arg17 : memref<!tpu.dma_semaphore, #tpu.memory_space<semaphore_mem>>)
        %dma_start3A_142 = arith.constant 0 : i32
        %dma_start3A_143 = arith.constant 0 : i32
        %dma_start3A_144 = tpu.memref_slice %arg3[%dma_start3A_142, %dma_start3A_143] : memref<10000x128xf32, #tpu.memory_space<hbm>> -> memref<10000x128xf32, #tpu.memory_space<hbm>>
        tpu.enqueue_indirect_dma source(%dma_start3A_144 : memref<10000x128xf32, #tpu.memory_space<hbm>>) target(%arg14 : memref<200x128xf32, #tpu.memory_space<vmem>>) offsets(%arg12 : memref<200xi32, #tpu.memory_space<vmem>>) semaphore(%arg18 : memref<!tpu.dma_semaphore, #tpu.memory_space<semaphore_mem>>)
      } else {
      }
      %add3A_83 = arith.constant 2 : i32
      %add3A_84 = arith.addi %add3A_73, %add3A_83 : i32
      %lt3A_85 = arith.cmpi slt, %add3A_84, %select_n3A : i32
      %convert_element_type3A_86 = arith.extui %lt3A_85 : i1 to i32
      %cond3A_87 = arith.constant 0 : i32
      %cond3A_88 = arith.cmpi ne, %convert_element_type3A_86, %cond3A_87 : i32
      scf.if %cond3A_88 {
        %add3A_117 = arith.constant 2 : i32
        %add3A_118 = arith.addi %add3A_73, %add3A_117 : i32
        %mul3A_119 = arith.constant 32 : i32
        %mul3A_120 = arith.muli %add3A_118, %mul3A_119 : i32
        %add3A_121 = arith.addi %add3A, %mul3A_120 : i32
        %mul3A_122 = arith.constant 200 : i32
        %mul3A_123 = arith.muli %add3A_121, %mul3A_122 : i32
        %dma_start3A_124 = tpu.memref_slice %arg4[%mul3A_123] : memref<320000xi32, #tpu.memory_space<hbm>> -> memref<200xi32, #tpu.memory_space<hbm>>
        %dma_start3A_125 = tpu.memref_slice %arg4[%mul3A_123] : memref<320000xi32, #tpu.memory_space<hbm>> -> memref<200xi32, #tpu.memory_space<hbm>>
        tpu.enqueue_dma source(%dma_start3A_125 : memref<200xi32, #tpu.memory_space<hbm>>) target(%arg7 : memref<200xi32, #tpu.memory_space<vmem>>) target_semaphore(%arg21 : memref<!tpu.dma_semaphore, #tpu.memory_space<semaphore_mem>>)
        %mul3A_126 = arith.constant 32 : i32
        %mul3A_127 = arith.muli %add3A_118, %mul3A_126 : i32
        %add3A_128 = arith.addi %add3A, %mul3A_127 : i32
        %mul3A_129 = arith.constant 200 : i32
        %mul3A_130 = arith.muli %add3A_128, %mul3A_129 : i32
        %dma_start3A_131 = tpu.memref_slice %arg5[%mul3A_130] : memref<320000xi32, #tpu.memory_space<hbm>> -> memref<200xi32, #tpu.memory_space<hbm>>
        %dma_start3A_132 = tpu.memref_slice %arg5[%mul3A_130] : memref<320000xi32, #tpu.memory_space<hbm>> -> memref<200xi32, #tpu.memory_space<hbm>>
        tpu.enqueue_dma source(%dma_start3A_132 : memref<200xi32, #tpu.memory_space<hbm>>) target(%arg8 : memref<200xi32, #tpu.memory_space<vmem>>) target_semaphore(%arg21 : memref<!tpu.dma_semaphore, #tpu.memory_space<semaphore_mem>>)
      } else {
      }
      %lt3A_89 = arith.cmpi slt, %add3A_73, %select_n3A : i32
      %convert_element_type3A_90 = arith.extui %lt3A_89 : i1 to i32
      %cond3A_91 = arith.constant 0 : i32
      %cond3A_92 = arith.cmpi ne, %convert_element_type3A_90, %cond3A_91 : i32
      scf.if %cond3A_92 {
        %scan3A_117 = arith.constant 0 : i32
        %scan3A_118 = arith.constant 200 : i32
        %scan3A_119 = arith.addi %scan3A_117, %scan3A_118 : i32
        %scan3A_120 = arith.constant 1 : i32
        scf.for %scan3A_131 = %scan3A_117 to %scan3A_119 step %scan3A_120  : i32 {
          %mul3A_132 = arith.constant 1 : i32
          %mul3A_133 = arith.muli %scan3A_131, %mul3A_132 : i32
          %add3A_134 = arith.constant 0 : i32
          %add3A_135 = arith.addi %add3A_134, %mul3A_133 : i32
          %get3A = arith.index_cast %add3A_135 : i32 to index
          %get3A_136 = arith.constant 0 : index
          %get3A_137 = tpu.vector_load %arg9[%get3A, %get3A_136] {strides = array<i32>} : memref<200x128xf32, #tpu.memory_space<vmem>>, vector<1x16xf32>,
          %get3A_138 = vector.shape_cast %get3A_137 : vector<1x16xf32> to vector<1x16xf32>
          %get3A_139 = arith.index_cast %add3A_135 : i32 to index
          %get3A_140 = arith.constant 0 : index
          %get3A_141 = tpu.vector_load %arg10[%get3A_139, %get3A_140] {strides = array<i32>} : memref<200x128xf32, #tpu.memory_space<vmem>>, vector<1x16xf32>,
          %get3A_142 = vector.shape_cast %get3A_141 : vector<1x16xf32> to vector<1x16xf32>
          %add3A_143 = arith.addf %get3A_138, %get3A_142 : vector<1x16xf32>
          %swap3A = arith.index_cast %add3A_135 : i32 to index
          %swap3A_144 = arith.constant 0 : index
          %swap3A_145 = tpu.vector_load %arg9[%swap3A, %swap3A_144] {strides = array<i32>} : memref<200x128xf32, #tpu.memory_space<vmem>>, vector<1x16xf32>,
          %swap3A_146 = vector.shape_cast %swap3A_145 : vector<1x16xf32> to vector<1x16xf32>
          %swap3A_147 = vector.shape_cast %add3A_143 : vector<1x16xf32> to vector<1x16xf32>
          tpu.vector_store %arg9[%swap3A, %swap3A_144], %swap3A_147 {strides = array<i32>} : memref<200x128xf32, #tpu.memory_space<vmem>>, vector<1x16xf32>,
          %get3A_148 = arith.index_cast %add3A_135 : i32 to index
          %get3A_149 = arith.constant 16 : index
          %get3A_150 = tpu.vector_load %arg9[%get3A_148, %get3A_149] {strides = array<i32>} : memref<200x128xf32, #tpu.memory_space<vmem>>, vector<1x16xf32>,
          %get3A_151 = vector.shape_cast %get3A_150 : vector<1x16xf32> to vector<1x16xf32>
          %get3A_152 = arith.index_cast %add3A_135 : i32 to index
          %get3A_153 = arith.constant 16 : index
          %get3A_154 = tpu.vector_load %arg10[%get3A_152, %get3A_153] {strides = array<i32>} : memref<200x128xf32, #tpu.memory_space<vmem>>, vector<1x16xf32>,
          %get3A_155 = vector.shape_cast %get3A_154 : vector<1x16xf32> to vector<1x16xf32>
          %add3A_156 = arith.addf %get3A_151, %get3A_155 : vector<1x16xf32>
          %swap3A_157 = arith.index_cast %add3A_135 : i32 to index
          %swap3A_158 = arith.constant 16 : index
          %swap3A_159 = tpu.vector_load %arg9[%swap3A_157, %swap3A_158] {strides = array<i32>} : memref<200x128xf32, #tpu.memory_space<vmem>>, vector<1x16xf32>,
          %swap3A_160 = vector.shape_cast %swap3A_159 : vector<1x16xf32> to vector<1x16xf32>
          %swap3A_161 = vector.shape_cast %add3A_156 : vector<1x16xf32> to vector<1x16xf32>
          tpu.vector_store %arg9[%swap3A_157, %swap3A_158], %swap3A_161 {strides = array<i32>} : memref<200x128xf32, #tpu.memory_space<vmem>>, vector<1x16xf32>,
          %get3A_162 = arith.index_cast %add3A_135 : i32 to index
          %get3A_163 = arith.constant 32 : index
          %get3A_164 = tpu.vector_load %arg9[%get3A_162, %get3A_163] {strides = array<i32>} : memref<200x128xf32, #tpu.memory_space<vmem>>, vector<1x16xf32>,
          %get3A_165 = vector.shape_cast %get3A_164 : vector<1x16xf32> to vector<1x16xf32>
          %get3A_166 = arith.index_cast %add3A_135 : i32 to index
          %get3A_167 = arith.constant 32 : index
          %get3A_168 = tpu.vector_load %arg10[%get3A_166, %get3A_167] {strides = array<i32>} : memref<200x128xf32, #tpu.memory_space<vmem>>, vector<1x16xf32>,
          %get3A_169 = vector.shape_cast %get3A_168 : vector<1x16xf32> to vector<1x16xf32>
          %add3A_170 = arith.addf %get3A_165, %get3A_169 : vector<1x16xf32>
          %swap3A_171 = arith.index_cast %add3A_135 : i32 to index
          %swap3A_172 = arith.constant 32 : index
          %swap3A_173 = tpu.vector_load %arg9[%swap3A_171, %swap3A_172] {strides = array<i32>} : memref<200x128xf32, #tpu.memory_space<vmem>>, vector<1x16xf32>,
          %swap3A_174 = vector.shape_cast %swap3A_173 : vector<1x16xf32> to vector<1x16xf32>
          %swap3A_175 = vector.shape_cast %add3A_170 : vector<1x16xf32> to vector<1x16xf32>
          tpu.vector_store %arg9[%swap3A_171, %swap3A_172], %swap3A_175 {strides = array<i32>} : memref<200x128xf32, #tpu.memory_space<vmem>>, vector<1x16xf32>,
          %get3A_176 = arith.index_cast %add3A_135 : i32 to index
          %get3A_177 = arith.constant 48 : index
          %get3A_178 = tpu.vector_load %arg9[%get3A_176, %get3A_177] {strides = array<i32>} : memref<200x128xf32, #tpu.memory_space<vmem>>, vector<1x16xf32>,
          %get3A_179 = vector.shape_cast %get3A_178 : vector<1x16xf32> to vector<1x16xf32>
          %get3A_180 = arith.index_cast %add3A_135 : i32 to index
          %get3A_181 = arith.constant 48 : index
          %get3A_182 = tpu.vector_load %arg10[%get3A_180, %get3A_181] {strides = array<i32>} : memref<200x128xf32, #tpu.memory_space<vmem>>, vector<1x16xf32>,
          %get3A_183 = vector.shape_cast %get3A_182 : vector<1x16xf32> to vector<1x16xf32>
          %add3A_184 = arith.addf %get3A_179, %get3A_183 : vector<1x16xf32>
          %swap3A_185 = arith.index_cast %add3A_135 : i32 to index
          %swap3A_186 = arith.constant 48 : index
          %swap3A_187 = tpu.vector_load %arg9[%swap3A_185, %swap3A_186] {strides = array<i32>} : memref<200x128xf32, #tpu.memory_space<vmem>>, vector<1x16xf32>,
          %swap3A_188 = vector.shape_cast %swap3A_187 : vector<1x16xf32> to vector<1x16xf32>
          %swap3A_189 = vector.shape_cast %add3A_184 : vector<1x16xf32> to vector<1x16xf32>
          tpu.vector_store %arg9[%swap3A_185, %swap3A_186], %swap3A_189 {strides = array<i32>} : memref<200x128xf32, #tpu.memory_space<vmem>>, vector<1x16xf32>,
          %get3A_190 = arith.index_cast %add3A_135 : i32 to index
          %get3A_191 = arith.constant 64 : index
          %get3A_192 = tpu.vector_load %arg9[%get3A_190, %get3A_191] {strides = array<i32>} : memref<200x128xf32, #tpu.memory_space<vmem>>, vector<1x16xf32>,
          %get3A_193 = vector.shape_cast %get3A_192 : vector<1x16xf32> to vector<1x16xf32>
          %get3A_194 = arith.index_cast %add3A_135 : i32 to index
          %get3A_195 = arith.constant 64 : index
          %get3A_196 = tpu.vector_load %arg10[%get3A_194, %get3A_195] {strides = array<i32>} : memref<200x128xf32, #tpu.memory_space<vmem>>, vector<1x16xf32>,
          %get3A_197 = vector.shape_cast %get3A_196 : vector<1x16xf32> to vector<1x16xf32>
          %add3A_198 = arith.addf %get3A_193, %get3A_197 : vector<1x16xf32>
          %swap3A_199 = arith.index_cast %add3A_135 : i32 to index
          %swap3A_200 = arith.constant 64 : index
          %swap3A_201 = tpu.vector_load %arg9[%swap3A_199, %swap3A_200] {strides = array<i32>} : memref<200x128xf32, #tpu.memory_space<vmem>>, vector<1x16xf32>,
          %swap3A_202 = vector.shape_cast %swap3A_201 : vector<1x16xf32> to vector<1x16xf32>
          %swap3A_203 = vector.shape_cast %add3A_198 : vector<1x16xf32> to vector<1x16xf32>
          tpu.vector_store %arg9[%swap3A_199, %swap3A_200], %swap3A_203 {strides = array<i32>} : memref<200x128xf32, #tpu.memory_space<vmem>>, vector<1x16xf32>,
          %get3A_204 = arith.index_cast %add3A_135 : i32 to index
          %get3A_205 = arith.constant 80 : index
          %get3A_206 = tpu.vector_load %arg9[%get3A_204, %get3A_205] {strides = array<i32>} : memref<200x128xf32, #tpu.memory_space<vmem>>, vector<1x16xf32>,
          %get3A_207 = vector.shape_cast %get3A_206 : vector<1x16xf32> to vector<1x16xf32>
          %get3A_208 = arith.index_cast %add3A_135 : i32 to index
          %get3A_209 = arith.constant 80 : index
          %get3A_210 = tpu.vector_load %arg10[%get3A_208, %get3A_209] {strides = array<i32>} : memref<200x128xf32, #tpu.memory_space<vmem>>, vector<1x16xf32>,
          %get3A_211 = vector.shape_cast %get3A_210 : vector<1x16xf32> to vector<1x16xf32>
          %add3A_212 = arith.addf %get3A_207, %get3A_211 : vector<1x16xf32>
          %swap3A_213 = arith.index_cast %add3A_135 : i32 to index
          %swap3A_214 = arith.constant 80 : index
          %swap3A_215 = tpu.vector_load %arg9[%swap3A_213, %swap3A_214] {strides = array<i32>} : memref<200x128xf32, #tpu.memory_space<vmem>>, vector<1x16xf32>,
          %swap3A_216 = vector.shape_cast %swap3A_215 : vector<1x16xf32> to vector<1x16xf32>
          %swap3A_217 = vector.shape_cast %add3A_212 : vector<1x16xf32> to vector<1x16xf32>
          tpu.vector_store %arg9[%swap3A_213, %swap3A_214], %swap3A_217 {strides = array<i32>} : memref<200x128xf32, #tpu.memory_space<vmem>>, vector<1x16xf32>,
          %get3A_218 = arith.index_cast %add3A_135 : i32 to index
          %get3A_219 = arith.constant 96 : index
          %get3A_220 = tpu.vector_load %arg9[%get3A_218, %get3A_219] {strides = array<i32>} : memref<200x128xf32, #tpu.memory_space<vmem>>, vector<1x16xf32>,
          %get3A_221 = vector.shape_cast %get3A_220 : vector<1x16xf32> to vector<1x16xf32>
          %get3A_222 = arith.index_cast %add3A_135 : i32 to index
          %get3A_223 = arith.constant 96 : index
          %get3A_224 = tpu.vector_load %arg10[%get3A_222, %get3A_223] {strides = array<i32>} : memref<200x128xf32, #tpu.memory_space<vmem>>, vector<1x16xf32>,
          %get3A_225 = vector.shape_cast %get3A_224 : vector<1x16xf32> to vector<1x16xf32>
          %add3A_226 = arith.addf %get3A_221, %get3A_225 : vector<1x16xf32>
          %swap3A_227 = arith.index_cast %add3A_135 : i32 to index
          %swap3A_228 = arith.constant 96 : index
          %swap3A_229 = tpu.vector_load %arg9[%swap3A_227, %swap3A_228] {strides = array<i32>} : memref<200x128xf32, #tpu.memory_space<vmem>>, vector<1x16xf32>,
          %swap3A_230 = vector.shape_cast %swap3A_229 : vector<1x16xf32> to vector<1x16xf32>
          %swap3A_231 = vector.shape_cast %add3A_226 : vector<1x16xf32> to vector<1x16xf32>
          tpu.vector_store %arg9[%swap3A_227, %swap3A_228], %swap3A_231 {strides = array<i32>} : memref<200x128xf32, #tpu.memory_space<vmem>>, vector<1x16xf32>,
          %get3A_232 = arith.index_cast %add3A_135 : i32 to index
          %get3A_233 = arith.constant 112 : index
          %get3A_234 = tpu.vector_load %arg9[%get3A_232, %get3A_233] {strides = array<i32>} : memref<200x128xf32, #tpu.memory_space<vmem>>, vector<1x16xf32>,
          %get3A_235 = vector.shape_cast %get3A_234 : vector<1x16xf32> to vector<1x16xf32>
          %get3A_236 = arith.index_cast %add3A_135 : i32 to index
          %get3A_237 = arith.constant 112 : index
          %get3A_238 = tpu.vector_load %arg10[%get3A_236, %get3A_237] {strides = array<i32>} : memref<200x128xf32, #tpu.memory_space<vmem>>, vector<1x16xf32>,
          %get3A_239 = vector.shape_cast %get3A_238 : vector<1x16xf32> to vector<1x16xf32>
          %add3A_240 = arith.addf %get3A_235, %get3A_239 : vector<1x16xf32>
          %swap3A_241 = arith.index_cast %add3A_135 : i32 to index
          %swap3A_242 = arith.constant 112 : index
          %swap3A_243 = tpu.vector_load %arg9[%swap3A_241, %swap3A_242] {strides = array<i32>} : memref<200x128xf32, #tpu.memory_space<vmem>>, vector<1x16xf32>,
          %swap3A_244 = vector.shape_cast %swap3A_243 : vector<1x16xf32> to vector<1x16xf32>
          %swap3A_245 = vector.shape_cast %add3A_240 : vector<1x16xf32> to vector<1x16xf32>
          tpu.vector_store %arg9[%swap3A_241, %swap3A_242], %swap3A_245 {strides = array<i32>} : memref<200x128xf32, #tpu.memory_space<vmem>>, vector<1x16xf32>,
        }
        %scan3A_121 = arith.constant 200 : i32
        %mul3A_122 = arith.constant 32 : i32
        %mul3A_123 = arith.muli %add3A_73, %mul3A_122 : i32
        %add3A_124 = arith.addi %add3A, %mul3A_123 : i32
        %mul3A_125 = arith.constant 200 : i32
        %mul3A_126 = arith.muli %add3A_124, %mul3A_125 : i32
        %dma_start3A_127 = arith.constant 0 : i32
        %dma_start3A_128 = tpu.memref_slice %arg6[%mul3A_126, %dma_start3A_127] : memref<320000x128xf32, #tpu.memory_space<hbm>> -> memref<200x128xf32, #tpu.memory_space<hbm>>
        %dma_start3A_129 = arith.constant 0 : i32
        %dma_start3A_130 = tpu.memref_slice %arg6[%mul3A_126, %dma_start3A_129] : memref<320000x128xf32, #tpu.memory_space<hbm>> -> memref<200x128xf32, #tpu.memory_space<hbm>>
        tpu.enqueue_dma source(%arg9 : memref<200x128xf32, #tpu.memory_space<vmem>>) target(%dma_start3A_130 : memref<200x128xf32, #tpu.memory_space<hbm>>) target_semaphore(%arg19 : memref<!tpu.dma_semaphore, #tpu.memory_space<semaphore_mem>>)
      } else {
      }
      %mul3A_93 = arith.constant 2 : i32
      %mul3A_94 = arith.muli %add3A_69, %mul3A_93 : i32
      %add3A_95 = arith.constant 1 : i32
      %add3A_96 = arith.addi %mul3A_94, %add3A_95 : i32
      %lt3A_97 = arith.cmpi slt, %add3A_96, %select_n3A : i32
      %convert_element_type3A_98 = arith.extui %lt3A_97 : i1 to i32
      %cond3A_99 = arith.constant 0 : i32
      %cond3A_100 = arith.cmpi ne, %convert_element_type3A_98, %cond3A_99 : i32
      scf.if %cond3A_100 {
        %dma_wait3A_117 = arith.constant 0 : i32
        %dma_wait3A_118 = arith.constant 0 : i32
        %dma_wait3A_119 = tpu.memref_slice %arg2[%dma_wait3A_117, %dma_wait3A_118] : memref<10000x128xf32, #tpu.memory_space<hbm>> -> memref<10000x128xf32, #tpu.memory_space<hbm>>
        tpu.wait_indirect_dma semaphore(%arg17 : memref<!tpu.dma_semaphore, #tpu.memory_space<semaphore_mem>>) src(%dma_wait3A_119 : memref<10000x128xf32, #tpu.memory_space<hbm>>) dst(%arg13 : memref<200x128xf32, #tpu.memory_space<vmem>>)
        %dma_wait3A_120 = arith.constant 0 : i32
        %dma_wait3A_121 = arith.constant 0 : i32
        %dma_wait3A_122 = tpu.memref_slice %arg3[%dma_wait3A_120, %dma_wait3A_121] : memref<10000x128xf32, #tpu.memory_space<hbm>> -> memref<10000x128xf32, #tpu.memory_space<hbm>>
        tpu.wait_indirect_dma semaphore(%arg18 : memref<!tpu.dma_semaphore, #tpu.memory_space<semaphore_mem>>) src(%dma_wait3A_122 : memref<10000x128xf32, #tpu.memory_space<hbm>>) dst(%arg14 : memref<200x128xf32, #tpu.memory_space<vmem>>)
      } else {
      }
      %add3A_101 = arith.constant 1 : i32
      %add3A_102 = arith.addi %add3A_96, %add3A_101 : i32
      %lt3A_103 = arith.cmpi slt, %add3A_102, %select_n3A : i32
      %convert_element_type3A_104 = arith.extui %lt3A_103 : i1 to i32
      %cond3A_105 = arith.constant 0 : i32
      %cond3A_106 = arith.cmpi ne, %convert_element_type3A_104, %cond3A_105 : i32
      scf.if %cond3A_106 {
        %ge3A = arith.constant 1 : i32
        %ge3A_117 = arith.cmpi sge, %add3A_96, %ge3A : i32
        %convert_element_type3A_118 = arith.extui %ge3A_117 : i1 to i32
        %cond3A_119 = arith.constant 0 : i32
        %cond3A_120 = arith.cmpi ne, %convert_element_type3A_118, %cond3A_119 : i32
        scf.if %cond3A_120 {
          %dma_wait3A_145 = arith.constant 0 : i32
          %dma_wait3A_146 = arith.constant 0 : i32
          %dma_wait3A_147 = tpu.memref_slice %arg6[%dma_wait3A_145, %dma_wait3A_146] : memref<320000x128xf32, #tpu.memory_space<hbm>> -> memref<200x128xf32, #tpu.memory_space<hbm>>
          %dma_wait3A_148 = arith.constant 0 : i32
          %dma_wait3A_149 = arith.constant 0 : i32
          %dma_wait3A_150 = tpu.memref_slice %arg6[%dma_wait3A_148, %dma_wait3A_149] : memref<320000x128xf32, #tpu.memory_space<hbm>> -> memref<200x128xf32, #tpu.memory_space<hbm>>
          tpu.wait_dma2 semaphore(%arg19 : memref<!tpu.dma_semaphore, #tpu.memory_space<semaphore_mem>>) src(%arg9 : memref<200x128xf32, #tpu.memory_space<vmem>>) dst(%dma_wait3A_150 : memref<200x128xf32, #tpu.memory_space<hbm>>)
        } else {
        }
        %add3A_121 = arith.constant 1 : i32
        %add3A_122 = arith.addi %add3A_96, %add3A_121 : i32
        %mul3A_123 = arith.constant 32 : i32
        %mul3A_124 = arith.muli %add3A_122, %mul3A_123 : i32
        %add3A_125 = arith.addi %add3A, %mul3A_124 : i32
        %mul3A_126 = arith.constant 200 : i32
        %mul3A_127 = arith.muli %add3A_125, %mul3A_126 : i32
        %dma_wait3A_128 = tpu.memref_slice %arg4[%mul3A_127] : memref<320000xi32, #tpu.memory_space<hbm>> -> memref<200xi32, #tpu.memory_space<hbm>>
        %dma_wait3A_129 = tpu.memref_slice %arg4[%mul3A_127] : memref<320000xi32, #tpu.memory_space<hbm>> -> memref<200xi32, #tpu.memory_space<hbm>>
        tpu.wait_dma2 semaphore(%arg21 : memref<!tpu.dma_semaphore, #tpu.memory_space<semaphore_mem>>) src(%dma_wait3A_129 : memref<200xi32, #tpu.memory_space<hbm>>) dst(%arg7 : memref<200xi32, #tpu.memory_space<vmem>>)
        %mul3A_130 = arith.constant 32 : i32
        %mul3A_131 = arith.muli %add3A_122, %mul3A_130 : i32
        %add3A_132 = arith.addi %add3A, %mul3A_131 : i32
        %mul3A_133 = arith.constant 200 : i32
        %mul3A_134 = arith.muli %add3A_132, %mul3A_133 : i32
        %dma_wait3A_135 = tpu.memref_slice %arg5[%mul3A_134] : memref<320000xi32, #tpu.memory_space<hbm>> -> memref<200xi32, #tpu.memory_space<hbm>>
        %dma_wait3A_136 = tpu.memref_slice %arg5[%mul3A_134] : memref<320000xi32, #tpu.memory_space<hbm>> -> memref<200xi32, #tpu.memory_space<hbm>>
        tpu.wait_dma2 semaphore(%arg21 : memref<!tpu.dma_semaphore, #tpu.memory_space<semaphore_mem>>) src(%dma_wait3A_136 : memref<200xi32, #tpu.memory_space<hbm>>) dst(%arg8 : memref<200xi32, #tpu.memory_space<vmem>>)
        %add3A_137 = arith.constant 1 : i32
        %add3A_138 = arith.addi %add3A_96, %add3A_137 : i32
        %dma_start3A_139 = arith.constant 0 : i32
        %dma_start3A_140 = arith.constant 0 : i32
        %dma_start3A_141 = tpu.memref_slice %arg2[%dma_start3A_139, %dma_start3A_140] : memref<10000x128xf32, #tpu.memory_space<hbm>> -> memref<10000x128xf32, #tpu.memory_space<hbm>>
        tpu.enqueue_indirect_dma source(%dma_start3A_141 : memref<10000x128xf32, #tpu.memory_space<hbm>>) target(%arg9 : memref<200x128xf32, #tpu.memory_space<vmem>>) offsets(%arg7 : memref<200xi32, #tpu.memory_space<vmem>>) semaphore(%arg15 : memref<!tpu.dma_semaphore, #tpu.memory_space<semaphore_mem>>)
        %dma_start3A_142 = arith.constant 0 : i32
        %dma_start3A_143 = arith.constant 0 : i32
        %dma_start3A_144 = tpu.memref_slice %arg3[%dma_start3A_142, %dma_start3A_143] : memref<10000x128xf32, #tpu.memory_space<hbm>> -> memref<10000x128xf32, #tpu.memory_space<hbm>>
        tpu.enqueue_indirect_dma source(%dma_start3A_144 : memref<10000x128xf32, #tpu.memory_space<hbm>>) target(%arg10 : memref<200x128xf32, #tpu.memory_space<vmem>>) offsets(%arg8 : memref<200xi32, #tpu.memory_space<vmem>>) semaphore(%arg16 : memref<!tpu.dma_semaphore, #tpu.memory_space<semaphore_mem>>)
      } else {
      }
      %add3A_107 = arith.constant 2 : i32
      %add3A_108 = arith.addi %add3A_96, %add3A_107 : i32
      %lt3A_109 = arith.cmpi slt, %add3A_108, %select_n3A : i32
      %convert_element_type3A_110 = arith.extui %lt3A_109 : i1 to i32
      %cond3A_111 = arith.constant 0 : i32
      %cond3A_112 = arith.cmpi ne, %convert_element_type3A_110, %cond3A_111 : i32
      scf.if %cond3A_112 {
        %add3A_117 = arith.constant 2 : i32
        %add3A_118 = arith.addi %add3A_96, %add3A_117 : i32
        %mul3A_119 = arith.constant 32 : i32
        %mul3A_120 = arith.muli %add3A_118, %mul3A_119 : i32
        %add3A_121 = arith.addi %add3A, %mul3A_120 : i32
        %mul3A_122 = arith.constant 200 : i32
        %mul3A_123 = arith.muli %add3A_121, %mul3A_122 : i32
        %dma_start3A_124 = tpu.memref_slice %arg4[%mul3A_123] : memref<320000xi32, #tpu.memory_space<hbm>> -> memref<200xi32, #tpu.memory_space<hbm>>
        %dma_start3A_125 = tpu.memref_slice %arg4[%mul3A_123] : memref<320000xi32, #tpu.memory_space<hbm>> -> memref<200xi32, #tpu.memory_space<hbm>>
        tpu.enqueue_dma source(%dma_start3A_125 : memref<200xi32, #tpu.memory_space<hbm>>) target(%arg11 : memref<200xi32, #tpu.memory_space<vmem>>) target_semaphore(%arg22 : memref<!tpu.dma_semaphore, #tpu.memory_space<semaphore_mem>>)
        %mul3A_126 = arith.constant 32 : i32
        %mul3A_127 = arith.muli %add3A_118, %mul3A_126 : i32
        %add3A_128 = arith.addi %add3A, %mul3A_127 : i32
        %mul3A_129 = arith.constant 200 : i32
        %mul3A_130 = arith.muli %add3A_128, %mul3A_129 : i32
        %dma_start3A_131 = tpu.memref_slice %arg5[%mul3A_130] : memref<320000xi32, #tpu.memory_space<hbm>> -> memref<200xi32, #tpu.memory_space<hbm>>
        %dma_start3A_132 = tpu.memref_slice %arg5[%mul3A_130] : memref<320000xi32, #tpu.memory_space<hbm>> -> memref<200xi32, #tpu.memory_space<hbm>>
        tpu.enqueue_dma source(%dma_start3A_132 : memref<200xi32, #tpu.memory_space<hbm>>) target(%arg12 : memref<200xi32, #tpu.memory_space<vmem>>) target_semaphore(%arg22 : memref<!tpu.dma_semaphore, #tpu.memory_space<semaphore_mem>>)
      } else {
      }
      %lt3A_113 = arith.cmpi slt, %add3A_96, %select_n3A : i32
      %convert_element_type3A_114 = arith.extui %lt3A_113 : i1 to i32
      %cond3A_115 = arith.constant 0 : i32
      %cond3A_116 = arith.cmpi ne, %convert_element_type3A_114, %cond3A_115 : i32
      scf.if %cond3A_116 {
        %scan3A_117 = arith.constant 0 : i32
        %scan3A_118 = arith.constant 200 : i32
        %scan3A_119 = arith.addi %scan3A_117, %scan3A_118 : i32
        %scan3A_120 = arith.constant 1 : i32
        scf.for %scan3A_131 = %scan3A_117 to %scan3A_119 step %scan3A_120  : i32 {
          %mul3A_132 = arith.constant 1 : i32
          %mul3A_133 = arith.muli %scan3A_131, %mul3A_132 : i32
          %add3A_134 = arith.constant 0 : i32
          %add3A_135 = arith.addi %add3A_134, %mul3A_133 : i32
          %get3A = arith.index_cast %add3A_135 : i32 to index
          %get3A_136 = arith.constant 0 : index
          %get3A_137 = tpu.vector_load %arg13[%get3A, %get3A_136] {strides = array<i32>} : memref<200x128xf32, #tpu.memory_space<vmem>>, vector<1x16xf32>,
          %get3A_138 = vector.shape_cast %get3A_137 : vector<1x16xf32> to vector<1x16xf32>
          %get3A_139 = arith.index_cast %add3A_135 : i32 to index
          %get3A_140 = arith.constant 0 : index
          %get3A_141 = tpu.vector_load %arg14[%get3A_139, %get3A_140] {strides = array<i32>} : memref<200x128xf32, #tpu.memory_space<vmem>>, vector<1x16xf32>,
          %get3A_142 = vector.shape_cast %get3A_141 : vector<1x16xf32> to vector<1x16xf32>
          %add3A_143 = arith.addf %get3A_138, %get3A_142 : vector<1x16xf32>
          %swap3A = arith.index_cast %add3A_135 : i32 to index
          %swap3A_144 = arith.constant 0 : index
          %swap3A_145 = tpu.vector_load %arg13[%swap3A, %swap3A_144] {strides = array<i32>} : memref<200x128xf32, #tpu.memory_space<vmem>>, vector<1x16xf32>,
          %swap3A_146 = vector.shape_cast %swap3A_145 : vector<1x16xf32> to vector<1x16xf32>
          %swap3A_147 = vector.shape_cast %add3A_143 : vector<1x16xf32> to vector<1x16xf32>
          tpu.vector_store %arg13[%swap3A, %swap3A_144], %swap3A_147 {strides = array<i32>} : memref<200x128xf32, #tpu.memory_space<vmem>>, vector<1x16xf32>,
          %get3A_148 = arith.index_cast %add3A_135 : i32 to index
          %get3A_149 = arith.constant 16 : index
          %get3A_150 = tpu.vector_load %arg13[%get3A_148, %get3A_149] {strides = array<i32>} : memref<200x128xf32, #tpu.memory_space<vmem>>, vector<1x16xf32>,
          %get3A_151 = vector.shape_cast %get3A_150 : vector<1x16xf32> to vector<1x16xf32>
          %get3A_152 = arith.index_cast %add3A_135 : i32 to index
          %get3A_153 = arith.constant 16 : index
          %get3A_154 = tpu.vector_load %arg14[%get3A_152, %get3A_153] {strides = array<i32>} : memref<200x128xf32, #tpu.memory_space<vmem>>, vector<1x16xf32>,
          %get3A_155 = vector.shape_cast %get3A_154 : vector<1x16xf32> to vector<1x16xf32>
          %add3A_156 = arith.addf %get3A_151, %get3A_155 : vector<1x16xf32>
          %swap3A_157 = arith.index_cast %add3A_135 : i32 to index
          %swap3A_158 = arith.constant 16 : index
          %swap3A_159 = tpu.vector_load %arg13[%swap3A_157, %swap3A_158] {strides = array<i32>} : memref<200x128xf32, #tpu.memory_space<vmem>>, vector<1x16xf32>,
          %swap3A_160 = vector.shape_cast %swap3A_159 : vector<1x16xf32> to vector<1x16xf32>
          %swap3A_161 = vector.shape_cast %add3A_156 : vector<1x16xf32> to vector<1x16xf32>
          tpu.vector_store %arg13[%swap3A_157, %swap3A_158], %swap3A_161 {strides = array<i32>} : memref<200x128xf32, #tpu.memory_space<vmem>>, vector<1x16xf32>,
          %get3A_162 = arith.index_cast %add3A_135 : i32 to index
          %get3A_163 = arith.constant 32 : index
          %get3A_164 = tpu.vector_load %arg13[%get3A_162, %get3A_163] {strides = array<i32>} : memref<200x128xf32, #tpu.memory_space<vmem>>, vector<1x16xf32>,
          %get3A_165 = vector.shape_cast %get3A_164 : vector<1x16xf32> to vector<1x16xf32>
          %get3A_166 = arith.index_cast %add3A_135 : i32 to index
          %get3A_167 = arith.constant 32 : index
          %get3A_168 = tpu.vector_load %arg14[%get3A_166, %get3A_167] {strides = array<i32>} : memref<200x128xf32, #tpu.memory_space<vmem>>, vector<1x16xf32>,
          %get3A_169 = vector.shape_cast %get3A_168 : vector<1x16xf32> to vector<1x16xf32>
          %add3A_170 = arith.addf %get3A_165, %get3A_169 : vector<1x16xf32>
          %swap3A_171 = arith.index_cast %add3A_135 : i32 to index
          %swap3A_172 = arith.constant 32 : index
          %swap3A_173 = tpu.vector_load %arg13[%swap3A_171, %swap3A_172] {strides = array<i32>} : memref<200x128xf32, #tpu.memory_space<vmem>>, vector<1x16xf32>,
          %swap3A_174 = vector.shape_cast %swap3A_173 : vector<1x16xf32> to vector<1x16xf32>
          %swap3A_175 = vector.shape_cast %add3A_170 : vector<1x16xf32> to vector<1x16xf32>
          tpu.vector_store %arg13[%swap3A_171, %swap3A_172], %swap3A_175 {strides = array<i32>} : memref<200x128xf32, #tpu.memory_space<vmem>>, vector<1x16xf32>,
          %get3A_176 = arith.index_cast %add3A_135 : i32 to index
          %get3A_177 = arith.constant 48 : index
          %get3A_178 = tpu.vector_load %arg13[%get3A_176, %get3A_177] {strides = array<i32>} : memref<200x128xf32, #tpu.memory_space<vmem>>, vector<1x16xf32>,
          %get3A_179 = vector.shape_cast %get3A_178 : vector<1x16xf32> to vector<1x16xf32>
          %get3A_180 = arith.index_cast %add3A_135 : i32 to index
          %get3A_181 = arith.constant 48 : index
          %get3A_182 = tpu.vector_load %arg14[%get3A_180, %get3A_181] {strides = array<i32>} : memref<200x128xf32, #tpu.memory_space<vmem>>, vector<1x16xf32>,
          %get3A_183 = vector.shape_cast %get3A_182 : vector<1x16xf32> to vector<1x16xf32>
          %add3A_184 = arith.addf %get3A_179, %get3A_183 : vector<1x16xf32>
          %swap3A_185 = arith.index_cast %add3A_135 : i32 to index
          %swap3A_186 = arith.constant 48 : index
          %swap3A_187 = tpu.vector_load %arg13[%swap3A_185, %swap3A_186] {strides = array<i32>} : memref<200x128xf32, #tpu.memory_space<vmem>>, vector<1x16xf32>,
          %swap3A_188 = vector.shape_cast %swap3A_187 : vector<1x16xf32> to vector<1x16xf32>
          %swap3A_189 = vector.shape_cast %add3A_184 : vector<1x16xf32> to vector<1x16xf32>
          tpu.vector_store %arg13[%swap3A_185, %swap3A_186], %swap3A_189 {strides = array<i32>} : memref<200x128xf32, #tpu.memory_space<vmem>>, vector<1x16xf32>,
          %get3A_190 = arith.index_cast %add3A_135 : i32 to index
          %get3A_191 = arith.constant 64 : index
          %get3A_192 = tpu.vector_load %arg13[%get3A_190, %get3A_191] {strides = array<i32>} : memref<200x128xf32, #tpu.memory_space<vmem>>, vector<1x16xf32>,
          %get3A_193 = vector.shape_cast %get3A_192 : vector<1x16xf32> to vector<1x16xf32>
          %get3A_194 = arith.index_cast %add3A_135 : i32 to index
          %get3A_195 = arith.constant 64 : index
          %get3A_196 = tpu.vector_load %arg14[%get3A_194, %get3A_195] {strides = array<i32>} : memref<200x128xf32, #tpu.memory_space<vmem>>, vector<1x16xf32>,
          %get3A_197 = vector.shape_cast %get3A_196 : vector<1x16xf32> to vector<1x16xf32>
          %add3A_198 = arith.addf %get3A_193, %get3A_197 : vector<1x16xf32>
          %swap3A_199 = arith.index_cast %add3A_135 : i32 to index
          %swap3A_200 = arith.constant 64 : index
          %swap3A_201 = tpu.vector_load %arg13[%swap3A_199, %swap3A_200] {strides = array<i32>} : memref<200x128xf32, #tpu.memory_space<vmem>>, vector<1x16xf32>,
          %swap3A_202 = vector.shape_cast %swap3A_201 : vector<1x16xf32> to vector<1x16xf32>
          %swap3A_203 = vector.shape_cast %add3A_198 : vector<1x16xf32> to vector<1x16xf32>
          tpu.vector_store %arg13[%swap3A_199, %swap3A_200], %swap3A_203 {strides = array<i32>} : memref<200x128xf32, #tpu.memory_space<vmem>>, vector<1x16xf32>,
          %get3A_204 = arith.index_cast %add3A_135 : i32 to index
          %get3A_205 = arith.constant 80 : index
          %get3A_206 = tpu.vector_load %arg13[%get3A_204, %get3A_205] {strides = array<i32>} : memref<200x128xf32, #tpu.memory_space<vmem>>, vector<1x16xf32>,
          %get3A_207 = vector.shape_cast %get3A_206 : vector<1x16xf32> to vector<1x16xf32>
          %get3A_208 = arith.index_cast %add3A_135 : i32 to index
          %get3A_209 = arith.constant 80 : index
          %get3A_210 = tpu.vector_load %arg14[%get3A_208, %get3A_209] {strides = array<i32>} : memref<200x128xf32, #tpu.memory_space<vmem>>, vector<1x16xf32>,
          %get3A_211 = vector.shape_cast %get3A_210 : vector<1x16xf32> to vector<1x16xf32>
          %add3A_212 = arith.addf %get3A_207, %get3A_211 : vector<1x16xf32>
          %swap3A_213 = arith.index_cast %add3A_135 : i32 to index
          %swap3A_214 = arith.constant 80 : index
          %swap3A_215 = tpu.vector_load %arg13[%swap3A_213, %swap3A_214] {strides = array<i32>} : memref<200x128xf32, #tpu.memory_space<vmem>>, vector<1x16xf32>,
          %swap3A_216 = vector.shape_cast %swap3A_215 : vector<1x16xf32> to vector<1x16xf32>
          %swap3A_217 = vector.shape_cast %add3A_212 : vector<1x16xf32> to vector<1x16xf32>
          tpu.vector_store %arg13[%swap3A_213, %swap3A_214], %swap3A_217 {strides = array<i32>} : memref<200x128xf32, #tpu.memory_space<vmem>>, vector<1x16xf32>,
          %get3A_218 = arith.index_cast %add3A_135 : i32 to index
          %get3A_219 = arith.constant 96 : index
          %get3A_220 = tpu.vector_load %arg13[%get3A_218, %get3A_219] {strides = array<i32>} : memref<200x128xf32, #tpu.memory_space<vmem>>, vector<1x16xf32>,
          %get3A_221 = vector.shape_cast %get3A_220 : vector<1x16xf32> to vector<1x16xf32>
          %get3A_222 = arith.index_cast %add3A_135 : i32 to index
          %get3A_223 = arith.constant 96 : index
          %get3A_224 = tpu.vector_load %arg14[%get3A_222, %get3A_223] {strides = array<i32>} : memref<200x128xf32, #tpu.memory_space<vmem>>, vector<1x16xf32>,
          %get3A_225 = vector.shape_cast %get3A_224 : vector<1x16xf32> to vector<1x16xf32>
          %add3A_226 = arith.addf %get3A_221, %get3A_225 : vector<1x16xf32>
          %swap3A_227 = arith.index_cast %add3A_135 : i32 to index
          %swap3A_228 = arith.constant 96 : index
          %swap3A_229 = tpu.vector_load %arg13[%swap3A_227, %swap3A_228] {strides = array<i32>} : memref<200x128xf32, #tpu.memory_space<vmem>>, vector<1x16xf32>,
          %swap3A_230 = vector.shape_cast %swap3A_229 : vector<1x16xf32> to vector<1x16xf32>
          %swap3A_231 = vector.shape_cast %add3A_226 : vector<1x16xf32> to vector<1x16xf32>
          tpu.vector_store %arg13[%swap3A_227, %swap3A_228], %swap3A_231 {strides = array<i32>} : memref<200x128xf32, #tpu.memory_space<vmem>>, vector<1x16xf32>,
          %get3A_232 = arith.index_cast %add3A_135 : i32 to index
          %get3A_233 = arith.constant 112 : index
          %get3A_234 = tpu.vector_load %arg13[%get3A_232, %get3A_233] {strides = array<i32>} : memref<200x128xf32, #tpu.memory_space<vmem>>, vector<1x16xf32>,
          %get3A_235 = vector.shape_cast %get3A_234 : vector<1x16xf32> to vector<1x16xf32>
          %get3A_236 = arith.index_cast %add3A_135 : i32 to index
          %get3A_237 = arith.constant 112 : index
          %get3A_238 = tpu.vector_load %arg14[%get3A_236, %get3A_237] {strides = array<i32>} : memref<200x128xf32, #tpu.memory_space<vmem>>, vector<1x16xf32>,
          %get3A_239 = vector.shape_cast %get3A_238 : vector<1x16xf32> to vector<1x16xf32>
          %add3A_240 = arith.addf %get3A_235, %get3A_239 : vector<1x16xf32>
          %swap3A_241 = arith.index_cast %add3A_135 : i32 to index
          %swap3A_242 = arith.constant 112 : index
          %swap3A_243 = tpu.vector_load %arg13[%swap3A_241, %swap3A_242] {strides = array<i32>} : memref<200x128xf32, #tpu.memory_space<vmem>>, vector<1x16xf32>,
          %swap3A_244 = vector.shape_cast %swap3A_243 : vector<1x16xf32> to vector<1x16xf32>
          %swap3A_245 = vector.shape_cast %add3A_240 : vector<1x16xf32> to vector<1x16xf32>
          tpu.vector_store %arg13[%swap3A_241, %swap3A_242], %swap3A_245 {strides = array<i32>} : memref<200x128xf32, #tpu.memory_space<vmem>>, vector<1x16xf32>,
        }
        %scan3A_121 = arith.constant 200 : i32
        %mul3A_122 = arith.constant 32 : i32
        %mul3A_123 = arith.muli %add3A_96, %mul3A_122 : i32
        %add3A_124 = arith.addi %add3A, %mul3A_123 : i32
        %mul3A_125 = arith.constant 200 : i32
        %mul3A_126 = arith.muli %add3A_124, %mul3A_125 : i32
        %dma_start3A_127 = arith.constant 0 : i32
        %dma_start3A_128 = tpu.memref_slice %arg6[%mul3A_126, %dma_start3A_127] : memref<320000x128xf32, #tpu.memory_space<hbm>> -> memref<200x128xf32, #tpu.memory_space<hbm>>
        %dma_start3A_129 = arith.constant 0 : i32
        %dma_start3A_130 = tpu.memref_slice %arg6[%mul3A_126, %dma_start3A_129] : memref<320000x128xf32, #tpu.memory_space<hbm>> -> memref<200x128xf32, #tpu.memory_space<hbm>>
        tpu.enqueue_dma source(%arg13 : memref<200x128xf32, #tpu.memory_space<vmem>>) target(%dma_start3A_130 : memref<200x128xf32, #tpu.memory_space<hbm>>) target_semaphore(%arg20 : memref<!tpu.dma_semaphore, #tpu.memory_space<semaphore_mem>>)
      } else {
      }
    }
    %scan3A_52 = arith.constant 25 : i32
    %dma_wait3A_53 = arith.constant 0 : i32
    %dma_wait3A_54 = arith.constant 0 : i32
    %dma_wait3A_55 = tpu.memref_slice %arg6[%dma_wait3A_53, %dma_wait3A_54] : memref<320000x128xf32, #tpu.memory_space<hbm>> -> memref<200x128xf32, #tpu.memory_space<hbm>>
    %dma_wait3A_56 = arith.constant 0 : i32
    %dma_wait3A_57 = arith.constant 0 : i32
    %dma_wait3A_58 = tpu.memref_slice %arg6[%dma_wait3A_56, %dma_wait3A_57] : memref<320000x128xf32, #tpu.memory_space<hbm>> -> memref<200x128xf32, #tpu.memory_space<hbm>>
    tpu.wait_dma2 semaphore(%arg19 : memref<!tpu.dma_semaphore, #tpu.memory_space<semaphore_mem>>) src(%arg9 : memref<200x128xf32, #tpu.memory_space<vmem>>) dst(%dma_wait3A_58 : memref<200x128xf32, #tpu.memory_space<hbm>>)
    %dma_wait3A_59 = arith.constant 0 : i32
    %dma_wait3A_60 = arith.constant 0 : i32
    %dma_wait3A_61 = tpu.memref_slice %arg6[%dma_wait3A_59, %dma_wait3A_60] : memref<320000x128xf32, #tpu.memory_space<hbm>> -> memref<200x128xf32, #tpu.memory_space<hbm>>
    %dma_wait3A_62 = arith.constant 0 : i32
    %dma_wait3A_63 = arith.constant 0 : i32
    %dma_wait3A_64 = tpu.memref_slice %arg6[%dma_wait3A_62, %dma_wait3A_63] : memref<320000x128xf32, #tpu.memory_space<hbm>> -> memref<200x128xf32, #tpu.memory_space<hbm>>
    tpu.wait_dma2 semaphore(%arg20 : memref<!tpu.dma_semaphore, #tpu.memory_space<semaphore_mem>>) src(%arg13 : memref<200x128xf32, #tpu.memory_space<vmem>>) dst(%dma_wait3A_64 : memref<200x128xf32, #tpu.memory_space<hbm>>)
    return
  }
}

#map = affine_map<(d0, d1) -> (0, 0)>
#map1 = affine_map<(d0, d1) -> (0)>
#map2 = affine_map<(d0, d1) -> (0, 0, 0)>
module attributes {stable_mosaic.version = 14 : i64} {
  func.func @k(%arg0: i32, %arg1: i32, %arg2: memref<10000x128xf32, #tpu.memory_space<hbm>>, %arg3: memref<320000x128xf32, #tpu.memory_space<hbm>>, %arg4: memref<320000xi32, #tpu.memory_space<hbm>>, %arg5: memref<320000xi32, #tpu.memory_space<hbm>>, %arg6: memref<10240x128xf32, #tpu.memory_space<hbm>>, %arg7: memref<2x10240x128xf32, #tpu.memory_space<hbm>>, %arg8: memref<80xi32, #tpu.memory_space<vmem>>, %arg9: memref<80xi32, #tpu.memory_space<vmem>>, %arg10: memref<80x128xf32, #tpu.memory_space<vmem>>, %arg11: memref<80x128xf32, #tpu.memory_space<vmem>>, %arg12: memref<80xi32, #tpu.memory_space<vmem>>, %arg13: memref<80xi32, #tpu.memory_space<vmem>>, %arg14: memref<80x128xf32, #tpu.memory_space<vmem>>, %arg15: memref<80x128xf32, #tpu.memory_space<vmem>>, %arg16: memref<80xi32, #tpu.memory_space<vmem>>, %arg17: memref<80xi32, #tpu.memory_space<vmem>>, %arg18: memref<10240x128xf32, #tpu.memory_space<vmem_shared>>, %arg19: memref<!tpu.dma_semaphore, #tpu.memory_space<semaphore_mem>>, %arg20: memref<!tpu.dma_semaphore, #tpu.memory_space<semaphore_mem>>, %arg21: memref<!tpu.dma_semaphore, #tpu.memory_space<semaphore_mem>>, %arg22: memref<!tpu.dma_semaphore, #tpu.memory_space<semaphore_mem>>, %arg23: memref<!tpu.dma_semaphore, #tpu.memory_space<semaphore_mem>>, %arg24: memref<!tpu.dma_semaphore, #tpu.memory_space<semaphore_mem>>, %arg25: memref<!tpu.dma_semaphore, #tpu.memory_space<semaphore_mem>>, %arg26: memref<!tpu.dma_semaphore, #tpu.memory_space<semaphore_mem>>) attributes {dimension_semantics = [#tpu.dimension_semantics<core_parallel>, #tpu.dimension_semantics<subcore_parallel>], iteration_bounds = array<i64: 2, 16>, scalar_prefetch = 0 : i64, scratch_operands = 19 : i64, tpu.core_type = #tpu.core_type<sc_vector_subcore>, window_params = [{transform_indices = #map}, {transform_indices = #map}, {transform_indices = #map1}, {transform_indices = #map1}, {transform_indices = #map}, {transform_indices = #map2}]} {
    %mul3A = arith.constant 2 : i32
    %mul3A_0 = arith.muli %arg1, %mul3A : i32
    %add3A = arith.addi %mul3A_0, %arg0 : i32
    %mul3A_1 = arith.constant 640 : i32
    %mul3A_2 = arith.muli %arg1, %mul3A_1 : i32
    %mul3A_3 = arith.constant 640 : i32
    %mul3A_4 = arith.muli %arg1, %mul3A_3 : i32
    "tpu.region"() ({
      %run_scoped3A = tpu.sem_alloc : memref<!tpu.dma_semaphore, #tpu.memory_space<semaphore_mem>>
      %dma_start3A_65 = arith.constant 0 : i32
      %dma_start3A_66 = tpu.memref_slice %arg18[%mul3A_4, %dma_start3A_65] : memref<10240x128xf32, #tpu.memory_space<vmem_shared>> -> memref<640x128xf32, #tpu.memory_space<vmem_shared>>
      %dma_start3A_67 = arith.constant 0 : i32
      %dma_start3A_68 = tpu.memref_slice %arg6[%mul3A_2, %dma_start3A_67] : memref<10240x128xf32, #tpu.memory_space<hbm>> -> memref<640x128xf32, #tpu.memory_space<hbm>>
      tpu.enqueue_dma source(%dma_start3A_68 : memref<640x128xf32, #tpu.memory_space<hbm>>) target(%dma_start3A_66 : memref<640x128xf32, #tpu.memory_space<vmem_shared>>) target_semaphore(%run_scoped3A : memref<!tpu.dma_semaphore, #tpu.memory_space<semaphore_mem>>)
      %dma_wait3A_69 = arith.constant 0 : i32
      %dma_wait3A_70 = tpu.memref_slice %arg18[%mul3A_4, %dma_wait3A_69] : memref<10240x128xf32, #tpu.memory_space<vmem_shared>> -> memref<640x128xf32, #tpu.memory_space<vmem_shared>>
      %dma_wait3A_71 = arith.constant 0 : i32
      %dma_wait3A_72 = tpu.memref_slice %arg6[%mul3A_2, %dma_wait3A_71] : memref<10240x128xf32, #tpu.memory_space<hbm>> -> memref<640x128xf32, #tpu.memory_space<hbm>>
      tpu.wait_dma2 semaphore(%run_scoped3A : memref<!tpu.dma_semaphore, #tpu.memory_space<semaphore_mem>>) src(%dma_wait3A_72 : memref<640x128xf32, #tpu.memory_space<hbm>>) dst(%dma_wait3A_70 : memref<640x128xf32, #tpu.memory_space<vmem_shared>>)
      tpu.yield
    }) : () -> ()
    %barrier3A = arith.constant 0 : index
    tpu.barrier barrier_id(%barrier3A)
    %add3A_5 = arith.constant 0 : i32
    %add3A_6 = arith.addi %add3A, %add3A_5 : i32
    %mul3A_7 = arith.constant 80 : i32
    %mul3A_8 = arith.muli %add3A_6, %mul3A_7 : i32
    %dma_start3A = tpu.memref_slice %arg4[%mul3A_8] : memref<320000xi32, #tpu.memory_space<hbm>> -> memref<80xi32, #tpu.memory_space<hbm>>
    %dma_start3A_9 = tpu.memref_slice %arg4[%mul3A_8] : memref<320000xi32, #tpu.memory_space<hbm>> -> memref<80xi32, #tpu.memory_space<hbm>>
    tpu.enqueue_dma source(%dma_start3A_9 : memref<80xi32, #tpu.memory_space<hbm>>) target(%arg8 : memref<80xi32, #tpu.memory_space<vmem>>) target_semaphore(%arg25 : memref<!tpu.dma_semaphore, #tpu.memory_space<semaphore_mem>>)
    %add3A_10 = arith.constant 0 : i32
    %add3A_11 = arith.addi %add3A, %add3A_10 : i32
    %mul3A_12 = arith.constant 80 : i32
    %mul3A_13 = arith.muli %add3A_11, %mul3A_12 : i32
    %dma_start3A_14 = tpu.memref_slice %arg5[%mul3A_13] : memref<320000xi32, #tpu.memory_space<hbm>> -> memref<80xi32, #tpu.memory_space<hbm>>
    %dma_start3A_15 = tpu.memref_slice %arg5[%mul3A_13] : memref<320000xi32, #tpu.memory_space<hbm>> -> memref<80xi32, #tpu.memory_space<hbm>>
    tpu.enqueue_dma source(%dma_start3A_15 : memref<80xi32, #tpu.memory_space<hbm>>) target(%arg9 : memref<80xi32, #tpu.memory_space<vmem>>) target_semaphore(%arg25 : memref<!tpu.dma_semaphore, #tpu.memory_space<semaphore_mem>>)
    %add3A_16 = arith.constant 32 : i32
    %add3A_17 = arith.addi %add3A, %add3A_16 : i32
    %mul3A_18 = arith.constant 80 : i32
    %mul3A_19 = arith.muli %add3A_17, %mul3A_18 : i32
    %dma_start3A_20 = tpu.memref_slice %arg4[%mul3A_19] : memref<320000xi32, #tpu.memory_space<hbm>> -> memref<80xi32, #tpu.memory_space<hbm>>
    %dma_start3A_21 = tpu.memref_slice %arg4[%mul3A_19] : memref<320000xi32, #tpu.memory_space<hbm>> -> memref<80xi32, #tpu.memory_space<hbm>>
    tpu.enqueue_dma source(%dma_start3A_21 : memref<80xi32, #tpu.memory_space<hbm>>) target(%arg12 : memref<80xi32, #tpu.memory_space<vmem>>) target_semaphore(%arg26 : memref<!tpu.dma_semaphore, #tpu.memory_space<semaphore_mem>>)
    %add3A_22 = arith.constant 32 : i32
    %add3A_23 = arith.addi %add3A, %add3A_22 : i32
    %mul3A_24 = arith.constant 80 : i32
    %mul3A_25 = arith.muli %add3A_23, %mul3A_24 : i32
    %dma_start3A_26 = tpu.memref_slice %arg5[%mul3A_25] : memref<320000xi32, #tpu.memory_space<hbm>> -> memref<80xi32, #tpu.memory_space<hbm>>
    %dma_start3A_27 = tpu.memref_slice %arg5[%mul3A_25] : memref<320000xi32, #tpu.memory_space<hbm>> -> memref<80xi32, #tpu.memory_space<hbm>>
    tpu.enqueue_dma source(%dma_start3A_27 : memref<80xi32, #tpu.memory_space<hbm>>) target(%arg13 : memref<80xi32, #tpu.memory_space<vmem>>) target_semaphore(%arg26 : memref<!tpu.dma_semaphore, #tpu.memory_space<semaphore_mem>>)
    %add3A_28 = arith.constant 0 : i32
    %add3A_29 = arith.addi %add3A, %add3A_28 : i32
    %mul3A_30 = arith.constant 80 : i32
    %mul3A_31 = arith.muli %add3A_29, %mul3A_30 : i32
    %dma_wait3A = tpu.memref_slice %arg4[%mul3A_31] : memref<320000xi32, #tpu.memory_space<hbm>> -> memref<80xi32, #tpu.memory_space<hbm>>
    %dma_wait3A_32 = tpu.memref_slice %arg4[%mul3A_31] : memref<320000xi32, #tpu.memory_space<hbm>> -> memref<80xi32, #tpu.memory_space<hbm>>
    tpu.wait_dma2 semaphore(%arg25 : memref<!tpu.dma_semaphore, #tpu.memory_space<semaphore_mem>>) src(%dma_wait3A_32 : memref<80xi32, #tpu.memory_space<hbm>>) dst(%arg8 : memref<80xi32, #tpu.memory_space<vmem>>)
    %add3A_33 = arith.constant 0 : i32
    %add3A_34 = arith.addi %add3A, %add3A_33 : i32
    %mul3A_35 = arith.constant 80 : i32
    %mul3A_36 = arith.muli %add3A_34, %mul3A_35 : i32
    %dma_wait3A_37 = tpu.memref_slice %arg5[%mul3A_36] : memref<320000xi32, #tpu.memory_space<hbm>> -> memref<80xi32, #tpu.memory_space<hbm>>
    %dma_wait3A_38 = tpu.memref_slice %arg5[%mul3A_36] : memref<320000xi32, #tpu.memory_space<hbm>> -> memref<80xi32, #tpu.memory_space<hbm>>
    tpu.wait_dma2 semaphore(%arg25 : memref<!tpu.dma_semaphore, #tpu.memory_space<semaphore_mem>>) src(%dma_wait3A_38 : memref<80xi32, #tpu.memory_space<hbm>>) dst(%arg9 : memref<80xi32, #tpu.memory_space<vmem>>)
    %dma_start3A_39 = arith.constant 0 : i32
    %dma_start3A_40 = arith.constant 0 : i32
    %dma_start3A_41 = tpu.memref_slice %arg2[%dma_start3A_39, %dma_start3A_40] : memref<10000x128xf32, #tpu.memory_space<hbm>> -> memref<10000x128xf32, #tpu.memory_space<hbm>>
    tpu.enqueue_indirect_dma source(%dma_start3A_41 : memref<10000x128xf32, #tpu.memory_space<hbm>>) target(%arg10 : memref<80x128xf32, #tpu.memory_space<vmem>>) offsets(%arg8 : memref<80xi32, #tpu.memory_space<vmem>>) semaphore(%arg19 : memref<!tpu.dma_semaphore, #tpu.memory_space<semaphore_mem>>)
    %add3A_42 = arith.constant 0 : i32
    %add3A_43 = arith.addi %add3A, %add3A_42 : i32
    %mul3A_44 = arith.constant 80 : i32
    %mul3A_45 = arith.muli %add3A_43, %mul3A_44 : i32
    %dma_start3A_46 = arith.constant 0 : i32
    %dma_start3A_47 = tpu.memref_slice %arg3[%mul3A_45, %dma_start3A_46] : memref<320000x128xf32, #tpu.memory_space<hbm>> -> memref<80x128xf32, #tpu.memory_space<hbm>>
    %dma_start3A_48 = arith.constant 0 : i32
    %dma_start3A_49 = tpu.memref_slice %arg3[%mul3A_45, %dma_start3A_48] : memref<320000x128xf32, #tpu.memory_space<hbm>> -> memref<80x128xf32, #tpu.memory_space<hbm>>
    tpu.enqueue_dma source(%dma_start3A_49 : memref<80x128xf32, #tpu.memory_space<hbm>>) target(%arg11 : memref<80x128xf32, #tpu.memory_space<vmem>>) target_semaphore(%arg20 : memref<!tpu.dma_semaphore, #tpu.memory_space<semaphore_mem>>)
    %scan3A = arith.constant 0 : i32
    %scan3A_50 = arith.constant 63 : i32
    %scan3A_51 = arith.addi %scan3A, %scan3A_50 : i32
    %scan3A_52 = arith.constant 1 : i32
    scf.for %scan3A_65 = %scan3A to %scan3A_51 step %scan3A_52  : i32 {
      %mul3A_66 = arith.constant 1 : i32
      %mul3A_67 = arith.muli %scan3A_65, %mul3A_66 : i32
      %add3A_68 = arith.constant 0 : i32
      %add3A_69 = arith.addi %add3A_68, %mul3A_67 : i32
      %mul3A_70 = arith.constant 2 : i32
      %mul3A_71 = arith.muli %add3A_69, %mul3A_70 : i32
      %add3A_72 = arith.constant 0 : i32
      %add3A_73 = arith.addi %mul3A_71, %add3A_72 : i32
      %lt3A = arith.constant 125 : i32
      %lt3A_74 = arith.cmpi slt, %add3A_73, %lt3A : i32
      %convert_element_type3A = arith.extui %lt3A_74 : i1 to i32
      %cond3A = arith.constant 0 : i32
      %cond3A_75 = arith.cmpi ne, %convert_element_type3A, %cond3A : i32
      scf.if %cond3A_75 {
        %dma_wait3A_133 = arith.constant 0 : i32
        %dma_wait3A_134 = arith.constant 0 : i32
        %dma_wait3A_135 = tpu.memref_slice %arg2[%dma_wait3A_133, %dma_wait3A_134] : memref<10000x128xf32, #tpu.memory_space<hbm>> -> memref<10000x128xf32, #tpu.memory_space<hbm>>
        tpu.wait_indirect_dma semaphore(%arg19 : memref<!tpu.dma_semaphore, #tpu.memory_space<semaphore_mem>>) src(%dma_wait3A_135 : memref<10000x128xf32, #tpu.memory_space<hbm>>) dst(%arg10 : memref<80x128xf32, #tpu.memory_space<vmem>>)
        %mul3A_136 = arith.constant 32 : i32
        %mul3A_137 = arith.muli %add3A_73, %mul3A_136 : i32
        %add3A_138 = arith.addi %add3A, %mul3A_137 : i32
        %mul3A_139 = arith.constant 80 : i32
        %mul3A_140 = arith.muli %add3A_138, %mul3A_139 : i32
        %dma_wait3A_141 = arith.constant 0 : i32
        %dma_wait3A_142 = tpu.memref_slice %arg3[%mul3A_140, %dma_wait3A_141] : memref<320000x128xf32, #tpu.memory_space<hbm>> -> memref<80x128xf32, #tpu.memory_space<hbm>>
        %dma_wait3A_143 = arith.constant 0 : i32
        %dma_wait3A_144 = tpu.memref_slice %arg3[%mul3A_140, %dma_wait3A_143] : memref<320000x128xf32, #tpu.memory_space<hbm>> -> memref<80x128xf32, #tpu.memory_space<hbm>>
        tpu.wait_dma2 semaphore(%arg20 : memref<!tpu.dma_semaphore, #tpu.memory_space<semaphore_mem>>) src(%dma_wait3A_144 : memref<80x128xf32, #tpu.memory_space<hbm>>) dst(%arg11 : memref<80x128xf32, #tpu.memory_space<vmem>>)
      } else {
      }
      %add3A_76 = arith.constant 1 : i32
      %add3A_77 = arith.addi %add3A_73, %add3A_76 : i32
      %lt3A_78 = arith.constant 125 : i32
      %lt3A_79 = arith.cmpi slt, %add3A_77, %lt3A_78 : i32
      %convert_element_type3A_80 = arith.extui %lt3A_79 : i1 to i32
      %cond3A_81 = arith.constant 0 : i32
      %cond3A_82 = arith.cmpi ne, %convert_element_type3A_80, %cond3A_81 : i32
      scf.if %cond3A_82 {
        %ge3A = arith.constant 1 : i32
        %ge3A_133 = arith.cmpi sge, %add3A_73, %ge3A : i32
        %convert_element_type3A_134 = arith.extui %ge3A_133 : i1 to i32
        %cond3A_135 = arith.constant 0 : i32
        %cond3A_136 = arith.cmpi ne, %convert_element_type3A_134, %cond3A_135 : i32
        scf.if %cond3A_136 {
          %dma_wait3A_167 = arith.constant 0 : i32
          %dma_wait3A_168 = arith.constant 0 : i32
          %dma_wait3A_169 = tpu.memref_slice %arg18[%dma_wait3A_167, %dma_wait3A_168] : memref<10240x128xf32, #tpu.memory_space<vmem_shared>> -> memref<10240x128xf32, #tpu.memory_space<vmem_shared>>
          tpu.wait_indirect_dma semaphore(%arg24 : memref<!tpu.dma_semaphore, #tpu.memory_space<semaphore_mem>>) src(%arg15 : memref<80x128xf32, #tpu.memory_space<vmem>>) dst(%dma_wait3A_169 : memref<10240x128xf32, #tpu.memory_space<vmem_shared>>)
        } else {
        }
        %add3A_137 = arith.constant 1 : i32
        %add3A_138 = arith.addi %add3A_73, %add3A_137 : i32
        %mul3A_139 = arith.constant 32 : i32
        %mul3A_140 = arith.muli %add3A_138, %mul3A_139 : i32
        %add3A_141 = arith.addi %add3A, %mul3A_140 : i32
        %mul3A_142 = arith.constant 80 : i32
        %mul3A_143 = arith.muli %add3A_141, %mul3A_142 : i32
        %dma_wait3A_144 = tpu.memref_slice %arg4[%mul3A_143] : memref<320000xi32, #tpu.memory_space<hbm>> -> memref<80xi32, #tpu.memory_space<hbm>>
        %dma_wait3A_145 = tpu.memref_slice %arg4[%mul3A_143] : memref<320000xi32, #tpu.memory_space<hbm>> -> memref<80xi32, #tpu.memory_space<hbm>>
        tpu.wait_dma2 semaphore(%arg26 : memref<!tpu.dma_semaphore, #tpu.memory_space<semaphore_mem>>) src(%dma_wait3A_145 : memref<80xi32, #tpu.memory_space<hbm>>) dst(%arg12 : memref<80xi32, #tpu.memory_space<vmem>>)
        %mul3A_146 = arith.constant 32 : i32
        %mul3A_147 = arith.muli %add3A_138, %mul3A_146 : i32
        %add3A_148 = arith.addi %add3A, %mul3A_147 : i32
        %mul3A_149 = arith.constant 80 : i32
        %mul3A_150 = arith.muli %add3A_148, %mul3A_149 : i32
        %dma_wait3A_151 = tpu.memref_slice %arg5[%mul3A_150] : memref<320000xi32, #tpu.memory_space<hbm>> -> memref<80xi32, #tpu.memory_space<hbm>>
        %dma_wait3A_152 = tpu.memref_slice %arg5[%mul3A_150] : memref<320000xi32, #tpu.memory_space<hbm>> -> memref<80xi32, #tpu.memory_space<hbm>>
        tpu.wait_dma2 semaphore(%arg26 : memref<!tpu.dma_semaphore, #tpu.memory_space<semaphore_mem>>) src(%dma_wait3A_152 : memref<80xi32, #tpu.memory_space<hbm>>) dst(%arg13 : memref<80xi32, #tpu.memory_space<vmem>>)
        %add3A_153 = arith.constant 1 : i32
        %add3A_154 = arith.addi %add3A_73, %add3A_153 : i32
        %dma_start3A_155 = arith.constant 0 : i32
        %dma_start3A_156 = arith.constant 0 : i32
        %dma_start3A_157 = tpu.memref_slice %arg2[%dma_start3A_155, %dma_start3A_156] : memref<10000x128xf32, #tpu.memory_space<hbm>> -> memref<10000x128xf32, #tpu.memory_space<hbm>>
        tpu.enqueue_indirect_dma source(%dma_start3A_157 : memref<10000x128xf32, #tpu.memory_space<hbm>>) target(%arg14 : memref<80x128xf32, #tpu.memory_space<vmem>>) offsets(%arg12 : memref<80xi32, #tpu.memory_space<vmem>>) semaphore(%arg21 : memref<!tpu.dma_semaphore, #tpu.memory_space<semaphore_mem>>)
        %mul3A_158 = arith.constant 32 : i32
        %mul3A_159 = arith.muli %add3A_154, %mul3A_158 : i32
        %add3A_160 = arith.addi %add3A, %mul3A_159 : i32
        %mul3A_161 = arith.constant 80 : i32
        %mul3A_162 = arith.muli %add3A_160, %mul3A_161 : i32
        %dma_start3A_163 = arith.constant 0 : i32
        %dma_start3A_164 = tpu.memref_slice %arg3[%mul3A_162, %dma_start3A_163] : memref<320000x128xf32, #tpu.memory_space<hbm>> -> memref<80x128xf32, #tpu.memory_space<hbm>>
        %dma_start3A_165 = arith.constant 0 : i32
        %dma_start3A_166 = tpu.memref_slice %arg3[%mul3A_162, %dma_start3A_165] : memref<320000x128xf32, #tpu.memory_space<hbm>> -> memref<80x128xf32, #tpu.memory_space<hbm>>
        tpu.enqueue_dma source(%dma_start3A_166 : memref<80x128xf32, #tpu.memory_space<hbm>>) target(%arg15 : memref<80x128xf32, #tpu.memory_space<vmem>>) target_semaphore(%arg22 : memref<!tpu.dma_semaphore, #tpu.memory_space<semaphore_mem>>)
      } else {
      }
      %lt3A_83 = arith.constant 125 : i32
      %lt3A_84 = arith.cmpi slt, %add3A_73, %lt3A_83 : i32
      %convert_element_type3A_85 = arith.extui %lt3A_84 : i1 to i32
      %cond3A_86 = arith.constant 0 : i32
      %cond3A_87 = arith.cmpi ne, %convert_element_type3A_85, %cond3A_86 : i32
      scf.if %cond3A_87 {
        %get3A = arith.constant 0 : index
        %get3A_133 = tpu.vector_load %arg9[%get3A] {strides = array<i32>} : memref<80xi32, #tpu.memory_space<vmem>>, vector<16xi32>,
        %get3A_134 = vector.shape_cast %get3A_133 : vector<16xi32> to vector<16xi32>
        %swap3A = arith.constant 0 : index
        %swap3A_135 = tpu.vector_load %arg16[%swap3A] {strides = array<i32>} : memref<80xi32, #tpu.memory_space<vmem>>, vector<16xi32>,
        %swap3A_136 = vector.shape_cast %swap3A_135 : vector<16xi32> to vector<16xi32>
        %swap3A_137 = vector.shape_cast %get3A_134 : vector<16xi32> to vector<16xi32>
        tpu.vector_store %arg16[%swap3A], %swap3A_137 {strides = array<i32>} : memref<80xi32, #tpu.memory_space<vmem>>, vector<16xi32>,
        %get3A_138 = arith.constant 16 : index
        %get3A_139 = tpu.vector_load %arg9[%get3A_138] {strides = array<i32>} : memref<80xi32, #tpu.memory_space<vmem>>, vector<16xi32>,
        %get3A_140 = vector.shape_cast %get3A_139 : vector<16xi32> to vector<16xi32>
        %swap3A_141 = arith.constant 16 : index
        %swap3A_142 = tpu.vector_load %arg16[%swap3A_141] {strides = array<i32>} : memref<80xi32, #tpu.memory_space<vmem>>, vector<16xi32>,
        %swap3A_143 = vector.shape_cast %swap3A_142 : vector<16xi32> to vector<16xi32>
        %swap3A_144 = vector.shape_cast %get3A_140 : vector<16xi32> to vector<16xi32>
        tpu.vector_store %arg16[%swap3A_141], %swap3A_144 {strides = array<i32>} : memref<80xi32, #tpu.memory_space<vmem>>, vector<16xi32>,
        %get3A_145 = arith.constant 32 : index
        %get3A_146 = tpu.vector_load %arg9[%get3A_145] {strides = array<i32>} : memref<80xi32, #tpu.memory_space<vmem>>, vector<16xi32>,
        %get3A_147 = vector.shape_cast %get3A_146 : vector<16xi32> to vector<16xi32>
        %swap3A_148 = arith.constant 32 : index
        %swap3A_149 = tpu.vector_load %arg16[%swap3A_148] {strides = array<i32>} : memref<80xi32, #tpu.memory_space<vmem>>, vector<16xi32>,
        %swap3A_150 = vector.shape_cast %swap3A_149 : vector<16xi32> to vector<16xi32>
        %swap3A_151 = vector.shape_cast %get3A_147 : vector<16xi32> to vector<16xi32>
        tpu.vector_store %arg16[%swap3A_148], %swap3A_151 {strides = array<i32>} : memref<80xi32, #tpu.memory_space<vmem>>, vector<16xi32>,
        %get3A_152 = arith.constant 48 : index
        %get3A_153 = tpu.vector_load %arg9[%get3A_152] {strides = array<i32>} : memref<80xi32, #tpu.memory_space<vmem>>, vector<16xi32>,
        %get3A_154 = vector.shape_cast %get3A_153 : vector<16xi32> to vector<16xi32>
        %swap3A_155 = arith.constant 48 : index
        %swap3A_156 = tpu.vector_load %arg16[%swap3A_155] {strides = array<i32>} : memref<80xi32, #tpu.memory_space<vmem>>, vector<16xi32>,
        %swap3A_157 = vector.shape_cast %swap3A_156 : vector<16xi32> to vector<16xi32>
        %swap3A_158 = vector.shape_cast %get3A_154 : vector<16xi32> to vector<16xi32>
        tpu.vector_store %arg16[%swap3A_155], %swap3A_158 {strides = array<i32>} : memref<80xi32, #tpu.memory_space<vmem>>, vector<16xi32>,
        %get3A_159 = arith.constant 64 : index
        %get3A_160 = tpu.vector_load %arg9[%get3A_159] {strides = array<i32>} : memref<80xi32, #tpu.memory_space<vmem>>, vector<16xi32>,
        %get3A_161 = vector.shape_cast %get3A_160 : vector<16xi32> to vector<16xi32>
        %swap3A_162 = arith.constant 64 : index
        %swap3A_163 = tpu.vector_load %arg16[%swap3A_162] {strides = array<i32>} : memref<80xi32, #tpu.memory_space<vmem>>, vector<16xi32>,
        %swap3A_164 = vector.shape_cast %swap3A_163 : vector<16xi32> to vector<16xi32>
        %swap3A_165 = vector.shape_cast %get3A_161 : vector<16xi32> to vector<16xi32>
        tpu.vector_store %arg16[%swap3A_162], %swap3A_165 {strides = array<i32>} : memref<80xi32, #tpu.memory_space<vmem>>, vector<16xi32>,
      } else {
      }
      %add3A_88 = arith.constant 2 : i32
      %add3A_89 = arith.addi %add3A_73, %add3A_88 : i32
      %lt3A_90 = arith.constant 125 : i32
      %lt3A_91 = arith.cmpi slt, %add3A_89, %lt3A_90 : i32
      %convert_element_type3A_92 = arith.extui %lt3A_91 : i1 to i32
      %cond3A_93 = arith.constant 0 : i32
      %cond3A_94 = arith.cmpi ne, %convert_element_type3A_92, %cond3A_93 : i32
      scf.if %cond3A_94 {
        %add3A_133 = arith.constant 2 : i32
        %add3A_134 = arith.addi %add3A_73, %add3A_133 : i32
        %mul3A_135 = arith.constant 32 : i32
        %mul3A_136 = arith.muli %add3A_134, %mul3A_135 : i32
        %add3A_137 = arith.addi %add3A, %mul3A_136 : i32
        %mul3A_138 = arith.constant 80 : i32
        %mul3A_139 = arith.muli %add3A_137, %mul3A_138 : i32
        %dma_start3A_140 = tpu.memref_slice %arg4[%mul3A_139] : memref<320000xi32, #tpu.memory_space<hbm>> -> memref<80xi32, #tpu.memory_space<hbm>>
        %dma_start3A_141 = tpu.memref_slice %arg4[%mul3A_139] : memref<320000xi32, #tpu.memory_space<hbm>> -> memref<80xi32, #tpu.memory_space<hbm>>
        tpu.enqueue_dma source(%dma_start3A_141 : memref<80xi32, #tpu.memory_space<hbm>>) target(%arg8 : memref<80xi32, #tpu.memory_space<vmem>>) target_semaphore(%arg25 : memref<!tpu.dma_semaphore, #tpu.memory_space<semaphore_mem>>)
        %mul3A_142 = arith.constant 32 : i32
        %mul3A_143 = arith.muli %add3A_134, %mul3A_142 : i32
        %add3A_144 = arith.addi %add3A, %mul3A_143 : i32
        %mul3A_145 = arith.constant 80 : i32
        %mul3A_146 = arith.muli %add3A_144, %mul3A_145 : i32
        %dma_start3A_147 = tpu.memref_slice %arg5[%mul3A_146] : memref<320000xi32, #tpu.memory_space<hbm>> -> memref<80xi32, #tpu.memory_space<hbm>>
        %dma_start3A_148 = tpu.memref_slice %arg5[%mul3A_146] : memref<320000xi32, #tpu.memory_space<hbm>> -> memref<80xi32, #tpu.memory_space<hbm>>
        tpu.enqueue_dma source(%dma_start3A_148 : memref<80xi32, #tpu.memory_space<hbm>>) target(%arg9 : memref<80xi32, #tpu.memory_space<vmem>>) target_semaphore(%arg25 : memref<!tpu.dma_semaphore, #tpu.memory_space<semaphore_mem>>)
      } else {
      }
      %lt3A_95 = arith.constant 125 : i32
      %lt3A_96 = arith.cmpi slt, %add3A_73, %lt3A_95 : i32
      %convert_element_type3A_97 = arith.extui %lt3A_96 : i1 to i32
      %cond3A_98 = arith.constant 0 : i32
      %cond3A_99 = arith.cmpi ne, %convert_element_type3A_97, %cond3A_98 : i32
      scf.if %cond3A_99 {
        %scan3A_133 = arith.constant 0 : i32
        %scan3A_134 = arith.constant 80 : i32
        %scan3A_135 = arith.addi %scan3A_133, %scan3A_134 : i32
        %scan3A_136 = arith.constant 1 : i32
        scf.for %scan3A_141 = %scan3A_133 to %scan3A_135 step %scan3A_136  : i32 {
          %mul3A_142 = arith.constant 1 : i32
          %mul3A_143 = arith.muli %scan3A_141, %mul3A_142 : i32
          %add3A_144 = arith.constant 0 : i32
          %add3A_145 = arith.addi %add3A_144, %mul3A_143 : i32
          %get3A = arith.index_cast %add3A_145 : i32 to index
          %get3A_146 = arith.constant 0 : index
          %get3A_147 = tpu.vector_load %arg11[%get3A, %get3A_146] {strides = array<i32>} : memref<80x128xf32, #tpu.memory_space<vmem>>, vector<1x16xf32>,
          %get3A_148 = vector.shape_cast %get3A_147 : vector<1x16xf32> to vector<1x16xf32>
          %get3A_149 = arith.index_cast %add3A_145 : i32 to index
          %get3A_150 = arith.constant 0 : index
          %get3A_151 = tpu.vector_load %arg10[%get3A_149, %get3A_150] {strides = array<i32>} : memref<80x128xf32, #tpu.memory_space<vmem>>, vector<1x16xf32>,
          %get3A_152 = vector.shape_cast %get3A_151 : vector<1x16xf32> to vector<1x16xf32>
          %add3A_153 = arith.addf %get3A_148, %get3A_152 : vector<1x16xf32>
          %max3A = arith.constant 0.000000e+00 : f32
          %max3A_154 = vector.broadcast %max3A : f32 to vector<1x16xf32>
          %max3A_155 = arith.maximumf %add3A_153, %max3A_154 : vector<1x16xf32>
          %swap3A = arith.index_cast %add3A_145 : i32 to index
          %swap3A_156 = arith.constant 0 : index
          %swap3A_157 = tpu.vector_load %arg11[%swap3A, %swap3A_156] {strides = array<i32>} : memref<80x128xf32, #tpu.memory_space<vmem>>, vector<1x16xf32>,
          %swap3A_158 = vector.shape_cast %swap3A_157 : vector<1x16xf32> to vector<1x16xf32>
          %swap3A_159 = vector.shape_cast %max3A_155 : vector<1x16xf32> to vector<1x16xf32>
          tpu.vector_store %arg11[%swap3A, %swap3A_156], %swap3A_159 {strides = array<i32>} : memref<80x128xf32, #tpu.memory_space<vmem>>, vector<1x16xf32>,
          %get3A_160 = arith.index_cast %add3A_145 : i32 to index
          %get3A_161 = arith.constant 16 : index
          %get3A_162 = tpu.vector_load %arg11[%get3A_160, %get3A_161] {strides = array<i32>} : memref<80x128xf32, #tpu.memory_space<vmem>>, vector<1x16xf32>,
          %get3A_163 = vector.shape_cast %get3A_162 : vector<1x16xf32> to vector<1x16xf32>
          %get3A_164 = arith.index_cast %add3A_145 : i32 to index
          %get3A_165 = arith.constant 16 : index
          %get3A_166 = tpu.vector_load %arg10[%get3A_164, %get3A_165] {strides = array<i32>} : memref<80x128xf32, #tpu.memory_space<vmem>>, vector<1x16xf32>,
          %get3A_167 = vector.shape_cast %get3A_166 : vector<1x16xf32> to vector<1x16xf32>
          %add3A_168 = arith.addf %get3A_163, %get3A_167 : vector<1x16xf32>
          %max3A_169 = arith.constant 0.000000e+00 : f32
          %max3A_170 = vector.broadcast %max3A_169 : f32 to vector<1x16xf32>
          %max3A_171 = arith.maximumf %add3A_168, %max3A_170 : vector<1x16xf32>
          %swap3A_172 = arith.index_cast %add3A_145 : i32 to index
          %swap3A_173 = arith.constant 16 : index
          %swap3A_174 = tpu.vector_load %arg11[%swap3A_172, %swap3A_173] {strides = array<i32>} : memref<80x128xf32, #tpu.memory_space<vmem>>, vector<1x16xf32>,
          %swap3A_175 = vector.shape_cast %swap3A_174 : vector<1x16xf32> to vector<1x16xf32>
          %swap3A_176 = vector.shape_cast %max3A_171 : vector<1x16xf32> to vector<1x16xf32>
          tpu.vector_store %arg11[%swap3A_172, %swap3A_173], %swap3A_176 {strides = array<i32>} : memref<80x128xf32, #tpu.memory_space<vmem>>, vector<1x16xf32>,
          %get3A_177 = arith.index_cast %add3A_145 : i32 to index
          %get3A_178 = arith.constant 32 : index
          %get3A_179 = tpu.vector_load %arg11[%get3A_177, %get3A_178] {strides = array<i32>} : memref<80x128xf32, #tpu.memory_space<vmem>>, vector<1x16xf32>,
          %get3A_180 = vector.shape_cast %get3A_179 : vector<1x16xf32> to vector<1x16xf32>
          %get3A_181 = arith.index_cast %add3A_145 : i32 to index
          %get3A_182 = arith.constant 32 : index
          %get3A_183 = tpu.vector_load %arg10[%get3A_181, %get3A_182] {strides = array<i32>} : memref<80x128xf32, #tpu.memory_space<vmem>>, vector<1x16xf32>,
          %get3A_184 = vector.shape_cast %get3A_183 : vector<1x16xf32> to vector<1x16xf32>
          %add3A_185 = arith.addf %get3A_180, %get3A_184 : vector<1x16xf32>
          %max3A_186 = arith.constant 0.000000e+00 : f32
          %max3A_187 = vector.broadcast %max3A_186 : f32 to vector<1x16xf32>
          %max3A_188 = arith.maximumf %add3A_185, %max3A_187 : vector<1x16xf32>
          %swap3A_189 = arith.index_cast %add3A_145 : i32 to index
          %swap3A_190 = arith.constant 32 : index
          %swap3A_191 = tpu.vector_load %arg11[%swap3A_189, %swap3A_190] {strides = array<i32>} : memref<80x128xf32, #tpu.memory_space<vmem>>, vector<1x16xf32>,
          %swap3A_192 = vector.shape_cast %swap3A_191 : vector<1x16xf32> to vector<1x16xf32>
          %swap3A_193 = vector.shape_cast %max3A_188 : vector<1x16xf32> to vector<1x16xf32>
          tpu.vector_store %arg11[%swap3A_189, %swap3A_190], %swap3A_193 {strides = array<i32>} : memref<80x128xf32, #tpu.memory_space<vmem>>, vector<1x16xf32>,
          %get3A_194 = arith.index_cast %add3A_145 : i32 to index
          %get3A_195 = arith.constant 48 : index
          %get3A_196 = tpu.vector_load %arg11[%get3A_194, %get3A_195] {strides = array<i32>} : memref<80x128xf32, #tpu.memory_space<vmem>>, vector<1x16xf32>,
          %get3A_197 = vector.shape_cast %get3A_196 : vector<1x16xf32> to vector<1x16xf32>
          %get3A_198 = arith.index_cast %add3A_145 : i32 to index
          %get3A_199 = arith.constant 48 : index
          %get3A_200 = tpu.vector_load %arg10[%get3A_198, %get3A_199] {strides = array<i32>} : memref<80x128xf32, #tpu.memory_space<vmem>>, vector<1x16xf32>,
          %get3A_201 = vector.shape_cast %get3A_200 : vector<1x16xf32> to vector<1x16xf32>
          %add3A_202 = arith.addf %get3A_197, %get3A_201 : vector<1x16xf32>
          %max3A_203 = arith.constant 0.000000e+00 : f32
          %max3A_204 = vector.broadcast %max3A_203 : f32 to vector<1x16xf32>
          %max3A_205 = arith.maximumf %add3A_202, %max3A_204 : vector<1x16xf32>
          %swap3A_206 = arith.index_cast %add3A_145 : i32 to index
          %swap3A_207 = arith.constant 48 : index
          %swap3A_208 = tpu.vector_load %arg11[%swap3A_206, %swap3A_207] {strides = array<i32>} : memref<80x128xf32, #tpu.memory_space<vmem>>, vector<1x16xf32>,
          %swap3A_209 = vector.shape_cast %swap3A_208 : vector<1x16xf32> to vector<1x16xf32>
          %swap3A_210 = vector.shape_cast %max3A_205 : vector<1x16xf32> to vector<1x16xf32>
          tpu.vector_store %arg11[%swap3A_206, %swap3A_207], %swap3A_210 {strides = array<i32>} : memref<80x128xf32, #tpu.memory_space<vmem>>, vector<1x16xf32>,
          %get3A_211 = arith.index_cast %add3A_145 : i32 to index
          %get3A_212 = arith.constant 64 : index
          %get3A_213 = tpu.vector_load %arg11[%get3A_211, %get3A_212] {strides = array<i32>} : memref<80x128xf32, #tpu.memory_space<vmem>>, vector<1x16xf32>,
          %get3A_214 = vector.shape_cast %get3A_213 : vector<1x16xf32> to vector<1x16xf32>
          %get3A_215 = arith.index_cast %add3A_145 : i32 to index
          %get3A_216 = arith.constant 64 : index
          %get3A_217 = tpu.vector_load %arg10[%get3A_215, %get3A_216] {strides = array<i32>} : memref<80x128xf32, #tpu.memory_space<vmem>>, vector<1x16xf32>,
          %get3A_218 = vector.shape_cast %get3A_217 : vector<1x16xf32> to vector<1x16xf32>
          %add3A_219 = arith.addf %get3A_214, %get3A_218 : vector<1x16xf32>
          %max3A_220 = arith.constant 0.000000e+00 : f32
          %max3A_221 = vector.broadcast %max3A_220 : f32 to vector<1x16xf32>
          %max3A_222 = arith.maximumf %add3A_219, %max3A_221 : vector<1x16xf32>
          %swap3A_223 = arith.index_cast %add3A_145 : i32 to index
          %swap3A_224 = arith.constant 64 : index
          %swap3A_225 = tpu.vector_load %arg11[%swap3A_223, %swap3A_224] {strides = array<i32>} : memref<80x128xf32, #tpu.memory_space<vmem>>, vector<1x16xf32>,
          %swap3A_226 = vector.shape_cast %swap3A_225 : vector<1x16xf32> to vector<1x16xf32>
          %swap3A_227 = vector.shape_cast %max3A_222 : vector<1x16xf32> to vector<1x16xf32>
          tpu.vector_store %arg11[%swap3A_223, %swap3A_224], %swap3A_227 {strides = array<i32>} : memref<80x128xf32, #tpu.memory_space<vmem>>, vector<1x16xf32>,
          %get3A_228 = arith.index_cast %add3A_145 : i32 to index
          %get3A_229 = arith.constant 80 : index
          %get3A_230 = tpu.vector_load %arg11[%get3A_228, %get3A_229] {strides = array<i32>} : memref<80x128xf32, #tpu.memory_space<vmem>>, vector<1x16xf32>,
          %get3A_231 = vector.shape_cast %get3A_230 : vector<1x16xf32> to vector<1x16xf32>
          %get3A_232 = arith.index_cast %add3A_145 : i32 to index
          %get3A_233 = arith.constant 80 : index
          %get3A_234 = tpu.vector_load %arg10[%get3A_232, %get3A_233] {strides = array<i32>} : memref<80x128xf32, #tpu.memory_space<vmem>>, vector<1x16xf32>,
          %get3A_235 = vector.shape_cast %get3A_234 : vector<1x16xf32> to vector<1x16xf32>
          %add3A_236 = arith.addf %get3A_231, %get3A_235 : vector<1x16xf32>
          %max3A_237 = arith.constant 0.000000e+00 : f32
          %max3A_238 = vector.broadcast %max3A_237 : f32 to vector<1x16xf32>
          %max3A_239 = arith.maximumf %add3A_236, %max3A_238 : vector<1x16xf32>
          %swap3A_240 = arith.index_cast %add3A_145 : i32 to index
          %swap3A_241 = arith.constant 80 : index
          %swap3A_242 = tpu.vector_load %arg11[%swap3A_240, %swap3A_241] {strides = array<i32>} : memref<80x128xf32, #tpu.memory_space<vmem>>, vector<1x16xf32>,
          %swap3A_243 = vector.shape_cast %swap3A_242 : vector<1x16xf32> to vector<1x16xf32>
          %swap3A_244 = vector.shape_cast %max3A_239 : vector<1x16xf32> to vector<1x16xf32>
          tpu.vector_store %arg11[%swap3A_240, %swap3A_241], %swap3A_244 {strides = array<i32>} : memref<80x128xf32, #tpu.memory_space<vmem>>, vector<1x16xf32>,
          %get3A_245 = arith.index_cast %add3A_145 : i32 to index
          %get3A_246 = arith.constant 96 : index
          %get3A_247 = tpu.vector_load %arg11[%get3A_245, %get3A_246] {strides = array<i32>} : memref<80x128xf32, #tpu.memory_space<vmem>>, vector<1x16xf32>,
          %get3A_248 = vector.shape_cast %get3A_247 : vector<1x16xf32> to vector<1x16xf32>
          %get3A_249 = arith.index_cast %add3A_145 : i32 to index
          %get3A_250 = arith.constant 96 : index
          %get3A_251 = tpu.vector_load %arg10[%get3A_249, %get3A_250] {strides = array<i32>} : memref<80x128xf32, #tpu.memory_space<vmem>>, vector<1x16xf32>,
          %get3A_252 = vector.shape_cast %get3A_251 : vector<1x16xf32> to vector<1x16xf32>
          %add3A_253 = arith.addf %get3A_248, %get3A_252 : vector<1x16xf32>
          %max3A_254 = arith.constant 0.000000e+00 : f32
          %max3A_255 = vector.broadcast %max3A_254 : f32 to vector<1x16xf32>
          %max3A_256 = arith.maximumf %add3A_253, %max3A_255 : vector<1x16xf32>
          %swap3A_257 = arith.index_cast %add3A_145 : i32 to index
          %swap3A_258 = arith.constant 96 : index
          %swap3A_259 = tpu.vector_load %arg11[%swap3A_257, %swap3A_258] {strides = array<i32>} : memref<80x128xf32, #tpu.memory_space<vmem>>, vector<1x16xf32>,
          %swap3A_260 = vector.shape_cast %swap3A_259 : vector<1x16xf32> to vector<1x16xf32>
          %swap3A_261 = vector.shape_cast %max3A_256 : vector<1x16xf32> to vector<1x16xf32>
          tpu.vector_store %arg11[%swap3A_257, %swap3A_258], %swap3A_261 {strides = array<i32>} : memref<80x128xf32, #tpu.memory_space<vmem>>, vector<1x16xf32>,
          %get3A_262 = arith.index_cast %add3A_145 : i32 to index
          %get3A_263 = arith.constant 112 : index
          %get3A_264 = tpu.vector_load %arg11[%get3A_262, %get3A_263] {strides = array<i32>} : memref<80x128xf32, #tpu.memory_space<vmem>>, vector<1x16xf32>,
          %get3A_265 = vector.shape_cast %get3A_264 : vector<1x16xf32> to vector<1x16xf32>
          %get3A_266 = arith.index_cast %add3A_145 : i32 to index
          %get3A_267 = arith.constant 112 : index
          %get3A_268 = tpu.vector_load %arg10[%get3A_266, %get3A_267] {strides = array<i32>} : memref<80x128xf32, #tpu.memory_space<vmem>>, vector<1x16xf32>,
          %get3A_269 = vector.shape_cast %get3A_268 : vector<1x16xf32> to vector<1x16xf32>
          %add3A_270 = arith.addf %get3A_265, %get3A_269 : vector<1x16xf32>
          %max3A_271 = arith.constant 0.000000e+00 : f32
          %max3A_272 = vector.broadcast %max3A_271 : f32 to vector<1x16xf32>
          %max3A_273 = arith.maximumf %add3A_270, %max3A_272 : vector<1x16xf32>
          %swap3A_274 = arith.index_cast %add3A_145 : i32 to index
          %swap3A_275 = arith.constant 112 : index
          %swap3A_276 = tpu.vector_load %arg11[%swap3A_274, %swap3A_275] {strides = array<i32>} : memref<80x128xf32, #tpu.memory_space<vmem>>, vector<1x16xf32>,
          %swap3A_277 = vector.shape_cast %swap3A_276 : vector<1x16xf32> to vector<1x16xf32>
          %swap3A_278 = vector.shape_cast %max3A_273 : vector<1x16xf32> to vector<1x16xf32>
          tpu.vector_store %arg11[%swap3A_274, %swap3A_275], %swap3A_278 {strides = array<i32>} : memref<80x128xf32, #tpu.memory_space<vmem>>, vector<1x16xf32>,
        }
        %scan3A_137 = arith.constant 80 : i32
        %dma_start3A_138 = arith.constant 0 : i32
        %dma_start3A_139 = arith.constant 0 : i32
        %dma_start3A_140 = tpu.memref_slice %arg18[%dma_start3A_138, %dma_start3A_139] : memref<10240x128xf32, #tpu.memory_space<vmem_shared>> -> memref<10240x128xf32, #tpu.memory_space<vmem_shared>>
        tpu.enqueue_indirect_dma source(%arg11 : memref<80x128xf32, #tpu.memory_space<vmem>>) target(%dma_start3A_140 : memref<10240x128xf32, #tpu.memory_space<vmem_shared>>) offsets(%arg16 : memref<80xi32, #tpu.memory_space<vmem>>) semaphore(%arg23 : memref<!tpu.dma_semaphore, #tpu.memory_space<semaphore_mem>>) {add = true}
      } else {
      }
      %mul3A_100 = arith.constant 2 : i32
      %mul3A_101 = arith.muli %add3A_69, %mul3A_100 : i32
      %add3A_102 = arith.constant 1 : i32
      %add3A_103 = arith.addi %mul3A_101, %add3A_102 : i32
      %lt3A_104 = arith.constant 125 : i32
      %lt3A_105 = arith.cmpi slt, %add3A_103, %lt3A_104 : i32
      %convert_element_type3A_106 = arith.extui %lt3A_105 : i1 to i32
      %cond3A_107 = arith.constant 0 : i32
      %cond3A_108 = arith.cmpi ne, %convert_element_type3A_106, %cond3A_107 : i32
      scf.if %cond3A_108 {
        %dma_wait3A_133 = arith.constant 0 : i32
        %dma_wait3A_134 = arith.constant 0 : i32
        %dma_wait3A_135 = tpu.memref_slice %arg2[%dma_wait3A_133, %dma_wait3A_134] : memref<10000x128xf32, #tpu.memory_space<hbm>> -> memref<10000x128xf32, #tpu.memory_space<hbm>>
        tpu.wait_indirect_dma semaphore(%arg21 : memref<!tpu.dma_semaphore, #tpu.memory_space<semaphore_mem>>) src(%dma_wait3A_135 : memref<10000x128xf32, #tpu.memory_space<hbm>>) dst(%arg14 : memref<80x128xf32, #tpu.memory_space<vmem>>)
        %mul3A_136 = arith.constant 32 : i32
        %mul3A_137 = arith.muli %add3A_103, %mul3A_136 : i32
        %add3A_138 = arith.addi %add3A, %mul3A_137 : i32
        %mul3A_139 = arith.constant 80 : i32
        %mul3A_140 = arith.muli %add3A_138, %mul3A_139 : i32
        %dma_wait3A_141 = arith.constant 0 : i32
        %dma_wait3A_142 = tpu.memref_slice %arg3[%mul3A_140, %dma_wait3A_141] : memref<320000x128xf32, #tpu.memory_space<hbm>> -> memref<80x128xf32, #tpu.memory_space<hbm>>
        %dma_wait3A_143 = arith.constant 0 : i32
        %dma_wait3A_144 = tpu.memref_slice %arg3[%mul3A_140, %dma_wait3A_143] : memref<320000x128xf32, #tpu.memory_space<hbm>> -> memref<80x128xf32, #tpu.memory_space<hbm>>
        tpu.wait_dma2 semaphore(%arg22 : memref<!tpu.dma_semaphore, #tpu.memory_space<semaphore_mem>>) src(%dma_wait3A_144 : memref<80x128xf32, #tpu.memory_space<hbm>>) dst(%arg15 : memref<80x128xf32, #tpu.memory_space<vmem>>)
      } else {
      }
      %add3A_109 = arith.constant 1 : i32
      %add3A_110 = arith.addi %add3A_103, %add3A_109 : i32
      %lt3A_111 = arith.constant 125 : i32
      %lt3A_112 = arith.cmpi slt, %add3A_110, %lt3A_111 : i32
      %convert_element_type3A_113 = arith.extui %lt3A_112 : i1 to i32
      %cond3A_114 = arith.constant 0 : i32
      %cond3A_115 = arith.cmpi ne, %convert_element_type3A_113, %cond3A_114 : i32
      scf.if %cond3A_115 {
        %ge3A = arith.constant 1 : i32
        %ge3A_133 = arith.cmpi sge, %add3A_103, %ge3A : i32
        %convert_element_type3A_134 = arith.extui %ge3A_133 : i1 to i32
        %cond3A_135 = arith.constant 0 : i32
        %cond3A_136 = arith.cmpi ne, %convert_element_type3A_134, %cond3A_135 : i32
        scf.if %cond3A_136 {
          %dma_wait3A_167 = arith.constant 0 : i32
          %dma_wait3A_168 = arith.constant 0 : i32
          %dma_wait3A_169 = tpu.memref_slice %arg18[%dma_wait3A_167, %dma_wait3A_168] : memref<10240x128xf32, #tpu.memory_space<vmem_shared>> -> memref<10240x128xf32, #tpu.memory_space<vmem_shared>>
          tpu.wait_indirect_dma semaphore(%arg23 : memref<!tpu.dma_semaphore, #tpu.memory_space<semaphore_mem>>) src(%arg11 : memref<80x128xf32, #tpu.memory_space<vmem>>) dst(%dma_wait3A_169 : memref<10240x128xf32, #tpu.memory_space<vmem_shared>>)
        } else {
        }
        %add3A_137 = arith.constant 1 : i32
        %add3A_138 = arith.addi %add3A_103, %add3A_137 : i32
        %mul3A_139 = arith.constant 32 : i32
        %mul3A_140 = arith.muli %add3A_138, %mul3A_139 : i32
        %add3A_141 = arith.addi %add3A, %mul3A_140 : i32
        %mul3A_142 = arith.constant 80 : i32
        %mul3A_143 = arith.muli %add3A_141, %mul3A_142 : i32
        %dma_wait3A_144 = tpu.memref_slice %arg4[%mul3A_143] : memref<320000xi32, #tpu.memory_space<hbm>> -> memref<80xi32, #tpu.memory_space<hbm>>
        %dma_wait3A_145 = tpu.memref_slice %arg4[%mul3A_143] : memref<320000xi32, #tpu.memory_space<hbm>> -> memref<80xi32, #tpu.memory_space<hbm>>
        tpu.wait_dma2 semaphore(%arg25 : memref<!tpu.dma_semaphore, #tpu.memory_space<semaphore_mem>>) src(%dma_wait3A_145 : memref<80xi32, #tpu.memory_space<hbm>>) dst(%arg8 : memref<80xi32, #tpu.memory_space<vmem>>)
        %mul3A_146 = arith.constant 32 : i32
        %mul3A_147 = arith.muli %add3A_138, %mul3A_146 : i32
        %add3A_148 = arith.addi %add3A, %mul3A_147 : i32
        %mul3A_149 = arith.constant 80 : i32
        %mul3A_150 = arith.muli %add3A_148, %mul3A_149 : i32
        %dma_wait3A_151 = tpu.memref_slice %arg5[%mul3A_150] : memref<320000xi32, #tpu.memory_space<hbm>> -> memref<80xi32, #tpu.memory_space<hbm>>
        %dma_wait3A_152 = tpu.memref_slice %arg5[%mul3A_150] : memref<320000xi32, #tpu.memory_space<hbm>> -> memref<80xi32, #tpu.memory_space<hbm>>
        tpu.wait_dma2 semaphore(%arg25 : memref<!tpu.dma_semaphore, #tpu.memory_space<semaphore_mem>>) src(%dma_wait3A_152 : memref<80xi32, #tpu.memory_space<hbm>>) dst(%arg9 : memref<80xi32, #tpu.memory_space<vmem>>)
        %add3A_153 = arith.constant 1 : i32
        %add3A_154 = arith.addi %add3A_103, %add3A_153 : i32
        %dma_start3A_155 = arith.constant 0 : i32
        %dma_start3A_156 = arith.constant 0 : i32
        %dma_start3A_157 = tpu.memref_slice %arg2[%dma_start3A_155, %dma_start3A_156] : memref<10000x128xf32, #tpu.memory_space<hbm>> -> memref<10000x128xf32, #tpu.memory_space<hbm>>
        tpu.enqueue_indirect_dma source(%dma_start3A_157 : memref<10000x128xf32, #tpu.memory_space<hbm>>) target(%arg10 : memref<80x128xf32, #tpu.memory_space<vmem>>) offsets(%arg8 : memref<80xi32, #tpu.memory_space<vmem>>) semaphore(%arg19 : memref<!tpu.dma_semaphore, #tpu.memory_space<semaphore_mem>>)
        %mul3A_158 = arith.constant 32 : i32
        %mul3A_159 = arith.muli %add3A_154, %mul3A_158 : i32
        %add3A_160 = arith.addi %add3A, %mul3A_159 : i32
        %mul3A_161 = arith.constant 80 : i32
        %mul3A_162 = arith.muli %add3A_160, %mul3A_161 : i32
        %dma_start3A_163 = arith.constant 0 : i32
        %dma_start3A_164 = tpu.memref_slice %arg3[%mul3A_162, %dma_start3A_163] : memref<320000x128xf32, #tpu.memory_space<hbm>> -> memref<80x128xf32, #tpu.memory_space<hbm>>
        %dma_start3A_165 = arith.constant 0 : i32
        %dma_start3A_166 = tpu.memref_slice %arg3[%mul3A_162, %dma_start3A_165] : memref<320000x128xf32, #tpu.memory_space<hbm>> -> memref<80x128xf32, #tpu.memory_space<hbm>>
        tpu.enqueue_dma source(%dma_start3A_166 : memref<80x128xf32, #tpu.memory_space<hbm>>) target(%arg11 : memref<80x128xf32, #tpu.memory_space<vmem>>) target_semaphore(%arg20 : memref<!tpu.dma_semaphore, #tpu.memory_space<semaphore_mem>>)
      } else {
      }
      %lt3A_116 = arith.constant 125 : i32
      %lt3A_117 = arith.cmpi slt, %add3A_103, %lt3A_116 : i32
      %convert_element_type3A_118 = arith.extui %lt3A_117 : i1 to i32
      %cond3A_119 = arith.constant 0 : i32
      %cond3A_120 = arith.cmpi ne, %convert_element_type3A_118, %cond3A_119 : i32
      scf.if %cond3A_120 {
        %get3A = arith.constant 0 : index
        %get3A_133 = tpu.vector_load %arg13[%get3A] {strides = array<i32>} : memref<80xi32, #tpu.memory_space<vmem>>, vector<16xi32>,
        %get3A_134 = vector.shape_cast %get3A_133 : vector<16xi32> to vector<16xi32>
        %swap3A = arith.constant 0 : index
        %swap3A_135 = tpu.vector_load %arg17[%swap3A] {strides = array<i32>} : memref<80xi32, #tpu.memory_space<vmem>>, vector<16xi32>,
        %swap3A_136 = vector.shape_cast %swap3A_135 : vector<16xi32> to vector<16xi32>
        %swap3A_137 = vector.shape_cast %get3A_134 : vector<16xi32> to vector<16xi32>
        tpu.vector_store %arg17[%swap3A], %swap3A_137 {strides = array<i32>} : memref<80xi32, #tpu.memory_space<vmem>>, vector<16xi32>,
        %get3A_138 = arith.constant 16 : index
        %get3A_139 = tpu.vector_load %arg13[%get3A_138] {strides = array<i32>} : memref<80xi32, #tpu.memory_space<vmem>>, vector<16xi32>,
        %get3A_140 = vector.shape_cast %get3A_139 : vector<16xi32> to vector<16xi32>
        %swap3A_141 = arith.constant 16 : index
        %swap3A_142 = tpu.vector_load %arg17[%swap3A_141] {strides = array<i32>} : memref<80xi32, #tpu.memory_space<vmem>>, vector<16xi32>,
        %swap3A_143 = vector.shape_cast %swap3A_142 : vector<16xi32> to vector<16xi32>
        %swap3A_144 = vector.shape_cast %get3A_140 : vector<16xi32> to vector<16xi32>
        tpu.vector_store %arg17[%swap3A_141], %swap3A_144 {strides = array<i32>} : memref<80xi32, #tpu.memory_space<vmem>>, vector<16xi32>,
        %get3A_145 = arith.constant 32 : index
        %get3A_146 = tpu.vector_load %arg13[%get3A_145] {strides = array<i32>} : memref<80xi32, #tpu.memory_space<vmem>>, vector<16xi32>,
        %get3A_147 = vector.shape_cast %get3A_146 : vector<16xi32> to vector<16xi32>
        %swap3A_148 = arith.constant 32 : index
        %swap3A_149 = tpu.vector_load %arg17[%swap3A_148] {strides = array<i32>} : memref<80xi32, #tpu.memory_space<vmem>>, vector<16xi32>,
        %swap3A_150 = vector.shape_cast %swap3A_149 : vector<16xi32> to vector<16xi32>
        %swap3A_151 = vector.shape_cast %get3A_147 : vector<16xi32> to vector<16xi32>
        tpu.vector_store %arg17[%swap3A_148], %swap3A_151 {strides = array<i32>} : memref<80xi32, #tpu.memory_space<vmem>>, vector<16xi32>,
        %get3A_152 = arith.constant 48 : index
        %get3A_153 = tpu.vector_load %arg13[%get3A_152] {strides = array<i32>} : memref<80xi32, #tpu.memory_space<vmem>>, vector<16xi32>,
        %get3A_154 = vector.shape_cast %get3A_153 : vector<16xi32> to vector<16xi32>
        %swap3A_155 = arith.constant 48 : index
        %swap3A_156 = tpu.vector_load %arg17[%swap3A_155] {strides = array<i32>} : memref<80xi32, #tpu.memory_space<vmem>>, vector<16xi32>,
        %swap3A_157 = vector.shape_cast %swap3A_156 : vector<16xi32> to vector<16xi32>
        %swap3A_158 = vector.shape_cast %get3A_154 : vector<16xi32> to vector<16xi32>
        tpu.vector_store %arg17[%swap3A_155], %swap3A_158 {strides = array<i32>} : memref<80xi32, #tpu.memory_space<vmem>>, vector<16xi32>,
        %get3A_159 = arith.constant 64 : index
        %get3A_160 = tpu.vector_load %arg13[%get3A_159] {strides = array<i32>} : memref<80xi32, #tpu.memory_space<vmem>>, vector<16xi32>,
        %get3A_161 = vector.shape_cast %get3A_160 : vector<16xi32> to vector<16xi32>
        %swap3A_162 = arith.constant 64 : index
        %swap3A_163 = tpu.vector_load %arg17[%swap3A_162] {strides = array<i32>} : memref<80xi32, #tpu.memory_space<vmem>>, vector<16xi32>,
        %swap3A_164 = vector.shape_cast %swap3A_163 : vector<16xi32> to vector<16xi32>
        %swap3A_165 = vector.shape_cast %get3A_161 : vector<16xi32> to vector<16xi32>
        tpu.vector_store %arg17[%swap3A_162], %swap3A_165 {strides = array<i32>} : memref<80xi32, #tpu.memory_space<vmem>>, vector<16xi32>,
      } else {
      }
      %add3A_121 = arith.constant 2 : i32
      %add3A_122 = arith.addi %add3A_103, %add3A_121 : i32
      %lt3A_123 = arith.constant 125 : i32
      %lt3A_124 = arith.cmpi slt, %add3A_122, %lt3A_123 : i32
      %convert_element_type3A_125 = arith.extui %lt3A_124 : i1 to i32
      %cond3A_126 = arith.constant 0 : i32
      %cond3A_127 = arith.cmpi ne, %convert_element_type3A_125, %cond3A_126 : i32
      scf.if %cond3A_127 {
        %add3A_133 = arith.constant 2 : i32
        %add3A_134 = arith.addi %add3A_103, %add3A_133 : i32
        %mul3A_135 = arith.constant 32 : i32
        %mul3A_136 = arith.muli %add3A_134, %mul3A_135 : i32
        %add3A_137 = arith.addi %add3A, %mul3A_136 : i32
        %mul3A_138 = arith.constant 80 : i32
        %mul3A_139 = arith.muli %add3A_137, %mul3A_138 : i32
        %dma_start3A_140 = tpu.memref_slice %arg4[%mul3A_139] : memref<320000xi32, #tpu.memory_space<hbm>> -> memref<80xi32, #tpu.memory_space<hbm>>
        %dma_start3A_141 = tpu.memref_slice %arg4[%mul3A_139] : memref<320000xi32, #tpu.memory_space<hbm>> -> memref<80xi32, #tpu.memory_space<hbm>>
        tpu.enqueue_dma source(%dma_start3A_141 : memref<80xi32, #tpu.memory_space<hbm>>) target(%arg12 : memref<80xi32, #tpu.memory_space<vmem>>) target_semaphore(%arg26 : memref<!tpu.dma_semaphore, #tpu.memory_space<semaphore_mem>>)
        %mul3A_142 = arith.constant 32 : i32
        %mul3A_143 = arith.muli %add3A_134, %mul3A_142 : i32
        %add3A_144 = arith.addi %add3A, %mul3A_143 : i32
        %mul3A_145 = arith.constant 80 : i32
        %mul3A_146 = arith.muli %add3A_144, %mul3A_145 : i32
        %dma_start3A_147 = tpu.memref_slice %arg5[%mul3A_146] : memref<320000xi32, #tpu.memory_space<hbm>> -> memref<80xi32, #tpu.memory_space<hbm>>
        %dma_start3A_148 = tpu.memref_slice %arg5[%mul3A_146] : memref<320000xi32, #tpu.memory_space<hbm>> -> memref<80xi32, #tpu.memory_space<hbm>>
        tpu.enqueue_dma source(%dma_start3A_148 : memref<80xi32, #tpu.memory_space<hbm>>) target(%arg13 : memref<80xi32, #tpu.memory_space<vmem>>) target_semaphore(%arg26 : memref<!tpu.dma_semaphore, #tpu.memory_space<semaphore_mem>>)
      } else {
      }
      %lt3A_128 = arith.constant 125 : i32
      %lt3A_129 = arith.cmpi slt, %add3A_103, %lt3A_128 : i32
      %convert_element_type3A_130 = arith.extui %lt3A_129 : i1 to i32
      %cond3A_131 = arith.constant 0 : i32
      %cond3A_132 = arith.cmpi ne, %convert_element_type3A_130, %cond3A_131 : i32
      scf.if %cond3A_132 {
        %scan3A_133 = arith.constant 0 : i32
        %scan3A_134 = arith.constant 80 : i32
        %scan3A_135 = arith.addi %scan3A_133, %scan3A_134 : i32
        %scan3A_136 = arith.constant 1 : i32
        scf.for %scan3A_141 = %scan3A_133 to %scan3A_135 step %scan3A_136  : i32 {
          %mul3A_142 = arith.constant 1 : i32
          %mul3A_143 = arith.muli %scan3A_141, %mul3A_142 : i32
          %add3A_144 = arith.constant 0 : i32
          %add3A_145 = arith.addi %add3A_144, %mul3A_143 : i32
          %get3A = arith.index_cast %add3A_145 : i32 to index
          %get3A_146 = arith.constant 0 : index
          %get3A_147 = tpu.vector_load %arg15[%get3A, %get3A_146] {strides = array<i32>} : memref<80x128xf32, #tpu.memory_space<vmem>>, vector<1x16xf32>,
          %get3A_148 = vector.shape_cast %get3A_147 : vector<1x16xf32> to vector<1x16xf32>
          %get3A_149 = arith.index_cast %add3A_145 : i32 to index
          %get3A_150 = arith.constant 0 : index
          %get3A_151 = tpu.vector_load %arg14[%get3A_149, %get3A_150] {strides = array<i32>} : memref<80x128xf32, #tpu.memory_space<vmem>>, vector<1x16xf32>,
          %get3A_152 = vector.shape_cast %get3A_151 : vector<1x16xf32> to vector<1x16xf32>
          %add3A_153 = arith.addf %get3A_148, %get3A_152 : vector<1x16xf32>
          %max3A = arith.constant 0.000000e+00 : f32
          %max3A_154 = vector.broadcast %max3A : f32 to vector<1x16xf32>
          %max3A_155 = arith.maximumf %add3A_153, %max3A_154 : vector<1x16xf32>
          %swap3A = arith.index_cast %add3A_145 : i32 to index
          %swap3A_156 = arith.constant 0 : index
          %swap3A_157 = tpu.vector_load %arg15[%swap3A, %swap3A_156] {strides = array<i32>} : memref<80x128xf32, #tpu.memory_space<vmem>>, vector<1x16xf32>,
          %swap3A_158 = vector.shape_cast %swap3A_157 : vector<1x16xf32> to vector<1x16xf32>
          %swap3A_159 = vector.shape_cast %max3A_155 : vector<1x16xf32> to vector<1x16xf32>
          tpu.vector_store %arg15[%swap3A, %swap3A_156], %swap3A_159 {strides = array<i32>} : memref<80x128xf32, #tpu.memory_space<vmem>>, vector<1x16xf32>,
          %get3A_160 = arith.index_cast %add3A_145 : i32 to index
          %get3A_161 = arith.constant 16 : index
          %get3A_162 = tpu.vector_load %arg15[%get3A_160, %get3A_161] {strides = array<i32>} : memref<80x128xf32, #tpu.memory_space<vmem>>, vector<1x16xf32>,
          %get3A_163 = vector.shape_cast %get3A_162 : vector<1x16xf32> to vector<1x16xf32>
          %get3A_164 = arith.index_cast %add3A_145 : i32 to index
          %get3A_165 = arith.constant 16 : index
          %get3A_166 = tpu.vector_load %arg14[%get3A_164, %get3A_165] {strides = array<i32>} : memref<80x128xf32, #tpu.memory_space<vmem>>, vector<1x16xf32>,
          %get3A_167 = vector.shape_cast %get3A_166 : vector<1x16xf32> to vector<1x16xf32>
          %add3A_168 = arith.addf %get3A_163, %get3A_167 : vector<1x16xf32>
          %max3A_169 = arith.constant 0.000000e+00 : f32
          %max3A_170 = vector.broadcast %max3A_169 : f32 to vector<1x16xf32>
          %max3A_171 = arith.maximumf %add3A_168, %max3A_170 : vector<1x16xf32>
          %swap3A_172 = arith.index_cast %add3A_145 : i32 to index
          %swap3A_173 = arith.constant 16 : index
          %swap3A_174 = tpu.vector_load %arg15[%swap3A_172, %swap3A_173] {strides = array<i32>} : memref<80x128xf32, #tpu.memory_space<vmem>>, vector<1x16xf32>,
          %swap3A_175 = vector.shape_cast %swap3A_174 : vector<1x16xf32> to vector<1x16xf32>
          %swap3A_176 = vector.shape_cast %max3A_171 : vector<1x16xf32> to vector<1x16xf32>
          tpu.vector_store %arg15[%swap3A_172, %swap3A_173], %swap3A_176 {strides = array<i32>} : memref<80x128xf32, #tpu.memory_space<vmem>>, vector<1x16xf32>,
          %get3A_177 = arith.index_cast %add3A_145 : i32 to index
          %get3A_178 = arith.constant 32 : index
          %get3A_179 = tpu.vector_load %arg15[%get3A_177, %get3A_178] {strides = array<i32>} : memref<80x128xf32, #tpu.memory_space<vmem>>, vector<1x16xf32>,
          %get3A_180 = vector.shape_cast %get3A_179 : vector<1x16xf32> to vector<1x16xf32>
          %get3A_181 = arith.index_cast %add3A_145 : i32 to index
          %get3A_182 = arith.constant 32 : index
          %get3A_183 = tpu.vector_load %arg14[%get3A_181, %get3A_182] {strides = array<i32>} : memref<80x128xf32, #tpu.memory_space<vmem>>, vector<1x16xf32>,
          %get3A_184 = vector.shape_cast %get3A_183 : vector<1x16xf32> to vector<1x16xf32>
          %add3A_185 = arith.addf %get3A_180, %get3A_184 : vector<1x16xf32>
          %max3A_186 = arith.constant 0.000000e+00 : f32
          %max3A_187 = vector.broadcast %max3A_186 : f32 to vector<1x16xf32>
          %max3A_188 = arith.maximumf %add3A_185, %max3A_187 : vector<1x16xf32>
          %swap3A_189 = arith.index_cast %add3A_145 : i32 to index
          %swap3A_190 = arith.constant 32 : index
          %swap3A_191 = tpu.vector_load %arg15[%swap3A_189, %swap3A_190] {strides = array<i32>} : memref<80x128xf32, #tpu.memory_space<vmem>>, vector<1x16xf32>,
          %swap3A_192 = vector.shape_cast %swap3A_191 : vector<1x16xf32> to vector<1x16xf32>
          %swap3A_193 = vector.shape_cast %max3A_188 : vector<1x16xf32> to vector<1x16xf32>
          tpu.vector_store %arg15[%swap3A_189, %swap3A_190], %swap3A_193 {strides = array<i32>} : memref<80x128xf32, #tpu.memory_space<vmem>>, vector<1x16xf32>,
          %get3A_194 = arith.index_cast %add3A_145 : i32 to index
          %get3A_195 = arith.constant 48 : index
          %get3A_196 = tpu.vector_load %arg15[%get3A_194, %get3A_195] {strides = array<i32>} : memref<80x128xf32, #tpu.memory_space<vmem>>, vector<1x16xf32>,
          %get3A_197 = vector.shape_cast %get3A_196 : vector<1x16xf32> to vector<1x16xf32>
          %get3A_198 = arith.index_cast %add3A_145 : i32 to index
          %get3A_199 = arith.constant 48 : index
          %get3A_200 = tpu.vector_load %arg14[%get3A_198, %get3A_199] {strides = array<i32>} : memref<80x128xf32, #tpu.memory_space<vmem>>, vector<1x16xf32>,
          %get3A_201 = vector.shape_cast %get3A_200 : vector<1x16xf32> to vector<1x16xf32>
          %add3A_202 = arith.addf %get3A_197, %get3A_201 : vector<1x16xf32>
          %max3A_203 = arith.constant 0.000000e+00 : f32
          %max3A_204 = vector.broadcast %max3A_203 : f32 to vector<1x16xf32>
          %max3A_205 = arith.maximumf %add3A_202, %max3A_204 : vector<1x16xf32>
          %swap3A_206 = arith.index_cast %add3A_145 : i32 to index
          %swap3A_207 = arith.constant 48 : index
          %swap3A_208 = tpu.vector_load %arg15[%swap3A_206, %swap3A_207] {strides = array<i32>} : memref<80x128xf32, #tpu.memory_space<vmem>>, vector<1x16xf32>,
          %swap3A_209 = vector.shape_cast %swap3A_208 : vector<1x16xf32> to vector<1x16xf32>
          %swap3A_210 = vector.shape_cast %max3A_205 : vector<1x16xf32> to vector<1x16xf32>
          tpu.vector_store %arg15[%swap3A_206, %swap3A_207], %swap3A_210 {strides = array<i32>} : memref<80x128xf32, #tpu.memory_space<vmem>>, vector<1x16xf32>,
          %get3A_211 = arith.index_cast %add3A_145 : i32 to index
          %get3A_212 = arith.constant 64 : index
          %get3A_213 = tpu.vector_load %arg15[%get3A_211, %get3A_212] {strides = array<i32>} : memref<80x128xf32, #tpu.memory_space<vmem>>, vector<1x16xf32>,
          %get3A_214 = vector.shape_cast %get3A_213 : vector<1x16xf32> to vector<1x16xf32>
          %get3A_215 = arith.index_cast %add3A_145 : i32 to index
          %get3A_216 = arith.constant 64 : index
          %get3A_217 = tpu.vector_load %arg14[%get3A_215, %get3A_216] {strides = array<i32>} : memref<80x128xf32, #tpu.memory_space<vmem>>, vector<1x16xf32>,
          %get3A_218 = vector.shape_cast %get3A_217 : vector<1x16xf32> to vector<1x16xf32>
          %add3A_219 = arith.addf %get3A_214, %get3A_218 : vector<1x16xf32>
          %max3A_220 = arith.constant 0.000000e+00 : f32
          %max3A_221 = vector.broadcast %max3A_220 : f32 to vector<1x16xf32>
          %max3A_222 = arith.maximumf %add3A_219, %max3A_221 : vector<1x16xf32>
          %swap3A_223 = arith.index_cast %add3A_145 : i32 to index
          %swap3A_224 = arith.constant 64 : index
          %swap3A_225 = tpu.vector_load %arg15[%swap3A_223, %swap3A_224] {strides = array<i32>} : memref<80x128xf32, #tpu.memory_space<vmem>>, vector<1x16xf32>,
          %swap3A_226 = vector.shape_cast %swap3A_225 : vector<1x16xf32> to vector<1x16xf32>
          %swap3A_227 = vector.shape_cast %max3A_222 : vector<1x16xf32> to vector<1x16xf32>
          tpu.vector_store %arg15[%swap3A_223, %swap3A_224], %swap3A_227 {strides = array<i32>} : memref<80x128xf32, #tpu.memory_space<vmem>>, vector<1x16xf32>,
          %get3A_228 = arith.index_cast %add3A_145 : i32 to index
          %get3A_229 = arith.constant 80 : index
          %get3A_230 = tpu.vector_load %arg15[%get3A_228, %get3A_229] {strides = array<i32>} : memref<80x128xf32, #tpu.memory_space<vmem>>, vector<1x16xf32>,
          %get3A_231 = vector.shape_cast %get3A_230 : vector<1x16xf32> to vector<1x16xf32>
          %get3A_232 = arith.index_cast %add3A_145 : i32 to index
          %get3A_233 = arith.constant 80 : index
          %get3A_234 = tpu.vector_load %arg14[%get3A_232, %get3A_233] {strides = array<i32>} : memref<80x128xf32, #tpu.memory_space<vmem>>, vector<1x16xf32>,
          %get3A_235 = vector.shape_cast %get3A_234 : vector<1x16xf32> to vector<1x16xf32>
          %add3A_236 = arith.addf %get3A_231, %get3A_235 : vector<1x16xf32>
          %max3A_237 = arith.constant 0.000000e+00 : f32
          %max3A_238 = vector.broadcast %max3A_237 : f32 to vector<1x16xf32>
          %max3A_239 = arith.maximumf %add3A_236, %max3A_238 : vector<1x16xf32>
          %swap3A_240 = arith.index_cast %add3A_145 : i32 to index
          %swap3A_241 = arith.constant 80 : index
          %swap3A_242 = tpu.vector_load %arg15[%swap3A_240, %swap3A_241] {strides = array<i32>} : memref<80x128xf32, #tpu.memory_space<vmem>>, vector<1x16xf32>,
          %swap3A_243 = vector.shape_cast %swap3A_242 : vector<1x16xf32> to vector<1x16xf32>
          %swap3A_244 = vector.shape_cast %max3A_239 : vector<1x16xf32> to vector<1x16xf32>
          tpu.vector_store %arg15[%swap3A_240, %swap3A_241], %swap3A_244 {strides = array<i32>} : memref<80x128xf32, #tpu.memory_space<vmem>>, vector<1x16xf32>,
          %get3A_245 = arith.index_cast %add3A_145 : i32 to index
          %get3A_246 = arith.constant 96 : index
          %get3A_247 = tpu.vector_load %arg15[%get3A_245, %get3A_246] {strides = array<i32>} : memref<80x128xf32, #tpu.memory_space<vmem>>, vector<1x16xf32>,
          %get3A_248 = vector.shape_cast %get3A_247 : vector<1x16xf32> to vector<1x16xf32>
          %get3A_249 = arith.index_cast %add3A_145 : i32 to index
          %get3A_250 = arith.constant 96 : index
          %get3A_251 = tpu.vector_load %arg14[%get3A_249, %get3A_250] {strides = array<i32>} : memref<80x128xf32, #tpu.memory_space<vmem>>, vector<1x16xf32>,
          %get3A_252 = vector.shape_cast %get3A_251 : vector<1x16xf32> to vector<1x16xf32>
          %add3A_253 = arith.addf %get3A_248, %get3A_252 : vector<1x16xf32>
          %max3A_254 = arith.constant 0.000000e+00 : f32
          %max3A_255 = vector.broadcast %max3A_254 : f32 to vector<1x16xf32>
          %max3A_256 = arith.maximumf %add3A_253, %max3A_255 : vector<1x16xf32>
          %swap3A_257 = arith.index_cast %add3A_145 : i32 to index
          %swap3A_258 = arith.constant 96 : index
          %swap3A_259 = tpu.vector_load %arg15[%swap3A_257, %swap3A_258] {strides = array<i32>} : memref<80x128xf32, #tpu.memory_space<vmem>>, vector<1x16xf32>,
          %swap3A_260 = vector.shape_cast %swap3A_259 : vector<1x16xf32> to vector<1x16xf32>
          %swap3A_261 = vector.shape_cast %max3A_256 : vector<1x16xf32> to vector<1x16xf32>
          tpu.vector_store %arg15[%swap3A_257, %swap3A_258], %swap3A_261 {strides = array<i32>} : memref<80x128xf32, #tpu.memory_space<vmem>>, vector<1x16xf32>,
          %get3A_262 = arith.index_cast %add3A_145 : i32 to index
          %get3A_263 = arith.constant 112 : index
          %get3A_264 = tpu.vector_load %arg15[%get3A_262, %get3A_263] {strides = array<i32>} : memref<80x128xf32, #tpu.memory_space<vmem>>, vector<1x16xf32>,
          %get3A_265 = vector.shape_cast %get3A_264 : vector<1x16xf32> to vector<1x16xf32>
          %get3A_266 = arith.index_cast %add3A_145 : i32 to index
          %get3A_267 = arith.constant 112 : index
          %get3A_268 = tpu.vector_load %arg14[%get3A_266, %get3A_267] {strides = array<i32>} : memref<80x128xf32, #tpu.memory_space<vmem>>, vector<1x16xf32>,
          %get3A_269 = vector.shape_cast %get3A_268 : vector<1x16xf32> to vector<1x16xf32>
          %add3A_270 = arith.addf %get3A_265, %get3A_269 : vector<1x16xf32>
          %max3A_271 = arith.constant 0.000000e+00 : f32
          %max3A_272 = vector.broadcast %max3A_271 : f32 to vector<1x16xf32>
          %max3A_273 = arith.maximumf %add3A_270, %max3A_272 : vector<1x16xf32>
          %swap3A_274 = arith.index_cast %add3A_145 : i32 to index
          %swap3A_275 = arith.constant 112 : index
          %swap3A_276 = tpu.vector_load %arg15[%swap3A_274, %swap3A_275] {strides = array<i32>} : memref<80x128xf32, #tpu.memory_space<vmem>>, vector<1x16xf32>,
          %swap3A_277 = vector.shape_cast %swap3A_276 : vector<1x16xf32> to vector<1x16xf32>
          %swap3A_278 = vector.shape_cast %max3A_273 : vector<1x16xf32> to vector<1x16xf32>
          tpu.vector_store %arg15[%swap3A_274, %swap3A_275], %swap3A_278 {strides = array<i32>} : memref<80x128xf32, #tpu.memory_space<vmem>>, vector<1x16xf32>,
        }
        %scan3A_137 = arith.constant 80 : i32
        %dma_start3A_138 = arith.constant 0 : i32
        %dma_start3A_139 = arith.constant 0 : i32
        %dma_start3A_140 = tpu.memref_slice %arg18[%dma_start3A_138, %dma_start3A_139] : memref<10240x128xf32, #tpu.memory_space<vmem_shared>> -> memref<10240x128xf32, #tpu.memory_space<vmem_shared>>
        tpu.enqueue_indirect_dma source(%arg15 : memref<80x128xf32, #tpu.memory_space<vmem>>) target(%dma_start3A_140 : memref<10240x128xf32, #tpu.memory_space<vmem_shared>>) offsets(%arg17 : memref<80xi32, #tpu.memory_space<vmem>>) semaphore(%arg24 : memref<!tpu.dma_semaphore, #tpu.memory_space<semaphore_mem>>) {add = true}
      } else {
      }
    }
    %scan3A_53 = arith.constant 63 : i32
    %dma_wait3A_54 = arith.constant 0 : i32
    %dma_wait3A_55 = arith.constant 0 : i32
    %dma_wait3A_56 = tpu.memref_slice %arg18[%dma_wait3A_54, %dma_wait3A_55] : memref<10240x128xf32, #tpu.memory_space<vmem_shared>> -> memref<10240x128xf32, #tpu.memory_space<vmem_shared>>
    tpu.wait_indirect_dma semaphore(%arg23 : memref<!tpu.dma_semaphore, #tpu.memory_space<semaphore_mem>>) src(%arg11 : memref<80x128xf32, #tpu.memory_space<vmem>>) dst(%dma_wait3A_56 : memref<10240x128xf32, #tpu.memory_space<vmem_shared>>)
    %dma_wait3A_57 = arith.constant 0 : i32
    %dma_wait3A_58 = arith.constant 0 : i32
    %dma_wait3A_59 = tpu.memref_slice %arg18[%dma_wait3A_57, %dma_wait3A_58] : memref<10240x128xf32, #tpu.memory_space<vmem_shared>> -> memref<10240x128xf32, #tpu.memory_space<vmem_shared>>
    tpu.wait_indirect_dma semaphore(%arg24 : memref<!tpu.dma_semaphore, #tpu.memory_space<semaphore_mem>>) src(%arg15 : memref<80x128xf32, #tpu.memory_space<vmem>>) dst(%dma_wait3A_59 : memref<10240x128xf32, #tpu.memory_space<vmem_shared>>)
    %barrier3A_60 = arith.constant 0 : index
    tpu.barrier barrier_id(%barrier3A_60)
    %mul3A_61 = arith.constant 640 : i32
    %mul3A_62 = arith.muli %arg1, %mul3A_61 : i32
    %mul3A_63 = arith.constant 640 : i32
    %mul3A_64 = arith.muli %arg1, %mul3A_63 : i32
    "tpu.region"() ({
      %run_scoped3A = tpu.sem_alloc : memref<!tpu.dma_semaphore, #tpu.memory_space<semaphore_mem>>
      %dma_start3A_65 = arith.constant 0 : i32
      %dma_start3A_66 = tpu.memref_slice %arg7[%arg0, %mul3A_64, %dma_start3A_65] : memref<2x10240x128xf32, #tpu.memory_space<hbm>> -> memref<1x640x128xf32, #tpu.memory_space<hbm>>
      %dma_start3A_67 = tpu.memref_squeeze %dma_start3A_66 : memref<1x640x128xf32, #tpu.memory_space<hbm>> -> memref<640x128xf32, #tpu.memory_space<hbm>>
      %dma_start3A_68 = arith.constant 0 : i32
      %dma_start3A_69 = tpu.memref_slice %arg18[%mul3A_62, %dma_start3A_68] : memref<10240x128xf32, #tpu.memory_space<vmem_shared>> -> memref<640x128xf32, #tpu.memory_space<vmem_shared>>
      tpu.enqueue_dma source(%dma_start3A_69 : memref<640x128xf32, #tpu.memory_space<vmem_shared>>) target(%dma_start3A_67 : memref<640x128xf32, #tpu.memory_space<hbm>>) target_semaphore(%run_scoped3A : memref<!tpu.dma_semaphore, #tpu.memory_space<semaphore_mem>>)
      %dma_wait3A_70 = arith.constant 0 : i32
      %dma_wait3A_71 = tpu.memref_slice %arg7[%arg0, %mul3A_64, %dma_wait3A_70] : memref<2x10240x128xf32, #tpu.memory_space<hbm>> -> memref<1x640x128xf32, #tpu.memory_space<hbm>>
      %dma_wait3A_72 = tpu.memref_squeeze %dma_wait3A_71 : memref<1x640x128xf32, #tpu.memory_space<hbm>> -> memref<640x128xf32, #tpu.memory_space<hbm>>
      %dma_wait3A_73 = arith.constant 0 : i32
      %dma_wait3A_74 = tpu.memref_slice %arg18[%mul3A_62, %dma_wait3A_73] : memref<10240x128xf32, #tpu.memory_space<vmem_shared>> -> memref<640x128xf32, #tpu.memory_space<vmem_shared>>
      tpu.wait_dma2 semaphore(%run_scoped3A : memref<!tpu.dma_semaphore, #tpu.memory_space<semaphore_mem>>) src(%dma_wait3A_74 : memref<640x128xf32, #tpu.memory_space<vmem_shared>>) dst(%dma_wait3A_72 : memref<640x128xf32, #tpu.memory_space<hbm>>)
      tpu.yield
    }) : () -> ()
    return
  }
}

#map = affine_map<(d0, d1) -> (0, 0)>
#map1 = affine_map<(d0, d1) -> (0)>
#map2 = affine_map<(d0, d1) -> (0, 0, 0)>
module attributes {stable_mosaic.version = 14 : i64} {
  func.func @k(%arg0: i32, %arg1: i32, %arg2: memref<10000x128xf32, #tpu.memory_space<hbm>>, %arg3: memref<320000x128xf32, #tpu.memory_space<hbm>>, %arg4: memref<320000xi32, #tpu.memory_space<hbm>>, %arg5: memref<320000xi32, #tpu.memory_space<hbm>>, %arg6: memref<10240x128xf32, #tpu.memory_space<hbm>>, %arg7: memref<2x10240x128xf32, #tpu.memory_space<hbm>>, %arg8: memref<80xi32, #tpu.memory_space<vmem>>, %arg9: memref<80xi32, #tpu.memory_space<vmem>>, %arg10: memref<80x128xf32, #tpu.memory_space<vmem>>, %arg11: memref<80x128xf32, #tpu.memory_space<vmem>>, %arg12: memref<80xi32, #tpu.memory_space<vmem>>, %arg13: memref<80xi32, #tpu.memory_space<vmem>>, %arg14: memref<80x128xf32, #tpu.memory_space<vmem>>, %arg15: memref<80x128xf32, #tpu.memory_space<vmem>>, %arg16: memref<80xi32, #tpu.memory_space<vmem>>, %arg17: memref<80xi32, #tpu.memory_space<vmem>>, %arg18: memref<10240x128xf32, #tpu.memory_space<vmem_shared>>, %arg19: memref<!tpu.dma_semaphore, #tpu.memory_space<semaphore_mem>>, %arg20: memref<!tpu.dma_semaphore, #tpu.memory_space<semaphore_mem>>, %arg21: memref<!tpu.dma_semaphore, #tpu.memory_space<semaphore_mem>>, %arg22: memref<!tpu.dma_semaphore, #tpu.memory_space<semaphore_mem>>, %arg23: memref<!tpu.dma_semaphore, #tpu.memory_space<semaphore_mem>>, %arg24: memref<!tpu.dma_semaphore, #tpu.memory_space<semaphore_mem>>, %arg25: memref<!tpu.dma_semaphore, #tpu.memory_space<semaphore_mem>>, %arg26: memref<!tpu.dma_semaphore, #tpu.memory_space<semaphore_mem>>) attributes {dimension_semantics = [#tpu.dimension_semantics<core_parallel>, #tpu.dimension_semantics<subcore_parallel>], iteration_bounds = array<i64: 2, 16>, scalar_prefetch = 0 : i64, scratch_operands = 19 : i64, tpu.core_type = #tpu.core_type<sc_vector_subcore>, window_params = [{transform_indices = #map}, {transform_indices = #map}, {transform_indices = #map1}, {transform_indices = #map1}, {transform_indices = #map}, {transform_indices = #map2}]} {
    %mul3A = arith.constant 2 : i32
    %mul3A_0 = arith.muli %arg1, %mul3A : i32
    %add3A = arith.addi %mul3A_0, %arg0 : i32
    %mul3A_1 = arith.constant 640 : i32
    %mul3A_2 = arith.muli %arg1, %mul3A_1 : i32
    %mul3A_3 = arith.constant 640 : i32
    %mul3A_4 = arith.muli %arg1, %mul3A_3 : i32
    "tpu.region"() ({
      %run_scoped3A = tpu.sem_alloc : memref<!tpu.dma_semaphore, #tpu.memory_space<semaphore_mem>>
      %dma_start3A_65 = arith.constant 0 : i32
      %dma_start3A_66 = tpu.memref_slice %arg18[%mul3A_4, %dma_start3A_65] : memref<10240x128xf32, #tpu.memory_space<vmem_shared>> -> memref<640x128xf32, #tpu.memory_space<vmem_shared>>
      %dma_start3A_67 = arith.constant 0 : i32
      %dma_start3A_68 = tpu.memref_slice %arg6[%mul3A_2, %dma_start3A_67] : memref<10240x128xf32, #tpu.memory_space<hbm>> -> memref<640x128xf32, #tpu.memory_space<hbm>>
      tpu.enqueue_dma source(%dma_start3A_68 : memref<640x128xf32, #tpu.memory_space<hbm>>) target(%dma_start3A_66 : memref<640x128xf32, #tpu.memory_space<vmem_shared>>) target_semaphore(%run_scoped3A : memref<!tpu.dma_semaphore, #tpu.memory_space<semaphore_mem>>)
      %dma_wait3A_69 = arith.constant 0 : i32
      %dma_wait3A_70 = tpu.memref_slice %arg18[%mul3A_4, %dma_wait3A_69] : memref<10240x128xf32, #tpu.memory_space<vmem_shared>> -> memref<640x128xf32, #tpu.memory_space<vmem_shared>>
      %dma_wait3A_71 = arith.constant 0 : i32
      %dma_wait3A_72 = tpu.memref_slice %arg6[%mul3A_2, %dma_wait3A_71] : memref<10240x128xf32, #tpu.memory_space<hbm>> -> memref<640x128xf32, #tpu.memory_space<hbm>>
      tpu.wait_dma2 semaphore(%run_scoped3A : memref<!tpu.dma_semaphore, #tpu.memory_space<semaphore_mem>>) src(%dma_wait3A_72 : memref<640x128xf32, #tpu.memory_space<hbm>>) dst(%dma_wait3A_70 : memref<640x128xf32, #tpu.memory_space<vmem_shared>>)
      tpu.yield
    }) : () -> ()
    %barrier3A = arith.constant 0 : index
    tpu.barrier barrier_id(%barrier3A)
    %add3A_5 = arith.constant 0 : i32
    %add3A_6 = arith.addi %add3A, %add3A_5 : i32
    %mul3A_7 = arith.constant 80 : i32
    %mul3A_8 = arith.muli %add3A_6, %mul3A_7 : i32
    %dma_start3A = tpu.memref_slice %arg4[%mul3A_8] : memref<320000xi32, #tpu.memory_space<hbm>> -> memref<80xi32, #tpu.memory_space<hbm>>
    %dma_start3A_9 = tpu.memref_slice %arg4[%mul3A_8] : memref<320000xi32, #tpu.memory_space<hbm>> -> memref<80xi32, #tpu.memory_space<hbm>>
    tpu.enqueue_dma source(%dma_start3A_9 : memref<80xi32, #tpu.memory_space<hbm>>) target(%arg8 : memref<80xi32, #tpu.memory_space<vmem>>) target_semaphore(%arg25 : memref<!tpu.dma_semaphore, #tpu.memory_space<semaphore_mem>>)
    %add3A_10 = arith.constant 0 : i32
    %add3A_11 = arith.addi %add3A, %add3A_10 : i32
    %mul3A_12 = arith.constant 80 : i32
    %mul3A_13 = arith.muli %add3A_11, %mul3A_12 : i32
    %dma_start3A_14 = tpu.memref_slice %arg5[%mul3A_13] : memref<320000xi32, #tpu.memory_space<hbm>> -> memref<80xi32, #tpu.memory_space<hbm>>
    %dma_start3A_15 = tpu.memref_slice %arg5[%mul3A_13] : memref<320000xi32, #tpu.memory_space<hbm>> -> memref<80xi32, #tpu.memory_space<hbm>>
    tpu.enqueue_dma source(%dma_start3A_15 : memref<80xi32, #tpu.memory_space<hbm>>) target(%arg9 : memref<80xi32, #tpu.memory_space<vmem>>) target_semaphore(%arg25 : memref<!tpu.dma_semaphore, #tpu.memory_space<semaphore_mem>>)
    %add3A_16 = arith.constant 32 : i32
    %add3A_17 = arith.addi %add3A, %add3A_16 : i32
    %mul3A_18 = arith.constant 80 : i32
    %mul3A_19 = arith.muli %add3A_17, %mul3A_18 : i32
    %dma_start3A_20 = tpu.memref_slice %arg4[%mul3A_19] : memref<320000xi32, #tpu.memory_space<hbm>> -> memref<80xi32, #tpu.memory_space<hbm>>
    %dma_start3A_21 = tpu.memref_slice %arg4[%mul3A_19] : memref<320000xi32, #tpu.memory_space<hbm>> -> memref<80xi32, #tpu.memory_space<hbm>>
    tpu.enqueue_dma source(%dma_start3A_21 : memref<80xi32, #tpu.memory_space<hbm>>) target(%arg12 : memref<80xi32, #tpu.memory_space<vmem>>) target_semaphore(%arg26 : memref<!tpu.dma_semaphore, #tpu.memory_space<semaphore_mem>>)
    %add3A_22 = arith.constant 32 : i32
    %add3A_23 = arith.addi %add3A, %add3A_22 : i32
    %mul3A_24 = arith.constant 80 : i32
    %mul3A_25 = arith.muli %add3A_23, %mul3A_24 : i32
    %dma_start3A_26 = tpu.memref_slice %arg5[%mul3A_25] : memref<320000xi32, #tpu.memory_space<hbm>> -> memref<80xi32, #tpu.memory_space<hbm>>
    %dma_start3A_27 = tpu.memref_slice %arg5[%mul3A_25] : memref<320000xi32, #tpu.memory_space<hbm>> -> memref<80xi32, #tpu.memory_space<hbm>>
    tpu.enqueue_dma source(%dma_start3A_27 : memref<80xi32, #tpu.memory_space<hbm>>) target(%arg13 : memref<80xi32, #tpu.memory_space<vmem>>) target_semaphore(%arg26 : memref<!tpu.dma_semaphore, #tpu.memory_space<semaphore_mem>>)
    %add3A_28 = arith.constant 0 : i32
    %add3A_29 = arith.addi %add3A, %add3A_28 : i32
    %mul3A_30 = arith.constant 80 : i32
    %mul3A_31 = arith.muli %add3A_29, %mul3A_30 : i32
    %dma_wait3A = tpu.memref_slice %arg4[%mul3A_31] : memref<320000xi32, #tpu.memory_space<hbm>> -> memref<80xi32, #tpu.memory_space<hbm>>
    %dma_wait3A_32 = tpu.memref_slice %arg4[%mul3A_31] : memref<320000xi32, #tpu.memory_space<hbm>> -> memref<80xi32, #tpu.memory_space<hbm>>
    tpu.wait_dma2 semaphore(%arg25 : memref<!tpu.dma_semaphore, #tpu.memory_space<semaphore_mem>>) src(%dma_wait3A_32 : memref<80xi32, #tpu.memory_space<hbm>>) dst(%arg8 : memref<80xi32, #tpu.memory_space<vmem>>)
    %add3A_33 = arith.constant 0 : i32
    %add3A_34 = arith.addi %add3A, %add3A_33 : i32
    %mul3A_35 = arith.constant 80 : i32
    %mul3A_36 = arith.muli %add3A_34, %mul3A_35 : i32
    %dma_wait3A_37 = tpu.memref_slice %arg5[%mul3A_36] : memref<320000xi32, #tpu.memory_space<hbm>> -> memref<80xi32, #tpu.memory_space<hbm>>
    %dma_wait3A_38 = tpu.memref_slice %arg5[%mul3A_36] : memref<320000xi32, #tpu.memory_space<hbm>> -> memref<80xi32, #tpu.memory_space<hbm>>
    tpu.wait_dma2 semaphore(%arg25 : memref<!tpu.dma_semaphore, #tpu.memory_space<semaphore_mem>>) src(%dma_wait3A_38 : memref<80xi32, #tpu.memory_space<hbm>>) dst(%arg9 : memref<80xi32, #tpu.memory_space<vmem>>)
    %dma_start3A_39 = arith.constant 0 : i32
    %dma_start3A_40 = arith.constant 0 : i32
    %dma_start3A_41 = tpu.memref_slice %arg2[%dma_start3A_39, %dma_start3A_40] : memref<10000x128xf32, #tpu.memory_space<hbm>> -> memref<10000x128xf32, #tpu.memory_space<hbm>>
    tpu.enqueue_indirect_dma source(%dma_start3A_41 : memref<10000x128xf32, #tpu.memory_space<hbm>>) target(%arg10 : memref<80x128xf32, #tpu.memory_space<vmem>>) offsets(%arg8 : memref<80xi32, #tpu.memory_space<vmem>>) semaphore(%arg19 : memref<!tpu.dma_semaphore, #tpu.memory_space<semaphore_mem>>)
    %add3A_42 = arith.constant 0 : i32
    %add3A_43 = arith.addi %add3A, %add3A_42 : i32
    %mul3A_44 = arith.constant 80 : i32
    %mul3A_45 = arith.muli %add3A_43, %mul3A_44 : i32
    %dma_start3A_46 = arith.constant 0 : i32
    %dma_start3A_47 = tpu.memref_slice %arg3[%mul3A_45, %dma_start3A_46] : memref<320000x128xf32, #tpu.memory_space<hbm>> -> memref<80x128xf32, #tpu.memory_space<hbm>>
    %dma_start3A_48 = arith.constant 0 : i32
    %dma_start3A_49 = tpu.memref_slice %arg3[%mul3A_45, %dma_start3A_48] : memref<320000x128xf32, #tpu.memory_space<hbm>> -> memref<80x128xf32, #tpu.memory_space<hbm>>
    tpu.enqueue_dma source(%dma_start3A_49 : memref<80x128xf32, #tpu.memory_space<hbm>>) target(%arg11 : memref<80x128xf32, #tpu.memory_space<vmem>>) target_semaphore(%arg20 : memref<!tpu.dma_semaphore, #tpu.memory_space<semaphore_mem>>)
    %scan3A = arith.constant 0 : i32
    %scan3A_50 = arith.constant 63 : i32
    %scan3A_51 = arith.addi %scan3A, %scan3A_50 : i32
    %scan3A_52 = arith.constant 1 : i32
    scf.for %scan3A_65 = %scan3A to %scan3A_51 step %scan3A_52  : i32 {
      %mul3A_66 = arith.constant 1 : i32
      %mul3A_67 = arith.muli %scan3A_65, %mul3A_66 : i32
      %add3A_68 = arith.constant 0 : i32
      %add3A_69 = arith.addi %add3A_68, %mul3A_67 : i32
      %mul3A_70 = arith.constant 2 : i32
      %mul3A_71 = arith.muli %add3A_69, %mul3A_70 : i32
      %add3A_72 = arith.constant 0 : i32
      %add3A_73 = arith.addi %mul3A_71, %add3A_72 : i32
      %lt3A = arith.constant 125 : i32
      %lt3A_74 = arith.cmpi slt, %add3A_73, %lt3A : i32
      %convert_element_type3A = arith.extui %lt3A_74 : i1 to i32
      %cond3A = arith.constant 0 : i32
      %cond3A_75 = arith.cmpi ne, %convert_element_type3A, %cond3A : i32
      scf.if %cond3A_75 {
        %dma_wait3A_133 = arith.constant 0 : i32
        %dma_wait3A_134 = arith.constant 0 : i32
        %dma_wait3A_135 = tpu.memref_slice %arg2[%dma_wait3A_133, %dma_wait3A_134] : memref<10000x128xf32, #tpu.memory_space<hbm>> -> memref<10000x128xf32, #tpu.memory_space<hbm>>
        tpu.wait_indirect_dma semaphore(%arg19 : memref<!tpu.dma_semaphore, #tpu.memory_space<semaphore_mem>>) src(%dma_wait3A_135 : memref<10000x128xf32, #tpu.memory_space<hbm>>) dst(%arg10 : memref<80x128xf32, #tpu.memory_space<vmem>>)
        %mul3A_136 = arith.constant 32 : i32
        %mul3A_137 = arith.muli %add3A_73, %mul3A_136 : i32
        %add3A_138 = arith.addi %add3A, %mul3A_137 : i32
        %mul3A_139 = arith.constant 80 : i32
        %mul3A_140 = arith.muli %add3A_138, %mul3A_139 : i32
        %dma_wait3A_141 = arith.constant 0 : i32
        %dma_wait3A_142 = tpu.memref_slice %arg3[%mul3A_140, %dma_wait3A_141] : memref<320000x128xf32, #tpu.memory_space<hbm>> -> memref<80x128xf32, #tpu.memory_space<hbm>>
        %dma_wait3A_143 = arith.constant 0 : i32
        %dma_wait3A_144 = tpu.memref_slice %arg3[%mul3A_140, %dma_wait3A_143] : memref<320000x128xf32, #tpu.memory_space<hbm>> -> memref<80x128xf32, #tpu.memory_space<hbm>>
        tpu.wait_dma2 semaphore(%arg20 : memref<!tpu.dma_semaphore, #tpu.memory_space<semaphore_mem>>) src(%dma_wait3A_144 : memref<80x128xf32, #tpu.memory_space<hbm>>) dst(%arg11 : memref<80x128xf32, #tpu.memory_space<vmem>>)
      } else {
      }
      %add3A_76 = arith.constant 1 : i32
      %add3A_77 = arith.addi %add3A_73, %add3A_76 : i32
      %lt3A_78 = arith.constant 125 : i32
      %lt3A_79 = arith.cmpi slt, %add3A_77, %lt3A_78 : i32
      %convert_element_type3A_80 = arith.extui %lt3A_79 : i1 to i32
      %cond3A_81 = arith.constant 0 : i32
      %cond3A_82 = arith.cmpi ne, %convert_element_type3A_80, %cond3A_81 : i32
      scf.if %cond3A_82 {
        %ge3A = arith.constant 1 : i32
        %ge3A_133 = arith.cmpi sge, %add3A_73, %ge3A : i32
        %convert_element_type3A_134 = arith.extui %ge3A_133 : i1 to i32
        %cond3A_135 = arith.constant 0 : i32
        %cond3A_136 = arith.cmpi ne, %convert_element_type3A_134, %cond3A_135 : i32
        scf.if %cond3A_136 {
          %dma_wait3A_167 = arith.constant 0 : i32
          %dma_wait3A_168 = arith.constant 0 : i32
          %dma_wait3A_169 = tpu.memref_slice %arg18[%dma_wait3A_167, %dma_wait3A_168] : memref<10240x128xf32, #tpu.memory_space<vmem_shared>> -> memref<10240x128xf32, #tpu.memory_space<vmem_shared>>
          tpu.wait_indirect_dma semaphore(%arg24 : memref<!tpu.dma_semaphore, #tpu.memory_space<semaphore_mem>>) src(%arg15 : memref<80x128xf32, #tpu.memory_space<vmem>>) dst(%dma_wait3A_169 : memref<10240x128xf32, #tpu.memory_space<vmem_shared>>)
        } else {
        }
        %add3A_137 = arith.constant 1 : i32
        %add3A_138 = arith.addi %add3A_73, %add3A_137 : i32
        %mul3A_139 = arith.constant 32 : i32
        %mul3A_140 = arith.muli %add3A_138, %mul3A_139 : i32
        %add3A_141 = arith.addi %add3A, %mul3A_140 : i32
        %mul3A_142 = arith.constant 80 : i32
        %mul3A_143 = arith.muli %add3A_141, %mul3A_142 : i32
        %dma_wait3A_144 = tpu.memref_slice %arg4[%mul3A_143] : memref<320000xi32, #tpu.memory_space<hbm>> -> memref<80xi32, #tpu.memory_space<hbm>>
        %dma_wait3A_145 = tpu.memref_slice %arg4[%mul3A_143] : memref<320000xi32, #tpu.memory_space<hbm>> -> memref<80xi32, #tpu.memory_space<hbm>>
        tpu.wait_dma2 semaphore(%arg26 : memref<!tpu.dma_semaphore, #tpu.memory_space<semaphore_mem>>) src(%dma_wait3A_145 : memref<80xi32, #tpu.memory_space<hbm>>) dst(%arg12 : memref<80xi32, #tpu.memory_space<vmem>>)
        %mul3A_146 = arith.constant 32 : i32
        %mul3A_147 = arith.muli %add3A_138, %mul3A_146 : i32
        %add3A_148 = arith.addi %add3A, %mul3A_147 : i32
        %mul3A_149 = arith.constant 80 : i32
        %mul3A_150 = arith.muli %add3A_148, %mul3A_149 : i32
        %dma_wait3A_151 = tpu.memref_slice %arg5[%mul3A_150] : memref<320000xi32, #tpu.memory_space<hbm>> -> memref<80xi32, #tpu.memory_space<hbm>>
        %dma_wait3A_152 = tpu.memref_slice %arg5[%mul3A_150] : memref<320000xi32, #tpu.memory_space<hbm>> -> memref<80xi32, #tpu.memory_space<hbm>>
        tpu.wait_dma2 semaphore(%arg26 : memref<!tpu.dma_semaphore, #tpu.memory_space<semaphore_mem>>) src(%dma_wait3A_152 : memref<80xi32, #tpu.memory_space<hbm>>) dst(%arg13 : memref<80xi32, #tpu.memory_space<vmem>>)
        %add3A_153 = arith.constant 1 : i32
        %add3A_154 = arith.addi %add3A_73, %add3A_153 : i32
        %dma_start3A_155 = arith.constant 0 : i32
        %dma_start3A_156 = arith.constant 0 : i32
        %dma_start3A_157 = tpu.memref_slice %arg2[%dma_start3A_155, %dma_start3A_156] : memref<10000x128xf32, #tpu.memory_space<hbm>> -> memref<10000x128xf32, #tpu.memory_space<hbm>>
        tpu.enqueue_indirect_dma source(%dma_start3A_157 : memref<10000x128xf32, #tpu.memory_space<hbm>>) target(%arg14 : memref<80x128xf32, #tpu.memory_space<vmem>>) offsets(%arg12 : memref<80xi32, #tpu.memory_space<vmem>>) semaphore(%arg21 : memref<!tpu.dma_semaphore, #tpu.memory_space<semaphore_mem>>)
        %mul3A_158 = arith.constant 32 : i32
        %mul3A_159 = arith.muli %add3A_154, %mul3A_158 : i32
        %add3A_160 = arith.addi %add3A, %mul3A_159 : i32
        %mul3A_161 = arith.constant 80 : i32
        %mul3A_162 = arith.muli %add3A_160, %mul3A_161 : i32
        %dma_start3A_163 = arith.constant 0 : i32
        %dma_start3A_164 = tpu.memref_slice %arg3[%mul3A_162, %dma_start3A_163] : memref<320000x128xf32, #tpu.memory_space<hbm>> -> memref<80x128xf32, #tpu.memory_space<hbm>>
        %dma_start3A_165 = arith.constant 0 : i32
        %dma_start3A_166 = tpu.memref_slice %arg3[%mul3A_162, %dma_start3A_165] : memref<320000x128xf32, #tpu.memory_space<hbm>> -> memref<80x128xf32, #tpu.memory_space<hbm>>
        tpu.enqueue_dma source(%dma_start3A_166 : memref<80x128xf32, #tpu.memory_space<hbm>>) target(%arg15 : memref<80x128xf32, #tpu.memory_space<vmem>>) target_semaphore(%arg22 : memref<!tpu.dma_semaphore, #tpu.memory_space<semaphore_mem>>)
      } else {
      }
      %lt3A_83 = arith.constant 125 : i32
      %lt3A_84 = arith.cmpi slt, %add3A_73, %lt3A_83 : i32
      %convert_element_type3A_85 = arith.extui %lt3A_84 : i1 to i32
      %cond3A_86 = arith.constant 0 : i32
      %cond3A_87 = arith.cmpi ne, %convert_element_type3A_85, %cond3A_86 : i32
      scf.if %cond3A_87 {
        %get3A = arith.constant 0 : index
        %get3A_133 = tpu.vector_load %arg9[%get3A] {strides = array<i32>} : memref<80xi32, #tpu.memory_space<vmem>>, vector<16xi32>,
        %get3A_134 = vector.shape_cast %get3A_133 : vector<16xi32> to vector<16xi32>
        %swap3A = arith.constant 0 : index
        %swap3A_135 = tpu.vector_load %arg16[%swap3A] {strides = array<i32>} : memref<80xi32, #tpu.memory_space<vmem>>, vector<16xi32>,
        %swap3A_136 = vector.shape_cast %swap3A_135 : vector<16xi32> to vector<16xi32>
        %swap3A_137 = vector.shape_cast %get3A_134 : vector<16xi32> to vector<16xi32>
        tpu.vector_store %arg16[%swap3A], %swap3A_137 {strides = array<i32>} : memref<80xi32, #tpu.memory_space<vmem>>, vector<16xi32>,
        %get3A_138 = arith.constant 16 : index
        %get3A_139 = tpu.vector_load %arg9[%get3A_138] {strides = array<i32>} : memref<80xi32, #tpu.memory_space<vmem>>, vector<16xi32>,
        %get3A_140 = vector.shape_cast %get3A_139 : vector<16xi32> to vector<16xi32>
        %swap3A_141 = arith.constant 16 : index
        %swap3A_142 = tpu.vector_load %arg16[%swap3A_141] {strides = array<i32>} : memref<80xi32, #tpu.memory_space<vmem>>, vector<16xi32>,
        %swap3A_143 = vector.shape_cast %swap3A_142 : vector<16xi32> to vector<16xi32>
        %swap3A_144 = vector.shape_cast %get3A_140 : vector<16xi32> to vector<16xi32>
        tpu.vector_store %arg16[%swap3A_141], %swap3A_144 {strides = array<i32>} : memref<80xi32, #tpu.memory_space<vmem>>, vector<16xi32>,
        %get3A_145 = arith.constant 32 : index
        %get3A_146 = tpu.vector_load %arg9[%get3A_145] {strides = array<i32>} : memref<80xi32, #tpu.memory_space<vmem>>, vector<16xi32>,
        %get3A_147 = vector.shape_cast %get3A_146 : vector<16xi32> to vector<16xi32>
        %swap3A_148 = arith.constant 32 : index
        %swap3A_149 = tpu.vector_load %arg16[%swap3A_148] {strides = array<i32>} : memref<80xi32, #tpu.memory_space<vmem>>, vector<16xi32>,
        %swap3A_150 = vector.shape_cast %swap3A_149 : vector<16xi32> to vector<16xi32>
        %swap3A_151 = vector.shape_cast %get3A_147 : vector<16xi32> to vector<16xi32>
        tpu.vector_store %arg16[%swap3A_148], %swap3A_151 {strides = array<i32>} : memref<80xi32, #tpu.memory_space<vmem>>, vector<16xi32>,
        %get3A_152 = arith.constant 48 : index
        %get3A_153 = tpu.vector_load %arg9[%get3A_152] {strides = array<i32>} : memref<80xi32, #tpu.memory_space<vmem>>, vector<16xi32>,
        %get3A_154 = vector.shape_cast %get3A_153 : vector<16xi32> to vector<16xi32>
        %swap3A_155 = arith.constant 48 : index
        %swap3A_156 = tpu.vector_load %arg16[%swap3A_155] {strides = array<i32>} : memref<80xi32, #tpu.memory_space<vmem>>, vector<16xi32>,
        %swap3A_157 = vector.shape_cast %swap3A_156 : vector<16xi32> to vector<16xi32>
        %swap3A_158 = vector.shape_cast %get3A_154 : vector<16xi32> to vector<16xi32>
        tpu.vector_store %arg16[%swap3A_155], %swap3A_158 {strides = array<i32>} : memref<80xi32, #tpu.memory_space<vmem>>, vector<16xi32>,
        %get3A_159 = arith.constant 64 : index
        %get3A_160 = tpu.vector_load %arg9[%get3A_159] {strides = array<i32>} : memref<80xi32, #tpu.memory_space<vmem>>, vector<16xi32>,
        %get3A_161 = vector.shape_cast %get3A_160 : vector<16xi32> to vector<16xi32>
        %swap3A_162 = arith.constant 64 : index
        %swap3A_163 = tpu.vector_load %arg16[%swap3A_162] {strides = array<i32>} : memref<80xi32, #tpu.memory_space<vmem>>, vector<16xi32>,
        %swap3A_164 = vector.shape_cast %swap3A_163 : vector<16xi32> to vector<16xi32>
        %swap3A_165 = vector.shape_cast %get3A_161 : vector<16xi32> to vector<16xi32>
        tpu.vector_store %arg16[%swap3A_162], %swap3A_165 {strides = array<i32>} : memref<80xi32, #tpu.memory_space<vmem>>, vector<16xi32>,
      } else {
      }
      %add3A_88 = arith.constant 2 : i32
      %add3A_89 = arith.addi %add3A_73, %add3A_88 : i32
      %lt3A_90 = arith.constant 125 : i32
      %lt3A_91 = arith.cmpi slt, %add3A_89, %lt3A_90 : i32
      %convert_element_type3A_92 = arith.extui %lt3A_91 : i1 to i32
      %cond3A_93 = arith.constant 0 : i32
      %cond3A_94 = arith.cmpi ne, %convert_element_type3A_92, %cond3A_93 : i32
      scf.if %cond3A_94 {
        %add3A_133 = arith.constant 2 : i32
        %add3A_134 = arith.addi %add3A_73, %add3A_133 : i32
        %mul3A_135 = arith.constant 32 : i32
        %mul3A_136 = arith.muli %add3A_134, %mul3A_135 : i32
        %add3A_137 = arith.addi %add3A, %mul3A_136 : i32
        %mul3A_138 = arith.constant 80 : i32
        %mul3A_139 = arith.muli %add3A_137, %mul3A_138 : i32
        %dma_start3A_140 = tpu.memref_slice %arg4[%mul3A_139] : memref<320000xi32, #tpu.memory_space<hbm>> -> memref<80xi32, #tpu.memory_space<hbm>>
        %dma_start3A_141 = tpu.memref_slice %arg4[%mul3A_139] : memref<320000xi32, #tpu.memory_space<hbm>> -> memref<80xi32, #tpu.memory_space<hbm>>
        tpu.enqueue_dma source(%dma_start3A_141 : memref<80xi32, #tpu.memory_space<hbm>>) target(%arg8 : memref<80xi32, #tpu.memory_space<vmem>>) target_semaphore(%arg25 : memref<!tpu.dma_semaphore, #tpu.memory_space<semaphore_mem>>)
        %mul3A_142 = arith.constant 32 : i32
        %mul3A_143 = arith.muli %add3A_134, %mul3A_142 : i32
        %add3A_144 = arith.addi %add3A, %mul3A_143 : i32
        %mul3A_145 = arith.constant 80 : i32
        %mul3A_146 = arith.muli %add3A_144, %mul3A_145 : i32
        %dma_start3A_147 = tpu.memref_slice %arg5[%mul3A_146] : memref<320000xi32, #tpu.memory_space<hbm>> -> memref<80xi32, #tpu.memory_space<hbm>>
        %dma_start3A_148 = tpu.memref_slice %arg5[%mul3A_146] : memref<320000xi32, #tpu.memory_space<hbm>> -> memref<80xi32, #tpu.memory_space<hbm>>
        tpu.enqueue_dma source(%dma_start3A_148 : memref<80xi32, #tpu.memory_space<hbm>>) target(%arg9 : memref<80xi32, #tpu.memory_space<vmem>>) target_semaphore(%arg25 : memref<!tpu.dma_semaphore, #tpu.memory_space<semaphore_mem>>)
      } else {
      }
      %lt3A_95 = arith.constant 125 : i32
      %lt3A_96 = arith.cmpi slt, %add3A_73, %lt3A_95 : i32
      %convert_element_type3A_97 = arith.extui %lt3A_96 : i1 to i32
      %cond3A_98 = arith.constant 0 : i32
      %cond3A_99 = arith.cmpi ne, %convert_element_type3A_97, %cond3A_98 : i32
      scf.if %cond3A_99 {
        %scan3A_133 = arith.constant 0 : i32
        %scan3A_134 = arith.constant 80 : i32
        %scan3A_135 = arith.addi %scan3A_133, %scan3A_134 : i32
        %scan3A_136 = arith.constant 1 : i32
        scf.for %scan3A_141 = %scan3A_133 to %scan3A_135 step %scan3A_136  : i32 {
          %mul3A_142 = arith.constant 1 : i32
          %mul3A_143 = arith.muli %scan3A_141, %mul3A_142 : i32
          %add3A_144 = arith.constant 0 : i32
          %add3A_145 = arith.addi %add3A_144, %mul3A_143 : i32
          %get3A = arith.index_cast %add3A_145 : i32 to index
          %get3A_146 = arith.constant 0 : index
          %get3A_147 = tpu.vector_load %arg11[%get3A, %get3A_146] {strides = array<i32>} : memref<80x128xf32, #tpu.memory_space<vmem>>, vector<1x16xf32>,
          %get3A_148 = vector.shape_cast %get3A_147 : vector<1x16xf32> to vector<1x16xf32>
          %get3A_149 = arith.index_cast %add3A_145 : i32 to index
          %get3A_150 = arith.constant 0 : index
          %get3A_151 = tpu.vector_load %arg10[%get3A_149, %get3A_150] {strides = array<i32>} : memref<80x128xf32, #tpu.memory_space<vmem>>, vector<1x16xf32>,
          %get3A_152 = vector.shape_cast %get3A_151 : vector<1x16xf32> to vector<1x16xf32>
          %add3A_153 = arith.addf %get3A_148, %get3A_152 : vector<1x16xf32>
          %max3A = arith.constant 0.000000e+00 : f32
          %max3A_154 = vector.broadcast %max3A : f32 to vector<1x16xf32>
          %max3A_155 = arith.maximumf %add3A_153, %max3A_154 : vector<1x16xf32>
          %swap3A = arith.index_cast %add3A_145 : i32 to index
          %swap3A_156 = arith.constant 0 : index
          %swap3A_157 = tpu.vector_load %arg11[%swap3A, %swap3A_156] {strides = array<i32>} : memref<80x128xf32, #tpu.memory_space<vmem>>, vector<1x16xf32>,
          %swap3A_158 = vector.shape_cast %swap3A_157 : vector<1x16xf32> to vector<1x16xf32>
          %swap3A_159 = vector.shape_cast %max3A_155 : vector<1x16xf32> to vector<1x16xf32>
          tpu.vector_store %arg11[%swap3A, %swap3A_156], %swap3A_159 {strides = array<i32>} : memref<80x128xf32, #tpu.memory_space<vmem>>, vector<1x16xf32>,
          %get3A_160 = arith.index_cast %add3A_145 : i32 to index
          %get3A_161 = arith.constant 16 : index
          %get3A_162 = tpu.vector_load %arg11[%get3A_160, %get3A_161] {strides = array<i32>} : memref<80x128xf32, #tpu.memory_space<vmem>>, vector<1x16xf32>,
          %get3A_163 = vector.shape_cast %get3A_162 : vector<1x16xf32> to vector<1x16xf32>
          %get3A_164 = arith.index_cast %add3A_145 : i32 to index
          %get3A_165 = arith.constant 16 : index
          %get3A_166 = tpu.vector_load %arg10[%get3A_164, %get3A_165] {strides = array<i32>} : memref<80x128xf32, #tpu.memory_space<vmem>>, vector<1x16xf32>,
          %get3A_167 = vector.shape_cast %get3A_166 : vector<1x16xf32> to vector<1x16xf32>
          %add3A_168 = arith.addf %get3A_163, %get3A_167 : vector<1x16xf32>
          %max3A_169 = arith.constant 0.000000e+00 : f32
          %max3A_170 = vector.broadcast %max3A_169 : f32 to vector<1x16xf32>
          %max3A_171 = arith.maximumf %add3A_168, %max3A_170 : vector<1x16xf32>
          %swap3A_172 = arith.index_cast %add3A_145 : i32 to index
          %swap3A_173 = arith.constant 16 : index
          %swap3A_174 = tpu.vector_load %arg11[%swap3A_172, %swap3A_173] {strides = array<i32>} : memref<80x128xf32, #tpu.memory_space<vmem>>, vector<1x16xf32>,
          %swap3A_175 = vector.shape_cast %swap3A_174 : vector<1x16xf32> to vector<1x16xf32>
          %swap3A_176 = vector.shape_cast %max3A_171 : vector<1x16xf32> to vector<1x16xf32>
          tpu.vector_store %arg11[%swap3A_172, %swap3A_173], %swap3A_176 {strides = array<i32>} : memref<80x128xf32, #tpu.memory_space<vmem>>, vector<1x16xf32>,
          %get3A_177 = arith.index_cast %add3A_145 : i32 to index
          %get3A_178 = arith.constant 32 : index
          %get3A_179 = tpu.vector_load %arg11[%get3A_177, %get3A_178] {strides = array<i32>} : memref<80x128xf32, #tpu.memory_space<vmem>>, vector<1x16xf32>,
          %get3A_180 = vector.shape_cast %get3A_179 : vector<1x16xf32> to vector<1x16xf32>
          %get3A_181 = arith.index_cast %add3A_145 : i32 to index
          %get3A_182 = arith.constant 32 : index
          %get3A_183 = tpu.vector_load %arg10[%get3A_181, %get3A_182] {strides = array<i32>} : memref<80x128xf32, #tpu.memory_space<vmem>>, vector<1x16xf32>,
          %get3A_184 = vector.shape_cast %get3A_183 : vector<1x16xf32> to vector<1x16xf32>
          %add3A_185 = arith.addf %get3A_180, %get3A_184 : vector<1x16xf32>
          %max3A_186 = arith.constant 0.000000e+00 : f32
          %max3A_187 = vector.broadcast %max3A_186 : f32 to vector<1x16xf32>
          %max3A_188 = arith.maximumf %add3A_185, %max3A_187 : vector<1x16xf32>
          %swap3A_189 = arith.index_cast %add3A_145 : i32 to index
          %swap3A_190 = arith.constant 32 : index
          %swap3A_191 = tpu.vector_load %arg11[%swap3A_189, %swap3A_190] {strides = array<i32>} : memref<80x128xf32, #tpu.memory_space<vmem>>, vector<1x16xf32>,
          %swap3A_192 = vector.shape_cast %swap3A_191 : vector<1x16xf32> to vector<1x16xf32>
          %swap3A_193 = vector.shape_cast %max3A_188 : vector<1x16xf32> to vector<1x16xf32>
          tpu.vector_store %arg11[%swap3A_189, %swap3A_190], %swap3A_193 {strides = array<i32>} : memref<80x128xf32, #tpu.memory_space<vmem>>, vector<1x16xf32>,
          %get3A_194 = arith.index_cast %add3A_145 : i32 to index
          %get3A_195 = arith.constant 48 : index
          %get3A_196 = tpu.vector_load %arg11[%get3A_194, %get3A_195] {strides = array<i32>} : memref<80x128xf32, #tpu.memory_space<vmem>>, vector<1x16xf32>,
          %get3A_197 = vector.shape_cast %get3A_196 : vector<1x16xf32> to vector<1x16xf32>
          %get3A_198 = arith.index_cast %add3A_145 : i32 to index
          %get3A_199 = arith.constant 48 : index
          %get3A_200 = tpu.vector_load %arg10[%get3A_198, %get3A_199] {strides = array<i32>} : memref<80x128xf32, #tpu.memory_space<vmem>>, vector<1x16xf32>,
          %get3A_201 = vector.shape_cast %get3A_200 : vector<1x16xf32> to vector<1x16xf32>
          %add3A_202 = arith.addf %get3A_197, %get3A_201 : vector<1x16xf32>
          %max3A_203 = arith.constant 0.000000e+00 : f32
          %max3A_204 = vector.broadcast %max3A_203 : f32 to vector<1x16xf32>
          %max3A_205 = arith.maximumf %add3A_202, %max3A_204 : vector<1x16xf32>
          %swap3A_206 = arith.index_cast %add3A_145 : i32 to index
          %swap3A_207 = arith.constant 48 : index
          %swap3A_208 = tpu.vector_load %arg11[%swap3A_206, %swap3A_207] {strides = array<i32>} : memref<80x128xf32, #tpu.memory_space<vmem>>, vector<1x16xf32>,
          %swap3A_209 = vector.shape_cast %swap3A_208 : vector<1x16xf32> to vector<1x16xf32>
          %swap3A_210 = vector.shape_cast %max3A_205 : vector<1x16xf32> to vector<1x16xf32>
          tpu.vector_store %arg11[%swap3A_206, %swap3A_207], %swap3A_210 {strides = array<i32>} : memref<80x128xf32, #tpu.memory_space<vmem>>, vector<1x16xf32>,
          %get3A_211 = arith.index_cast %add3A_145 : i32 to index
          %get3A_212 = arith.constant 64 : index
          %get3A_213 = tpu.vector_load %arg11[%get3A_211, %get3A_212] {strides = array<i32>} : memref<80x128xf32, #tpu.memory_space<vmem>>, vector<1x16xf32>,
          %get3A_214 = vector.shape_cast %get3A_213 : vector<1x16xf32> to vector<1x16xf32>
          %get3A_215 = arith.index_cast %add3A_145 : i32 to index
          %get3A_216 = arith.constant 64 : index
          %get3A_217 = tpu.vector_load %arg10[%get3A_215, %get3A_216] {strides = array<i32>} : memref<80x128xf32, #tpu.memory_space<vmem>>, vector<1x16xf32>,
          %get3A_218 = vector.shape_cast %get3A_217 : vector<1x16xf32> to vector<1x16xf32>
          %add3A_219 = arith.addf %get3A_214, %get3A_218 : vector<1x16xf32>
          %max3A_220 = arith.constant 0.000000e+00 : f32
          %max3A_221 = vector.broadcast %max3A_220 : f32 to vector<1x16xf32>
          %max3A_222 = arith.maximumf %add3A_219, %max3A_221 : vector<1x16xf32>
          %swap3A_223 = arith.index_cast %add3A_145 : i32 to index
          %swap3A_224 = arith.constant 64 : index
          %swap3A_225 = tpu.vector_load %arg11[%swap3A_223, %swap3A_224] {strides = array<i32>} : memref<80x128xf32, #tpu.memory_space<vmem>>, vector<1x16xf32>,
          %swap3A_226 = vector.shape_cast %swap3A_225 : vector<1x16xf32> to vector<1x16xf32>
          %swap3A_227 = vector.shape_cast %max3A_222 : vector<1x16xf32> to vector<1x16xf32>
          tpu.vector_store %arg11[%swap3A_223, %swap3A_224], %swap3A_227 {strides = array<i32>} : memref<80x128xf32, #tpu.memory_space<vmem>>, vector<1x16xf32>,
          %get3A_228 = arith.index_cast %add3A_145 : i32 to index
          %get3A_229 = arith.constant 80 : index
          %get3A_230 = tpu.vector_load %arg11[%get3A_228, %get3A_229] {strides = array<i32>} : memref<80x128xf32, #tpu.memory_space<vmem>>, vector<1x16xf32>,
          %get3A_231 = vector.shape_cast %get3A_230 : vector<1x16xf32> to vector<1x16xf32>
          %get3A_232 = arith.index_cast %add3A_145 : i32 to index
          %get3A_233 = arith.constant 80 : index
          %get3A_234 = tpu.vector_load %arg10[%get3A_232, %get3A_233] {strides = array<i32>} : memref<80x128xf32, #tpu.memory_space<vmem>>, vector<1x16xf32>,
          %get3A_235 = vector.shape_cast %get3A_234 : vector<1x16xf32> to vector<1x16xf32>
          %add3A_236 = arith.addf %get3A_231, %get3A_235 : vector<1x16xf32>
          %max3A_237 = arith.constant 0.000000e+00 : f32
          %max3A_238 = vector.broadcast %max3A_237 : f32 to vector<1x16xf32>
          %max3A_239 = arith.maximumf %add3A_236, %max3A_238 : vector<1x16xf32>
          %swap3A_240 = arith.index_cast %add3A_145 : i32 to index
          %swap3A_241 = arith.constant 80 : index
          %swap3A_242 = tpu.vector_load %arg11[%swap3A_240, %swap3A_241] {strides = array<i32>} : memref<80x128xf32, #tpu.memory_space<vmem>>, vector<1x16xf32>,
          %swap3A_243 = vector.shape_cast %swap3A_242 : vector<1x16xf32> to vector<1x16xf32>
          %swap3A_244 = vector.shape_cast %max3A_239 : vector<1x16xf32> to vector<1x16xf32>
          tpu.vector_store %arg11[%swap3A_240, %swap3A_241], %swap3A_244 {strides = array<i32>} : memref<80x128xf32, #tpu.memory_space<vmem>>, vector<1x16xf32>,
          %get3A_245 = arith.index_cast %add3A_145 : i32 to index
          %get3A_246 = arith.constant 96 : index
          %get3A_247 = tpu.vector_load %arg11[%get3A_245, %get3A_246] {strides = array<i32>} : memref<80x128xf32, #tpu.memory_space<vmem>>, vector<1x16xf32>,
          %get3A_248 = vector.shape_cast %get3A_247 : vector<1x16xf32> to vector<1x16xf32>
          %get3A_249 = arith.index_cast %add3A_145 : i32 to index
          %get3A_250 = arith.constant 96 : index
          %get3A_251 = tpu.vector_load %arg10[%get3A_249, %get3A_250] {strides = array<i32>} : memref<80x128xf32, #tpu.memory_space<vmem>>, vector<1x16xf32>,
          %get3A_252 = vector.shape_cast %get3A_251 : vector<1x16xf32> to vector<1x16xf32>
          %add3A_253 = arith.addf %get3A_248, %get3A_252 : vector<1x16xf32>
          %max3A_254 = arith.constant 0.000000e+00 : f32
          %max3A_255 = vector.broadcast %max3A_254 : f32 to vector<1x16xf32>
          %max3A_256 = arith.maximumf %add3A_253, %max3A_255 : vector<1x16xf32>
          %swap3A_257 = arith.index_cast %add3A_145 : i32 to index
          %swap3A_258 = arith.constant 96 : index
          %swap3A_259 = tpu.vector_load %arg11[%swap3A_257, %swap3A_258] {strides = array<i32>} : memref<80x128xf32, #tpu.memory_space<vmem>>, vector<1x16xf32>,
          %swap3A_260 = vector.shape_cast %swap3A_259 : vector<1x16xf32> to vector<1x16xf32>
          %swap3A_261 = vector.shape_cast %max3A_256 : vector<1x16xf32> to vector<1x16xf32>
          tpu.vector_store %arg11[%swap3A_257, %swap3A_258], %swap3A_261 {strides = array<i32>} : memref<80x128xf32, #tpu.memory_space<vmem>>, vector<1x16xf32>,
          %get3A_262 = arith.index_cast %add3A_145 : i32 to index
          %get3A_263 = arith.constant 112 : index
          %get3A_264 = tpu.vector_load %arg11[%get3A_262, %get3A_263] {strides = array<i32>} : memref<80x128xf32, #tpu.memory_space<vmem>>, vector<1x16xf32>,
          %get3A_265 = vector.shape_cast %get3A_264 : vector<1x16xf32> to vector<1x16xf32>
          %get3A_266 = arith.index_cast %add3A_145 : i32 to index
          %get3A_267 = arith.constant 112 : index
          %get3A_268 = tpu.vector_load %arg10[%get3A_266, %get3A_267] {strides = array<i32>} : memref<80x128xf32, #tpu.memory_space<vmem>>, vector<1x16xf32>,
          %get3A_269 = vector.shape_cast %get3A_268 : vector<1x16xf32> to vector<1x16xf32>
          %add3A_270 = arith.addf %get3A_265, %get3A_269 : vector<1x16xf32>
          %max3A_271 = arith.constant 0.000000e+00 : f32
          %max3A_272 = vector.broadcast %max3A_271 : f32 to vector<1x16xf32>
          %max3A_273 = arith.maximumf %add3A_270, %max3A_272 : vector<1x16xf32>
          %swap3A_274 = arith.index_cast %add3A_145 : i32 to index
          %swap3A_275 = arith.constant 112 : index
          %swap3A_276 = tpu.vector_load %arg11[%swap3A_274, %swap3A_275] {strides = array<i32>} : memref<80x128xf32, #tpu.memory_space<vmem>>, vector<1x16xf32>,
          %swap3A_277 = vector.shape_cast %swap3A_276 : vector<1x16xf32> to vector<1x16xf32>
          %swap3A_278 = vector.shape_cast %max3A_273 : vector<1x16xf32> to vector<1x16xf32>
          tpu.vector_store %arg11[%swap3A_274, %swap3A_275], %swap3A_278 {strides = array<i32>} : memref<80x128xf32, #tpu.memory_space<vmem>>, vector<1x16xf32>,
        }
        %scan3A_137 = arith.constant 80 : i32
        %dma_start3A_138 = arith.constant 0 : i32
        %dma_start3A_139 = arith.constant 0 : i32
        %dma_start3A_140 = tpu.memref_slice %arg18[%dma_start3A_138, %dma_start3A_139] : memref<10240x128xf32, #tpu.memory_space<vmem_shared>> -> memref<10240x128xf32, #tpu.memory_space<vmem_shared>>
        tpu.enqueue_indirect_dma source(%arg11 : memref<80x128xf32, #tpu.memory_space<vmem>>) target(%dma_start3A_140 : memref<10240x128xf32, #tpu.memory_space<vmem_shared>>) offsets(%arg16 : memref<80xi32, #tpu.memory_space<vmem>>) semaphore(%arg23 : memref<!tpu.dma_semaphore, #tpu.memory_space<semaphore_mem>>) {add = true}
      } else {
      }
      %mul3A_100 = arith.constant 2 : i32
      %mul3A_101 = arith.muli %add3A_69, %mul3A_100 : i32
      %add3A_102 = arith.constant 1 : i32
      %add3A_103 = arith.addi %mul3A_101, %add3A_102 : i32
      %lt3A_104 = arith.constant 125 : i32
      %lt3A_105 = arith.cmpi slt, %add3A_103, %lt3A_104 : i32
      %convert_element_type3A_106 = arith.extui %lt3A_105 : i1 to i32
      %cond3A_107 = arith.constant 0 : i32
      %cond3A_108 = arith.cmpi ne, %convert_element_type3A_106, %cond3A_107 : i32
      scf.if %cond3A_108 {
        %dma_wait3A_133 = arith.constant 0 : i32
        %dma_wait3A_134 = arith.constant 0 : i32
        %dma_wait3A_135 = tpu.memref_slice %arg2[%dma_wait3A_133, %dma_wait3A_134] : memref<10000x128xf32, #tpu.memory_space<hbm>> -> memref<10000x128xf32, #tpu.memory_space<hbm>>
        tpu.wait_indirect_dma semaphore(%arg21 : memref<!tpu.dma_semaphore, #tpu.memory_space<semaphore_mem>>) src(%dma_wait3A_135 : memref<10000x128xf32, #tpu.memory_space<hbm>>) dst(%arg14 : memref<80x128xf32, #tpu.memory_space<vmem>>)
        %mul3A_136 = arith.constant 32 : i32
        %mul3A_137 = arith.muli %add3A_103, %mul3A_136 : i32
        %add3A_138 = arith.addi %add3A, %mul3A_137 : i32
        %mul3A_139 = arith.constant 80 : i32
        %mul3A_140 = arith.muli %add3A_138, %mul3A_139 : i32
        %dma_wait3A_141 = arith.constant 0 : i32
        %dma_wait3A_142 = tpu.memref_slice %arg3[%mul3A_140, %dma_wait3A_141] : memref<320000x128xf32, #tpu.memory_space<hbm>> -> memref<80x128xf32, #tpu.memory_space<hbm>>
        %dma_wait3A_143 = arith.constant 0 : i32
        %dma_wait3A_144 = tpu.memref_slice %arg3[%mul3A_140, %dma_wait3A_143] : memref<320000x128xf32, #tpu.memory_space<hbm>> -> memref<80x128xf32, #tpu.memory_space<hbm>>
        tpu.wait_dma2 semaphore(%arg22 : memref<!tpu.dma_semaphore, #tpu.memory_space<semaphore_mem>>) src(%dma_wait3A_144 : memref<80x128xf32, #tpu.memory_space<hbm>>) dst(%arg15 : memref<80x128xf32, #tpu.memory_space<vmem>>)
      } else {
      }
      %add3A_109 = arith.constant 1 : i32
      %add3A_110 = arith.addi %add3A_103, %add3A_109 : i32
      %lt3A_111 = arith.constant 125 : i32
      %lt3A_112 = arith.cmpi slt, %add3A_110, %lt3A_111 : i32
      %convert_element_type3A_113 = arith.extui %lt3A_112 : i1 to i32
      %cond3A_114 = arith.constant 0 : i32
      %cond3A_115 = arith.cmpi ne, %convert_element_type3A_113, %cond3A_114 : i32
      scf.if %cond3A_115 {
        %ge3A = arith.constant 1 : i32
        %ge3A_133 = arith.cmpi sge, %add3A_103, %ge3A : i32
        %convert_element_type3A_134 = arith.extui %ge3A_133 : i1 to i32
        %cond3A_135 = arith.constant 0 : i32
        %cond3A_136 = arith.cmpi ne, %convert_element_type3A_134, %cond3A_135 : i32
        scf.if %cond3A_136 {
          %dma_wait3A_167 = arith.constant 0 : i32
          %dma_wait3A_168 = arith.constant 0 : i32
          %dma_wait3A_169 = tpu.memref_slice %arg18[%dma_wait3A_167, %dma_wait3A_168] : memref<10240x128xf32, #tpu.memory_space<vmem_shared>> -> memref<10240x128xf32, #tpu.memory_space<vmem_shared>>
          tpu.wait_indirect_dma semaphore(%arg23 : memref<!tpu.dma_semaphore, #tpu.memory_space<semaphore_mem>>) src(%arg11 : memref<80x128xf32, #tpu.memory_space<vmem>>) dst(%dma_wait3A_169 : memref<10240x128xf32, #tpu.memory_space<vmem_shared>>)
        } else {
        }
        %add3A_137 = arith.constant 1 : i32
        %add3A_138 = arith.addi %add3A_103, %add3A_137 : i32
        %mul3A_139 = arith.constant 32 : i32
        %mul3A_140 = arith.muli %add3A_138, %mul3A_139 : i32
        %add3A_141 = arith.addi %add3A, %mul3A_140 : i32
        %mul3A_142 = arith.constant 80 : i32
        %mul3A_143 = arith.muli %add3A_141, %mul3A_142 : i32
        %dma_wait3A_144 = tpu.memref_slice %arg4[%mul3A_143] : memref<320000xi32, #tpu.memory_space<hbm>> -> memref<80xi32, #tpu.memory_space<hbm>>
        %dma_wait3A_145 = tpu.memref_slice %arg4[%mul3A_143] : memref<320000xi32, #tpu.memory_space<hbm>> -> memref<80xi32, #tpu.memory_space<hbm>>
        tpu.wait_dma2 semaphore(%arg25 : memref<!tpu.dma_semaphore, #tpu.memory_space<semaphore_mem>>) src(%dma_wait3A_145 : memref<80xi32, #tpu.memory_space<hbm>>) dst(%arg8 : memref<80xi32, #tpu.memory_space<vmem>>)
        %mul3A_146 = arith.constant 32 : i32
        %mul3A_147 = arith.muli %add3A_138, %mul3A_146 : i32
        %add3A_148 = arith.addi %add3A, %mul3A_147 : i32
        %mul3A_149 = arith.constant 80 : i32
        %mul3A_150 = arith.muli %add3A_148, %mul3A_149 : i32
        %dma_wait3A_151 = tpu.memref_slice %arg5[%mul3A_150] : memref<320000xi32, #tpu.memory_space<hbm>> -> memref<80xi32, #tpu.memory_space<hbm>>
        %dma_wait3A_152 = tpu.memref_slice %arg5[%mul3A_150] : memref<320000xi32, #tpu.memory_space<hbm>> -> memref<80xi32, #tpu.memory_space<hbm>>
        tpu.wait_dma2 semaphore(%arg25 : memref<!tpu.dma_semaphore, #tpu.memory_space<semaphore_mem>>) src(%dma_wait3A_152 : memref<80xi32, #tpu.memory_space<hbm>>) dst(%arg9 : memref<80xi32, #tpu.memory_space<vmem>>)
        %add3A_153 = arith.constant 1 : i32
        %add3A_154 = arith.addi %add3A_103, %add3A_153 : i32
        %dma_start3A_155 = arith.constant 0 : i32
        %dma_start3A_156 = arith.constant 0 : i32
        %dma_start3A_157 = tpu.memref_slice %arg2[%dma_start3A_155, %dma_start3A_156] : memref<10000x128xf32, #tpu.memory_space<hbm>> -> memref<10000x128xf32, #tpu.memory_space<hbm>>
        tpu.enqueue_indirect_dma source(%dma_start3A_157 : memref<10000x128xf32, #tpu.memory_space<hbm>>) target(%arg10 : memref<80x128xf32, #tpu.memory_space<vmem>>) offsets(%arg8 : memref<80xi32, #tpu.memory_space<vmem>>) semaphore(%arg19 : memref<!tpu.dma_semaphore, #tpu.memory_space<semaphore_mem>>)
        %mul3A_158 = arith.constant 32 : i32
        %mul3A_159 = arith.muli %add3A_154, %mul3A_158 : i32
        %add3A_160 = arith.addi %add3A, %mul3A_159 : i32
        %mul3A_161 = arith.constant 80 : i32
        %mul3A_162 = arith.muli %add3A_160, %mul3A_161 : i32
        %dma_start3A_163 = arith.constant 0 : i32
        %dma_start3A_164 = tpu.memref_slice %arg3[%mul3A_162, %dma_start3A_163] : memref<320000x128xf32, #tpu.memory_space<hbm>> -> memref<80x128xf32, #tpu.memory_space<hbm>>
        %dma_start3A_165 = arith.constant 0 : i32
        %dma_start3A_166 = tpu.memref_slice %arg3[%mul3A_162, %dma_start3A_165] : memref<320000x128xf32, #tpu.memory_space<hbm>> -> memref<80x128xf32, #tpu.memory_space<hbm>>
        tpu.enqueue_dma source(%dma_start3A_166 : memref<80x128xf32, #tpu.memory_space<hbm>>) target(%arg11 : memref<80x128xf32, #tpu.memory_space<vmem>>) target_semaphore(%arg20 : memref<!tpu.dma_semaphore, #tpu.memory_space<semaphore_mem>>)
      } else {
      }
      %lt3A_116 = arith.constant 125 : i32
      %lt3A_117 = arith.cmpi slt, %add3A_103, %lt3A_116 : i32
      %convert_element_type3A_118 = arith.extui %lt3A_117 : i1 to i32
      %cond3A_119 = arith.constant 0 : i32
      %cond3A_120 = arith.cmpi ne, %convert_element_type3A_118, %cond3A_119 : i32
      scf.if %cond3A_120 {
        %get3A = arith.constant 0 : index
        %get3A_133 = tpu.vector_load %arg13[%get3A] {strides = array<i32>} : memref<80xi32, #tpu.memory_space<vmem>>, vector<16xi32>,
        %get3A_134 = vector.shape_cast %get3A_133 : vector<16xi32> to vector<16xi32>
        %swap3A = arith.constant 0 : index
        %swap3A_135 = tpu.vector_load %arg17[%swap3A] {strides = array<i32>} : memref<80xi32, #tpu.memory_space<vmem>>, vector<16xi32>,
        %swap3A_136 = vector.shape_cast %swap3A_135 : vector<16xi32> to vector<16xi32>
        %swap3A_137 = vector.shape_cast %get3A_134 : vector<16xi32> to vector<16xi32>
        tpu.vector_store %arg17[%swap3A], %swap3A_137 {strides = array<i32>} : memref<80xi32, #tpu.memory_space<vmem>>, vector<16xi32>,
        %get3A_138 = arith.constant 16 : index
        %get3A_139 = tpu.vector_load %arg13[%get3A_138] {strides = array<i32>} : memref<80xi32, #tpu.memory_space<vmem>>, vector<16xi32>,
        %get3A_140 = vector.shape_cast %get3A_139 : vector<16xi32> to vector<16xi32>
        %swap3A_141 = arith.constant 16 : index
        %swap3A_142 = tpu.vector_load %arg17[%swap3A_141] {strides = array<i32>} : memref<80xi32, #tpu.memory_space<vmem>>, vector<16xi32>,
        %swap3A_143 = vector.shape_cast %swap3A_142 : vector<16xi32> to vector<16xi32>
        %swap3A_144 = vector.shape_cast %get3A_140 : vector<16xi32> to vector<16xi32>
        tpu.vector_store %arg17[%swap3A_141], %swap3A_144 {strides = array<i32>} : memref<80xi32, #tpu.memory_space<vmem>>, vector<16xi32>,
        %get3A_145 = arith.constant 32 : index
        %get3A_146 = tpu.vector_load %arg13[%get3A_145] {strides = array<i32>} : memref<80xi32, #tpu.memory_space<vmem>>, vector<16xi32>,
        %get3A_147 = vector.shape_cast %get3A_146 : vector<16xi32> to vector<16xi32>
        %swap3A_148 = arith.constant 32 : index
        %swap3A_149 = tpu.vector_load %arg17[%swap3A_148] {strides = array<i32>} : memref<80xi32, #tpu.memory_space<vmem>>, vector<16xi32>,
        %swap3A_150 = vector.shape_cast %swap3A_149 : vector<16xi32> to vector<16xi32>
        %swap3A_151 = vector.shape_cast %get3A_147 : vector<16xi32> to vector<16xi32>
        tpu.vector_store %arg17[%swap3A_148], %swap3A_151 {strides = array<i32>} : memref<80xi32, #tpu.memory_space<vmem>>, vector<16xi32>,
        %get3A_152 = arith.constant 48 : index
        %get3A_153 = tpu.vector_load %arg13[%get3A_152] {strides = array<i32>} : memref<80xi32, #tpu.memory_space<vmem>>, vector<16xi32>,
        %get3A_154 = vector.shape_cast %get3A_153 : vector<16xi32> to vector<16xi32>
        %swap3A_155 = arith.constant 48 : index
        %swap3A_156 = tpu.vector_load %arg17[%swap3A_155] {strides = array<i32>} : memref<80xi32, #tpu.memory_space<vmem>>, vector<16xi32>,
        %swap3A_157 = vector.shape_cast %swap3A_156 : vector<16xi32> to vector<16xi32>
        %swap3A_158 = vector.shape_cast %get3A_154 : vector<16xi32> to vector<16xi32>
        tpu.vector_store %arg17[%swap3A_155], %swap3A_158 {strides = array<i32>} : memref<80xi32, #tpu.memory_space<vmem>>, vector<16xi32>,
        %get3A_159 = arith.constant 64 : index
        %get3A_160 = tpu.vector_load %arg13[%get3A_159] {strides = array<i32>} : memref<80xi32, #tpu.memory_space<vmem>>, vector<16xi32>,
        %get3A_161 = vector.shape_cast %get3A_160 : vector<16xi32> to vector<16xi32>
        %swap3A_162 = arith.constant 64 : index
        %swap3A_163 = tpu.vector_load %arg17[%swap3A_162] {strides = array<i32>} : memref<80xi32, #tpu.memory_space<vmem>>, vector<16xi32>,
        %swap3A_164 = vector.shape_cast %swap3A_163 : vector<16xi32> to vector<16xi32>
        %swap3A_165 = vector.shape_cast %get3A_161 : vector<16xi32> to vector<16xi32>
        tpu.vector_store %arg17[%swap3A_162], %swap3A_165 {strides = array<i32>} : memref<80xi32, #tpu.memory_space<vmem>>, vector<16xi32>,
      } else {
      }
      %add3A_121 = arith.constant 2 : i32
      %add3A_122 = arith.addi %add3A_103, %add3A_121 : i32
      %lt3A_123 = arith.constant 125 : i32
      %lt3A_124 = arith.cmpi slt, %add3A_122, %lt3A_123 : i32
      %convert_element_type3A_125 = arith.extui %lt3A_124 : i1 to i32
      %cond3A_126 = arith.constant 0 : i32
      %cond3A_127 = arith.cmpi ne, %convert_element_type3A_125, %cond3A_126 : i32
      scf.if %cond3A_127 {
        %add3A_133 = arith.constant 2 : i32
        %add3A_134 = arith.addi %add3A_103, %add3A_133 : i32
        %mul3A_135 = arith.constant 32 : i32
        %mul3A_136 = arith.muli %add3A_134, %mul3A_135 : i32
        %add3A_137 = arith.addi %add3A, %mul3A_136 : i32
        %mul3A_138 = arith.constant 80 : i32
        %mul3A_139 = arith.muli %add3A_137, %mul3A_138 : i32
        %dma_start3A_140 = tpu.memref_slice %arg4[%mul3A_139] : memref<320000xi32, #tpu.memory_space<hbm>> -> memref<80xi32, #tpu.memory_space<hbm>>
        %dma_start3A_141 = tpu.memref_slice %arg4[%mul3A_139] : memref<320000xi32, #tpu.memory_space<hbm>> -> memref<80xi32, #tpu.memory_space<hbm>>
        tpu.enqueue_dma source(%dma_start3A_141 : memref<80xi32, #tpu.memory_space<hbm>>) target(%arg12 : memref<80xi32, #tpu.memory_space<vmem>>) target_semaphore(%arg26 : memref<!tpu.dma_semaphore, #tpu.memory_space<semaphore_mem>>)
        %mul3A_142 = arith.constant 32 : i32
        %mul3A_143 = arith.muli %add3A_134, %mul3A_142 : i32
        %add3A_144 = arith.addi %add3A, %mul3A_143 : i32
        %mul3A_145 = arith.constant 80 : i32
        %mul3A_146 = arith.muli %add3A_144, %mul3A_145 : i32
        %dma_start3A_147 = tpu.memref_slice %arg5[%mul3A_146] : memref<320000xi32, #tpu.memory_space<hbm>> -> memref<80xi32, #tpu.memory_space<hbm>>
        %dma_start3A_148 = tpu.memref_slice %arg5[%mul3A_146] : memref<320000xi32, #tpu.memory_space<hbm>> -> memref<80xi32, #tpu.memory_space<hbm>>
        tpu.enqueue_dma source(%dma_start3A_148 : memref<80xi32, #tpu.memory_space<hbm>>) target(%arg13 : memref<80xi32, #tpu.memory_space<vmem>>) target_semaphore(%arg26 : memref<!tpu.dma_semaphore, #tpu.memory_space<semaphore_mem>>)
      } else {
      }
      %lt3A_128 = arith.constant 125 : i32
      %lt3A_129 = arith.cmpi slt, %add3A_103, %lt3A_128 : i32
      %convert_element_type3A_130 = arith.extui %lt3A_129 : i1 to i32
      %cond3A_131 = arith.constant 0 : i32
      %cond3A_132 = arith.cmpi ne, %convert_element_type3A_130, %cond3A_131 : i32
      scf.if %cond3A_132 {
        %scan3A_133 = arith.constant 0 : i32
        %scan3A_134 = arith.constant 80 : i32
        %scan3A_135 = arith.addi %scan3A_133, %scan3A_134 : i32
        %scan3A_136 = arith.constant 1 : i32
        scf.for %scan3A_141 = %scan3A_133 to %scan3A_135 step %scan3A_136  : i32 {
          %mul3A_142 = arith.constant 1 : i32
          %mul3A_143 = arith.muli %scan3A_141, %mul3A_142 : i32
          %add3A_144 = arith.constant 0 : i32
          %add3A_145 = arith.addi %add3A_144, %mul3A_143 : i32
          %get3A = arith.index_cast %add3A_145 : i32 to index
          %get3A_146 = arith.constant 0 : index
          %get3A_147 = tpu.vector_load %arg15[%get3A, %get3A_146] {strides = array<i32>} : memref<80x128xf32, #tpu.memory_space<vmem>>, vector<1x16xf32>,
          %get3A_148 = vector.shape_cast %get3A_147 : vector<1x16xf32> to vector<1x16xf32>
          %get3A_149 = arith.index_cast %add3A_145 : i32 to index
          %get3A_150 = arith.constant 0 : index
          %get3A_151 = tpu.vector_load %arg14[%get3A_149, %get3A_150] {strides = array<i32>} : memref<80x128xf32, #tpu.memory_space<vmem>>, vector<1x16xf32>,
          %get3A_152 = vector.shape_cast %get3A_151 : vector<1x16xf32> to vector<1x16xf32>
          %add3A_153 = arith.addf %get3A_148, %get3A_152 : vector<1x16xf32>
          %max3A = arith.constant 0.000000e+00 : f32
          %max3A_154 = vector.broadcast %max3A : f32 to vector<1x16xf32>
          %max3A_155 = arith.maximumf %add3A_153, %max3A_154 : vector<1x16xf32>
          %swap3A = arith.index_cast %add3A_145 : i32 to index
          %swap3A_156 = arith.constant 0 : index
          %swap3A_157 = tpu.vector_load %arg15[%swap3A, %swap3A_156] {strides = array<i32>} : memref<80x128xf32, #tpu.memory_space<vmem>>, vector<1x16xf32>,
          %swap3A_158 = vector.shape_cast %swap3A_157 : vector<1x16xf32> to vector<1x16xf32>
          %swap3A_159 = vector.shape_cast %max3A_155 : vector<1x16xf32> to vector<1x16xf32>
          tpu.vector_store %arg15[%swap3A, %swap3A_156], %swap3A_159 {strides = array<i32>} : memref<80x128xf32, #tpu.memory_space<vmem>>, vector<1x16xf32>,
          %get3A_160 = arith.index_cast %add3A_145 : i32 to index
          %get3A_161 = arith.constant 16 : index
          %get3A_162 = tpu.vector_load %arg15[%get3A_160, %get3A_161] {strides = array<i32>} : memref<80x128xf32, #tpu.memory_space<vmem>>, vector<1x16xf32>,
          %get3A_163 = vector.shape_cast %get3A_162 : vector<1x16xf32> to vector<1x16xf32>
          %get3A_164 = arith.index_cast %add3A_145 : i32 to index
          %get3A_165 = arith.constant 16 : index
          %get3A_166 = tpu.vector_load %arg14[%get3A_164, %get3A_165] {strides = array<i32>} : memref<80x128xf32, #tpu.memory_space<vmem>>, vector<1x16xf32>,
          %get3A_167 = vector.shape_cast %get3A_166 : vector<1x16xf32> to vector<1x16xf32>
          %add3A_168 = arith.addf %get3A_163, %get3A_167 : vector<1x16xf32>
          %max3A_169 = arith.constant 0.000000e+00 : f32
          %max3A_170 = vector.broadcast %max3A_169 : f32 to vector<1x16xf32>
          %max3A_171 = arith.maximumf %add3A_168, %max3A_170 : vector<1x16xf32>
          %swap3A_172 = arith.index_cast %add3A_145 : i32 to index
          %swap3A_173 = arith.constant 16 : index
          %swap3A_174 = tpu.vector_load %arg15[%swap3A_172, %swap3A_173] {strides = array<i32>} : memref<80x128xf32, #tpu.memory_space<vmem>>, vector<1x16xf32>,
          %swap3A_175 = vector.shape_cast %swap3A_174 : vector<1x16xf32> to vector<1x16xf32>
          %swap3A_176 = vector.shape_cast %max3A_171 : vector<1x16xf32> to vector<1x16xf32>
          tpu.vector_store %arg15[%swap3A_172, %swap3A_173], %swap3A_176 {strides = array<i32>} : memref<80x128xf32, #tpu.memory_space<vmem>>, vector<1x16xf32>,
          %get3A_177 = arith.index_cast %add3A_145 : i32 to index
          %get3A_178 = arith.constant 32 : index
          %get3A_179 = tpu.vector_load %arg15[%get3A_177, %get3A_178] {strides = array<i32>} : memref<80x128xf32, #tpu.memory_space<vmem>>, vector<1x16xf32>,
          %get3A_180 = vector.shape_cast %get3A_179 : vector<1x16xf32> to vector<1x16xf32>
          %get3A_181 = arith.index_cast %add3A_145 : i32 to index
          %get3A_182 = arith.constant 32 : index
          %get3A_183 = tpu.vector_load %arg14[%get3A_181, %get3A_182] {strides = array<i32>} : memref<80x128xf32, #tpu.memory_space<vmem>>, vector<1x16xf32>,
          %get3A_184 = vector.shape_cast %get3A_183 : vector<1x16xf32> to vector<1x16xf32>
          %add3A_185 = arith.addf %get3A_180, %get3A_184 : vector<1x16xf32>
          %max3A_186 = arith.constant 0.000000e+00 : f32
          %max3A_187 = vector.broadcast %max3A_186 : f32 to vector<1x16xf32>
          %max3A_188 = arith.maximumf %add3A_185, %max3A_187 : vector<1x16xf32>
          %swap3A_189 = arith.index_cast %add3A_145 : i32 to index
          %swap3A_190 = arith.constant 32 : index
          %swap3A_191 = tpu.vector_load %arg15[%swap3A_189, %swap3A_190] {strides = array<i32>} : memref<80x128xf32, #tpu.memory_space<vmem>>, vector<1x16xf32>,
          %swap3A_192 = vector.shape_cast %swap3A_191 : vector<1x16xf32> to vector<1x16xf32>
          %swap3A_193 = vector.shape_cast %max3A_188 : vector<1x16xf32> to vector<1x16xf32>
          tpu.vector_store %arg15[%swap3A_189, %swap3A_190], %swap3A_193 {strides = array<i32>} : memref<80x128xf32, #tpu.memory_space<vmem>>, vector<1x16xf32>,
          %get3A_194 = arith.index_cast %add3A_145 : i32 to index
          %get3A_195 = arith.constant 48 : index
          %get3A_196 = tpu.vector_load %arg15[%get3A_194, %get3A_195] {strides = array<i32>} : memref<80x128xf32, #tpu.memory_space<vmem>>, vector<1x16xf32>,
          %get3A_197 = vector.shape_cast %get3A_196 : vector<1x16xf32> to vector<1x16xf32>
          %get3A_198 = arith.index_cast %add3A_145 : i32 to index
          %get3A_199 = arith.constant 48 : index
          %get3A_200 = tpu.vector_load %arg14[%get3A_198, %get3A_199] {strides = array<i32>} : memref<80x128xf32, #tpu.memory_space<vmem>>, vector<1x16xf32>,
          %get3A_201 = vector.shape_cast %get3A_200 : vector<1x16xf32> to vector<1x16xf32>
          %add3A_202 = arith.addf %get3A_197, %get3A_201 : vector<1x16xf32>
          %max3A_203 = arith.constant 0.000000e+00 : f32
          %max3A_204 = vector.broadcast %max3A_203 : f32 to vector<1x16xf32>
          %max3A_205 = arith.maximumf %add3A_202, %max3A_204 : vector<1x16xf32>
          %swap3A_206 = arith.index_cast %add3A_145 : i32 to index
          %swap3A_207 = arith.constant 48 : index
          %swap3A_208 = tpu.vector_load %arg15[%swap3A_206, %swap3A_207] {strides = array<i32>} : memref<80x128xf32, #tpu.memory_space<vmem>>, vector<1x16xf32>,
          %swap3A_209 = vector.shape_cast %swap3A_208 : vector<1x16xf32> to vector<1x16xf32>
          %swap3A_210 = vector.shape_cast %max3A_205 : vector<1x16xf32> to vector<1x16xf32>
          tpu.vector_store %arg15[%swap3A_206, %swap3A_207], %swap3A_210 {strides = array<i32>} : memref<80x128xf32, #tpu.memory_space<vmem>>, vector<1x16xf32>,
          %get3A_211 = arith.index_cast %add3A_145 : i32 to index
          %get3A_212 = arith.constant 64 : index
          %get3A_213 = tpu.vector_load %arg15[%get3A_211, %get3A_212] {strides = array<i32>} : memref<80x128xf32, #tpu.memory_space<vmem>>, vector<1x16xf32>,
          %get3A_214 = vector.shape_cast %get3A_213 : vector<1x16xf32> to vector<1x16xf32>
          %get3A_215 = arith.index_cast %add3A_145 : i32 to index
          %get3A_216 = arith.constant 64 : index
          %get3A_217 = tpu.vector_load %arg14[%get3A_215, %get3A_216] {strides = array<i32>} : memref<80x128xf32, #tpu.memory_space<vmem>>, vector<1x16xf32>,
          %get3A_218 = vector.shape_cast %get3A_217 : vector<1x16xf32> to vector<1x16xf32>
          %add3A_219 = arith.addf %get3A_214, %get3A_218 : vector<1x16xf32>
          %max3A_220 = arith.constant 0.000000e+00 : f32
          %max3A_221 = vector.broadcast %max3A_220 : f32 to vector<1x16xf32>
          %max3A_222 = arith.maximumf %add3A_219, %max3A_221 : vector<1x16xf32>
          %swap3A_223 = arith.index_cast %add3A_145 : i32 to index
          %swap3A_224 = arith.constant 64 : index
          %swap3A_225 = tpu.vector_load %arg15[%swap3A_223, %swap3A_224] {strides = array<i32>} : memref<80x128xf32, #tpu.memory_space<vmem>>, vector<1x16xf32>,
          %swap3A_226 = vector.shape_cast %swap3A_225 : vector<1x16xf32> to vector<1x16xf32>
          %swap3A_227 = vector.shape_cast %max3A_222 : vector<1x16xf32> to vector<1x16xf32>
          tpu.vector_store %arg15[%swap3A_223, %swap3A_224], %swap3A_227 {strides = array<i32>} : memref<80x128xf32, #tpu.memory_space<vmem>>, vector<1x16xf32>,
          %get3A_228 = arith.index_cast %add3A_145 : i32 to index
          %get3A_229 = arith.constant 80 : index
          %get3A_230 = tpu.vector_load %arg15[%get3A_228, %get3A_229] {strides = array<i32>} : memref<80x128xf32, #tpu.memory_space<vmem>>, vector<1x16xf32>,
          %get3A_231 = vector.shape_cast %get3A_230 : vector<1x16xf32> to vector<1x16xf32>
          %get3A_232 = arith.index_cast %add3A_145 : i32 to index
          %get3A_233 = arith.constant 80 : index
          %get3A_234 = tpu.vector_load %arg14[%get3A_232, %get3A_233] {strides = array<i32>} : memref<80x128xf32, #tpu.memory_space<vmem>>, vector<1x16xf32>,
          %get3A_235 = vector.shape_cast %get3A_234 : vector<1x16xf32> to vector<1x16xf32>
          %add3A_236 = arith.addf %get3A_231, %get3A_235 : vector<1x16xf32>
          %max3A_237 = arith.constant 0.000000e+00 : f32
          %max3A_238 = vector.broadcast %max3A_237 : f32 to vector<1x16xf32>
          %max3A_239 = arith.maximumf %add3A_236, %max3A_238 : vector<1x16xf32>
          %swap3A_240 = arith.index_cast %add3A_145 : i32 to index
          %swap3A_241 = arith.constant 80 : index
          %swap3A_242 = tpu.vector_load %arg15[%swap3A_240, %swap3A_241] {strides = array<i32>} : memref<80x128xf32, #tpu.memory_space<vmem>>, vector<1x16xf32>,
          %swap3A_243 = vector.shape_cast %swap3A_242 : vector<1x16xf32> to vector<1x16xf32>
          %swap3A_244 = vector.shape_cast %max3A_239 : vector<1x16xf32> to vector<1x16xf32>
          tpu.vector_store %arg15[%swap3A_240, %swap3A_241], %swap3A_244 {strides = array<i32>} : memref<80x128xf32, #tpu.memory_space<vmem>>, vector<1x16xf32>,
          %get3A_245 = arith.index_cast %add3A_145 : i32 to index
          %get3A_246 = arith.constant 96 : index
          %get3A_247 = tpu.vector_load %arg15[%get3A_245, %get3A_246] {strides = array<i32>} : memref<80x128xf32, #tpu.memory_space<vmem>>, vector<1x16xf32>,
          %get3A_248 = vector.shape_cast %get3A_247 : vector<1x16xf32> to vector<1x16xf32>
          %get3A_249 = arith.index_cast %add3A_145 : i32 to index
          %get3A_250 = arith.constant 96 : index
          %get3A_251 = tpu.vector_load %arg14[%get3A_249, %get3A_250] {strides = array<i32>} : memref<80x128xf32, #tpu.memory_space<vmem>>, vector<1x16xf32>,
          %get3A_252 = vector.shape_cast %get3A_251 : vector<1x16xf32> to vector<1x16xf32>
          %add3A_253 = arith.addf %get3A_248, %get3A_252 : vector<1x16xf32>
          %max3A_254 = arith.constant 0.000000e+00 : f32
          %max3A_255 = vector.broadcast %max3A_254 : f32 to vector<1x16xf32>
          %max3A_256 = arith.maximumf %add3A_253, %max3A_255 : vector<1x16xf32>
          %swap3A_257 = arith.index_cast %add3A_145 : i32 to index
          %swap3A_258 = arith.constant 96 : index
          %swap3A_259 = tpu.vector_load %arg15[%swap3A_257, %swap3A_258] {strides = array<i32>} : memref<80x128xf32, #tpu.memory_space<vmem>>, vector<1x16xf32>,
          %swap3A_260 = vector.shape_cast %swap3A_259 : vector<1x16xf32> to vector<1x16xf32>
          %swap3A_261 = vector.shape_cast %max3A_256 : vector<1x16xf32> to vector<1x16xf32>
          tpu.vector_store %arg15[%swap3A_257, %swap3A_258], %swap3A_261 {strides = array<i32>} : memref<80x128xf32, #tpu.memory_space<vmem>>, vector<1x16xf32>,
          %get3A_262 = arith.index_cast %add3A_145 : i32 to index
          %get3A_263 = arith.constant 112 : index
          %get3A_264 = tpu.vector_load %arg15[%get3A_262, %get3A_263] {strides = array<i32>} : memref<80x128xf32, #tpu.memory_space<vmem>>, vector<1x16xf32>,
          %get3A_265 = vector.shape_cast %get3A_264 : vector<1x16xf32> to vector<1x16xf32>
          %get3A_266 = arith.index_cast %add3A_145 : i32 to index
          %get3A_267 = arith.constant 112 : index
          %get3A_268 = tpu.vector_load %arg14[%get3A_266, %get3A_267] {strides = array<i32>} : memref<80x128xf32, #tpu.memory_space<vmem>>, vector<1x16xf32>,
          %get3A_269 = vector.shape_cast %get3A_268 : vector<1x16xf32> to vector<1x16xf32>
          %add3A_270 = arith.addf %get3A_265, %get3A_269 : vector<1x16xf32>
          %max3A_271 = arith.constant 0.000000e+00 : f32
          %max3A_272 = vector.broadcast %max3A_271 : f32 to vector<1x16xf32>
          %max3A_273 = arith.maximumf %add3A_270, %max3A_272 : vector<1x16xf32>
          %swap3A_274 = arith.index_cast %add3A_145 : i32 to index
          %swap3A_275 = arith.constant 112 : index
          %swap3A_276 = tpu.vector_load %arg15[%swap3A_274, %swap3A_275] {strides = array<i32>} : memref<80x128xf32, #tpu.memory_space<vmem>>, vector<1x16xf32>,
          %swap3A_277 = vector.shape_cast %swap3A_276 : vector<1x16xf32> to vector<1x16xf32>
          %swap3A_278 = vector.shape_cast %max3A_273 : vector<1x16xf32> to vector<1x16xf32>
          tpu.vector_store %arg15[%swap3A_274, %swap3A_275], %swap3A_278 {strides = array<i32>} : memref<80x128xf32, #tpu.memory_space<vmem>>, vector<1x16xf32>,
        }
        %scan3A_137 = arith.constant 80 : i32
        %dma_start3A_138 = arith.constant 0 : i32
        %dma_start3A_139 = arith.constant 0 : i32
        %dma_start3A_140 = tpu.memref_slice %arg18[%dma_start3A_138, %dma_start3A_139] : memref<10240x128xf32, #tpu.memory_space<vmem_shared>> -> memref<10240x128xf32, #tpu.memory_space<vmem_shared>>
        tpu.enqueue_indirect_dma source(%arg15 : memref<80x128xf32, #tpu.memory_space<vmem>>) target(%dma_start3A_140 : memref<10240x128xf32, #tpu.memory_space<vmem_shared>>) offsets(%arg17 : memref<80xi32, #tpu.memory_space<vmem>>) semaphore(%arg24 : memref<!tpu.dma_semaphore, #tpu.memory_space<semaphore_mem>>) {add = true}
      } else {
      }
    }
    %scan3A_53 = arith.constant 63 : i32
    %dma_wait3A_54 = arith.constant 0 : i32
    %dma_wait3A_55 = arith.constant 0 : i32
    %dma_wait3A_56 = tpu.memref_slice %arg18[%dma_wait3A_54, %dma_wait3A_55] : memref<10240x128xf32, #tpu.memory_space<vmem_shared>> -> memref<10240x128xf32, #tpu.memory_space<vmem_shared>>
    tpu.wait_indirect_dma semaphore(%arg23 : memref<!tpu.dma_semaphore, #tpu.memory_space<semaphore_mem>>) src(%arg11 : memref<80x128xf32, #tpu.memory_space<vmem>>) dst(%dma_wait3A_56 : memref<10240x128xf32, #tpu.memory_space<vmem_shared>>)
    %dma_wait3A_57 = arith.constant 0 : i32
    %dma_wait3A_58 = arith.constant 0 : i32
    %dma_wait3A_59 = tpu.memref_slice %arg18[%dma_wait3A_57, %dma_wait3A_58] : memref<10240x128xf32, #tpu.memory_space<vmem_shared>> -> memref<10240x128xf32, #tpu.memory_space<vmem_shared>>
    tpu.wait_indirect_dma semaphore(%arg24 : memref<!tpu.dma_semaphore, #tpu.memory_space<semaphore_mem>>) src(%arg15 : memref<80x128xf32, #tpu.memory_space<vmem>>) dst(%dma_wait3A_59 : memref<10240x128xf32, #tpu.memory_space<vmem_shared>>)
    %barrier3A_60 = arith.constant 0 : index
    tpu.barrier barrier_id(%barrier3A_60)
    %mul3A_61 = arith.constant 640 : i32
    %mul3A_62 = arith.muli %arg1, %mul3A_61 : i32
    %mul3A_63 = arith.constant 640 : i32
    %mul3A_64 = arith.muli %arg1, %mul3A_63 : i32
    "tpu.region"() ({
      %run_scoped3A = tpu.sem_alloc : memref<!tpu.dma_semaphore, #tpu.memory_space<semaphore_mem>>
      %dma_start3A_65 = arith.constant 0 : i32
      %dma_start3A_66 = tpu.memref_slice %arg7[%arg0, %mul3A_64, %dma_start3A_65] : memref<2x10240x128xf32, #tpu.memory_space<hbm>> -> memref<1x640x128xf32, #tpu.memory_space<hbm>>
      %dma_start3A_67 = tpu.memref_squeeze %dma_start3A_66 : memref<1x640x128xf32, #tpu.memory_space<hbm>> -> memref<640x128xf32, #tpu.memory_space<hbm>>
      %dma_start3A_68 = arith.constant 0 : i32
      %dma_start3A_69 = tpu.memref_slice %arg18[%mul3A_62, %dma_start3A_68] : memref<10240x128xf32, #tpu.memory_space<vmem_shared>> -> memref<640x128xf32, #tpu.memory_space<vmem_shared>>
      tpu.enqueue_dma source(%dma_start3A_69 : memref<640x128xf32, #tpu.memory_space<vmem_shared>>) target(%dma_start3A_67 : memref<640x128xf32, #tpu.memory_space<hbm>>) target_semaphore(%run_scoped3A : memref<!tpu.dma_semaphore, #tpu.memory_space<semaphore_mem>>)
      %dma_wait3A_70 = arith.constant 0 : i32
      %dma_wait3A_71 = tpu.memref_slice %arg7[%arg0, %mul3A_64, %dma_wait3A_70] : memref<2x10240x128xf32, #tpu.memory_space<hbm>> -> memref<1x640x128xf32, #tpu.memory_space<hbm>>
      %dma_wait3A_72 = tpu.memref_squeeze %dma_wait3A_71 : memref<1x640x128xf32, #tpu.memory_space<hbm>> -> memref<640x128xf32, #tpu.memory_space<hbm>>
      %dma_wait3A_73 = arith.constant 0 : i32
      %dma_wait3A_74 = tpu.memref_slice %arg18[%mul3A_62, %dma_wait3A_73] : memref<10240x128xf32, #tpu.memory_space<vmem_shared>> -> memref<640x128xf32, #tpu.memory_space<vmem_shared>>
      tpu.wait_dma2 semaphore(%run_scoped3A : memref<!tpu.dma_semaphore, #tpu.memory_space<semaphore_mem>>) src(%dma_wait3A_74 : memref<640x128xf32, #tpu.memory_space<vmem_shared>>) dst(%dma_wait3A_72 : memref<640x128xf32, #tpu.memory_space<hbm>>)
      tpu.yield
    }) : () -> ()
    return
  }
}

module attributes {stable_mosaic.version = 14 : i64} {
  func.func @body(%arg0: i32, %arg1: memref<2000x128xf32, #tpu.memory_space<vmem>>, %arg2: memref<128x128xf32, #tpu.memory_space<vmem>>, %arg3: memref<1x128xf32, #tpu.memory_space<vmem>>, %arg4: memref<2000x128xf32, #tpu.memory_space<vmem>>) attributes {dimension_semantics = [#tpu.dimension_semantics<arbitrary>], iteration_bounds = array<i64: 5>, scalar_prefetch = 0 : i64, scratch_operands = 0 : i64, tpu.core_type = #tpu.core_type<tc>, window_params = [{transform_indices = @transform_0, window_bounds = array<i64: 2000, 128>}, {pipeline_mode = #tpu.pipeline_mode<synchronous>, transform_indices = @transform_1, window_bounds = array<i64: 128, 128>}, {pipeline_mode = #tpu.pipeline_mode<synchronous>, transform_indices = @transform_2, window_bounds = array<i64: 1, 128>}, {transform_indices = @transform_3, window_bounds = array<i64: 2000, 128>}]} {
    %get3A = arith.constant 0 : index
    %get3A_0 = arith.constant 0 : index
    %get3A_1 = vector.load %arg1[%get3A, %get3A_0] : memref<2000x128xf32, #tpu.memory_space<vmem>>, vector<2000x128xf32>
    %get3A_2 = arith.constant 0 : index
    %get3A_3 = arith.constant 0 : index
    %get3A_4 = vector.load %arg2[%get3A_2, %get3A_3] : memref<128x128xf32, #tpu.memory_space<vmem>>, vector<128x128xf32>
    %dot_general3A = arith.constant dense<0.000000e+00> : vector<2000x128xf32>
    %dot_general3A_5 = tpu.matmul %get3A_1, %get3A_4, %dot_general3A {dimension_numbers = #tpu.dot_dimension_numbers<[1], [0], [0], [1], [0, 0, 1, 1], [], []>, transpose_lhs_hint = false} : vector<2000x128xf32>, vector<128x128xf32>, vector<2000x128xf32> -> vector<2000x128xf32>
    %get3A_6 = arith.constant 0 : index
    %get3A_7 = arith.constant 0 : index
    %get3A_8 = vector.load %arg3[%get3A_6, %get3A_7] : memref<1x128xf32, #tpu.memory_space<vmem>>, vector<1x128xf32>
    %add3A = vector.broadcast %get3A_8 : vector<1x128xf32> to vector<2000x128xf32>
    %add3A_9 = arith.addf %dot_general3A_5, %add3A : vector<2000x128xf32>
    %swap3A = arith.constant 0 : index
    %swap3A_10 = arith.constant 0 : index
    %swap3A_11 = vector.load %arg4[%swap3A, %swap3A_10] : memref<2000x128xf32, #tpu.memory_space<vmem>>, vector<2000x128xf32>
    tpu.vector_store %arg4[%swap3A, %swap3A_10], %add3A_9 {strides = array<i32>} : memref<2000x128xf32, #tpu.memory_space<vmem>>, vector<2000x128xf32>,
    return
  }
  func.func @transform_0(%arg0: i32) -> (i32, i32) {
    %c0_i32 = arith.constant 0 : i32
    %c0_i32_0 = arith.constant 0 : i32
    return %arg0, %c0_i32 : i32, i32
  }
  func.func @transform_1(%arg0: i32) -> (i32, i32) {
    %c0_i32 = arith.constant 0 : i32
    %c0_i32_0 = arith.constant 0 : i32
    %c0_i32_1 = arith.constant 0 : i32
    return %c0_i32, %c0_i32_0 : i32, i32
  }
  func.func @transform_2(%arg0: i32) -> (i32, i32) {
    %c0_i32 = arith.constant 0 : i32
    %c0_i32_0 = arith.constant 0 : i32
    %c0_i32_1 = arith.constant 0 : i32
    return %c0_i32, %c0_i32_0 : i32, i32
  }
  func.func @transform_3(%arg0: i32) -> (i32, i32) {
    %c0_i32 = arith.constant 0 : i32
    %c0_i32_0 = arith.constant 0 : i32
    return %arg0, %c0_i32 : i32, i32
  }
}

module attributes {stable_mosaic.version = 14 : i64} {
  func.func @body(%arg0: i32, %arg1: memref<2560x16xf32, #tpu.memory_space<vmem>>, %arg2: memref<16x128xf32, #tpu.memory_space<vmem>>, %arg3: memref<1x128xf32, #tpu.memory_space<vmem>>, %arg4: memref<2560x128xf32, #tpu.memory_space<vmem>>) attributes {dimension_semantics = [#tpu.dimension_semantics<arbitrary>], iteration_bounds = array<i64: 125>, scalar_prefetch = 0 : i64, scratch_operands = 0 : i64, tpu.core_type = #tpu.core_type<tc>, window_params = [{transform_indices = @transform_0, window_bounds = array<i64: 2560, 16>}, {pipeline_mode = #tpu.pipeline_mode<synchronous>, transform_indices = @transform_1, window_bounds = array<i64: 16, 128>}, {pipeline_mode = #tpu.pipeline_mode<synchronous>, transform_indices = @transform_2, window_bounds = array<i64: 1, 128>}, {transform_indices = @transform_3, window_bounds = array<i64: 2560, 128>}]} {
    %get3A = arith.constant 0 : index
    %get3A_0 = arith.constant 0 : index
    %get3A_1 = vector.load %arg1[%get3A, %get3A_0] : memref<2560x16xf32, #tpu.memory_space<vmem>>, vector<2560x16xf32>
    %get3A_2 = arith.constant 0 : index
    %get3A_3 = arith.constant 0 : index
    %get3A_4 = vector.load %arg2[%get3A_2, %get3A_3] : memref<16x128xf32, #tpu.memory_space<vmem>>, vector<16x128xf32>
    %dot_general3A = arith.constant dense<0.000000e+00> : vector<2560x128xf32>
    %dot_general3A_5 = tpu.matmul %get3A_1, %get3A_4, %dot_general3A {dimension_numbers = #tpu.dot_dimension_numbers<[1], [0], [0], [1], [0, 0, 1, 1], [], []>, transpose_lhs_hint = false} : vector<2560x16xf32>, vector<16x128xf32>, vector<2560x128xf32> -> vector<2560x128xf32>
    %get3A_6 = arith.constant 0 : index
    %get3A_7 = arith.constant 0 : index
    %get3A_8 = vector.load %arg3[%get3A_6, %get3A_7] : memref<1x128xf32, #tpu.memory_space<vmem>>, vector<1x128xf32>
    %add3A = vector.broadcast %get3A_8 : vector<1x128xf32> to vector<2560x128xf32>
    %add3A_9 = arith.addf %dot_general3A_5, %add3A : vector<2560x128xf32>
    %swap3A = arith.constant 0 : index
    %swap3A_10 = arith.constant 0 : index
    %swap3A_11 = vector.load %arg4[%swap3A, %swap3A_10] : memref<2560x128xf32, #tpu.memory_space<vmem>>, vector<2560x128xf32>
    tpu.vector_store %arg4[%swap3A, %swap3A_10], %add3A_9 {strides = array<i32>} : memref<2560x128xf32, #tpu.memory_space<vmem>>, vector<2560x128xf32>,
    return
  }
  func.func @transform_0(%arg0: i32) -> (i32, i32) {
    %c0_i32 = arith.constant 0 : i32
    %c0_i32_0 = arith.constant 0 : i32
    return %arg0, %c0_i32 : i32, i32
  }
  func.func @transform_1(%arg0: i32) -> (i32, i32) {
    %c0_i32 = arith.constant 0 : i32
    %c0_i32_0 = arith.constant 0 : i32
    %c0_i32_1 = arith.constant 0 : i32
    return %c0_i32, %c0_i32_0 : i32, i32
  }
  func.func @transform_2(%arg0: i32) -> (i32, i32) {
    %c0_i32 = arith.constant 0 : i32
    %c0_i32_0 = arith.constant 0 : i32
    %c0_i32_1 = arith.constant 0 : i32
    return %c0_i32, %c0_i32_0 : i32, i32
  }
  func.func @transform_3(%arg0: i32) -> (i32, i32) {
    %c0_i32 = arith.constant 0 : i32
    %c0_i32_0 = arith.constant 0 : i32
    return %arg0, %c0_i32 : i32, i32
  }
}

module attributes {stable_mosaic.version = 14 : i64} {
  func.func @body(%arg0: i32, %arg1: memref<2000x128xf32, #tpu.memory_space<vmem>>, %arg2: memref<1x2000x128xf32, #tpu.memory_space<vmem>>, %arg3: memref<1x2000x128xf32, #tpu.memory_space<vmem>>, %arg4: memref<1x1xf32, #tpu.memory_space<vmem>>, %arg5: memref<128x128xf32, #tpu.memory_space<vmem>>, %arg6: memref<1x128xf32, #tpu.memory_space<vmem>>, %arg7: memref<128x128xf32, #tpu.memory_space<vmem>>, %arg8: memref<1x128xf32, #tpu.memory_space<vmem>>, %arg9: memref<1x128xf32, #tpu.memory_space<vmem>>, %arg10: memref<1x128xf32, #tpu.memory_space<vmem>>, %arg11: memref<128x128xf32, #tpu.memory_space<vmem>>, %arg12: memref<128x128xf32, #tpu.memory_space<vmem>>, %arg13: memref<2000x128xf32, #tpu.memory_space<vmem>>, %arg14: memref<2000x128xf32, #tpu.memory_space<vmem>>, %arg15: memref<2000x128xf32, #tpu.memory_space<vmem>>) attributes {dimension_semantics = [#tpu.dimension_semantics<arbitrary>], iteration_bounds = array<i64: 5>, scalar_prefetch = 0 : i64, scratch_operands = 0 : i64, tpu.core_type = #tpu.core_type<tc>, window_params = [{transform_indices = @transform_0, window_bounds = array<i64: 2000, 128>}, {transform_indices = @transform_1, window_bounds = array<i64: 1, 2000, 128>}, {transform_indices = @transform_2, window_bounds = array<i64: 1, 2000, 128>}, {pipeline_mode = #tpu.pipeline_mode<synchronous>, transform_indices = @transform_3, window_bounds = array<i64: 1, 1>}, {pipeline_mode = #tpu.pipeline_mode<synchronous>, transform_indices = @transform_4, window_bounds = array<i64: 128, 128>}, {pipeline_mode = #tpu.pipeline_mode<synchronous>, transform_indices = @transform_5, window_bounds = array<i64: 1, 128>}, {pipeline_mode = #tpu.pipeline_mode<synchronous>, transform_indices = @transform_6, window_bounds = array<i64: 128, 128>}, {pipeline_mode = #tpu.pipeline_mode<synchronous>, transform_indices = @transform_7, window_bounds = array<i64: 1, 128>}, {pipeline_mode = #tpu.pipeline_mode<synchronous>, transform_indices = @transform_8, window_bounds = array<i64: 1, 128>}, {pipeline_mode = #tpu.pipeline_mode<synchronous>, transform_indices = @transform_9, window_bounds = array<i64: 1, 128>}, {pipeline_mode = #tpu.pipeline_mode<synchronous>, transform_indices = @transform_10, window_bounds = array<i64: 128, 128>}, {pipeline_mode = #tpu.pipeline_mode<synchronous>, transform_indices = @transform_11, window_bounds = array<i64: 128, 128>}, {transform_indices = @transform_12, window_bounds = array<i64: 2000, 128>}, {transform_indices = @transform_13, window_bounds = array<i64: 2000, 128>}, {transform_indices = @transform_14, window_bounds = array<i64: 2000, 128>}]} {
    %get3A = arith.constant 0 : index
    %get3A_0 = arith.constant 0 : index
    %get3A_1 = vector.load %arg4[%get3A, %get3A_0] : memref<1x1xf32, #tpu.memory_space<vmem>>, vector<1x1xf32>
    %get3A_2 = vector.extract %get3A_1[0, 0] : f32 from vector<1x1xf32>
    %get3A_3 = arith.constant 0 : index
    %get3A_4 = arith.constant 0 : index
    %get3A_5 = vector.load %arg1[%get3A_3, %get3A_4] : memref<2000x128xf32, #tpu.memory_space<vmem>>, vector<2000x128xf32>
    %mul3A = vector.broadcast %get3A_2 : f32 to vector<2000x128xf32>
    %mul3A_6 = arith.mulf %mul3A, %get3A_5 : vector<2000x128xf32>
    %get3A_7 = arith.constant 0 : index
    %get3A_8 = arith.constant 0 : index
    %get3A_9 = arith.constant 0 : index
    %get3A_10 = vector.load %arg2[%get3A_7, %get3A_8, %get3A_9] : memref<1x2000x128xf32, #tpu.memory_space<vmem>>, vector<1x2000x128xf32>
    %get3A_11 = vector.shape_cast %get3A_10 : vector<1x2000x128xf32> to vector<2000x128xf32>
    %add3A = arith.addf %mul3A_6, %get3A_11 : vector<2000x128xf32>
    %get3A_12 = arith.constant 0 : index
    %get3A_13 = arith.constant 0 : index
    %get3A_14 = arith.constant 0 : index
    %get3A_15 = vector.load %arg3[%get3A_12, %get3A_13, %get3A_14] : memref<1x2000x128xf32, #tpu.memory_space<vmem>>, vector<1x2000x128xf32>
    %get3A_16 = vector.shape_cast %get3A_15 : vector<1x2000x128xf32> to vector<2000x128xf32>
    %add3A_17 = arith.addf %add3A, %get3A_16 : vector<2000x128xf32>
    %get3A_18 = arith.constant 0 : index
    %get3A_19 = arith.constant 0 : index
    %get3A_20 = vector.load %arg5[%get3A_18, %get3A_19] : memref<128x128xf32, #tpu.memory_space<vmem>>, vector<128x128xf32>
    %get3A_21 = arith.constant 0 : index
    %get3A_22 = arith.constant 0 : index
    %get3A_23 = vector.load %arg6[%get3A_21, %get3A_22] : memref<1x128xf32, #tpu.memory_space<vmem>>, vector<1x128xf32>
    %get3A_24 = arith.constant 0 : index
    %get3A_25 = arith.constant 0 : index
    %get3A_26 = vector.load %arg7[%get3A_24, %get3A_25] : memref<128x128xf32, #tpu.memory_space<vmem>>, vector<128x128xf32>
    %get3A_27 = arith.constant 0 : index
    %get3A_28 = arith.constant 0 : index
    %get3A_29 = vector.load %arg8[%get3A_27, %get3A_28] : memref<1x128xf32, #tpu.memory_space<vmem>>, vector<1x128xf32>
    %get3A_30 = arith.constant 0 : index
    %get3A_31 = arith.constant 0 : index
    %get3A_32 = vector.load %arg9[%get3A_30, %get3A_31] : memref<1x128xf32, #tpu.memory_space<vmem>>, vector<1x128xf32>
    %get3A_33 = arith.constant 0 : index
    %get3A_34 = arith.constant 0 : index
    %get3A_35 = vector.load %arg10[%get3A_33, %get3A_34] : memref<1x128xf32, #tpu.memory_space<vmem>>, vector<1x128xf32>
    %dot_general3A = arith.constant dense<0.000000e+00> : vector<2000x128xf32>
    %dot_general3A_36 = tpu.matmul %add3A_17, %get3A_20, %dot_general3A {dimension_numbers = #tpu.dot_dimension_numbers<[1], [0], [0], [1], [0, 0, 1, 1], [], []>, transpose_lhs_hint = false} : vector<2000x128xf32>, vector<128x128xf32>, vector<2000x128xf32> -> vector<2000x128xf32>
    %add3A_37 = vector.broadcast %get3A_23 : vector<1x128xf32> to vector<2000x128xf32>
    %add3A_38 = arith.addf %dot_general3A_36, %add3A_37 : vector<2000x128xf32>
    %max3A = arith.constant 0.000000e+00 : f32
    %max3A_39 = vector.broadcast %max3A : f32 to vector<2000x128xf32>
    %max3A_40 = arith.maximumf %add3A_38, %max3A_39 : vector<2000x128xf32>
    %dot_general3A_41 = arith.constant dense<0.000000e+00> : vector<2000x128xf32>
    %dot_general3A_42 = tpu.matmul %max3A_40, %get3A_26, %dot_general3A_41 {dimension_numbers = #tpu.dot_dimension_numbers<[1], [0], [0], [1], [0, 0, 1, 1], [], []>, transpose_lhs_hint = false} : vector<2000x128xf32>, vector<128x128xf32>, vector<2000x128xf32> -> vector<2000x128xf32>
    %add3A_43 = vector.broadcast %get3A_29 : vector<1x128xf32> to vector<2000x128xf32>
    %add3A_44 = arith.addf %dot_general3A_42, %add3A_43 : vector<2000x128xf32>
    %reduce_sum3A = arith.constant dense<0.000000e+00> : vector<2000xf32>
    %reduce_sum3A_45 = vector.multi_reduction <add>, %add3A_44, %reduce_sum3A [1] : vector<2000x128xf32> to vector<2000xf32>
    %broadcast_in_dim3A = vector.shape_cast %reduce_sum3A_45 : vector<2000xf32> to vector<2000x1xf32>
    %div3A = arith.constant 1.280000e+02 : f32
    %div3A_46 = vector.broadcast %div3A : f32 to vector<2000x1xf32>
    %div3A_47 = arith.divf %broadcast_in_dim3A, %div3A_46 : vector<2000x1xf32>
    %sub3A = vector.broadcast %div3A_47 : vector<2000x1xf32> to vector<2000x128xf32>
    %sub3A_48 = arith.subf %add3A_44, %sub3A : vector<2000x128xf32>
    %sub3A_49 = vector.broadcast %div3A_47 : vector<2000x1xf32> to vector<2000x128xf32>
    %sub3A_50 = arith.subf %add3A_44, %sub3A_49 : vector<2000x128xf32>
    %mul3A_51 = arith.mulf %sub3A_48, %sub3A_50 : vector<2000x128xf32>
    %reduce_sum3A_52 = arith.constant dense<0.000000e+00> : vector<2000xf32>
    %reduce_sum3A_53 = vector.multi_reduction <add>, %mul3A_51, %reduce_sum3A_52 [1] : vector<2000x128xf32> to vector<2000xf32>
    %broadcast_in_dim3A_54 = vector.shape_cast %reduce_sum3A_53 : vector<2000xf32> to vector<2000x1xf32>
    %div3A_55 = arith.constant 1.280000e+02 : f32
    %div3A_56 = vector.broadcast %div3A_55 : f32 to vector<2000x1xf32>
    %div3A_57 = arith.divf %broadcast_in_dim3A_54, %div3A_56 : vector<2000x1xf32>
    %sub3A_58 = vector.broadcast %div3A_47 : vector<2000x1xf32> to vector<2000x128xf32>
    %sub3A_59 = arith.subf %add3A_44, %sub3A_58 : vector<2000x128xf32>
    %mul3A_60 = vector.broadcast %get3A_32 : vector<1x128xf32> to vector<2000x128xf32>
    %mul3A_61 = arith.mulf %mul3A_60, %sub3A_59 : vector<2000x128xf32>
    %add3A_62 = arith.constant 9.99999974E-6 : f32
    %add3A_63 = vector.broadcast %add3A_62 : f32 to vector<2000x1xf32>
    %add3A_64 = arith.addf %div3A_57, %add3A_63 : vector<2000x1xf32>
    %sqrt3A = math.sqrt %add3A_64 : vector<2000x1xf32>
    %div3A_65 = vector.broadcast %sqrt3A : vector<2000x1xf32> to vector<2000x128xf32>
    %div3A_66 = arith.divf %mul3A_61, %div3A_65 : vector<2000x128xf32>
    %add3A_67 = vector.broadcast %get3A_35 : vector<1x128xf32> to vector<2000x128xf32>
    %add3A_68 = arith.addf %div3A_66, %add3A_67 : vector<2000x128xf32>
    %max3A_69 = arith.constant 0.000000e+00 : f32
    %max3A_70 = vector.broadcast %max3A_69 : f32 to vector<2000x128xf32>
    %max3A_71 = arith.maximumf %add3A_68, %max3A_70 : vector<2000x128xf32>
    %swap3A = arith.constant 0 : index
    %swap3A_72 = arith.constant 0 : index
    %swap3A_73 = vector.load %arg13[%swap3A, %swap3A_72] : memref<2000x128xf32, #tpu.memory_space<vmem>>, vector<2000x128xf32>
    tpu.vector_store %arg13[%swap3A, %swap3A_72], %max3A_71 {strides = array<i32>} : memref<2000x128xf32, #tpu.memory_space<vmem>>, vector<2000x128xf32>,
    %get3A_74 = arith.constant 0 : index
    %get3A_75 = arith.constant 0 : index
    %get3A_76 = vector.load %arg11[%get3A_74, %get3A_75] : memref<128x128xf32, #tpu.memory_space<vmem>>, vector<128x128xf32>
    %dot_general3A_77 = arith.constant dense<0.000000e+00> : vector<2000x128xf32>
    %dot_general3A_78 = tpu.matmul %max3A_71, %get3A_76, %dot_general3A_77 {dimension_numbers = #tpu.dot_dimension_numbers<[1], [0], [0], [1], [0, 0, 1, 1], [], []>, transpose_lhs_hint = false} : vector<2000x128xf32>, vector<128x128xf32>, vector<2000x128xf32> -> vector<2000x128xf32>
    %swap3A_79 = arith.constant 0 : index
    %swap3A_80 = arith.constant 0 : index
    %swap3A_81 = vector.load %arg14[%swap3A_79, %swap3A_80] : memref<2000x128xf32, #tpu.memory_space<vmem>>, vector<2000x128xf32>
    tpu.vector_store %arg14[%swap3A_79, %swap3A_80], %dot_general3A_78 {strides = array<i32>} : memref<2000x128xf32, #tpu.memory_space<vmem>>, vector<2000x128xf32>,
    %get3A_82 = arith.constant 0 : index
    %get3A_83 = arith.constant 0 : index
    %get3A_84 = vector.load %arg12[%get3A_82, %get3A_83] : memref<128x128xf32, #tpu.memory_space<vmem>>, vector<128x128xf32>
    %dot_general3A_85 = arith.constant dense<0.000000e+00> : vector<2000x128xf32>
    %dot_general3A_86 = tpu.matmul %max3A_71, %get3A_84, %dot_general3A_85 {dimension_numbers = #tpu.dot_dimension_numbers<[1], [0], [0], [1], [0, 0, 1, 1], [], []>, transpose_lhs_hint = false} : vector<2000x128xf32>, vector<128x128xf32>, vector<2000x128xf32> -> vector<2000x128xf32>
    %swap3A_87 = arith.constant 0 : index
    %swap3A_88 = arith.constant 0 : index
    %swap3A_89 = vector.load %arg15[%swap3A_87, %swap3A_88] : memref<2000x128xf32, #tpu.memory_space<vmem>>, vector<2000x128xf32>
    tpu.vector_store %arg15[%swap3A_87, %swap3A_88], %dot_general3A_86 {strides = array<i32>} : memref<2000x128xf32, #tpu.memory_space<vmem>>, vector<2000x128xf32>,
    return
  }
  func.func @transform_0(%arg0: i32) -> (i32, i32) {
    %c0_i32 = arith.constant 0 : i32
    %c0_i32_0 = arith.constant 0 : i32
    return %arg0, %c0_i32 : i32, i32
  }
  func.func @transform_1(%arg0: i32) -> (i32, i32, i32) {
    %c0_i32 = arith.constant 0 : i32
    %c0_i32_0 = arith.constant 0 : i32
    %c0_i32_1 = arith.constant 0 : i32
    return %c0_i32, %arg0, %c0_i32_0 : i32, i32, i32
  }
  func.func @transform_2(%arg0: i32) -> (i32, i32, i32) {
    %c1_i32 = arith.constant 1 : i32
    %c0_i32 = arith.constant 0 : i32
    %c0_i32_0 = arith.constant 0 : i32
    return %c1_i32, %arg0, %c0_i32 : i32, i32, i32
  }
  func.func @transform_3(%arg0: i32) -> (i32, i32) {
    %c0_i32 = arith.constant 0 : i32
    %c0_i32_0 = arith.constant 0 : i32
    %c0_i32_1 = arith.constant 0 : i32
    return %c0_i32, %c0_i32_0 : i32, i32
  }
  func.func @transform_4(%arg0: i32) -> (i32, i32) {
    %c0_i32 = arith.constant 0 : i32
    %c0_i32_0 = arith.constant 0 : i32
    %c0_i32_1 = arith.constant 0 : i32
    return %c0_i32, %c0_i32_0 : i32, i32
  }
  func.func @transform_5(%arg0: i32) -> (i32, i32) {
    %c0_i32 = arith.constant 0 : i32
    %c0_i32_0 = arith.constant 0 : i32
    %c0_i32_1 = arith.constant 0 : i32
    return %c0_i32, %c0_i32_0 : i32, i32
  }
  func.func @transform_6(%arg0: i32) -> (i32, i32) {
    %c0_i32 = arith.constant 0 : i32
    %c0_i32_0 = arith.constant 0 : i32
    %c0_i32_1 = arith.constant 0 : i32
    return %c0_i32, %c0_i32_0 : i32, i32
  }
  func.func @transform_7(%arg0: i32) -> (i32, i32) {
    %c0_i32 = arith.constant 0 : i32
    %c0_i32_0 = arith.constant 0 : i32
    %c0_i32_1 = arith.constant 0 : i32
    return %c0_i32, %c0_i32_0 : i32, i32
  }
  func.func @transform_8(%arg0: i32) -> (i32, i32) {
    %c0_i32 = arith.constant 0 : i32
    %c0_i32_0 = arith.constant 0 : i32
    %c0_i32_1 = arith.constant 0 : i32
    return %c0_i32, %c0_i32_0 : i32, i32
  }
  func.func @transform_9(%arg0: i32) -> (i32, i32) {
    %c0_i32 = arith.constant 0 : i32
    %c0_i32_0 = arith.constant 0 : i32
    %c0_i32_1 = arith.constant 0 : i32
    return %c0_i32, %c0_i32_0 : i32, i32
  }
  func.func @transform_10(%arg0: i32) -> (i32, i32) {
    %c0_i32 = arith.constant 0 : i32
    %c0_i32_0 = arith.constant 0 : i32
    %c0_i32_1 = arith.constant 0 : i32
    return %c0_i32, %c0_i32_0 : i32, i32
  }
  func.func @transform_11(%arg0: i32) -> (i32, i32) {
    %c0_i32 = arith.constant 0 : i32
    %c0_i32_0 = arith.constant 0 : i32
    %c0_i32_1 = arith.constant 0 : i32
    return %c0_i32, %c0_i32_0 : i32, i32
  }
  func.func @transform_12(%arg0: i32) -> (i32, i32) {
    %c0_i32 = arith.constant 0 : i32
    %c0_i32_0 = arith.constant 0 : i32
    return %arg0, %c0_i32 : i32, i32
  }
  func.func @transform_13(%arg0: i32) -> (i32, i32) {
    %c0_i32 = arith.constant 0 : i32
    %c0_i32_0 = arith.constant 0 : i32
    return %arg0, %c0_i32 : i32, i32
  }
  func.func @transform_14(%arg0: i32) -> (i32, i32) {
    %c0_i32 = arith.constant 0 : i32
    %c0_i32_0 = arith.constant 0 : i32
    return %arg0, %c0_i32 : i32, i32
  }
}

module attributes {stable_mosaic.version = 14 : i64} {
  func.func @body(%arg0: i32, %arg1: memref<2560x128xf32, #tpu.memory_space<vmem>>, %arg2: memref<2560x128xf32, #tpu.memory_space<vmem>>, %arg3: memref<128x128xf32, #tpu.memory_space<vmem>>, %arg4: memref<1x128xf32, #tpu.memory_space<vmem>>, %arg5: memref<128x128xf32, #tpu.memory_space<vmem>>, %arg6: memref<1x128xf32, #tpu.memory_space<vmem>>, %arg7: memref<2560x128xf32, #tpu.memory_space<vmem>>) attributes {dimension_semantics = [#tpu.dimension_semantics<arbitrary>], iteration_bounds = array<i64: 125>, scalar_prefetch = 0 : i64, scratch_operands = 0 : i64, tpu.core_type = #tpu.core_type<tc>, window_params = [{transform_indices = @transform_0, window_bounds = array<i64: 2560, 128>}, {transform_indices = @transform_1, window_bounds = array<i64: 2560, 128>}, {pipeline_mode = #tpu.pipeline_mode<synchronous>, transform_indices = @transform_2, window_bounds = array<i64: 128, 128>}, {pipeline_mode = #tpu.pipeline_mode<synchronous>, transform_indices = @transform_3, window_bounds = array<i64: 1, 128>}, {pipeline_mode = #tpu.pipeline_mode<synchronous>, transform_indices = @transform_4, window_bounds = array<i64: 128, 128>}, {pipeline_mode = #tpu.pipeline_mode<synchronous>, transform_indices = @transform_5, window_bounds = array<i64: 1, 128>}, {transform_indices = @transform_6, window_bounds = array<i64: 2560, 128>}]} {
    %get3A = arith.constant 0 : index
    %get3A_0 = arith.constant 0 : index
    %get3A_1 = vector.load %arg1[%get3A, %get3A_0] : memref<2560x128xf32, #tpu.memory_space<vmem>>, vector<2560x128xf32>
    %get3A_2 = arith.constant 0 : index
    %get3A_3 = arith.constant 0 : index
    %get3A_4 = vector.load %arg3[%get3A_2, %get3A_3] : memref<128x128xf32, #tpu.memory_space<vmem>>, vector<128x128xf32>
    %dot_general3A = arith.constant dense<0.000000e+00> : vector<2560x128xf32>
    %dot_general3A_5 = tpu.matmul %get3A_1, %get3A_4, %dot_general3A {dimension_numbers = #tpu.dot_dimension_numbers<[1], [0], [0], [1], [0, 0, 1, 1], [], []>, transpose_lhs_hint = false} : vector<2560x128xf32>, vector<128x128xf32>, vector<2560x128xf32> -> vector<2560x128xf32>
    %get3A_6 = arith.constant 0 : index
    %get3A_7 = arith.constant 0 : index
    %get3A_8 = vector.load %arg2[%get3A_6, %get3A_7] : memref<2560x128xf32, #tpu.memory_space<vmem>>, vector<2560x128xf32>
    %add3A = arith.addf %dot_general3A_5, %get3A_8 : vector<2560x128xf32>
    %get3A_9 = arith.constant 0 : index
    %get3A_10 = arith.constant 0 : index
    %get3A_11 = vector.load %arg4[%get3A_9, %get3A_10] : memref<1x128xf32, #tpu.memory_space<vmem>>, vector<1x128xf32>
    %add3A_12 = vector.broadcast %get3A_11 : vector<1x128xf32> to vector<2560x128xf32>
    %add3A_13 = arith.addf %add3A, %add3A_12 : vector<2560x128xf32>
    %max3A = arith.constant 0.000000e+00 : f32
    %max3A_14 = vector.broadcast %max3A : f32 to vector<2560x128xf32>
    %max3A_15 = arith.maximumf %add3A_13, %max3A_14 : vector<2560x128xf32>
    %get3A_16 = arith.constant 0 : index
    %get3A_17 = arith.constant 0 : index
    %get3A_18 = vector.load %arg1[%get3A_16, %get3A_17] : memref<2560x128xf32, #tpu.memory_space<vmem>>, vector<2560x128xf32>
    %get3A_19 = arith.constant 0 : index
    %get3A_20 = arith.constant 0 : index
    %get3A_21 = vector.load %arg5[%get3A_19, %get3A_20] : memref<128x128xf32, #tpu.memory_space<vmem>>, vector<128x128xf32>
    %dot_general3A_22 = arith.constant dense<0.000000e+00> : vector<2560x128xf32>
    %dot_general3A_23 = tpu.matmul %max3A_15, %get3A_21, %dot_general3A_22 {dimension_numbers = #tpu.dot_dimension_numbers<[1], [0], [0], [1], [0, 0, 1, 1], [], []>, transpose_lhs_hint = false} : vector<2560x128xf32>, vector<128x128xf32>, vector<2560x128xf32> -> vector<2560x128xf32>
    %get3A_24 = arith.constant 0 : index
    %get3A_25 = arith.constant 0 : index
    %get3A_26 = vector.load %arg6[%get3A_24, %get3A_25] : memref<1x128xf32, #tpu.memory_space<vmem>>, vector<1x128xf32>
    %add3A_27 = vector.broadcast %get3A_26 : vector<1x128xf32> to vector<2560x128xf32>
    %add3A_28 = arith.addf %dot_general3A_23, %add3A_27 : vector<2560x128xf32>
    %mul3A = arith.constant 5.000000e-01 : f32
    %mul3A_29 = vector.broadcast %mul3A : f32 to vector<2560x128xf32>
    %mul3A_30 = arith.mulf %add3A_28, %mul3A_29 : vector<2560x128xf32>
    %add3A_31 = arith.addf %get3A_18, %mul3A_30 : vector<2560x128xf32>
    %swap3A = arith.constant 0 : index
    %swap3A_32 = arith.constant 0 : index
    %swap3A_33 = vector.load %arg7[%swap3A, %swap3A_32] : memref<2560x128xf32, #tpu.memory_space<vmem>>, vector<2560x128xf32>
    tpu.vector_store %arg7[%swap3A, %swap3A_32], %add3A_31 {strides = array<i32>} : memref<2560x128xf32, #tpu.memory_space<vmem>>, vector<2560x128xf32>,
    return
  }
  func.func @transform_0(%arg0: i32) -> (i32, i32) {
    %c0_i32 = arith.constant 0 : i32
    %c0_i32_0 = arith.constant 0 : i32
    return %arg0, %c0_i32 : i32, i32
  }
  func.func @transform_1(%arg0: i32) -> (i32, i32) {
    %c0_i32 = arith.constant 0 : i32
    %c0_i32_0 = arith.constant 0 : i32
    return %arg0, %c0_i32 : i32, i32
  }
  func.func @transform_2(%arg0: i32) -> (i32, i32) {
    %c0_i32 = arith.constant 0 : i32
    %c0_i32_0 = arith.constant 0 : i32
    %c0_i32_1 = arith.constant 0 : i32
    return %c0_i32, %c0_i32_0 : i32, i32
  }
  func.func @transform_3(%arg0: i32) -> (i32, i32) {
    %c0_i32 = arith.constant 0 : i32
    %c0_i32_0 = arith.constant 0 : i32
    %c0_i32_1 = arith.constant 0 : i32
    return %c0_i32, %c0_i32_0 : i32, i32
  }
  func.func @transform_4(%arg0: i32) -> (i32, i32) {
    %c0_i32 = arith.constant 0 : i32
    %c0_i32_0 = arith.constant 0 : i32
    %c0_i32_1 = arith.constant 0 : i32
    return %c0_i32, %c0_i32_0 : i32, i32
  }
  func.func @transform_5(%arg0: i32) -> (i32, i32) {
    %c0_i32 = arith.constant 0 : i32
    %c0_i32_0 = arith.constant 0 : i32
    %c0_i32_1 = arith.constant 0 : i32
    return %c0_i32, %c0_i32_0 : i32, i32
  }
  func.func @transform_6(%arg0: i32) -> (i32, i32) {
    %c0_i32 = arith.constant 0 : i32
    %c0_i32_0 = arith.constant 0 : i32
    return %arg0, %c0_i32 : i32, i32
  }
}

module attributes {stable_mosaic.version = 14 : i64} {
  func.func @body(%arg0: i32, %arg1: memref<2000x128xf32, #tpu.memory_space<vmem>>, %arg2: memref<1x2000x128xf32, #tpu.memory_space<vmem>>, %arg3: memref<1x2000x128xf32, #tpu.memory_space<vmem>>, %arg4: memref<1x1xf32, #tpu.memory_space<vmem>>, %arg5: memref<128x128xf32, #tpu.memory_space<vmem>>, %arg6: memref<1x128xf32, #tpu.memory_space<vmem>>, %arg7: memref<128x128xf32, #tpu.memory_space<vmem>>, %arg8: memref<1x128xf32, #tpu.memory_space<vmem>>, %arg9: memref<1x128xf32, #tpu.memory_space<vmem>>, %arg10: memref<1x128xf32, #tpu.memory_space<vmem>>, %arg11: memref<128x1xf32, #tpu.memory_space<vmem>>, %arg12: memref<1x1xf32, #tpu.memory_space<vmem>>, %arg13: memref<2000x1xf32, #tpu.memory_space<vmem>>) attributes {dimension_semantics = [#tpu.dimension_semantics<arbitrary>], iteration_bounds = array<i64: 5>, scalar_prefetch = 0 : i64, scratch_operands = 0 : i64, tpu.core_type = #tpu.core_type<tc>, window_params = [{transform_indices = @transform_0, window_bounds = array<i64: 2000, 128>}, {transform_indices = @transform_1, window_bounds = array<i64: 1, 2000, 128>}, {transform_indices = @transform_2, window_bounds = array<i64: 1, 2000, 128>}, {pipeline_mode = #tpu.pipeline_mode<synchronous>, transform_indices = @transform_3, window_bounds = array<i64: 1, 1>}, {pipeline_mode = #tpu.pipeline_mode<synchronous>, transform_indices = @transform_4, window_bounds = array<i64: 128, 128>}, {pipeline_mode = #tpu.pipeline_mode<synchronous>, transform_indices = @transform_5, window_bounds = array<i64: 1, 128>}, {pipeline_mode = #tpu.pipeline_mode<synchronous>, transform_indices = @transform_6, window_bounds = array<i64: 128, 128>}, {pipeline_mode = #tpu.pipeline_mode<synchronous>, transform_indices = @transform_7, window_bounds = array<i64: 1, 128>}, {pipeline_mode = #tpu.pipeline_mode<synchronous>, transform_indices = @transform_8, window_bounds = array<i64: 1, 128>}, {pipeline_mode = #tpu.pipeline_mode<synchronous>, transform_indices = @transform_9, window_bounds = array<i64: 1, 128>}, {pipeline_mode = #tpu.pipeline_mode<synchronous>, transform_indices = @transform_10, window_bounds = array<i64: 128, 1>}, {pipeline_mode = #tpu.pipeline_mode<synchronous>, transform_indices = @transform_11, window_bounds = array<i64: 1, 1>}, {transform_indices = @transform_12, window_bounds = array<i64: 2000, 1>}]} {
    %get3A = arith.constant 0 : index
    %get3A_0 = arith.constant 0 : index
    %get3A_1 = vector.load %arg4[%get3A, %get3A_0] : memref<1x1xf32, #tpu.memory_space<vmem>>, vector<1x1xf32>
    %get3A_2 = vector.extract %get3A_1[0, 0] : f32 from vector<1x1xf32>
    %get3A_3 = arith.constant 0 : index
    %get3A_4 = arith.constant 0 : index
    %get3A_5 = vector.load %arg1[%get3A_3, %get3A_4] : memref<2000x128xf32, #tpu.memory_space<vmem>>, vector<2000x128xf32>
    %mul3A = vector.broadcast %get3A_2 : f32 to vector<2000x128xf32>
    %mul3A_6 = arith.mulf %mul3A, %get3A_5 : vector<2000x128xf32>
    %get3A_7 = arith.constant 0 : index
    %get3A_8 = arith.constant 0 : index
    %get3A_9 = arith.constant 0 : index
    %get3A_10 = vector.load %arg2[%get3A_7, %get3A_8, %get3A_9] : memref<1x2000x128xf32, #tpu.memory_space<vmem>>, vector<1x2000x128xf32>
    %get3A_11 = vector.shape_cast %get3A_10 : vector<1x2000x128xf32> to vector<2000x128xf32>
    %add3A = arith.addf %mul3A_6, %get3A_11 : vector<2000x128xf32>
    %get3A_12 = arith.constant 0 : index
    %get3A_13 = arith.constant 0 : index
    %get3A_14 = arith.constant 0 : index
    %get3A_15 = vector.load %arg3[%get3A_12, %get3A_13, %get3A_14] : memref<1x2000x128xf32, #tpu.memory_space<vmem>>, vector<1x2000x128xf32>
    %get3A_16 = vector.shape_cast %get3A_15 : vector<1x2000x128xf32> to vector<2000x128xf32>
    %add3A_17 = arith.addf %add3A, %get3A_16 : vector<2000x128xf32>
    %get3A_18 = arith.constant 0 : index
    %get3A_19 = arith.constant 0 : index
    %get3A_20 = vector.load %arg5[%get3A_18, %get3A_19] : memref<128x128xf32, #tpu.memory_space<vmem>>, vector<128x128xf32>
    %get3A_21 = arith.constant 0 : index
    %get3A_22 = arith.constant 0 : index
    %get3A_23 = vector.load %arg6[%get3A_21, %get3A_22] : memref<1x128xf32, #tpu.memory_space<vmem>>, vector<1x128xf32>
    %get3A_24 = arith.constant 0 : index
    %get3A_25 = arith.constant 0 : index
    %get3A_26 = vector.load %arg7[%get3A_24, %get3A_25] : memref<128x128xf32, #tpu.memory_space<vmem>>, vector<128x128xf32>
    %get3A_27 = arith.constant 0 : index
    %get3A_28 = arith.constant 0 : index
    %get3A_29 = vector.load %arg8[%get3A_27, %get3A_28] : memref<1x128xf32, #tpu.memory_space<vmem>>, vector<1x128xf32>
    %get3A_30 = arith.constant 0 : index
    %get3A_31 = arith.constant 0 : index
    %get3A_32 = vector.load %arg9[%get3A_30, %get3A_31] : memref<1x128xf32, #tpu.memory_space<vmem>>, vector<1x128xf32>
    %get3A_33 = arith.constant 0 : index
    %get3A_34 = arith.constant 0 : index
    %get3A_35 = vector.load %arg10[%get3A_33, %get3A_34] : memref<1x128xf32, #tpu.memory_space<vmem>>, vector<1x128xf32>
    %dot_general3A = arith.constant dense<0.000000e+00> : vector<2000x128xf32>
    %dot_general3A_36 = tpu.matmul %add3A_17, %get3A_20, %dot_general3A {dimension_numbers = #tpu.dot_dimension_numbers<[1], [0], [0], [1], [0, 0, 1, 1], [], []>, transpose_lhs_hint = false} : vector<2000x128xf32>, vector<128x128xf32>, vector<2000x128xf32> -> vector<2000x128xf32>
    %add3A_37 = vector.broadcast %get3A_23 : vector<1x128xf32> to vector<2000x128xf32>
    %add3A_38 = arith.addf %dot_general3A_36, %add3A_37 : vector<2000x128xf32>
    %max3A = arith.constant 0.000000e+00 : f32
    %max3A_39 = vector.broadcast %max3A : f32 to vector<2000x128xf32>
    %max3A_40 = arith.maximumf %add3A_38, %max3A_39 : vector<2000x128xf32>
    %dot_general3A_41 = arith.constant dense<0.000000e+00> : vector<2000x128xf32>
    %dot_general3A_42 = tpu.matmul %max3A_40, %get3A_26, %dot_general3A_41 {dimension_numbers = #tpu.dot_dimension_numbers<[1], [0], [0], [1], [0, 0, 1, 1], [], []>, transpose_lhs_hint = false} : vector<2000x128xf32>, vector<128x128xf32>, vector<2000x128xf32> -> vector<2000x128xf32>
    %add3A_43 = vector.broadcast %get3A_29 : vector<1x128xf32> to vector<2000x128xf32>
    %add3A_44 = arith.addf %dot_general3A_42, %add3A_43 : vector<2000x128xf32>
    %reduce_sum3A = arith.constant dense<0.000000e+00> : vector<2000xf32>
    %reduce_sum3A_45 = vector.multi_reduction <add>, %add3A_44, %reduce_sum3A [1] : vector<2000x128xf32> to vector<2000xf32>
    %broadcast_in_dim3A = vector.shape_cast %reduce_sum3A_45 : vector<2000xf32> to vector<2000x1xf32>
    %div3A = arith.constant 1.280000e+02 : f32
    %div3A_46 = vector.broadcast %div3A : f32 to vector<2000x1xf32>
    %div3A_47 = arith.divf %broadcast_in_dim3A, %div3A_46 : vector<2000x1xf32>
    %sub3A = vector.broadcast %div3A_47 : vector<2000x1xf32> to vector<2000x128xf32>
    %sub3A_48 = arith.subf %add3A_44, %sub3A : vector<2000x128xf32>
    %sub3A_49 = vector.broadcast %div3A_47 : vector<2000x1xf32> to vector<2000x128xf32>
    %sub3A_50 = arith.subf %add3A_44, %sub3A_49 : vector<2000x128xf32>
    %mul3A_51 = arith.mulf %sub3A_48, %sub3A_50 : vector<2000x128xf32>
    %reduce_sum3A_52 = arith.constant dense<0.000000e+00> : vector<2000xf32>
    %reduce_sum3A_53 = vector.multi_reduction <add>, %mul3A_51, %reduce_sum3A_52 [1] : vector<2000x128xf32> to vector<2000xf32>
    %broadcast_in_dim3A_54 = vector.shape_cast %reduce_sum3A_53 : vector<2000xf32> to vector<2000x1xf32>
    %div3A_55 = arith.constant 1.280000e+02 : f32
    %div3A_56 = vector.broadcast %div3A_55 : f32 to vector<2000x1xf32>
    %div3A_57 = arith.divf %broadcast_in_dim3A_54, %div3A_56 : vector<2000x1xf32>
    %sub3A_58 = vector.broadcast %div3A_47 : vector<2000x1xf32> to vector<2000x128xf32>
    %sub3A_59 = arith.subf %add3A_44, %sub3A_58 : vector<2000x128xf32>
    %mul3A_60 = vector.broadcast %get3A_32 : vector<1x128xf32> to vector<2000x128xf32>
    %mul3A_61 = arith.mulf %mul3A_60, %sub3A_59 : vector<2000x128xf32>
    %add3A_62 = arith.constant 9.99999974E-6 : f32
    %add3A_63 = vector.broadcast %add3A_62 : f32 to vector<2000x1xf32>
    %add3A_64 = arith.addf %div3A_57, %add3A_63 : vector<2000x1xf32>
    %sqrt3A = math.sqrt %add3A_64 : vector<2000x1xf32>
    %div3A_65 = vector.broadcast %sqrt3A : vector<2000x1xf32> to vector<2000x128xf32>
    %div3A_66 = arith.divf %mul3A_61, %div3A_65 : vector<2000x128xf32>
    %add3A_67 = vector.broadcast %get3A_35 : vector<1x128xf32> to vector<2000x128xf32>
    %add3A_68 = arith.addf %div3A_66, %add3A_67 : vector<2000x128xf32>
    %max3A_69 = arith.constant 0.000000e+00 : f32
    %max3A_70 = vector.broadcast %max3A_69 : f32 to vector<2000x128xf32>
    %max3A_71 = arith.maximumf %add3A_68, %max3A_70 : vector<2000x128xf32>
    %get3A_72 = arith.constant 0 : index
    %get3A_73 = arith.constant 0 : index
    %get3A_74 = vector.load %arg11[%get3A_72, %get3A_73] : memref<128x1xf32, #tpu.memory_space<vmem>>, vector<128x1xf32>
    %dot_general3A_75 = arith.constant dense<0.000000e+00> : vector<2000x1xf32>
    %dot_general3A_76 = tpu.matmul %max3A_71, %get3A_74, %dot_general3A_75 {dimension_numbers = #tpu.dot_dimension_numbers<[1], [0], [0], [1], [0, 0, 1, 1], [], []>, transpose_lhs_hint = false} : vector<2000x128xf32>, vector<128x1xf32>, vector<2000x1xf32> -> vector<2000x1xf32>
    %get3A_77 = arith.constant 0 : index
    %get3A_78 = arith.constant 0 : index
    %get3A_79 = vector.load %arg12[%get3A_77, %get3A_78] : memref<1x1xf32, #tpu.memory_space<vmem>>, vector<1x1xf32>
    %add3A_80 = vector.broadcast %get3A_79 : vector<1x1xf32> to vector<2000x1xf32>
    %add3A_81 = arith.addf %dot_general3A_76, %add3A_80 : vector<2000x1xf32>
    %swap3A = arith.constant 0 : index
    %swap3A_82 = arith.constant 0 : index
    %swap3A_83 = vector.load %arg13[%swap3A, %swap3A_82] : memref<2000x1xf32, #tpu.memory_space<vmem>>, vector<2000x1xf32>
    tpu.vector_store %arg13[%swap3A, %swap3A_82], %add3A_81 {strides = array<i32>} : memref<2000x1xf32, #tpu.memory_space<vmem>>, vector<2000x1xf32>,
    return
  }
  func.func @transform_0(%arg0: i32) -> (i32, i32) {
    %c0_i32 = arith.constant 0 : i32
    %c0_i32_0 = arith.constant 0 : i32
    return %arg0, %c0_i32 : i32, i32
  }
  func.func @transform_1(%arg0: i32) -> (i32, i32, i32) {
    %c0_i32 = arith.constant 0 : i32
    %c0_i32_0 = arith.constant 0 : i32
    %c0_i32_1 = arith.constant 0 : i32
    return %c0_i32, %arg0, %c0_i32_0 : i32, i32, i32
  }
  func.func @transform_2(%arg0: i32) -> (i32, i32, i32) {
    %c1_i32 = arith.constant 1 : i32
    %c0_i32 = arith.constant 0 : i32
    %c0_i32_0 = arith.constant 0 : i32
    return %c1_i32, %arg0, %c0_i32 : i32, i32, i32
  }
  func.func @transform_3(%arg0: i32) -> (i32, i32) {
    %c0_i32 = arith.constant 0 : i32
    %c0_i32_0 = arith.constant 0 : i32
    %c0_i32_1 = arith.constant 0 : i32
    return %c0_i32, %c0_i32_0 : i32, i32
  }
  func.func @transform_4(%arg0: i32) -> (i32, i32) {
    %c0_i32 = arith.constant 0 : i32
    %c0_i32_0 = arith.constant 0 : i32
    %c0_i32_1 = arith.constant 0 : i32
    return %c0_i32, %c0_i32_0 : i32, i32
  }
  func.func @transform_5(%arg0: i32) -> (i32, i32) {
    %c0_i32 = arith.constant 0 : i32
    %c0_i32_0 = arith.constant 0 : i32
    %c0_i32_1 = arith.constant 0 : i32
    return %c0_i32, %c0_i32_0 : i32, i32
  }
  func.func @transform_6(%arg0: i32) -> (i32, i32) {
    %c0_i32 = arith.constant 0 : i32
    %c0_i32_0 = arith.constant 0 : i32
    %c0_i32_1 = arith.constant 0 : i32
    return %c0_i32, %c0_i32_0 : i32, i32
  }
  func.func @transform_7(%arg0: i32) -> (i32, i32) {
    %c0_i32 = arith.constant 0 : i32
    %c0_i32_0 = arith.constant 0 : i32
    %c0_i32_1 = arith.constant 0 : i32
    return %c0_i32, %c0_i32_0 : i32, i32
  }
  func.func @transform_8(%arg0: i32) -> (i32, i32) {
    %c0_i32 = arith.constant 0 : i32
    %c0_i32_0 = arith.constant 0 : i32
    %c0_i32_1 = arith.constant 0 : i32
    return %c0_i32, %c0_i32_0 : i32, i32
  }
  func.func @transform_9(%arg0: i32) -> (i32, i32) {
    %c0_i32 = arith.constant 0 : i32
    %c0_i32_0 = arith.constant 0 : i32
    %c0_i32_1 = arith.constant 0 : i32
    return %c0_i32, %c0_i32_0 : i32, i32
  }
  func.func @transform_10(%arg0: i32) -> (i32, i32) {
    %c0_i32 = arith.constant 0 : i32
    %c0_i32_0 = arith.constant 0 : i32
    %c0_i32_1 = arith.constant 0 : i32
    return %c0_i32, %c0_i32_0 : i32, i32
  }
  func.func @transform_11(%arg0: i32) -> (i32, i32) {
    %c0_i32 = arith.constant 0 : i32
    %c0_i32_0 = arith.constant 0 : i32
    %c0_i32_1 = arith.constant 0 : i32
    return %c0_i32, %c0_i32_0 : i32, i32
  }
  func.func @transform_12(%arg0: i32) -> (i32, i32) {
    %c0_i32 = arith.constant 0 : i32
    %c0_i32_0 = arith.constant 0 : i32
    return %arg0, %c0_i32 : i32, i32
  }
}

</mosaic_0001>

<sc_bundles>
// kernel: kernel.10.cloned.1.call-start
scs
__scs_entry_jumppad:
0x0: {  	(pc) =	sbr.rel $0x88, $3  }
0x1: {  	(tag) =	ssettag $0x0;
	lr =	simm.s32 $0x1  }
0x2: {  	[smem:$0x3F86] =	sst lr;
	_ =	strace $0xD0000000  }
0x3: {  	_ = 	snop  }
0x4: {  	_ = 	snop  }
0x5: {  	_ = 	snop  }
0x6: {  	_ = 	snop  }
0x7: {  	_ = 	snop  }
__scs_overlays_trampoline_lowered:
0x8: {  	[smem:$0x3F95] =	sst s0  }
0x9: {  	[smem:$0x3F96] =	sst s1  }
0xa: {  	[smem:$0x3F97] =	sst s2  }
0xb: {  	[smem:$0x3F98] =	sst s3  }
0xc: {  	[smem:$0x3F99] =	sst s4  }
0xd: {  	[smem:$0x3F9A] =	sst s5  }
0xe: {  	[smem:$0x3F9B] =	sst s6  }
0xf: {  	[smem:$0x3F9C] =	sst s7  }
0x10: {  	[smem:$0x3F9D] =	sst s8  }
0x11: {  	[smem:$0x3F9E] =	sst s9;
	s0 =	simm.s32 @!p0 $0x0  }
0x12: {  	s1 =	sld [smem:$0x3F84];
	s0 =	simm.s32 @p0 $0x1  }
0x13: {  	[smem:$0x3F9F] =	sst s0;
	s0 =	simm.s32 @!p1 $0x0  }
0x14: {  	s2 =	sld [smem:$0x3F83];
	s0 =	simm.s32 @p1 $0x1  }
0x15: {  	[smem:$0x3FA0] =	sst s0;
	s0 =	simm.s32 @!p2 $0x0  }
0x16: {  	s3 =	sld [smem:$0x3FDB];
	s0 =	simm.s32 @p2 $0x1  }
0x17: {  	s4 =	simm.s32 $0x1BF5;
	[smem:$0x3FA2] =	sst s0  }
0x18: {  	s0 =	sld [smem:$0x3F85];
	_ =	swait.ge [sflag:s4], $0x0  }
0x19: {  	s7 =	sld [smem:$0x3F86]  }
0x1a: {  	s8 =	sadd.s32 $0xFFFFE003, lr  }
0x1b: {  	s9 =	sadd.s32 $0xFFFFFEF7, lr;
	s5 =	simm.s32 $0xFFFFFFFF;
	p2 =	slt.u32 s8, $0xFFFFF086  }
0x1c: {  	p1 =	slt.u32 s9, $0xF7A;
	s5 =	simm.s32 @!p2 $0x0  }
0x1d: {  	s5 =	simm.s32 @p1 $0x1;
	p0 =	seq.s32 s7, s2  }
0x1e: {  	s7 =	smul.u32 @!p0 $0xF7A, s2;
	p2 =	seq.s32 @!p0 s5, $0x0  }
0x1f: {  	s9 =	smul.u32 $0xF7A, s1;
	s8 =	simm.s32 @!p0 $0x1BF5;
	p2 =	por !p2, p0  }
0x20: {  	[sflag:s8] =	ssyncset.s32 @!p0 $0xFFFFF086;
	s6 =	sadd.s32 @!p0 s3, s7;
	s7 =	simm.s32 @!p0 $0x108  }
0x21: {  	s3 =	sadd.s32 s3, s9;
	s6 =	sadd.s32 @!p0 $0x88, s6;
	s7 =	simm.s32 @p2 $0x1082  }
0x22: {  	[simem:s7], [sflag:s8] =	dma.local @!p0 [hbm:s6], $0xF7A  }
0x23: {  	s9 =	sor.u32 $0xD0000000, s2;
	s6 =	simm.s32 $0x108;
	_ =	swait.ge @!p0 [sflag:s8], $0x0  }
0x24: {  	s3 =	sadd.s32 $0x88, s3;
	s6 =	simm.s32 @!p1 $0x1082;
	[sflag:s4] =	ssyncset.s32 $0xFFFFF086  }
0x25: {  	[simem:s6], [sflag:s4] =	dma.local [hbm:s3], $0xF7A  }
0x26: {  	[smem:$0x3F86] =	sst s1;
	(tag) =	ssettag s2;
	_ =	strace s9  }
0x27: {  	s1 =	sld [smem:$0x3F96]  }
0x28: {  	s2 =	sld [smem:$0x3F97]  }
0x29: {  	s4 =	sld [smem:$0x3F99]  }
0x2a: {  	p0 =	seq.s32 s5, $0x0;
	s5 =	sld [smem:$0x3F9A]  }
0x2b: {  	s6 =	sld [smem:$0x3F9B]  }
0x2c: {  	s7 =	sld [smem:$0x3F9C]  }
0x2d: {  	s3 =	simm.s32 $0x108;
	s8 =	sld [smem:$0x3F9D]  }
0x2e: {  	s3 =	simm.s32 @!p0 $0x1082;
	s9 =	sld [smem:$0x3F9E]  }
0x2f: {  	lr =	sadd.s32 s0, s3;
	s0 =	sld [smem:$0x3F95]  }
0x30: {  	s3 =	sld [smem:$0x3F98]  }
0x31: {  	[smem:$0x3FA1] =	sst s10  }
0x32: {  	s10 =	sld [smem:$0x3F9F];
	_ =	sdelay $0x3  }
0x33: {  	p0 =	seq.s32 s10, $0x1;
	s10 =	sld [smem:$0x3FA1];
	_ =	sdelay $0x3  }
0x34: {  	[smem:$0x3FA1] =	sst s10  }
0x35: {  	s10 =	sld [smem:$0x3FA0];
	_ =	sdelay $0x3  }
0x36: {  	p1 =	seq.s32 s10, $0x1;
	s10 =	sld [smem:$0x3FA1];
	_ =	sdelay $0x3  }
0x37: {  	[smem:$0x3FA1] =	sst s10  }
0x38: {  	s10 =	sld [smem:$0x3FA2]  }
0x39: {  	_ = 	snop;
	(pc) =	sbr.ind lr, $3  }
0x3a: {  	_ = 	snop  }
0x3b: {  	_ = 	snop  }
0x3c: {  	p2 =	seq.s32 s10, $0x1;
	s10 =	sld [smem:$0x3FA1]  }
0x3d: {  	_ =	shalt  }
0x3e: {  	_ =	shalt  }
0x3f: {  	_ =	shalt  }
0x40: {  	_ =	shalt  }
0x41: {  	_ =	shalt  }
0x42: {  	_ =	shalt  }
0x43: {  	_ =	shalt  }
0x44: {  	_ =	shalt  }
0x45: {  	_ =	shalt  }
0x46: {  	_ =	shalt  }
0x47: {  	_ =	shalt  }
0x48: {  	_ =	shalt  }
0x49: {  	_ =	shalt  }
0x4a: {  	_ =	shalt  }
0x4b: {  	_ =	shalt  }
0x4c: {  	_ =	shalt  }
0x4d: {  	_ =	shalt  }
0x4e: {  	_ =	shalt  }
0x4f: {  	_ =	shalt  }
0x50: {  	_ =	shalt  }
0x51: {  	_ =	shalt  }
0x52: {  	_ =	shalt  }
0x53: {  	_ =	shalt  }
0x54: {  	_ =	shalt  }
0x55: {  	_ =	shalt  }
0x56: {  	_ =	shalt  }
0x57: {  	_ =	shalt  }
0x58: {  	_ =	shalt  }
0x59: {  	_ =	shalt  }
0x5a: {  	_ =	shalt  }
0x5b: {  	_ =	shalt  }
0x5c: {  	_ =	shalt  }
0x5d: {  	_ =	shalt  }
0x5e: {  	_ =	shalt  }
0x5f: {  	_ =	shalt  }
0x60: {  	_ =	shalt  }
0x61: {  	_ =	shalt  }
0x62: {  	_ =	shalt  }
0x63: {  	_ =	shalt  }
0x64: {  	_ =	shalt  }
0x65: {  	_ =	shalt  }
0x66: {  	_ =	shalt  }
0x67: {  	_ =	shalt  }
0x68: {  	_ =	shalt  }
0x69: {  	_ =	shalt  }
0x6a: {  	_ =	shalt  }
0x6b: {  	_ =	shalt  }
0x6c: {  	_ =	shalt  }
0x6d: {  	_ =	shalt  }
0x6e: {  	_ =	shalt  }
0x6f: {  	_ =	shalt  }
0x70: {  	_ =	shalt  }
0x71: {  	_ =	shalt  }
0x72: {  	_ =	shalt  }
0x73: {  	_ =	shalt  }
0x74: {  	_ =	shalt  }
0x75: {  	_ =	shalt  }
0x76: {  	_ =	shalt  }
0x77: {  	_ =	shalt  }
0x78: {  	_ =	shalt  }
0x79: {  	_ =	shalt  }
0x7a: {  	_ =	shalt  }
0x7b: {  	_ =	shalt  }
0x7c: {  	_ =	shalt  }
0x7d: {  	_ =	shalt  }
0x7e: {  	_ =	shalt  }
0x7f: {  	_ =	shalt  }
0x80: {  	_ =	shalt  }
0x81: {  	_ =	shalt  }
0x82: {  	_ =	shalt  }
0x83: {  	_ =	shalt  }
0x84: {  	_ =	shalt  }
0x85: {  	_ =	shalt  }
0x86: {  	_ =	shalt  }
0x87: {  	_ =	shalt  }
.Lfunc_end0:
.L_simem_size_0:
called_computation_lowered:
.L_overlay_start_0:
0x88: {  	s2 =	sld [smem:$0x3FD9]  }
0x89: {  	s3 =	sld [smem:$0x3FFE];
	_ =	sdelay $0x1  }
0x8a: {  	s1 =	srdreg.scid  }
0x8b: {  	s0 =	sand.u32 $0x1, s1  }
0x8c: {  	s16 =	sshll.u32 s0, $0xA;
	s2 =	sadd.s32 s3, s2  }
0x8d: {  	s2 =	sadd.s32 s2, s16  }
0x8e: {  	[smem:$0x3FAD] =	sst s2  }
0x8f: {  	_ = 	snop  }
0x90: {  	(tm) =	ssettm $0x1  }
0x91: {  	s17 =	sld [smem:$0x3FFB];
	_ =	sdelay $0x3  }
0x92: {  	_ =	strace s17  }
0x93: {  	s2 =	sld [smem:$0x3FFC];
	_ =	sdelay $0x3  }
0x94: {  	_ =	strace s2  }
0x95: {  	s2 =	sld [smem:$0x3FFD];
	_ =	sdelay $0x3  }
0x96: {  	_ =	strace s2  }
0x97: {  	_ =	strace $0x8FFFFFFF  }
0x98: {  	s18 =	sld [smem:$0x3FDB];
	_ =	sdelay $0x1  }
0x99: {  	s19 =	simm.s32 $_scs_section_size  }
0x9a: {  	s4 =	simm.s32 $_size__tile_overlayer_lowered;
	s5 =	simm.s32 $_tile_overlayer_lowered  }
0x9b: {  	s22 =	simm.s32 $0x1BFF;
	s21 =	sshll.u32 s5, $0x1;
	s2 =	sadd.s32 s19, s18  }
0x9c: {  	s6 =	simm.s32 $0x0;
	s20 =	sshll.u32 s4, $0x1;
	s4 =	sadd.s32 s21, s2  }
0x9d: {  	[timem:s6], [sflag:s22] =	dma.local [hbm:s4], s20  }
0x9e: {  	_ =	swait.ge [sflag:s22], s20  }
0x9f: {  	s3 =	ssub.s32 $0x0, s20;
	[sflag:s22] =	ssyncset.done $0x0  }
0xa0: {  	[sflag:s22] =	ssyncadd.s32 s3;
	_ =	sdelay $0x1  }
0xa1: {  	s23 =	simm.s32 $0x1B8B  }
0xa2: {  	_ =	swait.ge [sflag:s23], $0x1  }
0xa3: {  	[sflag:s23] =	ssyncset.done $0x0  }
0xa4: {  	s25 =	simm.s32 $0x1B8E;
	s24 =	sld [smem:$0x3FFE];
	[sflag:s23] =	ssyncadd.s32 $0xFFFFFFFF  }
0xa5: {  	s26 =	simm.s32 $execute0_lowered;
	[smem:$0x3FD2] =	sst s25  }
0xa6: {  	s4 =	sshll.u32 s26, $0x1;
	_ =	strace $0x80000046;
	[dreg:$0x1] =	wrdreg $0xFFFFFFFF  }
0xa7: {  	s28 =	simm.s32 $_size_execute0_lowered;
	s2 =	sadd.s32 s2, s4;
	[dreg:$0x0] =	wrdreg $0x0  }
0xa8: {  	s4 =	sshll.u32 s28, $0x1;
	[dreg:$0x2] =	wrdreg s2  }
0xa9: {  	[dreg:$0x3] =	wrdreg s4  }
0xaa: {  	[dreg:$0x4] =	wrdreg $0xC0  }
0xab: {  	_ =	task [dreg:s6], $0x5FFFF  }
0xac: {  	[dreg:$0x1] =	wrdreg $0xFFFFFFFF  }
0xad: {  	[dreg:$0x0] =	wrdreg $0x60  }
0xae: {  	[dreg:$0x2] =	wrdreg s24  }
0xaf: {  	[dreg:$0x3] =	wrdreg $0xA3000  }
0xb0: {  	[dreg:$0x4] =	wrdreg $0x9  }
0xb1: {  	_ =	task.clear_ibuf [dreg:s6], $0x5FFFF;
	_ =	strace $0x90000046  }
0xb2: {  	s29 =	simm.s32 $0x9;
	_ =	strace $0x80000048  }
0xb3: {  	_ =	swait.ge [sflag:s29], $0x1  }
0xb4: {  	[sflag:s29] =	ssyncadd.s32 $0xFFFFFFFF  }
0xb5: {  	_ =	strace $0x90000048  }
0xb6: {  	_ =	sfence  }
0xb7: {  	s30 =	sld [smem:$0x0];
	_ =	sdelay $0x2  }
0xb8: {  	s31 =	sshll.u32 s1, $0xD;
	s1 =	sshrl.u32 s1, $0x2  }
0xb9: {  	s3 =	sand.u32 $0x4000, s31;
	s1 =	sadd.s32 s1, s30  }
0xba: {  	s0 =	sor.u32 s3, s0;
	s1 =	sshll.u32 s1, $0x11  }
0xbb: {  	s0 =	sor.u32 s1, s0  }
0xbc: {  	s0 =	sadd.s32 $0x8F2B, s0  }
0xbd: {  	[sflag:s0] =	ssyncadd.remote.s32 $0x1  }
0xbe: {  	_ =	sfence.sel $0xFFFF  }
0xbf: {  	[dreg:$0x0] =	wrdreg $0xFFFFFFFF;
	(pc) =	sbr.abs _section_cstart, $3  }
0xc0: {  	[dreg:$0x1] =	wrdreg $0xFFFFFFFF  }
0xc1: {  	_ =	task.clear_ibuf [dreg:s6], $0x2FFFF;
	_ =	strace $0x9FFFFFFF  }
0xc2: {  	(tm) =	ssettm $0x7FFFFFFF  }
0xc3: {  	_ =	shalt  }
tec
execute0_lowered:
.L_overlay_start_1:
0x0: {  	(tag) =	ssettag $0x1  }
0x1: {  	s0 =	rddreg [dreg:$0x0]  }
0x2: {  	s2 =	rddreg [dreg:$0x1];
	s3 =	simm.s32 $0x0;
	s14 =	stileid.u32  }
0x3: {  	s1 =	srdreg.scid;
	s28 =	simm.s32 $0x2900;
	s29 =	simm.s32 $0x1  }
0x4: {  	s30 =	simm.s32 $0x2;
	[smem:$0x7FF] =	sst s3;
	s7 =	smul.u32 $0x14000, s14  }
0x5: {  	s31 =	simm.s32 $0xA200;
	s4 =	sadd.s32 $0x4FA200, s0;
	s5 =	sadd.s32 $0x521400, s0  }
0x6: {  	s1 =	sand.u32 $0x1, s1;
	s6 =	sadd.s32 $0x4F0400, s0;
	s12 =	smul.u32 $0x50000, s14  }
0x7: {  	s11 =	sshll.u32 s14, $0x1;
	s21 =	sshll.u32 s14, $0x6;
	s8 =	smul.u32 $0x140000, s1  }
0x8: {  	_ =	strace $0x80000047;
	s10 =	ssub.s32 $0x2, s1;
	s9 =	sshrl.u32 s7, $0x3  }
0x9: {  	s13 =	sshrl.u32 s10, $0x1;
	s20 =	sshrl.u32 s12, $0x2;
	s8 =	sadd.s32 s7, s8  }
0xa: {  	s7 =	sadd.s32 $0x4E6600, s0;
	s9 =	sadd.s32 s9, s0;
	s19 =	ssub.s32 s10, s13  }
0xb: {  	s12 =	sadd.s32 s20, s2;
	s10 =	sor.u32 $0x1C09, s21;
	s8 =	sshrl.u32 s8, $0x3  }
0xc: {  	s20 =	simm.s32 $0x9;
	s0 =	sadd.s32 s8, s0;
	s8 =	sor.u32 s1, s11  }
0xd: {  	s21 =	simm.s32 $0x5;
	s9 =	sadd.s32 $0x4600, s9;
	s11 =	smul.u32 $0x50, s8  }
0xe: {  	s18 =	smax.u32 s19, $0x1;
	s19 =	sshrl.u32 s12, $0x3;
	s22 =	smul.u32 $0xA, s8  }
0xf: {  	[dreg:$0x3] =	wrdreg s9;
	s1 =	simm.s32 $0x7A00;
	s25 =	smul.u32 $0x500, s8  }
0x10: {  	s16 =	sor.u32 $0x60, s8;
	s17 =	sadd.s32 $0x2C600, s0;
	s0 =	simm.s32 $0xA280  }
.Ltmp0:
0x11: {  	s23 =	sshrl.u32 s11, $0x3;
	s24 =	sadd.s32 s6, s22;
	(pc) =	sbr.rel .LBB2_1-.Ltmp0, $4  }
0x12: {  	s13 =	sadd.s32 s7, s22;
	s15 =	sadd.s32 s5, s25;
	s25 =	simm.s32 $0x50  }
0x13: {  	s22 =	simm.s32 $0x6;
	[dreg:$0x4] =	wrdreg s24;
	s9 =	sadd.s32 $0x140, s23  }
0x14: {  	[dreg:$0x5] =	wrdreg s13;
	s24 =	simm.s32 $0x7;
	s26 =	sadd.s32 s6, s9  }
0x15: {  	s23 =	simm.s32 $0x0;
	s14 =	sadd.s32 s7, s9;
	[dreg:$0x6] =	wrdreg s26  }
.LBB2_9:
0x16: {  	_ =	swait.ge [sflag:s21], $0x2800  }
0x17: {  	[sflag:s21] =	ssyncset.done $0x0  }
0x18: {  	[sflag:s21] =	ssyncadd.s32 $0xFFFFD800  }
0x19: {  	_ =	swait.ge [sflag:s22], $0x2800  }
0x1a: {  	s23 =	sadd.s32 $0x1, s23;
	[sflag:s22] =	ssyncset.done $0x0  }
0x1b: {  	p0 =	sne.s32 s23, s18;
	[sflag:s22] =	ssyncadd.s32 $0xFFFFD800  }
.Ltmp1:
0x1c: {  	[bflag:$0x0] =	sbarrier.arrive $0xFFFF;
	(pc) =	sbr.rel @!p0 .LBB2_10-.Ltmp1, $4  }
0x1d: {  	[hbm:s17], [sflag:s10] =	dma.local [spmem:s19], $0x2800  }
0x1e: {  	_ =	swait.ge [sflag:s20], $0x2800  }
0x1f: {  	[sflag:s20] =	ssyncset.done $0x0  }
0x20: {  	[sflag:s20] =	ssyncadd.s32 $0xFFFFD800  }
.LBB2_1:
0x21: {  	s9 =	rddreg [dreg:$0x3]  }
0x22: {  	[spmem:s19], [sflag:s10] =	dma.local [hbm:s9], $0x2800  }
0x23: {  	_ =	swait.ge [sflag:s20], $0x2800  }
0x24: {  	[sflag:s20] =	ssyncset.done $0x0  }
0x25: {  	[sflag:s20] =	ssyncadd.s32 $0xFFFFD800  }
0x26: {  	[bflag:$0x0] =	sbarrier.arrive $0xFFFF  }
0x27: {  	s13 =	rddreg [dreg:$0x4]  }
0x28: {  	[tilespmem:s3], [sflag:$0x7] =	stream.linear.gather [hbm4b:s13+s3], $0x50, $0x38;
	[tilespmem:$0x1E300] =	vst v63  }
0x29: {  	s11 =	simm.s32 $0x80;
	s26 =	rddreg [dreg:$0x5]  }
0x2a: {  	[tilespmem:s11], [sflag:$0x7] =	stream.linear.gather [hbm4b:s26+s3], $0x50, $0x38;
	[tilespmem:$0x1E300] =	vst v63  }
0x2b: {  	s12 =	simm.s32 $0x5100;
	s11 =	rddreg [dreg:$0x6]  }
0x2c: {  	[tilespmem:s12], [sflag:$0x8] =	stream.linear.gather [hbm4b:s11+s3], $0x50, $0x38;
	[tilespmem:$0x1E300] =	vst v63  }
0x2d: {  	s13 =	simm.s32 $0x5180  }
0x2e: {  	[tilespmem:s13], [sflag:$0x8] =	stream.linear.gather [hbm4b:s14+s3], $0x50, $0x38;
	[tilespmem:$0x1E300] =	vst v63  }
0x2f: {  	_ =	swait.ge [sflag:s24], $0x50  }
0x30: {  	[sflag:s24] =	ssyncset.done $0x0  }
0x31: {  	[sflag:s24] =	ssyncadd.s32 $0xFFFFFFB0  }
0x32: {  	_ =	swait.ge [sflag:s24], $0x50  }
.Ltmp2:
0x33: {  	[sflag:s24] =	ssyncset.done $0x0;
	(pc) =	sbr.rel .LBB2_2-.Ltmp2, $4  }
0x34: {  	s26 =	simm.s32 $0x100;
	[sflag:s24] =	ssyncadd.s32 $0xFFFFFFB0  }
0x35: {  	[tilespmem:s26], [sflag:$0x1] =	stream.indirect.gather [hbm4b:s4+s25], $0x80, s3, s25, $0xb8;
	[tilespmem:$0x1E300] =	vst v63  }
0x36: {  	s26 =	simm.s32 $0x0  }
0x37: {  	[tilespmem:s28], [sflag:$0x2] =	stream.linear.gather [hbm4b:s15+s3], $0x2800, $0x38;
	[tilespmem:$0x1E300] =	vst v63  }
.LBB2_8:
0x38: {  	s26 =	sadd.s32 $0x1, s26  }
0x39: {  	p0 =	sne.s32 s26, $0x3F  }
.Ltmp3:
0x3a: {  	_ = 	snop;
	(pc) =	sbr.rel @!p0 .LBB2_9-.Ltmp3, $1  }
0x3b: {  	_ =	sdelay $0x3  }
.LBB2_2:
0x3c: {  	_ =	swait.ge [sflag:s29], $0x2800  }
0x3d: {  	s9 =	sshllo.u32 s26, $0x1;
	[sflag:s29] =	ssyncset.done $0x0  }
0x3e: {  	p0 =	sgt.u32 s9, $0x7C;
	[sflag:s29] =	ssyncadd.s32 $0xFFFFD800  }
0x3f: {  	p1 =	seq.s32 @!p0 s26, $0x0;
	_ =	swait.ge [sflag:s30], $0x2800  }
0x40: {  	p1 =	por p1, p0;
	[sflag:s30] =	ssyncset.done $0x0  }
0x41: {  	s11 =	simm.s32 @!p1 $0x6;
	[sflag:s30] =	ssyncadd.s32 $0xFFFFD800  }
0x42: {  	_ =	swait.ge @!p1 [sflag:s11], $0x2800  }
0x43: {  	[sflag:s11] =	ssyncset.done @!p1 $0x0  }
0x44: {  	[sflag:s11] =	ssyncadd.s32 @!p1 $0xFFFFD800;
	s11 =	simm.s32 @!p0 $0x8  }
0x45: {  	_ =	swait.ge @!p0 [sflag:s11], $0x50  }
0x46: {  	[sflag:s11] =	ssyncset.done @!p0 $0x0  }
0x47: {  	[sflag:s11] =	ssyncadd.s32 @!p0 $0xFFFFFFB0  }
0x48: {  	s9 =	sshll.u32 @!p0 s9, $0x5;
	s12 =	simm.s32 @!p0 $0x5100;
	_ =	swait.ge @!p0 [sflag:s11], $0x50  }
0x49: {  	s13 =	simm.s32 @!p0 $0x5200;
	s9 =	sor.u32 @!p0 s8, s9;
	[sflag:s11] =	ssyncset.done @!p0 $0x0  }
0x4a: {  	s9 =	smul.u32 @!p0 $0x500, s9;
	[sflag:s11] =	ssyncadd.s32 @!p0 $0xFFFFFFB0;
	s11 =	simm.s32 @!p0 $0x50  }
0x4b: {  	[tilespmem:s13], [sflag:$0x3] =	stream.indirect.gather @!p0 [hbm4b:s4+s11], $0x80, s12, s11, $0xb8;
	[tilespmem:$0x1E300] =	vst v63  }
0x4c: {  	s9 =	sadd.s32 @!p0 s5, s9;
	s11 =	simm.s32 @!p0 $0x0;
	s12 =	simm.s32 @!p0 $0x7A00  }
0x4d: {  	[tilespmem:s12], [sflag:$0x4] =	stream.linear.gather @!p0 [hbm4b:s9+s11], $0x2800, $0x38;
	[tilespmem:$0x1E300] =	vst v63  }
0x4e: {  	v0 =	vld [tilespmem:$0x80]  }
0x4f: {  	v1 =	vld [tilespmem:$0x90]  }
0x50: {  	v2 =	vld [tilespmem:$0xA0]  }
0x51: {  	s13 =	sshll.u32 s26, $0x1;
	v3 =	vld [tilespmem:$0xB0]  }
0x52: {  	p1 =	seq.s32 s26, $0x3E;
	s9 =	sadd.s32 $0x2, s13;
	v4 =	vld [tilespmem:$0xC0]  }
0x53: {  	s9 =	sshll.u32 @!p1 s9, $0x5;
	[tilespmem:$0xA200] =	vst v0  }
0x54: {  	s9 =	sor.u32 @!p1 s8, s9;
	[tilespmem:$0xA210] =	vst v1  }
0x55: {  	s11 =	smul.u32 @!p1 $0xA, s9;
	[tilespmem:$0xA220] =	vst v2  }
0x56: {  	[tilespmem:$0xA230] =	vst v3  }
0x57: {  	s13 =	simm.s32 @!p1 $0x0;
	s12 =	sadd.s32 @!p1 s6, s11;
	[tilespmem:$0xA240] =	vst v4  }
0x58: {  	[tilespmem:s13], [sflag:$0x7] =	stream.linear.gather @!p1 [hbm4b:s12+s13], $0x50, $0x38;
	[tilespmem:$0x1E300] =	vst v63  }
0x59: {  	s11 =	sadd.s32 @!p1 s7, s11;
	s12 =	simm.s32 @!p1 $0x80  }
0x5a: {  	[tilespmem:s12], [sflag:$0x7] =	stream.linear.gather @!p1 [hbm4b:s11+s13], $0x50, $0x38;
	[tilespmem:$0x1E300] =	vst v63  }
0x5b: {  	s11 =	simm.s32 $0x0  }
0x5c: {  	v6 =	vld [tilespmem:s11+$0x100]  }
0x5d: {  	v11 =	vld [tilespmem:s11+$0x110]  }
0x5e: {  	v5 =	vld [tilespmem:s11+$0x120]  }
0x5f: {  	v4 =	vld [tilespmem:s11+$0x130]  }
0x60: {  	v3 =	vld [tilespmem:s11+$0x140]  }
0x61: {  	v2 =	vld [tilespmem:s11+$0x150]  }
0x62: {  	v1 =	vld [tilespmem:s11+$0x160]  }
0x63: {  	v0 =	vld [tilespmem:s11+$0x170]  }
0x64: {  	v12 =	vld [tilespmem:s11+$0x2900]  }
0x65: {  	v13 =	vld [tilespmem:s11+$0x2910]  }
0x66: {  	v10 =	vld [tilespmem:s11+$0x2920]  }
0x67: {  	v9 =	vld [tilespmem:s11+$0x2930]  }
0x68: {  	v8 =	vld [tilespmem:s11+$0x2940]  }
0x69: {  	v7 =	vld [tilespmem:s11+$0x2950];
	v12 =	vadd.f32 v6, v12  }
0x6a: {  	s12 =	simm.s32 $0x200;
	v11 =	vadd.f32 v11, v13;
	v6 =	vld [tilespmem:s11+$0x2960]  }
.LBB2_3:
0x6b: {  	s13 =	sshra.s32 s12, $0x2;
	p2 =	sne.s32 s12, $0x9E00;
	v12 =	vmax.f32 v12, $0.0e+00;
	v5 =	vadd.f32 v5, v10;
	v10 =	vld [tilespmem:s11+$0x2970]  }
0x6c: {  	v13 =	vld [tilespmem:s13+$0x100];
	[tilespmem:s11+$0x2900] =	vst v12;
	v11 =	vmax.f32 v11, $0.0e+00;
	v4 =	vadd.f32 v4, v9  }
0x6d: {  	v14 =	vld [tilespmem:s13+$0x110];
	[tilespmem:s11+$0x2910] =	vst v11;
	v9 =	vmax.f32 v5, $0.0e+00;
	v3 =	vadd.f32 v3, v8  }
0x6e: {  	v5 =	vld [tilespmem:s13+$0x120];
	[tilespmem:s11+$0x2920] =	vst v9;
	v8 =	vmax.f32 v4, $0.0e+00;
	v2 =	vadd.f32 v2, v7  }
0x6f: {  	v4 =	vld [tilespmem:s13+$0x130];
	[tilespmem:s11+$0x2930] =	vst v8;
	v7 =	vmax.f32 v3, $0.0e+00;
	v1 =	vadd.f32 v1, v6  }
0x70: {  	v3 =	vld [tilespmem:s13+$0x140];
	[tilespmem:s11+$0x2940] =	vst v7;
	v6 =	vmax.f32 v2, $0.0e+00;
	v0 =	vadd.f32 v0, v10  }
0x71: {  	v2 =	vld [tilespmem:s13+$0x150];
	[tilespmem:s11+$0x2950] =	vst v6;
	v6 =	vmax.f32 v1, $0.0e+00  }
0x72: {  	v1 =	vld [tilespmem:s13+$0x160];
	[tilespmem:s11+$0x2960] =	vst v6;
	v6 =	vmax.f32 v0, $0.0e+00  }
0x73: {  	v0 =	vld [tilespmem:s13+$0x170];
	[tilespmem:s11+$0x2970] =	vst v6;
	s11 =	smov.u32 s13  }
0x74: {  	v6 =	vld [tilespmem:s11+$0x2900]  }
0x75: {  	v11 =	vld [tilespmem:s11+$0x2910]  }
.Ltmp4:
0x76: {  	v10 =	vld [tilespmem:s11+$0x2920];
	(pc) =	sbr.rel @p2 .LBB2_3-.Ltmp4, $4  }
0x77: {  	v9 =	vld [tilespmem:s11+$0x2930]  }
0x78: {  	v8 =	vld [tilespmem:s11+$0x2940]  }
0x79: {  	v12 =	vadd.f32 v13, v6;
	v7 =	vld [tilespmem:s11+$0x2950]  }
0x7a: {  	s12 =	sadd.s32 $0x200, s12;
	v11 =	vadd.f32 v14, v11;
	v6 =	vld [tilespmem:s11+$0x2960]  }
0x7b: {  	v12 =	vmax.f32 v12, $0.0e+00;
	v5 =	vadd.f32 v5, v10;
	v63 =	vld [tilespmem:s11+$0x2970]  }
0x7c: {  	[tilespmem:s11+$0x2900] =	vst v12;
	v11 =	vmax.f32 v11, $0.0e+00;
	v4 =	vadd.f32 v4, v9  }
0x7d: {  	[tilespmem:s11+$0x2910] =	vst v11;
	v5 =	vmax.f32 v5, $0.0e+00;
	v3 =	vadd.f32 v3, v8  }
0x7e: {  	[tilespmem:s11+$0x2920] =	vst v5;
	v4 =	vmax.f32 v4, $0.0e+00;
	v2 =	vadd.f32 v2, v7  }
0x7f: {  	[tilespmem:s11+$0x2930] =	vst v4;
	v3 =	vmax.f32 v3, $0.0e+00;
	v1 =	vadd.f32 v1, v6  }
0x80: {  	[tilespmem:s11+$0x2940] =	vst v3;
	v2 =	vmax.f32 v2, $0.0e+00;
	v0 =	vadd.f32 v0, v63  }
0x81: {  	[tilespmem:s11+$0x2950] =	vst v2;
	v1 =	vmax.f32 v1, $0.0e+00  }
0x82: {  	[tilespmem:s11+$0x2960] =	vst v1;
	v0 =	vmax.f32 v0, $0.0e+00  }
0x83: {  	[tilespmem:s11+$0x2970] =	vst v0;
	s11 =	simm.s32 @!p0 $0x3  }
0x84: {  	[spmem:s2] =	stream.indirect.scatter.add.f32 [tilespmem:s28], [sflag:$0x5], $0x80, s31, s25, $0xb8;
	[tilespmem:$0x1E300] =	vst v63  }
0x85: {  	_ =	swait.ge @!p0 [sflag:s11], $0x2800  }
0x86: {  	[sflag:s11] =	ssyncset.done @!p0 $0x0  }
0x87: {  	[sflag:s11] =	ssyncadd.s32 @!p0 $0xFFFFD800;
	s11 =	simm.s32 @!p0 $0x4  }
0x88: {  	_ =	swait.ge @!p0 [sflag:s11], $0x2800  }
0x89: {  	[sflag:s11] =	ssyncset.done @!p0 $0x0  }
0x8a: {  	[sflag:s11] =	ssyncadd.s32 @!p0 $0xFFFFD800;
	s11 =	simm.s32 @!p1 $0x5  }
0x8b: {  	_ =	swait.ge @!p1 [sflag:s11], $0x2800  }
0x8c: {  	[sflag:s11] =	ssyncset.done @!p1 $0x0  }
0x8d: {  	[sflag:s11] =	ssyncadd.s32 @!p1 $0xFFFFD800;
	s11 =	simm.s32 @!p1 $0x7  }
0x8e: {  	_ =	swait.ge @!p1 [sflag:s11], $0x50  }
0x8f: {  	[sflag:s11] =	ssyncset.done @!p1 $0x0  }
0x90: {  	[sflag:s11] =	ssyncadd.s32 @!p1 $0xFFFFFFB0  }
0x91: {  	_ =	swait.ge @!p1 [sflag:s11], $0x50  }
0x92: {  	s12 =	simm.s32 @!p1 $0x0;
	s13 =	simm.s32 @!p1 $0x100;
	[sflag:s11] =	ssyncset.done @!p1 $0x0  }
0x93: {  	s9 =	smul.u32 @!p1 $0x500, s9;
	[sflag:s11] =	ssyncadd.s32 @!p1 $0xFFFFFFB0;
	s11 =	simm.s32 @!p1 $0x50  }
0x94: {  	[tilespmem:s13], [sflag:$0x1] =	stream.indirect.gather @!p1 [hbm4b:s4+s11], $0x80, s12, s11, $0xb8;
	[tilespmem:$0x1E300] =	vst v63  }
0x95: {  	s9 =	sadd.s32 @!p1 s5, s9;
	s11 =	simm.s32 @!p1 $0x2900  }
0x96: {  	[tilespmem:s11], [sflag:$0x2] =	stream.linear.gather @!p1 [hbm4b:s9+s12], $0x2800, $0x38;
	[tilespmem:$0x1E300] =	vst v63  }
0x97: {  	v0 =	vld @!p0 [tilespmem:$0x5180]  }
0x98: {  	v1 =	vld @!p0 [tilespmem:$0x5190]  }
0x99: {  	v2 =	vld @!p0 [tilespmem:$0x51A0]  }
0x9a: {  	v3 =	vld @!p0 [tilespmem:$0x51B0]  }
0x9b: {  	p1 =	sgt.u32 s26, $0x3C;
	v4 =	vld @!p0 [tilespmem:$0x51C0]  }
0x9c: {  	s9 =	sshll.u32 @!p1 s26, $0x6;
	[tilespmem:$0xA280] =	vst @!p0 v0  }
0x9d: {  	s9 =	sadd.s32 @!p1 s16, s9;
	[tilespmem:$0xA290] =	vst @!p0 v1  }
0x9e: {  	s9 =	smul.u32 @!p1 $0xA, s9;
	[tilespmem:$0xA2A0] =	vst @!p0 v2  }
.Ltmp5:
0x9f: {  	[tilespmem:$0xA2B0] =	vst @!p0 v3;
	(pc) =	sbr.rel @p0 .LBB2_8-.Ltmp5, $4  }
0xa0: {  	s12 =	simm.s32 @!p1 $0x0;
	s13 =	simm.s32 @!p1 $0x5100;
	s11 =	sadd.s32 @!p1 s6, s9;
	[tilespmem:$0xA2C0] =	vst @!p0 v4  }
0xa1: {  	[tilespmem:s13], [sflag:$0x8] =	stream.linear.gather @!p1 [hbm4b:s11+s12], $0x50, $0x38;
	[tilespmem:$0x1E300] =	vst v63  }
0xa2: {  	s9 =	sadd.s32 @!p1 s7, s9;
	s11 =	simm.s32 @!p1 $0x5180  }
0xa3: {  	[tilespmem:s11], [sflag:$0x8] =	stream.linear.gather @!p1 [hbm4b:s9+s12], $0x50, $0x38;
	[tilespmem:$0x1E300] =	vst v63  }
0xa4: {  	s9 =	simm.s32 $0x0  }
0xa5: {  	v6 =	vld [tilespmem:s9+$0x5200]  }
0xa6: {  	v11 =	vld [tilespmem:s9+$0x5210]  }
0xa7: {  	v5 =	vld [tilespmem:s9+$0x5220]  }
0xa8: {  	v4 =	vld [tilespmem:s9+$0x5230]  }
0xa9: {  	v3 =	vld [tilespmem:s9+$0x5240]  }
0xaa: {  	v2 =	vld [tilespmem:s9+$0x5250]  }
0xab: {  	v1 =	vld [tilespmem:s9+$0x5260]  }
0xac: {  	v0 =	vld [tilespmem:s9+$0x5270]  }
0xad: {  	v12 =	vld [tilespmem:s9+$0x7A00]  }
0xae: {  	v13 =	vld [tilespmem:s9+$0x7A10]  }
0xaf: {  	v10 =	vld [tilespmem:s9+$0x7A20]  }
0xb0: {  	v9 =	vld [tilespmem:s9+$0x7A30]  }
0xb1: {  	v8 =	vld [tilespmem:s9+$0x7A40]  }
0xb2: {  	v7 =	vld [tilespmem:s9+$0x7A50];
	v12 =	vadd.f32 v6, v12  }
0xb3: {  	s11 =	simm.s32 $0x200;
	v11 =	vadd.f32 v11, v13;
	v6 =	vld [tilespmem:s9+$0x7A60]  }
.LBB2_6:
0xb4: {  	s12 =	sshra.s32 s11, $0x2;
	p0 =	sne.s32 s11, $0x9E00;
	v12 =	vmax.f32 v12, $0.0e+00;
	v5 =	vadd.f32 v5, v10;
	v10 =	vld [tilespmem:s9+$0x7A70]  }
0xb5: {  	v13 =	vld [tilespmem:s12+$0x5200];
	[tilespmem:s9+$0x7A00] =	vst v12;
	v11 =	vmax.f32 v11, $0.0e+00;
	v4 =	vadd.f32 v4, v9  }
0xb6: {  	v14 =	vld [tilespmem:s12+$0x5210];
	[tilespmem:s9+$0x7A10] =	vst v11;
	v9 =	vmax.f32 v5, $0.0e+00;
	v3 =	vadd.f32 v3, v8  }
0xb7: {  	v5 =	vld [tilespmem:s12+$0x5220];
	[tilespmem:s9+$0x7A20] =	vst v9;
	v8 =	vmax.f32 v4, $0.0e+00;
	v2 =	vadd.f32 v2, v7  }
0xb8: {  	v4 =	vld [tilespmem:s12+$0x5230];
	[tilespmem:s9+$0x7A30] =	vst v8;
	v7 =	vmax.f32 v3, $0.0e+00;
	v1 =	vadd.f32 v1, v6  }
0xb9: {  	v3 =	vld [tilespmem:s12+$0x5240];
	[tilespmem:s9+$0x7A40] =	vst v7;
	v6 =	vmax.f32 v2, $0.0e+00;
	v0 =	vadd.f32 v0, v10  }
0xba: {  	v2 =	vld [tilespmem:s12+$0x5250];
	[tilespmem:s9+$0x7A50] =	vst v6;
	v6 =	vmax.f32 v1, $0.0e+00  }
0xbb: {  	v1 =	vld [tilespmem:s12+$0x5260];
	[tilespmem:s9+$0x7A60] =	vst v6;
	v6 =	vmax.f32 v0, $0.0e+00  }
0xbc: {  	v0 =	vld [tilespmem:s12+$0x5270];
	[tilespmem:s9+$0x7A70] =	vst v6;
	s9 =	smov.u32 s12  }
0xbd: {  	v6 =	vld [tilespmem:s9+$0x7A00]  }
0xbe: {  	v11 =	vld [tilespmem:s9+$0x7A10]  }
.Ltmp6:
0xbf: {  	v10 =	vld [tilespmem:s9+$0x7A20];
	(pc) =	sbr.rel @p0 .LBB2_6-.Ltmp6, $4  }
0xc0: {  	v9 =	vld [tilespmem:s9+$0x7A30]  }
0xc1: {  	v8 =	vld [tilespmem:s9+$0x7A40]  }
0xc2: {  	v12 =	vadd.f32 v13, v6;
	v7 =	vld [tilespmem:s9+$0x7A50]  }
0xc3: {  	s11 =	sadd.s32 $0x200, s11;
	v11 =	vadd.f32 v14, v11;
	v6 =	vld [tilespmem:s9+$0x7A60]  }
0xc4: {  	v12 =	vmax.f32 v12, $0.0e+00;
	v5 =	vadd.f32 v5, v10;
	v63 =	vld [tilespmem:s9+$0x7A70]  }
0xc5: {  	[tilespmem:s9+$0x7A00] =	vst v12;
	v11 =	vmax.f32 v11, $0.0e+00;
	v4 =	vadd.f32 v4, v9  }
0xc6: {  	[tilespmem:s9+$0x7A10] =	vst v11;
	v5 =	vmax.f32 v5, $0.0e+00;
	v3 =	vadd.f32 v3, v8  }
0xc7: {  	[tilespmem:s9+$0x7A20] =	vst v5;
	v4 =	vmax.f32 v4, $0.0e+00;
	v2 =	vadd.f32 v2, v7  }
0xc8: {  	[tilespmem:s9+$0x7A30] =	vst v4;
	v3 =	vmax.f32 v3, $0.0e+00;
	v1 =	vadd.f32 v1, v6  }
.Ltmp7:
0xc9: {  	[tilespmem:s9+$0x7A40] =	vst v3;
	v2 =	vmax.f32 v2, $0.0e+00;
	v0 =	vadd.f32 v0, v63;
	(pc) =	sbr.rel .LBB2_8-.Ltmp7, $4  }
0xca: {  	[tilespmem:s9+$0x7A50] =	vst v2;
	v1 =	vmax.f32 v1, $0.0e+00  }
0xcb: {  	[tilespmem:s9+$0x7A60] =	vst v1;
	v0 =	vmax.f32 v0, $0.0e+00  }
0xcc: {  	[tilespmem:s9+$0x7A70] =	vst v0  }
0xcd: {  	[spmem:s2] =	stream.indirect.scatter.add.f32 [tilespmem:s1], [sflag:$0x6], $0x80, s0, s25, $0xb8;
	[tilespmem:$0x1E300] =	vst v63  }
.LBB2_10:
0xce: {  	_ =	sfence.sel $0x180000  }
0xcf: {  	[bflag:$0x0] =	sbarrier.arrive $0xFFFF  }
0xd0: {  	_ =	strace $0x90000047  }
0xd1: {  	s0 =	stileid.u32;
	[bflag:$0x2] =	sbarrier.arrive $0xFFFF  }
0xd2: {  	p0 =	sne.s32 s0, $0x0;
	s0 =	rddreg [dreg:$0x2]  }
0xd3: {  	s0 =	sadd.s32 @!p0 $0x100000, s0  }
0xd4: {  	[sflag:s0] =	ssyncadd.tile.s32 @!p0 $0x1;
	_ =	shalt  }
.Lfunc_end2:
_tile_overlayer_lowered:
.L_overlay_start_2:
0xd5: {  	(tag) =	ssettag $0x2  }
0xd6: {  	s0 =	rddreg [dreg:$0x0];
	s2 =	stileid.u32  }
0xd7: {  	s1 =	rddreg [dreg:$0x1];
	p0 =	sne.s32 s2, $0x0  }
0xd8: {  	s3 =	rddreg [dreg:$0x2];
	[bflag:$0x3] =	sbarrier.arrive $0xFFFF;
	s2 =	simm.s32 @!p0 $0x1C09  }
0xd9: {  	[timem:s3], [sflag:s2] =	dma.local @!p0 [hbm:s0], s1  }
0xda: {  	s0 =	simm.s32 @!p0 $0x9  }
0xdb: {  	_ =	swait.ge @!p0 [sflag:s0], s1  }
0xdc: {  	s1 =	ssub.s32 @!p0 $0x0, s1;
	[sflag:s0] =	ssyncset.done @!p0 $0x0  }
0xdd: {  	[sflag:s0] =	ssyncadd.s32 @!p0 s1  }
0xde: {  	[bflag:$0x3] =	sbarrier.arrive $0xFFFF  }
0xdf: {  	_ =	shalt  }

// kernel: kernel.13.cloned.1.call-start
scs
__scs_entry_jumppad:
0x0: {  	(pc) =	sbr.rel $0x88, $3  }
0x1: {  	(tag) =	ssettag $0x0;
	lr =	simm.s32 $0x1  }
0x2: {  	[smem:$0x3F86] =	sst lr;
	_ =	strace $0xD0000000  }
0x3: {  	_ = 	snop  }
0x4: {  	_ = 	snop  }
0x5: {  	_ = 	snop  }
0x6: {  	_ = 	snop  }
0x7: {  	_ = 	snop  }
__scs_overlays_trampoline_lowered:
0x8: {  	[smem:$0x3F95] =	sst s0  }
0x9: {  	[smem:$0x3F96] =	sst s1  }
0xa: {  	[smem:$0x3F97] =	sst s2  }
0xb: {  	[smem:$0x3F98] =	sst s3  }
0xc: {  	[smem:$0x3F99] =	sst s4  }
0xd: {  	[smem:$0x3F9A] =	sst s5  }
0xe: {  	[smem:$0x3F9B] =	sst s6  }
0xf: {  	[smem:$0x3F9C] =	sst s7  }
0x10: {  	[smem:$0x3F9D] =	sst s8  }
0x11: {  	[smem:$0x3F9E] =	sst s9;
	s0 =	simm.s32 @!p0 $0x0  }
0x12: {  	s1 =	sld [smem:$0x3F84];
	s0 =	simm.s32 @p0 $0x1  }
0x13: {  	[smem:$0x3F9F] =	sst s0;
	s0 =	simm.s32 @!p1 $0x0  }
0x14: {  	s2 =	sld [smem:$0x3F83];
	s0 =	simm.s32 @p1 $0x1  }
0x15: {  	[smem:$0x3FA0] =	sst s0;
	s0 =	simm.s32 @!p2 $0x0  }
0x16: {  	s3 =	sld [smem:$0x3FDB];
	s0 =	simm.s32 @p2 $0x1  }
0x17: {  	s4 =	simm.s32 $0x1BF5;
	[smem:$0x3FA2] =	sst s0  }
0x18: {  	s0 =	sld [smem:$0x3F85];
	_ =	swait.ge [sflag:s4], $0x0  }
0x19: {  	s7 =	sld [smem:$0x3F86]  }
0x1a: {  	s8 =	sadd.s32 $0xFFFFE003, lr  }
0x1b: {  	s9 =	sadd.s32 $0xFFFFFEF7, lr;
	s5 =	simm.s32 $0xFFFFFFFF;
	p2 =	slt.u32 s8, $0xFFFFF086  }
0x1c: {  	p1 =	slt.u32 s9, $0xF7A;
	s5 =	simm.s32 @!p2 $0x0  }
0x1d: {  	s5 =	simm.s32 @p1 $0x1;
	p0 =	seq.s32 s7, s2  }
0x1e: {  	s7 =	smul.u32 @!p0 $0xF7A, s2;
	p2 =	seq.s32 @!p0 s5, $0x0  }
0x1f: {  	s9 =	smul.u32 $0xF7A, s1;
	s8 =	simm.s32 @!p0 $0x1BF5;
	p2 =	por !p2, p0  }
0x20: {  	[sflag:s8] =	ssyncset.s32 @!p0 $0xFFFFF086;
	s6 =	sadd.s32 @!p0 s3, s7;
	s7 =	simm.s32 @!p0 $0x108  }
0x21: {  	s3 =	sadd.s32 s3, s9;
	s6 =	sadd.s32 @!p0 $0x88, s6;
	s7 =	simm.s32 @p2 $0x1082  }
0x22: {  	[simem:s7], [sflag:s8] =	dma.local @!p0 [hbm:s6], $0xF7A  }
0x23: {  	s9 =	sor.u32 $0xD0000000, s2;
	s6 =	simm.s32 $0x108;
	_ =	swait.ge @!p0 [sflag:s8], $0x0  }
0x24: {  	s3 =	sadd.s32 $0x88, s3;
	s6 =	simm.s32 @!p1 $0x1082;
	[sflag:s4] =	ssyncset.s32 $0xFFFFF086  }
0x25: {  	[simem:s6], [sflag:s4] =	dma.local [hbm:s3], $0xF7A  }
0x26: {  	[smem:$0x3F86] =	sst s1;
	(tag) =	ssettag s2;
	_ =	strace s9  }
0x27: {  	s1 =	sld [smem:$0x3F96]  }
0x28: {  	s2 =	sld [smem:$0x3F97]  }
0x29: {  	s4 =	sld [smem:$0x3F99]  }
0x2a: {  	p0 =	seq.s32 s5, $0x0;
	s5 =	sld [smem:$0x3F9A]  }
0x2b: {  	s6 =	sld [smem:$0x3F9B]  }
0x2c: {  	s7 =	sld [smem:$0x3F9C]  }
0x2d: {  	s3 =	simm.s32 $0x108;
	s8 =	sld [smem:$0x3F9D]  }
0x2e: {  	s3 =	simm.s32 @!p0 $0x1082;
	s9 =	sld [smem:$0x3F9E]  }
0x2f: {  	lr =	sadd.s32 s0, s3;
	s0 =	sld [smem:$0x3F95]  }
0x30: {  	s3 =	sld [smem:$0x3F98]  }
0x31: {  	[smem:$0x3FA1] =	sst s10  }
0x32: {  	s10 =	sld [smem:$0x3F9F];
	_ =	sdelay $0x3  }
0x33: {  	p0 =	seq.s32 s10, $0x1;
	s10 =	sld [smem:$0x3FA1];
	_ =	sdelay $0x3  }
0x34: {  	[smem:$0x3FA1] =	sst s10  }
0x35: {  	s10 =	sld [smem:$0x3FA0];
	_ =	sdelay $0x3  }
0x36: {  	p1 =	seq.s32 s10, $0x1;
	s10 =	sld [smem:$0x3FA1];
	_ =	sdelay $0x3  }
0x37: {  	[smem:$0x3FA1] =	sst s10  }
0x38: {  	s10 =	sld [smem:$0x3FA2]  }
0x39: {  	_ = 	snop;
	(pc) =	sbr.ind lr, $3  }
0x3a: {  	_ = 	snop  }
0x3b: {  	_ = 	snop  }
0x3c: {  	p2 =	seq.s32 s10, $0x1;
	s10 =	sld [smem:$0x3FA1]  }
0x3d: {  	_ =	shalt  }
0x3e: {  	_ =	shalt  }
0x3f: {  	_ =	shalt  }
0x40: {  	_ =	shalt  }
0x41: {  	_ =	shalt  }
0x42: {  	_ =	shalt  }
0x43: {  	_ =	shalt  }
0x44: {  	_ =	shalt  }
0x45: {  	_ =	shalt  }
0x46: {  	_ =	shalt  }
0x47: {  	_ =	shalt  }
0x48: {  	_ =	shalt  }
0x49: {  	_ =	shalt  }
0x4a: {  	_ =	shalt  }
0x4b: {  	_ =	shalt  }
0x4c: {  	_ =	shalt  }
0x4d: {  	_ =	shalt  }
0x4e: {  	_ =	shalt  }
0x4f: {  	_ =	shalt  }
0x50: {  	_ =	shalt  }
0x51: {  	_ =	shalt  }
0x52: {  	_ =	shalt  }
0x53: {  	_ =	shalt  }
0x54: {  	_ =	shalt  }
0x55: {  	_ =	shalt  }
0x56: {  	_ =	shalt  }
0x57: {  	_ =	shalt  }
0x58: {  	_ =	shalt  }
0x59: {  	_ =	shalt  }
0x5a: {  	_ =	shalt  }
0x5b: {  	_ =	shalt  }
0x5c: {  	_ =	shalt  }
0x5d: {  	_ =	shalt  }
0x5e: {  	_ =	shalt  }
0x5f: {  	_ =	shalt  }
0x60: {  	_ =	shalt  }
0x61: {  	_ =	shalt  }
0x62: {  	_ =	shalt  }
0x63: {  	_ =	shalt  }
0x64: {  	_ =	shalt  }
0x65: {  	_ =	shalt  }
0x66: {  	_ =	shalt  }
0x67: {  	_ =	shalt  }
0x68: {  	_ =	shalt  }
0x69: {  	_ =	shalt  }
0x6a: {  	_ =	shalt  }
0x6b: {  	_ =	shalt  }
0x6c: {  	_ =	shalt  }
0x6d: {  	_ =	shalt  }
0x6e: {  	_ =	shalt  }
0x6f: {  	_ =	shalt  }
0x70: {  	_ =	shalt  }
0x71: {  	_ =	shalt  }
0x72: {  	_ =	shalt  }
0x73: {  	_ =	shalt  }
0x74: {  	_ =	shalt  }
0x75: {  	_ =	shalt  }
0x76: {  	_ =	shalt  }
0x77: {  	_ =	shalt  }
0x78: {  	_ =	shalt  }
0x79: {  	_ =	shalt  }
0x7a: {  	_ =	shalt  }
0x7b: {  	_ =	shalt  }
0x7c: {  	_ =	shalt  }
0x7d: {  	_ =	shalt  }
0x7e: {  	_ =	shalt  }
0x7f: {  	_ =	shalt  }
0x80: {  	_ =	shalt  }
0x81: {  	_ =	shalt  }
0x82: {  	_ =	shalt  }
0x83: {  	_ =	shalt  }
0x84: {  	_ =	shalt  }
0x85: {  	_ =	shalt  }
0x86: {  	_ =	shalt  }
0x87: {  	_ =	shalt  }
.Lfunc_end0:
.L_simem_size_0:
called_computation.1_lowered:
.L_overlay_start_0:
0x88: {  	s2 =	sld [smem:$0x3FD9]  }
0x89: {  	s3 =	sld [smem:$0x3FFE];
	_ =	sdelay $0x1  }
0x8a: {  	s1 =	srdreg.scid  }
0x8b: {  	s0 =	sand.u32 $0x1, s1  }
0x8c: {  	s16 =	sshll.u32 s0, $0xA;
	s2 =	sadd.s32 s3, s2  }
0x8d: {  	s2 =	sadd.s32 s2, s16  }
0x8e: {  	[smem:$0x3FAD] =	sst s2  }
0x8f: {  	_ = 	snop  }
0x90: {  	(tm) =	ssettm $0x1  }
0x91: {  	s17 =	sld [smem:$0x3FFB];
	_ =	sdelay $0x3  }
0x92: {  	_ =	strace s17  }
0x93: {  	s2 =	sld [smem:$0x3FFC];
	_ =	sdelay $0x3  }
0x94: {  	_ =	strace s2  }
0x95: {  	s2 =	sld [smem:$0x3FFD];
	_ =	sdelay $0x3  }
0x96: {  	_ =	strace s2  }
0x97: {  	_ =	strace $0x8FFFFFFF  }
0x98: {  	s18 =	sld [smem:$0x3FDB];
	_ =	sdelay $0x1  }
0x99: {  	s19 =	simm.s32 $_scs_section_size  }
0x9a: {  	s4 =	simm.s32 $_size__tile_overlayer_lowered;
	s5 =	simm.s32 $_tile_overlayer_lowered  }
0x9b: {  	s22 =	simm.s32 $0x1BFF;
	s21 =	sshll.u32 s5, $0x1;
	s2 =	sadd.s32 s19, s18  }
0x9c: {  	s6 =	simm.s32 $0x0;
	s20 =	sshll.u32 s4, $0x1;
	s4 =	sadd.s32 s21, s2  }
0x9d: {  	[timem:s6], [sflag:s22] =	dma.local [hbm:s4], s20  }
0x9e: {  	_ =	swait.ge [sflag:s22], s20  }
0x9f: {  	s3 =	ssub.s32 $0x0, s20;
	[sflag:s22] =	ssyncset.done $0x0  }
0xa0: {  	[sflag:s22] =	ssyncadd.s32 s3;
	_ =	sdelay $0x1  }
0xa1: {  	s23 =	simm.s32 $0x1B8B  }
0xa2: {  	_ =	swait.ge [sflag:s23], $0x1  }
0xa3: {  	[sflag:s23] =	ssyncset.done $0x0  }
0xa4: {  	s25 =	simm.s32 $0x1B8E;
	s24 =	sld [smem:$0x3FFE];
	[sflag:s23] =	ssyncadd.s32 $0xFFFFFFFF  }
0xa5: {  	s26 =	simm.s32 $execute0_lowered;
	[smem:$0x3FD2] =	sst s25  }
0xa6: {  	s4 =	sshll.u32 s26, $0x1;
	_ =	strace $0x80000049;
	[dreg:$0x1] =	wrdreg $0xFFFFFFFF  }
0xa7: {  	s28 =	simm.s32 $_size_execute0_lowered;
	s2 =	sadd.s32 s2, s4;
	[dreg:$0x0] =	wrdreg $0x0  }
0xa8: {  	s4 =	sshll.u32 s28, $0x1;
	[dreg:$0x2] =	wrdreg s2  }
0xa9: {  	[dreg:$0x3] =	wrdreg s4  }
0xaa: {  	[dreg:$0x4] =	wrdreg $0xC0  }
0xab: {  	_ =	task [dreg:s6], $0x5FFFF  }
0xac: {  	[dreg:$0x1] =	wrdreg $0xFFFFFFFF  }
0xad: {  	[dreg:$0x0] =	wrdreg $0x60  }
0xae: {  	[dreg:$0x2] =	wrdreg s24  }
0xaf: {  	[dreg:$0x3] =	wrdreg $0x9  }
0xb0: {  	_ =	task.clear_ibuf [dreg:s6], $0x4FFFF;
	_ =	strace $0x90000049  }
0xb1: {  	s29 =	simm.s32 $0x9;
	_ =	strace $0x8000004B  }
0xb2: {  	_ =	swait.ge [sflag:s29], $0x1  }
0xb3: {  	[sflag:s29] =	ssyncadd.s32 $0xFFFFFFFF  }
0xb4: {  	_ =	strace $0x9000004B  }
0xb5: {  	_ =	sfence  }
0xb6: {  	s30 =	sld [smem:$0x0];
	_ =	sdelay $0x2  }
0xb7: {  	s31 =	sshll.u32 s1, $0xD;
	s1 =	sshrl.u32 s1, $0x2  }
0xb8: {  	s3 =	sand.u32 $0x4000, s31;
	s1 =	sadd.s32 s1, s30  }
0xb9: {  	s0 =	sor.u32 s3, s0;
	s1 =	sshll.u32 s1, $0x11  }
0xba: {  	s0 =	sor.u32 s1, s0  }
0xbb: {  	s0 =	sadd.s32 $0x8F2B, s0  }
0xbc: {  	[sflag:s0] =	ssyncadd.remote.s32 $0x1  }
0xbd: {  	_ =	sfence.sel $0xFFFF  }
0xbe: {  	[dreg:$0x0] =	wrdreg $0xFFFFFFFF;
	(pc) =	sbr.abs _section_cstart, $3  }
0xbf: {  	[dreg:$0x1] =	wrdreg $0xFFFFFFFF  }
0xc0: {  	_ =	task.clear_ibuf [dreg:s6], $0x2FFFF;
	_ =	strace $0x9FFFFFFF  }
0xc1: {  	(tm) =	ssettm $0x7FFFFFFF  }
tec
execute0_lowered:
.L_overlay_start_1:
0x0: {  	(tag) =	ssettag $0x1  }
0x1: {  	s0 =	rddreg [dreg:$0x0];
	s2 =	simm.s32 $0x0;
	s1 =	srdreg.scid  }
0x2: {  	s3 =	stileid.u32;
	s18 =	simm.s32 $0xCA00;
	s19 =	simm.s32 $0xCB00  }
0x3: {  	s20 =	simm.s32 $0x7;
	s21 =	simm.s32 $0xC8;
	s22 =	simm.s32 $0x200  }
0x4: {  	s24 =	simm.s32 $0x1;
	s28 =	simm.s32 $0xCC00;
	s29 =	simm.s32 $0x13000  }
0x5: {  	s30 =	simm.s32 $0x3;
	s31 =	simm.s32 $0x4;
	s23 =	simm.s32 $0x0  }
0x6: {  	[smem:$0x7FF] =	sst s2;
	s4 =	sshll.u32 s3, $0x1;
	s3 =	sadd.s32 $0x4FA200, s0  }
0x7: {  	s1 =	sand.u32 $0x1, s1;
	s5 =	sadd.s32 $0x2C600, s0;
	s6 =	sadd.s32 $0x4F0400, s0  }
0x8: {  	s7 =	sadd.s32 $0x4E6600, s0;
	s8 =	sadd.s32 $0xA03400, s0;
	s4 =	sor.u32 s1, s4  }
0x9: {  	s16 =	sadd.s32 $0xA1C400, s0;
	s1 =	ssub.s32 $0x2, s1;
	s10 =	smul.u32 $0x19, s4  }
0xa: {  	_ =	strace $0x8000004A;
	s9 =	smul.u32 $0xC8, s4;
	s11 =	sshrl.u32 s1, $0x1  }
0xb: {  	s13 =	sor.u32 $0x40, s4;
	s1 =	ssub.s32 s1, s11;
	s25 =	sadd.s32 s6, s10  }
0xc: {  	s9 =	sshrl.u32 s9, $0x3;
	s10 =	sadd.s32 s7, s10;
	[dreg:$0x2] =	wrdreg s25  }
0xd: {  	s1 =	smax.u32 s1, $0x1;
	s9 =	sadd.s32 $0x320, s9;
	[dreg:$0x3] =	wrdreg s10  }
0xe: {  	s14 =	sor.u32 $0x60, s4;
	[dreg:$0x6] =	wrdreg s1;
	s26 =	sadd.s32 s6, s9  }
0xf: {  	s25 =	simm.s32 $0x2;
	s9 =	sadd.s32 s7, s9;
	[dreg:$0x4] =	wrdreg s26  }
0x10: {  	s1 =	simm.s32 $0x6;
	[dreg:$0x5] =	wrdreg s9;
	s26 =	simm.s32 $0x8  }
.LBB2_1:
0x11: {  	s0 =	rddreg [dreg:$0x2]  }
0x12: {  	[tilespmem:s2], [sflag:$0x7] =	stream.linear.gather [hbm4b:s0+s2], $0xC8, $0x38;
	[tilespmem:$0x19400] =	vst v63  }
0x13: {  	s11 =	rddreg [dreg:$0x3];
	s9 =	simm.s32 $0x100  }
0x14: {  	[tilespmem:s9], [sflag:$0x7] =	stream.linear.gather [hbm4b:s11+s2], $0xC8, $0x38;
	[tilespmem:$0x19400] =	vst v63  }
0x15: {  	s12 =	rddreg [dreg:$0x4]  }
0x16: {  	[tilespmem:s18], [sflag:$0x8] =	stream.linear.gather [hbm4b:s12+s2], $0xC8, $0x38;
	[tilespmem:$0x19400] =	vst v63  }
0x17: {  	s15 =	rddreg [dreg:$0x5]  }
0x18: {  	[tilespmem:s19], [sflag:$0x8] =	stream.linear.gather [hbm4b:s15+s2], $0xC8, $0x38;
	[tilespmem:$0x19400] =	vst v63  }
0x19: {  	_ =	swait.ge [sflag:s20], $0xC8  }
0x1a: {  	[sflag:s20] =	ssyncset.done $0x0  }
0x1b: {  	[sflag:s20] =	ssyncadd.s32 $0xFFFFFF38  }
0x1c: {  	_ =	swait.ge [sflag:s20], $0xC8  }
0x1d: {  	[sflag:s20] =	ssyncset.done $0x0  }
0x1e: {  	[sflag:s20] =	ssyncadd.s32 $0xFFFFFF38  }
0x1f: {  	[tilespmem:s22], [sflag:$0x1] =	stream.indirect.gather [hbm4b:s3+s21], $0x80, s2, s21, $0xb8;
	[tilespmem:$0x19400] =	vst v63  }
0x20: {  	s17 =	simm.s32 $0x6600  }
0x21: {  	[tilespmem:s17], [sflag:$0x2] =	stream.indirect.gather [hbm4b:s5+s21], $0x80, s9, s21, $0xb8;
	[tilespmem:$0x19400] =	vst v63  }
0x22: {  	s9 =	simm.s32 $0x0  }
.LBB2_2:
0x23: {  	_ =	swait.ge [sflag:s24], $0x6400  }
0x24: {  	[sflag:s24] =	ssyncset.done $0x0  }
0x25: {  	[sflag:s24] =	ssyncadd.s32 $0xFFFF9C00  }
0x26: {  	_ =	swait.ge [sflag:s25], $0x6400  }
0x27: {  	p0 =	seq.s32 s9, $0x0;
	[sflag:s25] =	ssyncset.done $0x0  }
0x28: {  	s10 =	simm.s32 @!p0 $0x6;
	[sflag:s25] =	ssyncadd.s32 $0xFFFF9C00  }
0x29: {  	_ =	swait.ge @!p0 [sflag:s10], $0x6400  }
0x2a: {  	[sflag:s10] =	ssyncset.done @!p0 $0x0  }
0x2b: {  	[sflag:s10] =	ssyncadd.s32 @!p0 $0xFFFF9C00  }
0x2c: {  	_ =	swait.ge [sflag:s26], $0xC8  }
0x2d: {  	[sflag:s26] =	ssyncset.done $0x0  }
0x2e: {  	[sflag:s26] =	ssyncadd.s32 $0xFFFFFF38  }
0x2f: {  	_ =	swait.ge [sflag:s26], $0xC8  }
0x30: {  	s11 =	sshll.u32 s9, $0x6;
	p0 =	seq.s32 s9, $0x18;
	[sflag:s26] =	ssyncset.done $0x0  }
0x31: {  	s10 =	sadd.s32 @!p0 s13, s11;
	[sflag:s26] =	ssyncadd.s32 $0xFFFFFF38  }
0x32: {  	[tilespmem:s28], [sflag:$0x3] =	stream.indirect.gather [hbm4b:s3+s21], $0x80, s18, s21, $0xb8;
	[tilespmem:$0x19400] =	vst v63  }
0x33: {  	s10 =	smul.u32 @!p0 $0x19, s10  }
0x34: {  	[tilespmem:s29], [sflag:$0x4] =	stream.indirect.gather [hbm4b:s5+s21], $0x80, s19, s21, $0xb8;
	[tilespmem:$0x19400] =	vst v63  }
0x35: {  	s17 =	simm.s32 @!p0 $0x0;
	s12 =	sadd.s32 @!p0 s6, s10  }
0x36: {  	[tilespmem:s17], [sflag:$0x7] =	stream.linear.gather @!p0 [hbm4b:s12+s17], $0xC8, $0x38;
	[tilespmem:$0x19400] =	vst v63  }
0x37: {  	s10 =	sadd.s32 @!p0 s7, s10;
	s12 =	simm.s32 @!p0 $0x100  }
0x38: {  	[tilespmem:s12], [sflag:$0x7] =	stream.linear.gather @!p0 [hbm4b:s10+s17], $0xC8, $0x38;
	[tilespmem:$0x19400] =	vst v63  }
0x39: {  	s12 =	simm.s32 $0x0  }
0x3a: {  	v7 =	vld [tilespmem:s12+$0x6600]  }
0x3b: {  	v11 =	vld [tilespmem:s12+$0x6610]  }
0x3c: {  	v5 =	vld [tilespmem:s12+$0x6620]  }
0x3d: {  	v4 =	vld [tilespmem:s12+$0x6630]  }
0x3e: {  	v3 =	vld [tilespmem:s12+$0x6640]  }
0x3f: {  	v2 =	vld [tilespmem:s12+$0x6650]  }
0x40: {  	v1 =	vld [tilespmem:s12+$0x6660]  }
0x41: {  	v0 =	vld [tilespmem:s12+$0x6670]  }
0x42: {  	v12 =	vld [tilespmem:s12+$0x200]  }
0x43: {  	v13 =	vld [tilespmem:s12+$0x210]  }
0x44: {  	v10 =	vld [tilespmem:s12+$0x220]  }
0x45: {  	v9 =	vld [tilespmem:s12+$0x230]  }
0x46: {  	v8 =	vld [tilespmem:s12+$0x240]  }
0x47: {  	v6 =	vld [tilespmem:s12+$0x250];
	v12 =	vadd.f32 v7, v12  }
0x48: {  	s10 =	simm.s32 $0x200;
	v11 =	vadd.f32 v11, v13;
	v7 =	vld [tilespmem:s12+$0x260]  }
.LBB2_3:
0x49: {  	s17 =	sshra.s32 s10, $0x2;
	p1 =	sne.s32 s10, $0x18E00;
	[tilespmem:s12+$0x200] =	vst v12;
	v5 =	vadd.f32 v5, v10;
	v10 =	vld [tilespmem:s12+$0x270]  }
0x4a: {  	v12 =	vld [tilespmem:s17+$0x6600];
	[tilespmem:s12+$0x210] =	vst v11;
	v4 =	vadd.f32 v4, v9  }
0x4b: {  	v11 =	vld [tilespmem:s17+$0x6610];
	[tilespmem:s12+$0x220] =	vst v5;
	v3 =	vadd.f32 v3, v8  }
0x4c: {  	v5 =	vld [tilespmem:s17+$0x6620];
	[tilespmem:s12+$0x230] =	vst v4;
	v2 =	vadd.f32 v2, v6  }
0x4d: {  	v4 =	vld [tilespmem:s17+$0x6630];
	[tilespmem:s12+$0x240] =	vst v3;
	v1 =	vadd.f32 v1, v7  }
0x4e: {  	v3 =	vld [tilespmem:s17+$0x6640];
	[tilespmem:s12+$0x250] =	vst v2;
	v0 =	vadd.f32 v0, v10  }
0x4f: {  	v2 =	vld [tilespmem:s17+$0x6650];
	[tilespmem:s12+$0x260] =	vst v1  }
0x50: {  	v1 =	vld [tilespmem:s17+$0x6660];
	[tilespmem:s12+$0x270] =	vst v0;
	s12 =	smov.u32 s17  }
0x51: {  	v0 =	vld [tilespmem:s12+$0x6670]  }
0x52: {  	v6 =	vld [tilespmem:s12+$0x200]  }
0x53: {  	v7 =	vld [tilespmem:s12+$0x210]  }
.Ltmp0:
0x54: {  	v10 =	vld [tilespmem:s12+$0x220];
	(pc) =	sbr.rel @p1 .LBB2_3-.Ltmp0, $4  }
0x55: {  	v9 =	vld [tilespmem:s12+$0x230]  }
0x56: {  	v8 =	vld [tilespmem:s12+$0x240]  }
0x57: {  	v12 =	vadd.f32 v12, v6;
	v6 =	vld [tilespmem:s12+$0x250]  }
0x58: {  	s10 =	sadd.s32 $0x200, s10;
	v11 =	vadd.f32 v11, v7;
	v7 =	vld [tilespmem:s12+$0x260]  }
0x59: {  	[tilespmem:s12+$0x200] =	vst v12;
	v5 =	vadd.f32 v5, v10;
	v10 =	vld [tilespmem:s12+$0x270]  }
0x5a: {  	[tilespmem:s12+$0x210] =	vst v11;
	v4 =	vadd.f32 v4, v9  }
0x5b: {  	[tilespmem:s12+$0x220] =	vst v5;
	v3 =	vadd.f32 v3, v8  }
0x5c: {  	[tilespmem:s12+$0x230] =	vst v4;
	v2 =	vadd.f32 v2, v6  }
0x5d: {  	s10 =	sor.u32 s4, s11;
	[tilespmem:s12+$0x240] =	vst v3;
	v1 =	vadd.f32 v1, v7  }
0x5e: {  	s10 =	smul.u32 $0xC80, s10;
	[tilespmem:s12+$0x250] =	vst v2;
	v0 =	vadd.f32 v0, v10  }
0x5f: {  	[tilespmem:s12+$0x260] =	vst v1  }
0x60: {  	s17 =	sadd.s32 s8, s10;
	[tilespmem:s12+$0x270] =	vst v0  }
0x61: {  	[hbm4b:s17+s2] =	stream.linear.scatter [tilespmem:s22], [sflag:$0x5], $0x6400, $0x38;
	[tilespmem:$0x19400] =	vst v63  }
0x62: {  	_ =	swait.ge [sflag:s30], $0x6400  }
0x63: {  	[sflag:s30] =	ssyncset.done $0x0  }
0x64: {  	[sflag:s30] =	ssyncadd.s32 $0xFFFF9C00  }
0x65: {  	_ =	swait.ge [sflag:s31], $0x6400  }
0x66: {  	[sflag:s31] =	ssyncset.done $0x0  }
0x67: {  	s12 =	simm.s32 @!p0 $0x5;
	[sflag:s31] =	ssyncadd.s32 $0xFFFF9C00  }
0x68: {  	_ =	swait.ge @!p0 [sflag:s12], $0x6400  }
0x69: {  	[sflag:s12] =	ssyncset.done @!p0 $0x0  }
0x6a: {  	[sflag:s12] =	ssyncadd.s32 @!p0 $0xFFFF9C00;
	s12 =	simm.s32 @!p0 $0x7  }
0x6b: {  	_ =	swait.ge @!p0 [sflag:s12], $0xC8  }
0x6c: {  	[sflag:s12] =	ssyncset.done @!p0 $0x0  }
0x6d: {  	[sflag:s12] =	ssyncadd.s32 @!p0 $0xFFFFFF38  }
0x6e: {  	_ =	swait.ge @!p0 [sflag:s12], $0xC8  }
0x6f: {  	s15 =	simm.s32 @!p0 $0x200;
	s11 =	sadd.s32 @!p0 s14, s11;
	[sflag:s12] =	ssyncset.done @!p0 $0x0  }
0x70: {  	s17 =	simm.s32 @!p0 $0x0;
	[sflag:s12] =	ssyncadd.s32 @!p0 $0xFFFFFF38;
	s12 =	simm.s32 @!p0 $0xC8  }
0x71: {  	[tilespmem:s15], [sflag:$0x1] =	stream.indirect.gather @!p0 [hbm4b:s3+s12], $0x80, s17, s12, $0xb8;
	[tilespmem:$0x19400] =	vst v63  }
0x72: {  	s0 =	simm.s32 @!p0 $0x6600;
	s11 =	smul.u32 @!p0 $0x19, s11;
	s15 =	simm.s32 @!p0 $0x100  }
0x73: {  	[tilespmem:s0], [sflag:$0x2] =	stream.indirect.gather @!p0 [hbm4b:s5+s12], $0x80, s15, s12, $0xb8;
	[tilespmem:$0x19400] =	vst v63  }
0x74: {  	s0 =	sadd.s32 @!p0 s6, s11;
	s12 =	simm.s32 @!p0 $0xCA00  }
0x75: {  	[tilespmem:s12], [sflag:$0x8] =	stream.linear.gather @!p0 [hbm4b:s0+s17], $0xC8, $0x38;
	[tilespmem:$0x19400] =	vst v63  }
0x76: {  	s0 =	sadd.s32 @!p0 s7, s11;
	s11 =	simm.s32 @!p0 $0xCB00  }
0x77: {  	[tilespmem:s11], [sflag:$0x8] =	stream.linear.gather @!p0 [hbm4b:s0+s17], $0xC8, $0x38;
	[tilespmem:$0x19400] =	vst v63  }
0x78: {  	s11 =	simm.s32 $0x0  }
0x79: {  	v7 =	vld [tilespmem:s11+$0x13000]  }
0x7a: {  	v11 =	vld [tilespmem:s11+$0x13010]  }
0x7b: {  	v5 =	vld [tilespmem:s11+$0x13020]  }
0x7c: {  	v4 =	vld [tilespmem:s11+$0x13030]  }
0x7d: {  	v3 =	vld [tilespmem:s11+$0x13040]  }
0x7e: {  	v2 =	vld [tilespmem:s11+$0x13050]  }
0x7f: {  	v1 =	vld [tilespmem:s11+$0x13060]  }
0x80: {  	v0 =	vld [tilespmem:s11+$0x13070]  }
0x81: {  	v12 =	vld [tilespmem:s11+$0xCC00]  }
0x82: {  	v13 =	vld [tilespmem:s11+$0xCC10]  }
0x83: {  	v10 =	vld [tilespmem:s11+$0xCC20]  }
0x84: {  	v9 =	vld [tilespmem:s11+$0xCC30]  }
0x85: {  	v8 =	vld [tilespmem:s11+$0xCC40]  }
0x86: {  	v6 =	vld [tilespmem:s11+$0xCC50];
	v12 =	vadd.f32 v7, v12  }
0x87: {  	s12 =	simm.s32 $0x200;
	v11 =	vadd.f32 v11, v13;
	v7 =	vld [tilespmem:s11+$0xCC60]  }
.LBB2_5:
0x88: {  	s0 =	sshra.s32 s12, $0x2;
	p0 =	sne.s32 s12, $0x18E00;
	[tilespmem:s11+$0xCC00] =	vst v12;
	v5 =	vadd.f32 v5, v10;
	v10 =	vld [tilespmem:s11+$0xCC70]  }
0x89: {  	v12 =	vld [tilespmem:s0+$0x13000];
	[tilespmem:s11+$0xCC10] =	vst v11;
	v4 =	vadd.f32 v4, v9  }
0x8a: {  	v11 =	vld [tilespmem:s0+$0x13010];
	[tilespmem:s11+$0xCC20] =	vst v5;
	v3 =	vadd.f32 v3, v8  }
0x8b: {  	v5 =	vld [tilespmem:s0+$0x13020];
	[tilespmem:s11+$0xCC30] =	vst v4;
	v2 =	vadd.f32 v2, v6  }
0x8c: {  	v4 =	vld [tilespmem:s0+$0x13030];
	[tilespmem:s11+$0xCC40] =	vst v3;
	v1 =	vadd.f32 v1, v7  }
0x8d: {  	v3 =	vld [tilespmem:s0+$0x13040];
	[tilespmem:s11+$0xCC50] =	vst v2;
	v0 =	vadd.f32 v0, v10  }
0x8e: {  	v2 =	vld [tilespmem:s0+$0x13050];
	[tilespmem:s11+$0xCC60] =	vst v1  }
0x8f: {  	v1 =	vld [tilespmem:s0+$0x13060];
	[tilespmem:s11+$0xCC70] =	vst v0;
	s11 =	smov.u32 s0  }
0x90: {  	v0 =	vld [tilespmem:s11+$0x13070]  }
0x91: {  	v6 =	vld [tilespmem:s11+$0xCC00]  }
0x92: {  	v7 =	vld [tilespmem:s11+$0xCC10]  }
.Ltmp1:
0x93: {  	v10 =	vld [tilespmem:s11+$0xCC20];
	(pc) =	sbr.rel @p0 .LBB2_5-.Ltmp1, $4  }
0x94: {  	v9 =	vld [tilespmem:s11+$0xCC30]  }
0x95: {  	v8 =	vld [tilespmem:s11+$0xCC40]  }
0x96: {  	v12 =	vadd.f32 v12, v6;
	v6 =	vld [tilespmem:s11+$0xCC50]  }
0x97: {  	s12 =	sadd.s32 $0x200, s12;
	v11 =	vadd.f32 v11, v7;
	v7 =	vld [tilespmem:s11+$0xCC60]  }
0x98: {  	[tilespmem:s11+$0xCC00] =	vst v12;
	v5 =	vadd.f32 v5, v10;
	v63 =	vld [tilespmem:s11+$0xCC70]  }
0x99: {  	[tilespmem:s11+$0xCC10] =	vst v11;
	v4 =	vadd.f32 v4, v9  }
0x9a: {  	s9 =	sadd.s32 $0x1, s9;
	[tilespmem:s11+$0xCC20] =	vst v5;
	v3 =	vadd.f32 v3, v8  }
0x9b: {  	p0 =	sne.s32 s9, $0x19;
	[tilespmem:s11+$0xCC30] =	vst v4;
	v2 =	vadd.f32 v2, v6  }
.Ltmp2:
0x9c: {  	[tilespmem:s11+$0xCC40] =	vst v3;
	v1 =	vadd.f32 v1, v7;
	(pc) =	sbr.rel @p0 .LBB2_2-.Ltmp2, $4  }
0x9d: {  	[tilespmem:s11+$0xCC50] =	vst v2;
	v0 =	vadd.f32 v0, v63  }
0x9e: {  	[tilespmem:s11+$0xCC60] =	vst v1  }
0x9f: {  	s0 =	sadd.s32 s16, s10;
	[tilespmem:s11+$0xCC70] =	vst v0  }
0xa0: {  	[hbm4b:s0+s2] =	stream.linear.scatter [tilespmem:s28], [sflag:$0x6], $0x6400, $0x38;
	[tilespmem:$0x19400] =	vst v63  }
0xa1: {  	s0 =	simm.s32 $0x5  }
0xa2: {  	_ =	swait.ge [sflag:s0], $0x6400  }
0xa3: {  	[sflag:s0] =	ssyncset.done $0x0  }
0xa4: {  	[sflag:s0] =	ssyncadd.s32 $0xFFFF9C00  }
0xa5: {  	_ =	swait.ge [sflag:s1], $0x6400  }
0xa6: {  	s23 =	sadd.s32 $0x1, s23;
	s17 =	rddreg [dreg:$0x6]  }
0xa7: {  	p0 =	sne.s32 s23, s17  }
.Ltmp3:
0xa8: {  	_ = 	snop;
	(pc) =	sbr.rel @p0 .LBB2_1-.Ltmp3, $3  }
0xa9: {  	_ =	sdelay $0x1  }
0xaa: {  	[sflag:s1] =	ssyncset.done $0x0  }
0xab: {  	[sflag:s1] =	ssyncadd.s32 $0xFFFF9C00  }
0xac: {  	_ =	sfence.sel $0x180000  }
0xad: {  	[bflag:$0x0] =	sbarrier.arrive $0xFFFF  }
0xae: {  	_ =	strace $0x9000004A  }
0xaf: {  	s0 =	stileid.u32;
	[bflag:$0x2] =	sbarrier.arrive $0xFFFF  }
0xb0: {  	p0 =	sne.s32 s0, $0x0;
	s0 =	rddreg [dreg:$0x1]  }
0xb1: {  	s0 =	sadd.s32 @!p0 $0x100000, s0  }
0xb2: {  	[sflag:s0] =	ssyncadd.tile.s32 @!p0 $0x1;
	_ =	shalt  }
.Lfunc_end2:
_tile_overlayer_lowered:
.L_overlay_start_2:
0xb3: {  	(tag) =	ssettag $0x2  }
0xb4: {  	s0 =	rddreg [dreg:$0x0];
	s2 =	stileid.u32  }
0xb5: {  	s1 =	rddreg [dreg:$0x1];
	p0 =	sne.s32 s2, $0x0  }
0xb6: {  	s3 =	rddreg [dreg:$0x2];
	[bflag:$0x3] =	sbarrier.arrive $0xFFFF;
	s2 =	simm.s32 @!p0 $0x1C09  }
0xb7: {  	[timem:s3], [sflag:s2] =	dma.local @!p0 [hbm:s0], s1  }
0xb8: {  	s0 =	simm.s32 @!p0 $0x9  }
0xb9: {  	_ =	swait.ge @!p0 [sflag:s0], s1  }
0xba: {  	s1 =	ssub.s32 @!p0 $0x0, s1;
	[sflag:s0] =	ssyncset.done @!p0 $0x0  }
0xbb: {  	[sflag:s0] =	ssyncadd.s32 @!p0 s1  }
0xbc: {  	[bflag:$0x3] =	sbarrier.arrive $0xFFFF  }
0xbd: {  	_ =	shalt  }

// kernel: kernel.16.cloned.1.call-start
scs
__scs_entry_jumppad:
0x0: {  	(pc) =	sbr.rel $0x88, $3  }
0x1: {  	(tag) =	ssettag $0x0;
	lr =	simm.s32 $0x1  }
0x2: {  	[smem:$0x3F86] =	sst lr;
	_ =	strace $0xD0000000  }
0x3: {  	_ = 	snop  }
0x4: {  	_ = 	snop  }
0x5: {  	_ = 	snop  }
0x6: {  	_ = 	snop  }
0x7: {  	_ = 	snop  }
__scs_overlays_trampoline_lowered:
0x8: {  	[smem:$0x3F95] =	sst s0  }
0x9: {  	[smem:$0x3F96] =	sst s1  }
0xa: {  	[smem:$0x3F97] =	sst s2  }
0xb: {  	[smem:$0x3F98] =	sst s3  }
0xc: {  	[smem:$0x3F99] =	sst s4  }
0xd: {  	[smem:$0x3F9A] =	sst s5  }
0xe: {  	[smem:$0x3F9B] =	sst s6  }
0xf: {  	[smem:$0x3F9C] =	sst s7  }
0x10: {  	[smem:$0x3F9D] =	sst s8  }
0x11: {  	[smem:$0x3F9E] =	sst s9;
	s0 =	simm.s32 @!p0 $0x0  }
0x12: {  	s1 =	sld [smem:$0x3F84];
	s0 =	simm.s32 @p0 $0x1  }
0x13: {  	[smem:$0x3F9F] =	sst s0;
	s0 =	simm.s32 @!p1 $0x0  }
0x14: {  	s2 =	sld [smem:$0x3F83];
	s0 =	simm.s32 @p1 $0x1  }
0x15: {  	[smem:$0x3FA0] =	sst s0;
	s0 =	simm.s32 @!p2 $0x0  }
0x16: {  	s3 =	sld [smem:$0x3FDB];
	s0 =	simm.s32 @p2 $0x1  }
0x17: {  	s4 =	simm.s32 $0x1BF5;
	[smem:$0x3FA2] =	sst s0  }
0x18: {  	s0 =	sld [smem:$0x3F85];
	_ =	swait.ge [sflag:s4], $0x0  }
0x19: {  	s7 =	sld [smem:$0x3F86]  }
0x1a: {  	s8 =	sadd.s32 $0xFFFFE003, lr  }
0x1b: {  	s9 =	sadd.s32 $0xFFFFFEF7, lr;
	s5 =	simm.s32 $0xFFFFFFFF;
	p2 =	slt.u32 s8, $0xFFFFF086  }
0x1c: {  	p1 =	slt.u32 s9, $0xF7A;
	s5 =	simm.s32 @!p2 $0x0  }
0x1d: {  	s5 =	simm.s32 @p1 $0x1;
	p0 =	seq.s32 s7, s2  }
0x1e: {  	s7 =	smul.u32 @!p0 $0xF7A, s2;
	p2 =	seq.s32 @!p0 s5, $0x0  }
0x1f: {  	s9 =	smul.u32 $0xF7A, s1;
	s8 =	simm.s32 @!p0 $0x1BF5;
	p2 =	por !p2, p0  }
0x20: {  	[sflag:s8] =	ssyncset.s32 @!p0 $0xFFFFF086;
	s6 =	sadd.s32 @!p0 s3, s7;
	s7 =	simm.s32 @!p0 $0x108  }
0x21: {  	s3 =	sadd.s32 s3, s9;
	s6 =	sadd.s32 @!p0 $0x88, s6;
	s7 =	simm.s32 @p2 $0x1082  }
0x22: {  	[simem:s7], [sflag:s8] =	dma.local @!p0 [hbm:s6], $0xF7A  }
0x23: {  	s9 =	sor.u32 $0xD0000000, s2;
	s6 =	simm.s32 $0x108;
	_ =	swait.ge @!p0 [sflag:s8], $0x0  }
0x24: {  	s3 =	sadd.s32 $0x88, s3;
	s6 =	simm.s32 @!p1 $0x1082;
	[sflag:s4] =	ssyncset.s32 $0xFFFFF086  }
0x25: {  	[simem:s6], [sflag:s4] =	dma.local [hbm:s3], $0xF7A  }
0x26: {  	[smem:$0x3F86] =	sst s1;
	(tag) =	ssettag s2;
	_ =	strace s9  }
0x27: {  	s1 =	sld [smem:$0x3F96]  }
0x28: {  	s2 =	sld [smem:$0x3F97]  }
0x29: {  	s4 =	sld [smem:$0x3F99]  }
0x2a: {  	p0 =	seq.s32 s5, $0x0;
	s5 =	sld [smem:$0x3F9A]  }
0x2b: {  	s6 =	sld [smem:$0x3F9B]  }
0x2c: {  	s7 =	sld [smem:$0x3F9C]  }
0x2d: {  	s3 =	simm.s32 $0x108;
	s8 =	sld [smem:$0x3F9D]  }
0x2e: {  	s3 =	simm.s32 @!p0 $0x1082;
	s9 =	sld [smem:$0x3F9E]  }
0x2f: {  	lr =	sadd.s32 s0, s3;
	s0 =	sld [smem:$0x3F95]  }
0x30: {  	s3 =	sld [smem:$0x3F98]  }
0x31: {  	[smem:$0x3FA1] =	sst s10  }
0x32: {  	s10 =	sld [smem:$0x3F9F];
	_ =	sdelay $0x3  }
0x33: {  	p0 =	seq.s32 s10, $0x1;
	s10 =	sld [smem:$0x3FA1];
	_ =	sdelay $0x3  }
0x34: {  	[smem:$0x3FA1] =	sst s10  }
0x35: {  	s10 =	sld [smem:$0x3FA0];
	_ =	sdelay $0x3  }
0x36: {  	p1 =	seq.s32 s10, $0x1;
	s10 =	sld [smem:$0x3FA1];
	_ =	sdelay $0x3  }
0x37: {  	[smem:$0x3FA1] =	sst s10  }
0x38: {  	s10 =	sld [smem:$0x3FA2]  }
0x39: {  	_ = 	snop;
	(pc) =	sbr.ind lr, $3  }
0x3a: {  	_ = 	snop  }
0x3b: {  	_ = 	snop  }
0x3c: {  	p2 =	seq.s32 s10, $0x1;
	s10 =	sld [smem:$0x3FA1]  }
0x3d: {  	_ =	shalt  }
0x3e: {  	_ =	shalt  }
0x3f: {  	_ =	shalt  }
0x40: {  	_ =	shalt  }
0x41: {  	_ =	shalt  }
0x42: {  	_ =	shalt  }
0x43: {  	_ =	shalt  }
0x44: {  	_ =	shalt  }
0x45: {  	_ =	shalt  }
0x46: {  	_ =	shalt  }
0x47: {  	_ =	shalt  }
0x48: {  	_ =	shalt  }
0x49: {  	_ =	shalt  }
0x4a: {  	_ =	shalt  }
0x4b: {  	_ =	shalt  }
0x4c: {  	_ =	shalt  }
0x4d: {  	_ =	shalt  }
0x4e: {  	_ =	shalt  }
0x4f: {  	_ =	shalt  }
0x50: {  	_ =	shalt  }
0x51: {  	_ =	shalt  }
0x52: {  	_ =	shalt  }
0x53: {  	_ =	shalt  }
0x54: {  	_ =	shalt  }
0x55: {  	_ =	shalt  }
0x56: {  	_ =	shalt  }
0x57: {  	_ =	shalt  }
0x58: {  	_ =	shalt  }
0x59: {  	_ =	shalt  }
0x5a: {  	_ =	shalt  }
0x5b: {  	_ =	shalt  }
0x5c: {  	_ =	shalt  }
0x5d: {  	_ =	shalt  }
0x5e: {  	_ =	shalt  }
0x5f: {  	_ =	shalt  }
0x60: {  	_ =	shalt  }
0x61: {  	_ =	shalt  }
0x62: {  	_ =	shalt  }
0x63: {  	_ =	shalt  }
0x64: {  	_ =	shalt  }
0x65: {  	_ =	shalt  }
0x66: {  	_ =	shalt  }
0x67: {  	_ =	shalt  }
0x68: {  	_ =	shalt  }
0x69: {  	_ =	shalt  }
0x6a: {  	_ =	shalt  }
0x6b: {  	_ =	shalt  }
0x6c: {  	_ =	shalt  }
0x6d: {  	_ =	shalt  }
0x6e: {  	_ =	shalt  }
0x6f: {  	_ =	shalt  }
0x70: {  	_ =	shalt  }
0x71: {  	_ =	shalt  }
0x72: {  	_ =	shalt  }
0x73: {  	_ =	shalt  }
0x74: {  	_ =	shalt  }
0x75: {  	_ =	shalt  }
0x76: {  	_ =	shalt  }
0x77: {  	_ =	shalt  }
0x78: {  	_ =	shalt  }
0x79: {  	_ =	shalt  }
0x7a: {  	_ =	shalt  }
0x7b: {  	_ =	shalt  }
0x7c: {  	_ =	shalt  }
0x7d: {  	_ =	shalt  }
0x7e: {  	_ =	shalt  }
0x7f: {  	_ =	shalt  }
0x80: {  	_ =	shalt  }
0x81: {  	_ =	shalt  }
0x82: {  	_ =	shalt  }
0x83: {  	_ =	shalt  }
0x84: {  	_ =	shalt  }
0x85: {  	_ =	shalt  }
0x86: {  	_ =	shalt  }
0x87: {  	_ =	shalt  }
.Lfunc_end0:
.L_simem_size_0:
called_computation.2_lowered:
.L_overlay_start_0:
0x88: {  	s2 =	sld [smem:$0x3FD9]  }
0x89: {  	s3 =	sld [smem:$0x3FFE];
	_ =	sdelay $0x1  }
0x8a: {  	s1 =	srdreg.scid  }
0x8b: {  	s0 =	sand.u32 $0x1, s1  }
0x8c: {  	s16 =	sshll.u32 s0, $0xA;
	s2 =	sadd.s32 s3, s2  }
0x8d: {  	s2 =	sadd.s32 s2, s16  }
0x8e: {  	[smem:$0x3FAD] =	sst s2  }
0x8f: {  	_ = 	snop  }
0x90: {  	(tm) =	ssettm $0x1  }
0x91: {  	s17 =	sld [smem:$0x3FFB];
	_ =	sdelay $0x3  }
0x92: {  	_ =	strace s17  }
0x93: {  	s2 =	sld [smem:$0x3FFC];
	_ =	sdelay $0x3  }
0x94: {  	_ =	strace s2  }
0x95: {  	s2 =	sld [smem:$0x3FFD];
	_ =	sdelay $0x3  }
0x96: {  	_ =	strace s2  }
0x97: {  	_ =	strace $0x8FFFFFFF  }
0x98: {  	s18 =	sld [smem:$0x3FDB];
	_ =	sdelay $0x1  }
0x99: {  	s19 =	simm.s32 $_scs_section_size  }
0x9a: {  	s4 =	simm.s32 $_size__tile_overlayer_lowered;
	s5 =	simm.s32 $_tile_overlayer_lowered  }
0x9b: {  	s22 =	simm.s32 $0x1BFF;
	s21 =	sshll.u32 s5, $0x1;
	s2 =	sadd.s32 s19, s18  }
0x9c: {  	s6 =	simm.s32 $0x0;
	s20 =	sshll.u32 s4, $0x1;
	s4 =	sadd.s32 s21, s2  }
0x9d: {  	[timem:s6], [sflag:s22] =	dma.local [hbm:s4], s20  }
0x9e: {  	_ =	swait.ge [sflag:s22], s20  }
0x9f: {  	s3 =	ssub.s32 $0x0, s20;
	[sflag:s22] =	ssyncset.done $0x0  }
0xa0: {  	[sflag:s22] =	ssyncadd.s32 s3;
	_ =	sdelay $0x1  }
0xa1: {  	s23 =	simm.s32 $0x1B8B  }
0xa2: {  	_ =	swait.ge [sflag:s23], $0x1  }
0xa3: {  	[sflag:s23] =	ssyncset.done $0x0  }
0xa4: {  	s25 =	simm.s32 $0x1B8E;
	s24 =	sld [smem:$0x3FFE];
	[sflag:s23] =	ssyncadd.s32 $0xFFFFFFFF  }
0xa5: {  	s26 =	simm.s32 $execute0_lowered;
	[smem:$0x3FD2] =	sst s25  }
0xa6: {  	s4 =	sshll.u32 s26, $0x1;
	_ =	strace $0x8000004C;
	[dreg:$0x1] =	wrdreg $0xFFFFFFFF  }
0xa7: {  	s28 =	simm.s32 $_size_execute0_lowered;
	s2 =	sadd.s32 s2, s4;
	[dreg:$0x0] =	wrdreg $0x0  }
0xa8: {  	s4 =	sshll.u32 s28, $0x1;
	[dreg:$0x2] =	wrdreg s2  }
0xa9: {  	[dreg:$0x3] =	wrdreg s4  }
0xaa: {  	[dreg:$0x4] =	wrdreg $0xC0  }
0xab: {  	_ =	task [dreg:s6], $0x5FFFF  }
0xac: {  	[dreg:$0x1] =	wrdreg $0xFFFFFFFF  }
0xad: {  	[dreg:$0x0] =	wrdreg $0x60  }
0xae: {  	[dreg:$0x2] =	wrdreg s24  }
0xaf: {  	[dreg:$0x3] =	wrdreg $0xA3000  }
0xb0: {  	[dreg:$0x4] =	wrdreg $0x9  }
0xb1: {  	_ =	task.clear_ibuf [dreg:s6], $0x5FFFF;
	_ =	strace $0x9000004C  }
0xb2: {  	s29 =	simm.s32 $0x9;
	_ =	strace $0x8000004E  }
0xb3: {  	_ =	swait.ge [sflag:s29], $0x1  }
0xb4: {  	[sflag:s29] =	ssyncadd.s32 $0xFFFFFFFF  }
0xb5: {  	_ =	strace $0x9000004E  }
0xb6: {  	_ =	sfence  }
0xb7: {  	s30 =	sld [smem:$0x0];
	_ =	sdelay $0x2  }
0xb8: {  	s31 =	sshll.u32 s1, $0xD;
	s1 =	sshrl.u32 s1, $0x2  }
0xb9: {  	s3 =	sand.u32 $0x4000, s31;
	s1 =	sadd.s32 s1, s30  }
0xba: {  	s0 =	sor.u32 s3, s0;
	s1 =	sshll.u32 s1, $0x11  }
0xbb: {  	s0 =	sor.u32 s1, s0  }
0xbc: {  	s0 =	sadd.s32 $0x8F2B, s0  }
0xbd: {  	[sflag:s0] =	ssyncadd.remote.s32 $0x1  }
0xbe: {  	_ =	sfence.sel $0xFFFF  }
0xbf: {  	[dreg:$0x0] =	wrdreg $0xFFFFFFFF;
	(pc) =	sbr.abs _section_cstart, $3  }
0xc0: {  	[dreg:$0x1] =	wrdreg $0xFFFFFFFF  }
0xc1: {  	_ =	task.clear_ibuf [dreg:s6], $0x2FFFF;
	_ =	strace $0x9FFFFFFF  }
0xc2: {  	(tm) =	ssettm $0x7FFFFFFF  }
0xc3: {  	_ =	shalt  }
tec
execute0_lowered:
.L_overlay_start_1:
0x0: {  	(tag) =	ssettag $0x1  }
0x1: {  	s0 =	rddreg [dreg:$0x0]  }
0x2: {  	s2 =	rddreg [dreg:$0x1];
	s3 =	simm.s32 $0x0;
	s14 =	stileid.u32  }
0x3: {  	s1 =	srdreg.scid;
	s28 =	simm.s32 $0x2900;
	s29 =	simm.s32 $0x1  }
0x4: {  	s30 =	simm.s32 $0x2;
	s31 =	simm.s32 $0xA200;
	[smem:$0x7FF] =	sst s3  }
0x5: {  	s7 =	smul.u32 $0x14000, s14;
	s1 =	sand.u32 $0x1, s1;
	s5 =	sadd.s32 $0xEE5400, s0  }
0x6: {  	s4 =	sadd.s32 $0x53800, s0;
	s6 =	sadd.s32 $0x4F0400, s0;
	s12 =	smul.u32 $0x50000, s14  }
0x7: {  	s11 =	sshll.u32 s14, $0x1;
	s21 =	sshll.u32 s14, $0x6;
	s8 =	smul.u32 $0x140000, s1  }
0x8: {  	_ =	strace $0x8000004D;
	s10 =	ssub.s32 $0x2, s1;
	s9 =	sshrl.u32 s7, $0x3  }
0x9: {  	s13 =	sshrl.u32 s10, $0x1;
	s20 =	sshrl.u32 s12, $0x2;
	s8 =	sadd.s32 s7, s8  }
0xa: {  	s7 =	sadd.s32 $0x4E6600, s0;
	s9 =	sadd.s32 s9, s0;
	s19 =	ssub.s32 s10, s13  }
0xb: {  	s12 =	sadd.s32 s20, s2;
	s10 =	sor.u32 $0x1C09, s21;
	s8 =	sshrl.u32 s8, $0x3  }
0xc: {  	s20 =	simm.s32 $0x9;
	s0 =	sadd.s32 s8, s0;
	s8 =	sor.u32 s1, s11  }
0xd: {  	s21 =	simm.s32 $0x5;
	s9 =	sadd.s32 $0x4600, s9;
	s11 =	smul.u32 $0x50, s8  }
0xe: {  	s18 =	smax.u32 s19, $0x1;
	s19 =	sshrl.u32 s12, $0x3;
	s22 =	smul.u32 $0xA, s8  }
0xf: {  	[dreg:$0x3] =	wrdreg s9;
	s1 =	simm.s32 $0x7A00;
	s25 =	smul.u32 $0x500, s8  }
0x10: {  	s16 =	sor.u32 $0x60, s8;
	s17 =	sadd.s32 $0x7AA00, s0;
	s0 =	simm.s32 $0xA280  }
.Ltmp0:
0x11: {  	s23 =	sshrl.u32 s11, $0x3;
	s24 =	sadd.s32 s6, s22;
	(pc) =	sbr.rel .LBB2_1-.Ltmp0, $4  }
0x12: {  	s13 =	sadd.s32 s7, s22;
	s15 =	sadd.s32 s5, s25;
	s25 =	simm.s32 $0x50  }
0x13: {  	s22 =	simm.s32 $0x6;
	[dreg:$0x4] =	wrdreg s24;
	s9 =	sadd.s32 $0x140, s23  }
0x14: {  	[dreg:$0x5] =	wrdreg s13;
	s24 =	simm.s32 $0x7;
	s26 =	sadd.s32 s6, s9  }
0x15: {  	s23 =	simm.s32 $0x0;
	s14 =	sadd.s32 s7, s9;
	[dreg:$0x6] =	wrdreg s26  }
.LBB2_9:
0x16: {  	_ =	swait.ge [sflag:s21], $0x2800  }
0x17: {  	[sflag:s21] =	ssyncset.done $0x0  }
0x18: {  	[sflag:s21] =	ssyncadd.s32 $0xFFFFD800  }
0x19: {  	_ =	swait.ge [sflag:s22], $0x2800  }
0x1a: {  	s23 =	sadd.s32 $0x1, s23;
	[sflag:s22] =	ssyncset.done $0x0  }
0x1b: {  	p0 =	sne.s32 s23, s18;
	[sflag:s22] =	ssyncadd.s32 $0xFFFFD800  }
.Ltmp1:
0x1c: {  	[bflag:$0x0] =	sbarrier.arrive $0xFFFF;
	(pc) =	sbr.rel @!p0 .LBB2_10-.Ltmp1, $4  }
0x1d: {  	[hbm:s17], [sflag:s10] =	dma.local [spmem:s19], $0x2800  }
0x1e: {  	_ =	swait.ge [sflag:s20], $0x2800  }
0x1f: {  	[sflag:s20] =	ssyncset.done $0x0  }
0x20: {  	[sflag:s20] =	ssyncadd.s32 $0xFFFFD800  }
.LBB2_1:
0x21: {  	s9 =	rddreg [dreg:$0x3]  }
0x22: {  	[spmem:s19], [sflag:s10] =	dma.local [hbm:s9], $0x2800  }
0x23: {  	_ =	swait.ge [sflag:s20], $0x2800  }
0x24: {  	[sflag:s20] =	ssyncset.done $0x0  }
0x25: {  	[sflag:s20] =	ssyncadd.s32 $0xFFFFD800  }
0x26: {  	[bflag:$0x0] =	sbarrier.arrive $0xFFFF  }
0x27: {  	s13 =	rddreg [dreg:$0x4]  }
0x28: {  	[tilespmem:s3], [sflag:$0x7] =	stream.linear.gather [hbm4b:s13+s3], $0x50, $0x38;
	[tilespmem:$0x1E300] =	vst v63  }
0x29: {  	s11 =	simm.s32 $0x80;
	s26 =	rddreg [dreg:$0x5]  }
0x2a: {  	[tilespmem:s11], [sflag:$0x7] =	stream.linear.gather [hbm4b:s26+s3], $0x50, $0x38;
	[tilespmem:$0x1E300] =	vst v63  }
0x2b: {  	s12 =	simm.s32 $0x5100;
	s11 =	rddreg [dreg:$0x6]  }
0x2c: {  	[tilespmem:s12], [sflag:$0x8] =	stream.linear.gather [hbm4b:s11+s3], $0x50, $0x38;
	[tilespmem:$0x1E300] =	vst v63  }
0x2d: {  	s13 =	simm.s32 $0x5180  }
0x2e: {  	[tilespmem:s13], [sflag:$0x8] =	stream.linear.gather [hbm4b:s14+s3], $0x50, $0x38;
	[tilespmem:$0x1E300] =	vst v63  }
0x2f: {  	_ =	swait.ge [sflag:s24], $0x50  }
0x30: {  	[sflag:s24] =	ssyncset.done $0x0  }
0x31: {  	[sflag:s24] =	ssyncadd.s32 $0xFFFFFFB0  }
0x32: {  	_ =	swait.ge [sflag:s24], $0x50  }
.Ltmp2:
0x33: {  	[sflag:s24] =	ssyncset.done $0x0;
	(pc) =	sbr.rel .LBB2_2-.Ltmp2, $4  }
0x34: {  	s26 =	simm.s32 $0x100;
	[sflag:s24] =	ssyncadd.s32 $0xFFFFFFB0  }
0x35: {  	[tilespmem:s26], [sflag:$0x1] =	stream.indirect.gather [hbm4b:s4+s25], $0x80, s3, s25, $0xb8;
	[tilespmem:$0x1E300] =	vst v63  }
0x36: {  	s26 =	simm.s32 $0x0  }
0x37: {  	[tilespmem:s28], [sflag:$0x2] =	stream.linear.gather [hbm4b:s15+s3], $0x2800, $0x38;
	[tilespmem:$0x1E300] =	vst v63  }
.LBB2_8:
0x38: {  	s26 =	sadd.s32 $0x1, s26  }
0x39: {  	p0 =	sne.s32 s26, $0x3F  }
.Ltmp3:
0x3a: {  	_ = 	snop;
	(pc) =	sbr.rel @!p0 .LBB2_9-.Ltmp3, $1  }
0x3b: {  	_ =	sdelay $0x3  }
.LBB2_2:
0x3c: {  	_ =	swait.ge [sflag:s29], $0x2800  }
0x3d: {  	s9 =	sshllo.u32 s26, $0x1;
	[sflag:s29] =	ssyncset.done $0x0  }
0x3e: {  	p0 =	sgt.u32 s9, $0x7C;
	[sflag:s29] =	ssyncadd.s32 $0xFFFFD800  }
0x3f: {  	p1 =	seq.s32 @!p0 s26, $0x0;
	_ =	swait.ge [sflag:s30], $0x2800  }
0x40: {  	p1 =	por p1, p0;
	[sflag:s30] =	ssyncset.done $0x0  }
0x41: {  	s11 =	simm.s32 @!p1 $0x6;
	[sflag:s30] =	ssyncadd.s32 $0xFFFFD800  }
0x42: {  	_ =	swait.ge @!p1 [sflag:s11], $0x2800  }
0x43: {  	[sflag:s11] =	ssyncset.done @!p1 $0x0  }
0x44: {  	[sflag:s11] =	ssyncadd.s32 @!p1 $0xFFFFD800;
	s11 =	simm.s32 @!p0 $0x8  }
0x45: {  	_ =	swait.ge @!p0 [sflag:s11], $0x50  }
0x46: {  	[sflag:s11] =	ssyncset.done @!p0 $0x0  }
0x47: {  	[sflag:s11] =	ssyncadd.s32 @!p0 $0xFFFFFFB0  }
0x48: {  	s9 =	sshll.u32 @!p0 s9, $0x5;
	s12 =	simm.s32 @!p0 $0x5100;
	_ =	swait.ge @!p0 [sflag:s11], $0x50  }
0x49: {  	s13 =	simm.s32 @!p0 $0x5200;
	s9 =	sor.u32 @!p0 s8, s9;
	[sflag:s11] =	ssyncset.done @!p0 $0x0  }
0x4a: {  	s9 =	smul.u32 @!p0 $0x500, s9;
	[sflag:s11] =	ssyncadd.s32 @!p0 $0xFFFFFFB0;
	s11 =	simm.s32 @!p0 $0x50  }
0x4b: {  	[tilespmem:s13], [sflag:$0x3] =	stream.indirect.gather @!p0 [hbm4b:s4+s11], $0x80, s12, s11, $0xb8;
	[tilespmem:$0x1E300] =	vst v63  }
0x4c: {  	s9 =	sadd.s32 @!p0 s5, s9;
	s11 =	simm.s32 @!p0 $0x0;
	s12 =	simm.s32 @!p0 $0x7A00  }
0x4d: {  	[tilespmem:s12], [sflag:$0x4] =	stream.linear.gather @!p0 [hbm4b:s9+s11], $0x2800, $0x38;
	[tilespmem:$0x1E300] =	vst v63  }
0x4e: {  	v0 =	vld [tilespmem:$0x80]  }
0x4f: {  	v1 =	vld [tilespmem:$0x90]  }
0x50: {  	v2 =	vld [tilespmem:$0xA0]  }
0x51: {  	s13 =	sshll.u32 s26, $0x1;
	v3 =	vld [tilespmem:$0xB0]  }
0x52: {  	p1 =	seq.s32 s26, $0x3E;
	s9 =	sadd.s32 $0x2, s13;
	v4 =	vld [tilespmem:$0xC0]  }
0x53: {  	s9 =	sshll.u32 @!p1 s9, $0x5;
	[tilespmem:$0xA200] =	vst v0  }
0x54: {  	s9 =	sor.u32 @!p1 s8, s9;
	[tilespmem:$0xA210] =	vst v1  }
0x55: {  	s11 =	smul.u32 @!p1 $0xA, s9;
	[tilespmem:$0xA220] =	vst v2  }
0x56: {  	[tilespmem:$0xA230] =	vst v3  }
0x57: {  	s13 =	simm.s32 @!p1 $0x0;
	s12 =	sadd.s32 @!p1 s6, s11;
	[tilespmem:$0xA240] =	vst v4  }
0x58: {  	[tilespmem:s13], [sflag:$0x7] =	stream.linear.gather @!p1 [hbm4b:s12+s13], $0x50, $0x38;
	[tilespmem:$0x1E300] =	vst v63  }
0x59: {  	s11 =	sadd.s32 @!p1 s7, s11;
	s12 =	simm.s32 @!p1 $0x80  }
0x5a: {  	[tilespmem:s12], [sflag:$0x7] =	stream.linear.gather @!p1 [hbm4b:s11+s13], $0x50, $0x38;
	[tilespmem:$0x1E300] =	vst v63  }
0x5b: {  	s11 =	simm.s32 $0x0  }
0x5c: {  	v6 =	vld [tilespmem:s11+$0x100]  }
0x5d: {  	v11 =	vld [tilespmem:s11+$0x110]  }
0x5e: {  	v5 =	vld [tilespmem:s11+$0x120]  }
0x5f: {  	v4 =	vld [tilespmem:s11+$0x130]  }
0x60: {  	v3 =	vld [tilespmem:s11+$0x140]  }
0x61: {  	v2 =	vld [tilespmem:s11+$0x150]  }
0x62: {  	v1 =	vld [tilespmem:s11+$0x160]  }
0x63: {  	v0 =	vld [tilespmem:s11+$0x170]  }
0x64: {  	v12 =	vld [tilespmem:s11+$0x2900]  }
0x65: {  	v13 =	vld [tilespmem:s11+$0x2910]  }
0x66: {  	v10 =	vld [tilespmem:s11+$0x2920]  }
0x67: {  	v9 =	vld [tilespmem:s11+$0x2930]  }
0x68: {  	v8 =	vld [tilespmem:s11+$0x2940]  }
0x69: {  	v7 =	vld [tilespmem:s11+$0x2950];
	v12 =	vadd.f32 v6, v12  }
0x6a: {  	s12 =	simm.s32 $0x200;
	v11 =	vadd.f32 v11, v13;
	v6 =	vld [tilespmem:s11+$0x2960]  }
.LBB2_3:
0x6b: {  	s13 =	sshra.s32 s12, $0x2;
	p2 =	sne.s32 s12, $0x9E00;
	v12 =	vmax.f32 v12, $0.0e+00;
	v5 =	vadd.f32 v5, v10;
	v10 =	vld [tilespmem:s11+$0x2970]  }
0x6c: {  	v13 =	vld [tilespmem:s13+$0x100];
	[tilespmem:s11+$0x2900] =	vst v12;
	v11 =	vmax.f32 v11, $0.0e+00;
	v4 =	vadd.f32 v4, v9  }
0x6d: {  	v14 =	vld [tilespmem:s13+$0x110];
	[tilespmem:s11+$0x2910] =	vst v11;
	v9 =	vmax.f32 v5, $0.0e+00;
	v3 =	vadd.f32 v3, v8  }
0x6e: {  	v5 =	vld [tilespmem:s13+$0x120];
	[tilespmem:s11+$0x2920] =	vst v9;
	v8 =	vmax.f32 v4, $0.0e+00;
	v2 =	vadd.f32 v2, v7  }
0x6f: {  	v4 =	vld [tilespmem:s13+$0x130];
	[tilespmem:s11+$0x2930] =	vst v8;
	v7 =	vmax.f32 v3, $0.0e+00;
	v1 =	vadd.f32 v1, v6  }
0x70: {  	v3 =	vld [tilespmem:s13+$0x140];
	[tilespmem:s11+$0x2940] =	vst v7;
	v6 =	vmax.f32 v2, $0.0e+00;
	v0 =	vadd.f32 v0, v10  }
0x71: {  	v2 =	vld [tilespmem:s13+$0x150];
	[tilespmem:s11+$0x2950] =	vst v6;
	v6 =	vmax.f32 v1, $0.0e+00  }
0x72: {  	v1 =	vld [tilespmem:s13+$0x160];
	[tilespmem:s11+$0x2960] =	vst v6;
	v6 =	vmax.f32 v0, $0.0e+00  }
0x73: {  	v0 =	vld [tilespmem:s13+$0x170];
	[tilespmem:s11+$0x2970] =	vst v6;
	s11 =	smov.u32 s13  }
0x74: {  	v6 =	vld [tilespmem:s11+$0x2900]  }
0x75: {  	v11 =	vld [tilespmem:s11+$0x2910]  }
.Ltmp4:
0x76: {  	v10 =	vld [tilespmem:s11+$0x2920];
	(pc) =	sbr.rel @p2 .LBB2_3-.Ltmp4, $4  }
0x77: {  	v9 =	vld [tilespmem:s11+$0x2930]  }
0x78: {  	v8 =	vld [tilespmem:s11+$0x2940]  }
0x79: {  	v12 =	vadd.f32 v13, v6;
	v7 =	vld [tilespmem:s11+$0x2950]  }
0x7a: {  	s12 =	sadd.s32 $0x200, s12;
	v11 =	vadd.f32 v14, v11;
	v6 =	vld [tilespmem:s11+$0x2960]  }
0x7b: {  	v12 =	vmax.f32 v12, $0.0e+00;
	v5 =	vadd.f32 v5, v10;
	v63 =	vld [tilespmem:s11+$0x2970]  }
0x7c: {  	[tilespmem:s11+$0x2900] =	vst v12;
	v11 =	vmax.f32 v11, $0.0e+00;
	v4 =	vadd.f32 v4, v9  }
0x7d: {  	[tilespmem:s11+$0x2910] =	vst v11;
	v5 =	vmax.f32 v5, $0.0e+00;
	v3 =	vadd.f32 v3, v8  }
0x7e: {  	[tilespmem:s11+$0x2920] =	vst v5;
	v4 =	vmax.f32 v4, $0.0e+00;
	v2 =	vadd.f32 v2, v7  }
0x7f: {  	[tilespmem:s11+$0x2930] =	vst v4;
	v3 =	vmax.f32 v3, $0.0e+00;
	v1 =	vadd.f32 v1, v6  }
0x80: {  	[tilespmem:s11+$0x2940] =	vst v3;
	v2 =	vmax.f32 v2, $0.0e+00;
	v0 =	vadd.f32 v0, v63  }
0x81: {  	[tilespmem:s11+$0x2950] =	vst v2;
	v1 =	vmax.f32 v1, $0.0e+00  }
0x82: {  	[tilespmem:s11+$0x2960] =	vst v1;
	v0 =	vmax.f32 v0, $0.0e+00  }
0x83: {  	[tilespmem:s11+$0x2970] =	vst v0;
	s11 =	simm.s32 @!p0 $0x3  }
0x84: {  	[spmem:s2] =	stream.indirect.scatter.add.f32 [tilespmem:s28], [sflag:$0x5], $0x80, s31, s25, $0xb8;
	[tilespmem:$0x1E300] =	vst v63  }
0x85: {  	_ =	swait.ge @!p0 [sflag:s11], $0x2800  }
0x86: {  	[sflag:s11] =	ssyncset.done @!p0 $0x0  }
0x87: {  	[sflag:s11] =	ssyncadd.s32 @!p0 $0xFFFFD800;
	s11 =	simm.s32 @!p0 $0x4  }
0x88: {  	_ =	swait.ge @!p0 [sflag:s11], $0x2800  }
0x89: {  	[sflag:s11] =	ssyncset.done @!p0 $0x0  }
0x8a: {  	[sflag:s11] =	ssyncadd.s32 @!p0 $0xFFFFD800;
	s11 =	simm.s32 @!p1 $0x5  }
0x8b: {  	_ =	swait.ge @!p1 [sflag:s11], $0x2800  }
0x8c: {  	[sflag:s11] =	ssyncset.done @!p1 $0x0  }
0x8d: {  	[sflag:s11] =	ssyncadd.s32 @!p1 $0xFFFFD800;
	s11 =	simm.s32 @!p1 $0x7  }
0x8e: {  	_ =	swait.ge @!p1 [sflag:s11], $0x50  }
0x8f: {  	[sflag:s11] =	ssyncset.done @!p1 $0x0  }
0x90: {  	[sflag:s11] =	ssyncadd.s32 @!p1 $0xFFFFFFB0  }
0x91: {  	_ =	swait.ge @!p1 [sflag:s11], $0x50  }
0x92: {  	s12 =	simm.s32 @!p1 $0x0;
	s13 =	simm.s32 @!p1 $0x100;
	[sflag:s11] =	ssyncset.done @!p1 $0x0  }
0x93: {  	s9 =	smul.u32 @!p1 $0x500, s9;
	[sflag:s11] =	ssyncadd.s32 @!p1 $0xFFFFFFB0;
	s11 =	simm.s32 @!p1 $0x50  }
0x94: {  	[tilespmem:s13], [sflag:$0x1] =	stream.indirect.gather @!p1 [hbm4b:s4+s11], $0x80, s12, s11, $0xb8;
	[tilespmem:$0x1E300] =	vst v63  }
0x95: {  	s9 =	sadd.s32 @!p1 s5, s9;
	s11 =	simm.s32 @!p1 $0x2900  }
0x96: {  	[tilespmem:s11], [sflag:$0x2] =	stream.linear.gather @!p1 [hbm4b:s9+s12], $0x2800, $0x38;
	[tilespmem:$0x1E300] =	vst v63  }
0x97: {  	v0 =	vld @!p0 [tilespmem:$0x5180]  }
0x98: {  	v1 =	vld @!p0 [tilespmem:$0x5190]  }
0x99: {  	v2 =	vld @!p0 [tilespmem:$0x51A0]  }
0x9a: {  	v3 =	vld @!p0 [tilespmem:$0x51B0]  }
0x9b: {  	p1 =	sgt.u32 s26, $0x3C;
	v4 =	vld @!p0 [tilespmem:$0x51C0]  }
0x9c: {  	s9 =	sshll.u32 @!p1 s26, $0x6;
	[tilespmem:$0xA280] =	vst @!p0 v0  }
0x9d: {  	s9 =	sadd.s32 @!p1 s16, s9;
	[tilespmem:$0xA290] =	vst @!p0 v1  }
0x9e: {  	s9 =	smul.u32 @!p1 $0xA, s9;
	[tilespmem:$0xA2A0] =	vst @!p0 v2  }
.Ltmp5:
0x9f: {  	[tilespmem:$0xA2B0] =	vst @!p0 v3;
	(pc) =	sbr.rel @p0 .LBB2_8-.Ltmp5, $4  }
0xa0: {  	s12 =	simm.s32 @!p1 $0x0;
	s13 =	simm.s32 @!p1 $0x5100;
	s11 =	sadd.s32 @!p1 s6, s9;
	[tilespmem:$0xA2C0] =	vst @!p0 v4  }
0xa1: {  	[tilespmem:s13], [sflag:$0x8] =	stream.linear.gather @!p1 [hbm4b:s11+s12], $0x50, $0x38;
	[tilespmem:$0x1E300] =	vst v63  }
0xa2: {  	s9 =	sadd.s32 @!p1 s7, s9;
	s11 =	simm.s32 @!p1 $0x5180  }
0xa3: {  	[tilespmem:s11], [sflag:$0x8] =	stream.linear.gather @!p1 [hbm4b:s9+s12], $0x50, $0x38;
	[tilespmem:$0x1E300] =	vst v63  }
0xa4: {  	s9 =	simm.s32 $0x0  }
0xa5: {  	v6 =	vld [tilespmem:s9+$0x5200]  }
0xa6: {  	v11 =	vld [tilespmem:s9+$0x5210]  }
0xa7: {  	v5 =	vld [tilespmem:s9+$0x5220]  }
0xa8: {  	v4 =	vld [tilespmem:s9+$0x5230]  }
0xa9: {  	v3 =	vld [tilespmem:s9+$0x5240]  }
0xaa: {  	v2 =	vld [tilespmem:s9+$0x5250]  }
0xab: {  	v1 =	vld [tilespmem:s9+$0x5260]  }
0xac: {  	v0 =	vld [tilespmem:s9+$0x5270]  }
0xad: {  	v12 =	vld [tilespmem:s9+$0x7A00]  }
0xae: {  	v13 =	vld [tilespmem:s9+$0x7A10]  }
0xaf: {  	v10 =	vld [tilespmem:s9+$0x7A20]  }
0xb0: {  	v9 =	vld [tilespmem:s9+$0x7A30]  }
0xb1: {  	v8 =	vld [tilespmem:s9+$0x7A40]  }
0xb2: {  	v7 =	vld [tilespmem:s9+$0x7A50];
	v12 =	vadd.f32 v6, v12  }
0xb3: {  	s11 =	simm.s32 $0x200;
	v11 =	vadd.f32 v11, v13;
	v6 =	vld [tilespmem:s9+$0x7A60]  }
.LBB2_6:
0xb4: {  	s12 =	sshra.s32 s11, $0x2;
	p0 =	sne.s32 s11, $0x9E00;
	v12 =	vmax.f32 v12, $0.0e+00;
	v5 =	vadd.f32 v5, v10;
	v10 =	vld [tilespmem:s9+$0x7A70]  }
0xb5: {  	v13 =	vld [tilespmem:s12+$0x5200];
	[tilespmem:s9+$0x7A00] =	vst v12;
	v11 =	vmax.f32 v11, $0.0e+00;
	v4 =	vadd.f32 v4, v9  }
0xb6: {  	v14 =	vld [tilespmem:s12+$0x5210];
	[tilespmem:s9+$0x7A10] =	vst v11;
	v9 =	vmax.f32 v5, $0.0e+00;
	v3 =	vadd.f32 v3, v8  }
0xb7: {  	v5 =	vld [tilespmem:s12+$0x5220];
	[tilespmem:s9+$0x7A20] =	vst v9;
	v8 =	vmax.f32 v4, $0.0e+00;
	v2 =	vadd.f32 v2, v7  }
0xb8: {  	v4 =	vld [tilespmem:s12+$0x5230];
	[tilespmem:s9+$0x7A30] =	vst v8;
	v7 =	vmax.f32 v3, $0.0e+00;
	v1 =	vadd.f32 v1, v6  }
0xb9: {  	v3 =	vld [tilespmem:s12+$0x5240];
	[tilespmem:s9+$0x7A40] =	vst v7;
	v6 =	vmax.f32 v2, $0.0e+00;
	v0 =	vadd.f32 v0, v10  }
0xba: {  	v2 =	vld [tilespmem:s12+$0x5250];
	[tilespmem:s9+$0x7A50] =	vst v6;
	v6 =	vmax.f32 v1, $0.0e+00  }
0xbb: {  	v1 =	vld [tilespmem:s12+$0x5260];
	[tilespmem:s9+$0x7A60] =	vst v6;
	v6 =	vmax.f32 v0, $0.0e+00  }
0xbc: {  	v0 =	vld [tilespmem:s12+$0x5270];
	[tilespmem:s9+$0x7A70] =	vst v6;
	s9 =	smov.u32 s12  }
0xbd: {  	v6 =	vld [tilespmem:s9+$0x7A00]  }
0xbe: {  	v11 =	vld [tilespmem:s9+$0x7A10]  }
.Ltmp6:
0xbf: {  	v10 =	vld [tilespmem:s9+$0x7A20];
	(pc) =	sbr.rel @p0 .LBB2_6-.Ltmp6, $4  }
0xc0: {  	v9 =	vld [tilespmem:s9+$0x7A30]  }
0xc1: {  	v8 =	vld [tilespmem:s9+$0x7A40]  }
0xc2: {  	v12 =	vadd.f32 v13, v6;
	v7 =	vld [tilespmem:s9+$0x7A50]  }
0xc3: {  	s11 =	sadd.s32 $0x200, s11;
	v11 =	vadd.f32 v14, v11;
	v6 =	vld [tilespmem:s9+$0x7A60]  }
0xc4: {  	v12 =	vmax.f32 v12, $0.0e+00;
	v5 =	vadd.f32 v5, v10;
	v63 =	vld [tilespmem:s9+$0x7A70]  }
0xc5: {  	[tilespmem:s9+$0x7A00] =	vst v12;
	v11 =	vmax.f32 v11, $0.0e+00;
	v4 =	vadd.f32 v4, v9  }
0xc6: {  	[tilespmem:s9+$0x7A10] =	vst v11;
	v5 =	vmax.f32 v5, $0.0e+00;
	v3 =	vadd.f32 v3, v8  }
0xc7: {  	[tilespmem:s9+$0x7A20] =	vst v5;
	v4 =	vmax.f32 v4, $0.0e+00;
	v2 =	vadd.f32 v2, v7  }
0xc8: {  	[tilespmem:s9+$0x7A30] =	vst v4;
	v3 =	vmax.f32 v3, $0.0e+00;
	v1 =	vadd.f32 v1, v6  }
.Ltmp7:
0xc9: {  	[tilespmem:s9+$0x7A40] =	vst v3;
	v2 =	vmax.f32 v2, $0.0e+00;
	v0 =	vadd.f32 v0, v63;
	(pc) =	sbr.rel .LBB2_8-.Ltmp7, $4  }
0xca: {  	[tilespmem:s9+$0x7A50] =	vst v2;
	v1 =	vmax.f32 v1, $0.0e+00  }
0xcb: {  	[tilespmem:s9+$0x7A60] =	vst v1;
	v0 =	vmax.f32 v0, $0.0e+00  }
0xcc: {  	[tilespmem:s9+$0x7A70] =	vst v0  }
0xcd: {  	[spmem:s2] =	stream.indirect.scatter.add.f32 [tilespmem:s1], [sflag:$0x6], $0x80, s0, s25, $0xb8;
	[tilespmem:$0x1E300] =	vst v63  }
.LBB2_10:
0xce: {  	_ =	sfence.sel $0x180000  }
0xcf: {  	[bflag:$0x0] =	sbarrier.arrive $0xFFFF  }
0xd0: {  	_ =	strace $0x9000004D  }
0xd1: {  	s0 =	stileid.u32;
	[bflag:$0x2] =	sbarrier.arrive $0xFFFF  }
0xd2: {  	p0 =	sne.s32 s0, $0x0;
	s0 =	rddreg [dreg:$0x2]  }
0xd3: {  	s0 =	sadd.s32 @!p0 $0x100000, s0  }
0xd4: {  	[sflag:s0] =	ssyncadd.tile.s32 @!p0 $0x1;
	_ =	shalt  }
.Lfunc_end2:
_tile_overlayer_lowered:
.L_overlay_start_2:
0xd5: {  	(tag) =	ssettag $0x2  }
0xd6: {  	s0 =	rddreg [dreg:$0x0];
	s2 =	stileid.u32  }
0xd7: {  	s1 =	rddreg [dreg:$0x1];
	p0 =	sne.s32 s2, $0x0  }
0xd8: {  	s3 =	rddreg [dreg:$0x2];
	[bflag:$0x3] =	sbarrier.arrive $0xFFFF;
	s2 =	simm.s32 @!p0 $0x1C09  }
0xd9: {  	[timem:s3], [sflag:s2] =	dma.local @!p0 [hbm:s0], s1  }
0xda: {  	s0 =	simm.s32 @!p0 $0x9  }
0xdb: {  	_ =	swait.ge @!p0 [sflag:s0], s1  }
0xdc: {  	s1 =	ssub.s32 @!p0 $0x0, s1;
	[sflag:s0] =	ssyncset.done @!p0 $0x0  }
0xdd: {  	[sflag:s0] =	ssyncadd.s32 @!p0 s1  }
0xde: {  	[bflag:$0x3] =	sbarrier.arrive $0xFFFF  }
0xdf: {  	_ =	shalt  }

</sc_bundles>
